<compile_context>
chip_gen: v7x
topology: tpu7x:2x2x1
jax: 0.10.2.dev20260603
libtpu: 0.0.44.dev20260713+nightly
codegen_flags: <defaults>
</compile_context>

<pallas_src>
import functools

import jax
import jax.numpy as jnp
from jax import lax
from jax.experimental import pallas as pl
from jax.experimental.pallas import tpu as pltpu
from jax.experimental.pallas import tpu_sc as plsc

DIM = 32
CHUNK = 128
L = 16
RING = 8


@functools.lru_cache(maxsize=None)
def _build(B, n_user):
    info = plsc.get_sparse_core_info()
    NC, NS = info.num_cores, info.num_subcores
    NW = NC * NS
    b_per_w = B // NW
    n_chunks = b_per_w // CHUNK

    mesh = plsc.VectorSubcoreMesh(core_axis_name="c", subcore_axis_name="s")

    @functools.partial(
        pl.kernel,
        mesh=mesh,
        compiler_params=pltpu.CompilerParams(needs_layout_passes=False),
        out_type=jax.ShapeDtypeStruct((DIM, B), jnp.float32),
        scratch_types=[
            pltpu.VMEM((b_per_w,), jnp.int32),
            pltpu.VMEM((L, DIM, CHUNK), jnp.float32),
            pltpu.VMEM((DIM, b_per_w), jnp.float32),
            pltpu.SemaphoreType.DMA((L,)),
        ],
    )
    def user_kernel(tT_hbm, idx_hbm, out_hbm, idx_v, blk_v, rows_v, ring_sem):
        wid = lax.axis_index("s") * NC + lax.axis_index("c")
        base = wid * b_per_w
        pltpu.sync_copy(idx_hbm.at[pl.ds(base, b_per_w)], idx_v)
        lane = lax.iota(jnp.int32, L)
        n_groups = b_per_w // L

        def col_base(b):
            return (b // CHUNK) * CHUNK

        def load_group(g):
            return idx_v[pl.ds(pl.multiple_of(g * L, L), L)]

        def extract(vec, l):
            return jnp.sum(jnp.where(lane == l, vec, 0))

        def fire(vec, l):
            c0 = pl.multiple_of(col_base(extract(vec, l)), CHUNK)
            pltpu.async_copy(tT_hbm.at[:, pl.ds(c0, CHUNK)], blk_v.at[l],
                             ring_sem.at[l])

        vec0 = load_group(0)
        for l in range(L):
            fire(vec0, l)

        def body(g, carry):
            vec = load_group(g)
            for l in range(L):
                pltpu.make_async_copy(tT_hbm.at[:, pl.ds(0, CHUNK)],
                                      blk_v.at[l], ring_sem.at[l]).wait()
                b = extract(vec, l)
                c = b - col_base(b)
                slot_v = jnp.full((L,), l, jnp.int32)
                col_v = jnp.full((L,), c, jnp.int32)
                lo = plsc.load_gather(blk_v, [slot_v, lane, col_v])
                hi = plsc.load_gather(blk_v, [slot_v, lane + L, col_v])
                i = g * L + l
                i_v = jnp.full((L,), i, jnp.int32)
                plsc.store_scatter(rows_v, [lane, i_v], lo)
                plsc.store_scatter(rows_v, [lane + L, i_v], hi)

            @pl.when(g + 1 < n_groups)
            def _fire_ahead():
                vec_n = load_group(g + 1)
                for l in range(L):
                    fire(vec_n, l)

            return carry

        lax.fori_loop(0, n_groups, body, 0)
        pltpu.sync_copy(rows_v,
                        out_hbm.at[:, pl.ds(pl.multiple_of(base, CHUNK),
                                            b_per_w)])

    @functools.partial(
        pl.kernel,
        mesh=mesh,
        compiler_params=pltpu.CompilerParams(use_tc_tiling_on_sc=False),
        out_type=jax.ShapeDtypeStruct((2 * B, DIM), jnp.float32),
        scratch_types=[
            pltpu.VMEM((b_per_w,), jnp.int32),
            pltpu.VMEM((b_per_w,), jnp.int32),
            pltpu.VMEM((2, n_chunks, CHUNK), jnp.int32),
            pltpu.VMEM((b_per_w, DIM), jnp.float32),
            pltpu.VMEM((b_per_w, DIM), jnp.float32),
            pltpu.SemaphoreType.DMA,
        ],
    )
    def it_kernel(iidx_hbm, tidx_hbm, it_hbm, tt_hbm, out_hbm,
                  iidx_v, tidx_v, scat_v, i_v, t_v, sem):
        wid = lax.axis_index("s") * NC + lax.axis_index("c")
        base = wid * b_per_w
        rows = pl.ds(base, b_per_w)
        pltpu.sync_copy(iidx_hbm.at[rows], iidx_v)
        pltpu.sync_copy(tidx_hbm.at[rows], tidx_v)
        lane = lax.iota(jnp.int32, L)
        for t in range(2):
            for c in range(n_chunks):
                for k in range(CHUNK // L):
                    off = (base + c * CHUNK + k * L) * 2 + t
                    scat_v[t, c, pl.ds(k * L, L)] = lane * 2 + off
        handles = []
        for c in range(n_chunks):
            sl = pl.ds(c * CHUNK, CHUNK)
            handles.append(
                pltpu.async_copy(it_hbm.at[iidx_v.at[sl]], i_v.at[sl], sem))
            handles.append(
                pltpu.async_copy(tt_hbm.at[tidx_v.at[sl]], t_v.at[sl], sem))
        for h in handles:
            h.wait()
        handles = []
        for c in range(n_chunks):
            sl = pl.ds(c * CHUNK, CHUNK)
            handles.append(
                pltpu.async_copy(i_v.at[sl], out_hbm.at[scat_v.at[0, c]], sem))
            handles.append(
                pltpu.async_copy(t_v.at[sl], out_hbm.at[scat_v.at[1, c]], sem))
        for h in handles:
            h.wait()

    def run(user_idx, item_idx, time_idx, user_table, item_table, time_table):
        u_rows = user_kernel(user_table.T, user_idx)
        it_rows = it_kernel(item_idx, time_idx, item_table, time_table)
        return jnp.concatenate([u_rows.T, it_rows.reshape(B, 2 * DIM)],
                               axis=-1)

    return run


def kernel(user_idx, item_idx, time_idx, user_table, item_table, time_table):
    run = _build(user_idx.shape[0], user_table.shape[0])
    return run(user_idx, item_idx, time_idx, user_table, item_table,
               time_table)

# --- scband reference (transcript-rebuilt; emitter-appended) ---
"""Pipeline reference for scband-tensor-embeddings-17798344474939 (READ-ONLY COPY).

The authoritative reference and input builder live on the scoring server;
editing this copy changes nothing except your own understanding.
"""

import jax, jax.numpy as jnp
import numpy as np

NUM_USER = 1000000
NUM_ITEM = 100000
NUM_TIME = 1000
DIM = 32
BATCH = 16384


def setup_inputs(seed: int = 0) -> dict:
    key = jax.random.key(seed)
    k1, k2, k3, k4, k5, k6 = jax.random.split(key, 6)
    user_idx = jax.random.randint(k1, (BATCH,), 0, NUM_USER, dtype=jnp.int64 if jax.config.jax_enable_x64 else jnp.int32).astype(jnp.int32)
    item_idx = jax.random.randint(k2, (BATCH,), 0, NUM_ITEM).astype(jnp.int32)
    time_idx = jax.random.randint(k3, (BATCH,), 0, NUM_TIME).astype(jnp.int32)
    user_table = jax.random.normal(k4, (NUM_USER, DIM), dtype=jnp.float32) * 0.02
    item_table = jax.random.normal(k5, (NUM_ITEM, DIM), dtype=jnp.float32) * 0.02
    time_table = jax.random.normal(k6, (NUM_TIME, DIM), dtype=jnp.float32) * 0.02
    return {
        "user_idx": user_idx,
        "item_idx": item_idx,
        "time_idx": time_idx,
        "user_table": user_table,
        "item_table": item_table,
        "time_table": time_table,
    }


def reference(user_idx, item_idx, time_idx, user_table, item_table, time_table):
    # Faithful translation of TensorEmbeddings: three independent embedding
    # lookups (user, item, time). Outputs are concatenated along the feature
    # axis to produce a single [B, 3*dim] tensor of the looked-up embeddings.
    u = jnp.take(user_table, user_idx, axis=0)
    i = jnp.take(item_table, item_idx, axis=0)
    tm = jnp.take(time_table, time_idx, axis=0)
    return jnp.concatenate([u, i, tm], axis=-1)

if __name__ == "__main__":
    import jax
    _d = setup_inputs()
    print(jax.jit(kernel)(*tuple(_d.values())))

</pallas_src>

<mosaic_0001>
#map = affine_map<(d0, d1) -> (0, 0)>
#map1 = affine_map<(d0, d1) -> (0)>
module attributes {stable_mosaic.version = 14 : i64} {
  func.func @user_kernel(%arg0: i32, %arg1: i32, %arg2: memref<32x1000000xf32, #tpu.memory_space<hbm>>, %arg3: memref<16384xi32, #tpu.memory_space<hbm>>, %arg4: memref<32x16384xf32, #tpu.memory_space<hbm>>, %arg5: memref<512xi32, #tpu.memory_space<vmem>>, %arg6: memref<16x32x128xf32, #tpu.memory_space<vmem>>, %arg7: memref<32x512xf32, #tpu.memory_space<vmem>>, %arg8: memref<16x!tpu.dma_semaphore, #tpu.memory_space<semaphore_mem>>) attributes {dimension_semantics = [#tpu.dimension_semantics<core_parallel>, #tpu.dimension_semantics<subcore_parallel>], iteration_bounds = array<i64: 2, 16>, scalar_prefetch = 0 : i64, scratch_operands = 4 : i64, tpu.core_type = #tpu.core_type<sc_vector_subcore>, window_params = [{transform_indices = #map}, {transform_indices = #map1}, {transform_indices = #map}]} {
    %mul3A = arith.constant 2 : i32
    %mul3A_0 = arith.muli %arg1, %mul3A : i32
    %add3A = arith.addi %mul3A_0, %arg0 : i32
    %mul3A_1 = arith.constant 512 : i32
    %mul3A_2 = arith.muli %add3A, %mul3A_1 : i32
    "tpu.region"() ({
      %run_scoped3A = tpu.sem_alloc : memref<!tpu.dma_semaphore, #tpu.memory_space<semaphore_mem>>
      %dma_start3A_847 = tpu.memref_slice %arg3[%mul3A_2] : memref<16384xi32, #tpu.memory_space<hbm>> -> memref<512xi32, #tpu.memory_space<hbm>>
      %dma_start3A_848 = tpu.memref_slice %arg3[%mul3A_2] : memref<16384xi32, #tpu.memory_space<hbm>> -> memref<512xi32, #tpu.memory_space<hbm>>
      tpu.enqueue_dma source(%dma_start3A_848 : memref<512xi32, #tpu.memory_space<hbm>>) target(%arg5 : memref<512xi32, #tpu.memory_space<vmem>>) target_semaphore(%run_scoped3A : memref<!tpu.dma_semaphore, #tpu.memory_space<semaphore_mem>>)
      %dma_wait3A = tpu.memref_slice %arg3[%mul3A_2] : memref<16384xi32, #tpu.memory_space<hbm>> -> memref<512xi32, #tpu.memory_space<hbm>>
      %dma_wait3A_849 = tpu.memref_slice %arg3[%mul3A_2] : memref<16384xi32, #tpu.memory_space<hbm>> -> memref<512xi32, #tpu.memory_space<hbm>>
      tpu.wait_dma2 semaphore(%run_scoped3A : memref<!tpu.dma_semaphore, #tpu.memory_space<semaphore_mem>>) src(%dma_wait3A_849 : memref<512xi32, #tpu.memory_space<hbm>>) dst(%arg5 : memref<512xi32, #tpu.memory_space<vmem>>)
      tpu.yield
    }) : () -> ()
    %iota3A = tpu.iota {dimensions = array<i32: 0>} : vector<16xi32>
    %multiple_of3A = arith.constant 0 : i32
    %multiple_of3A_3 = tpu.assume_multiple %multiple_of3A, 16 : i32
    %get3A = arith.index_cast %multiple_of3A_3 : i32 to index
    %get3A_4 = tpu.vector_load %arg5[%get3A] {strides = array<i32>} : memref<512xi32, #tpu.memory_space<vmem>>, vector<16xi32>,
    %eq3A = arith.constant 0 : i32
    %eq3A_5 = vector.broadcast %eq3A : i32 to vector<16xi32>
    %eq3A_6 = arith.cmpi eq, %iota3A, %eq3A_5 : vector<16xi32>
    %jit3A = arith.constant 0 : i32
    %broadcast_in_dim3A = vector.broadcast %jit3A : i32 to vector<16xi32>
    %select_n3A = arith.select %eq3A_6, %get3A_4, %broadcast_in_dim3A : vector<16xi1>, vector<16xi32>
    %reduce_sum3A = arith.constant true
    %reduce_sum3A_7 = vector.broadcast %reduce_sum3A : i1 to vector<16xi1>
    %reduce_sum3A_8 = tpu.scan <sum>, %select_n3A masked %reduce_sum3A_7 : vector<16xi32>, vector<16xi1> -> vector<16xi32>
    %reduce_sum3A_9 = vector.extract %reduce_sum3A_8[15] : i32 from vector<16xi32>
    %jit3A_10 = arith.constant 128 : i32
    %div3A = arith.divsi %reduce_sum3A_9, %jit3A_10 : i32
    %sign3A = arith.constant 0 : i32
    %sign3A_11 = arith.cmpi sgt, %reduce_sum3A_9, %sign3A : i32
    %sign3A_12 = arith.extui %sign3A_11 : i1 to i32
    %sign3A_13 = arith.constant 0 : i32
    %sign3A_14 = arith.cmpi slt, %reduce_sum3A_9, %sign3A_13 : i32
    %sign3A_15 = arith.extui %sign3A_14 : i1 to i32
    %sign3A_16 = arith.subi %sign3A_12, %sign3A_15 : i32
    %sign3A_17 = arith.constant 0 : i32
    %sign3A_18 = arith.cmpi sgt, %jit3A_10, %sign3A_17 : i32
    %sign3A_19 = arith.extui %sign3A_18 : i1 to i32
    %sign3A_20 = arith.constant 0 : i32
    %sign3A_21 = arith.cmpi slt, %jit3A_10, %sign3A_20 : i32
    %sign3A_22 = arith.extui %sign3A_21 : i1 to i32
    %sign3A_23 = arith.subi %sign3A_19, %sign3A_22 : i32
    %ne3A = arith.cmpi ne, %sign3A_16, %sign3A_23 : i32
    %rem3A = arith.remsi %reduce_sum3A_9, %jit3A_10 : i32
    %ne3A_24 = arith.constant 0 : i32
    %ne3A_25 = arith.cmpi ne, %rem3A, %ne3A_24 : i32
    %and3A = arith.andi %ne3A, %ne3A_25 : i1
    %sub3A = arith.constant 1 : i32
    %sub3A_26 = arith.subi %div3A, %sub3A : i32
    %select_n3A_27 = arith.select %and3A, %sub3A_26, %div3A : i32
    %mul3A_28 = arith.constant 128 : i32
    %mul3A_29 = arith.muli %select_n3A_27, %mul3A_28 : i32
    %multiple_of3A_30 = tpu.assume_multiple %mul3A_29, 128 : i32
    %dma_start3A = arith.constant 0 : i32
    %dma_start3A_31 = arith.constant 0 : i32
    %dma_start3A_32 = arith.constant 0 : i32
    %dma_start3A_33 = arith.constant 0 : i32
    %dma_start3A_34 = tpu.memref_slice %arg6[%dma_start3A, %dma_start3A_32, %dma_start3A_33] : memref<16x32x128xf32, #tpu.memory_space<vmem>> -> memref<1x32x128xf32, #tpu.memory_space<vmem>>
    %dma_start3A_35 = tpu.memref_squeeze %dma_start3A_34 : memref<1x32x128xf32, #tpu.memory_space<vmem>> -> memref<32x128xf32, #tpu.memory_space<vmem>>
    %dma_start3A_36 = arith.constant 0 : i32
    %dma_start3A_37 = tpu.memref_slice %arg2[%dma_start3A_36, %multiple_of3A_30] : memref<32x1000000xf32, #tpu.memory_space<hbm>> -> memref<32x128xf32, #tpu.memory_space<hbm>>
    %dma_start3A_38 = tpu.memref_slice %arg8[%dma_start3A_31] : memref<16x!tpu.dma_semaphore, #tpu.memory_space<semaphore_mem>> -> memref<1x!tpu.dma_semaphore, #tpu.memory_space<semaphore_mem>>
    %dma_start3A_39 = tpu.memref_squeeze %dma_start3A_38 : memref<1x!tpu.dma_semaphore, #tpu.memory_space<semaphore_mem>> -> memref<!tpu.dma_semaphore, #tpu.memory_space<semaphore_mem>>
    %dma_start3A_40 = arith.constant 0 : i32
    %dma_start3A_41 = arith.constant 0 : i32
    %dma_start3A_42 = tpu.memref_slice %arg6[%dma_start3A, %dma_start3A_40, %dma_start3A_41] : memref<16x32x128xf32, #tpu.memory_space<vmem>> -> memref<1x32x128xf32, #tpu.memory_space<vmem>>
    %dma_start3A_43 = tpu.memref_squeeze %dma_start3A_42 : memref<1x32x128xf32, #tpu.memory_space<vmem>> -> memref<32x128xf32, #tpu.memory_space<vmem>>
    %dma_start3A_44 = arith.constant 0 : i32
    %dma_start3A_45 = tpu.memref_slice %arg2[%dma_start3A_44, %multiple_of3A_30] : memref<32x1000000xf32, #tpu.memory_space<hbm>> -> memref<32x128xf32, #tpu.memory_space<hbm>>
    tpu.enqueue_dma source(%dma_start3A_45 : memref<32x128xf32, #tpu.memory_space<hbm>>) target(%dma_start3A_43 : memref<32x128xf32, #tpu.memory_space<vmem>>) target_semaphore(%dma_start3A_39 : memref<!tpu.dma_semaphore, #tpu.memory_space<semaphore_mem>>)
    %eq3A_46 = arith.constant 1 : i32
    %eq3A_47 = vector.broadcast %eq3A_46 : i32 to vector<16xi32>
    %eq3A_48 = arith.cmpi eq, %iota3A, %eq3A_47 : vector<16xi32>
    %jit3A_49 = arith.constant 0 : i32
    %broadcast_in_dim3A_50 = vector.broadcast %jit3A_49 : i32 to vector<16xi32>
    %select_n3A_51 = arith.select %eq3A_48, %get3A_4, %broadcast_in_dim3A_50 : vector<16xi1>, vector<16xi32>
    %reduce_sum3A_52 = arith.constant true
    %reduce_sum3A_53 = vector.broadcast %reduce_sum3A_52 : i1 to vector<16xi1>
    %reduce_sum3A_54 = tpu.scan <sum>, %select_n3A_51 masked %reduce_sum3A_53 : vector<16xi32>, vector<16xi1> -> vector<16xi32>
    %reduce_sum3A_55 = vector.extract %reduce_sum3A_54[15] : i32 from vector<16xi32>
    %jit3A_56 = arith.constant 128 : i32
    %div3A_57 = arith.divsi %reduce_sum3A_55, %jit3A_56 : i32
    %sign3A_58 = arith.constant 0 : i32
    %sign3A_59 = arith.cmpi sgt, %reduce_sum3A_55, %sign3A_58 : i32
    %sign3A_60 = arith.extui %sign3A_59 : i1 to i32
    %sign3A_61 = arith.constant 0 : i32
    %sign3A_62 = arith.cmpi slt, %reduce_sum3A_55, %sign3A_61 : i32
    %sign3A_63 = arith.extui %sign3A_62 : i1 to i32
    %sign3A_64 = arith.subi %sign3A_60, %sign3A_63 : i32
    %sign3A_65 = arith.constant 0 : i32
    %sign3A_66 = arith.cmpi sgt, %jit3A_56, %sign3A_65 : i32
    %sign3A_67 = arith.extui %sign3A_66 : i1 to i32
    %sign3A_68 = arith.constant 0 : i32
    %sign3A_69 = arith.cmpi slt, %jit3A_56, %sign3A_68 : i32
    %sign3A_70 = arith.extui %sign3A_69 : i1 to i32
    %sign3A_71 = arith.subi %sign3A_67, %sign3A_70 : i32
    %ne3A_72 = arith.cmpi ne, %sign3A_64, %sign3A_71 : i32
    %rem3A_73 = arith.remsi %reduce_sum3A_55, %jit3A_56 : i32
    %ne3A_74 = arith.constant 0 : i32
    %ne3A_75 = arith.cmpi ne, %rem3A_73, %ne3A_74 : i32
    %and3A_76 = arith.andi %ne3A_72, %ne3A_75 : i1
    %sub3A_77 = arith.constant 1 : i32
    %sub3A_78 = arith.subi %div3A_57, %sub3A_77 : i32
    %select_n3A_79 = arith.select %and3A_76, %sub3A_78, %div3A_57 : i32
    %mul3A_80 = arith.constant 128 : i32
    %mul3A_81 = arith.muli %select_n3A_79, %mul3A_80 : i32
    %multiple_of3A_82 = tpu.assume_multiple %mul3A_81, 128 : i32
    %dma_start3A_83 = arith.constant 1 : i32
    %dma_start3A_84 = arith.constant 1 : i32
    %dma_start3A_85 = arith.constant 0 : i32
    %dma_start3A_86 = arith.constant 0 : i32
    %dma_start3A_87 = tpu.memref_slice %arg6[%dma_start3A_83, %dma_start3A_85, %dma_start3A_86] : memref<16x32x128xf32, #tpu.memory_space<vmem>> -> memref<1x32x128xf32, #tpu.memory_space<vmem>>
    %dma_start3A_88 = tpu.memref_squeeze %dma_start3A_87 : memref<1x32x128xf32, #tpu.memory_space<vmem>> -> memref<32x128xf32, #tpu.memory_space<vmem>>
    %dma_start3A_89 = arith.constant 0 : i32
    %dma_start3A_90 = tpu.memref_slice %arg2[%dma_start3A_89, %multiple_of3A_82] : memref<32x1000000xf32, #tpu.memory_space<hbm>> -> memref<32x128xf32, #tpu.memory_space<hbm>>
    %dma_start3A_91 = tpu.memref_slice %arg8[%dma_start3A_84] : memref<16x!tpu.dma_semaphore, #tpu.memory_space<semaphore_mem>> -> memref<1x!tpu.dma_semaphore, #tpu.memory_space<semaphore_mem>>
    %dma_start3A_92 = tpu.memref_squeeze %dma_start3A_91 : memref<1x!tpu.dma_semaphore, #tpu.memory_space<semaphore_mem>> -> memref<!tpu.dma_semaphore, #tpu.memory_space<semaphore_mem>>
    %dma_start3A_93 = arith.constant 0 : i32
    %dma_start3A_94 = arith.constant 0 : i32
    %dma_start3A_95 = tpu.memref_slice %arg6[%dma_start3A_83, %dma_start3A_93, %dma_start3A_94] : memref<16x32x128xf32, #tpu.memory_space<vmem>> -> memref<1x32x128xf32, #tpu.memory_space<vmem>>
    %dma_start3A_96 = tpu.memref_squeeze %dma_start3A_95 : memref<1x32x128xf32, #tpu.memory_space<vmem>> -> memref<32x128xf32, #tpu.memory_space<vmem>>
    %dma_start3A_97 = arith.constant 0 : i32
    %dma_start3A_98 = tpu.memref_slice %arg2[%dma_start3A_97, %multiple_of3A_82] : memref<32x1000000xf32, #tpu.memory_space<hbm>> -> memref<32x128xf32, #tpu.memory_space<hbm>>
    tpu.enqueue_dma source(%dma_start3A_98 : memref<32x128xf32, #tpu.memory_space<hbm>>) target(%dma_start3A_96 : memref<32x128xf32, #tpu.memory_space<vmem>>) target_semaphore(%dma_start3A_92 : memref<!tpu.dma_semaphore, #tpu.memory_space<semaphore_mem>>)
    %eq3A_99 = arith.constant 2 : i32
    %eq3A_100 = vector.broadcast %eq3A_99 : i32 to vector<16xi32>
    %eq3A_101 = arith.cmpi eq, %iota3A, %eq3A_100 : vector<16xi32>
    %jit3A_102 = arith.constant 0 : i32
    %broadcast_in_dim3A_103 = vector.broadcast %jit3A_102 : i32 to vector<16xi32>
    %select_n3A_104 = arith.select %eq3A_101, %get3A_4, %broadcast_in_dim3A_103 : vector<16xi1>, vector<16xi32>
    %reduce_sum3A_105 = arith.constant true
    %reduce_sum3A_106 = vector.broadcast %reduce_sum3A_105 : i1 to vector<16xi1>
    %reduce_sum3A_107 = tpu.scan <sum>, %select_n3A_104 masked %reduce_sum3A_106 : vector<16xi32>, vector<16xi1> -> vector<16xi32>
    %reduce_sum3A_108 = vector.extract %reduce_sum3A_107[15] : i32 from vector<16xi32>
    %jit3A_109 = arith.constant 128 : i32
    %div3A_110 = arith.divsi %reduce_sum3A_108, %jit3A_109 : i32
    %sign3A_111 = arith.constant 0 : i32
    %sign3A_112 = arith.cmpi sgt, %reduce_sum3A_108, %sign3A_111 : i32
    %sign3A_113 = arith.extui %sign3A_112 : i1 to i32
    %sign3A_114 = arith.constant 0 : i32
    %sign3A_115 = arith.cmpi slt, %reduce_sum3A_108, %sign3A_114 : i32
    %sign3A_116 = arith.extui %sign3A_115 : i1 to i32
    %sign3A_117 = arith.subi %sign3A_113, %sign3A_116 : i32
    %sign3A_118 = arith.constant 0 : i32
    %sign3A_119 = arith.cmpi sgt, %jit3A_109, %sign3A_118 : i32
    %sign3A_120 = arith.extui %sign3A_119 : i1 to i32
    %sign3A_121 = arith.constant 0 : i32
    %sign3A_122 = arith.cmpi slt, %jit3A_109, %sign3A_121 : i32
    %sign3A_123 = arith.extui %sign3A_122 : i1 to i32
    %sign3A_124 = arith.subi %sign3A_120, %sign3A_123 : i32
    %ne3A_125 = arith.cmpi ne, %sign3A_117, %sign3A_124 : i32
    %rem3A_126 = arith.remsi %reduce_sum3A_108, %jit3A_109 : i32
    %ne3A_127 = arith.constant 0 : i32
    %ne3A_128 = arith.cmpi ne, %rem3A_126, %ne3A_127 : i32
    %and3A_129 = arith.andi %ne3A_125, %ne3A_128 : i1
    %sub3A_130 = arith.constant 1 : i32
    %sub3A_131 = arith.subi %div3A_110, %sub3A_130 : i32
    %select_n3A_132 = arith.select %and3A_129, %sub3A_131, %div3A_110 : i32
    %mul3A_133 = arith.constant 128 : i32
    %mul3A_134 = arith.muli %select_n3A_132, %mul3A_133 : i32
    %multiple_of3A_135 = tpu.assume_multiple %mul3A_134, 128 : i32
    %dma_start3A_136 = arith.constant 2 : i32
    %dma_start3A_137 = arith.constant 2 : i32
    %dma_start3A_138 = arith.constant 0 : i32
    %dma_start3A_139 = arith.constant 0 : i32
    %dma_start3A_140 = tpu.memref_slice %arg6[%dma_start3A_136, %dma_start3A_138, %dma_start3A_139] : memref<16x32x128xf32, #tpu.memory_space<vmem>> -> memref<1x32x128xf32, #tpu.memory_space<vmem>>
    %dma_start3A_141 = tpu.memref_squeeze %dma_start3A_140 : memref<1x32x128xf32, #tpu.memory_space<vmem>> -> memref<32x128xf32, #tpu.memory_space<vmem>>
    %dma_start3A_142 = arith.constant 0 : i32
    %dma_start3A_143 = tpu.memref_slice %arg2[%dma_start3A_142, %multiple_of3A_135] : memref<32x1000000xf32, #tpu.memory_space<hbm>> -> memref<32x128xf32, #tpu.memory_space<hbm>>
    %dma_start3A_144 = tpu.memref_slice %arg8[%dma_start3A_137] : memref<16x!tpu.dma_semaphore, #tpu.memory_space<semaphore_mem>> -> memref<1x!tpu.dma_semaphore, #tpu.memory_space<semaphore_mem>>
    %dma_start3A_145 = tpu.memref_squeeze %dma_start3A_144 : memref<1x!tpu.dma_semaphore, #tpu.memory_space<semaphore_mem>> -> memref<!tpu.dma_semaphore, #tpu.memory_space<semaphore_mem>>
    %dma_start3A_146 = arith.constant 0 : i32
    %dma_start3A_147 = arith.constant 0 : i32
    %dma_start3A_148 = tpu.memref_slice %arg6[%dma_start3A_136, %dma_start3A_146, %dma_start3A_147] : memref<16x32x128xf32, #tpu.memory_space<vmem>> -> memref<1x32x128xf32, #tpu.memory_space<vmem>>
    %dma_start3A_149 = tpu.memref_squeeze %dma_start3A_148 : memref<1x32x128xf32, #tpu.memory_space<vmem>> -> memref<32x128xf32, #tpu.memory_space<vmem>>
    %dma_start3A_150 = arith.constant 0 : i32
    %dma_start3A_151 = tpu.memref_slice %arg2[%dma_start3A_150, %multiple_of3A_135] : memref<32x1000000xf32, #tpu.memory_space<hbm>> -> memref<32x128xf32, #tpu.memory_space<hbm>>
    tpu.enqueue_dma source(%dma_start3A_151 : memref<32x128xf32, #tpu.memory_space<hbm>>) target(%dma_start3A_149 : memref<32x128xf32, #tpu.memory_space<vmem>>) target_semaphore(%dma_start3A_145 : memref<!tpu.dma_semaphore, #tpu.memory_space<semaphore_mem>>)
    %eq3A_152 = arith.constant 3 : i32
    %eq3A_153 = vector.broadcast %eq3A_152 : i32 to vector<16xi32>
    %eq3A_154 = arith.cmpi eq, %iota3A, %eq3A_153 : vector<16xi32>
    %jit3A_155 = arith.constant 0 : i32
    %broadcast_in_dim3A_156 = vector.broadcast %jit3A_155 : i32 to vector<16xi32>
    %select_n3A_157 = arith.select %eq3A_154, %get3A_4, %broadcast_in_dim3A_156 : vector<16xi1>, vector<16xi32>
    %reduce_sum3A_158 = arith.constant true
    %reduce_sum3A_159 = vector.broadcast %reduce_sum3A_158 : i1 to vector<16xi1>
    %reduce_sum3A_160 = tpu.scan <sum>, %select_n3A_157 masked %reduce_sum3A_159 : vector<16xi32>, vector<16xi1> -> vector<16xi32>
    %reduce_sum3A_161 = vector.extract %reduce_sum3A_160[15] : i32 from vector<16xi32>
    %jit3A_162 = arith.constant 128 : i32
    %div3A_163 = arith.divsi %reduce_sum3A_161, %jit3A_162 : i32
    %sign3A_164 = arith.constant 0 : i32
    %sign3A_165 = arith.cmpi sgt, %reduce_sum3A_161, %sign3A_164 : i32
    %sign3A_166 = arith.extui %sign3A_165 : i1 to i32
    %sign3A_167 = arith.constant 0 : i32
    %sign3A_168 = arith.cmpi slt, %reduce_sum3A_161, %sign3A_167 : i32
    %sign3A_169 = arith.extui %sign3A_168 : i1 to i32
    %sign3A_170 = arith.subi %sign3A_166, %sign3A_169 : i32
    %sign3A_171 = arith.constant 0 : i32
    %sign3A_172 = arith.cmpi sgt, %jit3A_162, %sign3A_171 : i32
    %sign3A_173 = arith.extui %sign3A_172 : i1 to i32
    %sign3A_174 = arith.constant 0 : i32
    %sign3A_175 = arith.cmpi slt, %jit3A_162, %sign3A_174 : i32
    %sign3A_176 = arith.extui %sign3A_175 : i1 to i32
    %sign3A_177 = arith.subi %sign3A_173, %sign3A_176 : i32
    %ne3A_178 = arith.cmpi ne, %sign3A_170, %sign3A_177 : i32
    %rem3A_179 = arith.remsi %reduce_sum3A_161, %jit3A_162 : i32
    %ne3A_180 = arith.constant 0 : i32
    %ne3A_181 = arith.cmpi ne, %rem3A_179, %ne3A_180 : i32
    %and3A_182 = arith.andi %ne3A_178, %ne3A_181 : i1
    %sub3A_183 = arith.constant 1 : i32
    %sub3A_184 = arith.subi %div3A_163, %sub3A_183 : i32
    %select_n3A_185 = arith.select %and3A_182, %sub3A_184, %div3A_163 : i32
    %mul3A_186 = arith.constant 128 : i32
    %mul3A_187 = arith.muli %select_n3A_185, %mul3A_186 : i32
    %multiple_of3A_188 = tpu.assume_multiple %mul3A_187, 128 : i32
    %dma_start3A_189 = arith.constant 3 : i32
    %dma_start3A_190 = arith.constant 3 : i32
    %dma_start3A_191 = arith.constant 0 : i32
    %dma_start3A_192 = arith.constant 0 : i32
    %dma_start3A_193 = tpu.memref_slice %arg6[%dma_start3A_189, %dma_start3A_191, %dma_start3A_192] : memref<16x32x128xf32, #tpu.memory_space<vmem>> -> memref<1x32x128xf32, #tpu.memory_space<vmem>>
    %dma_start3A_194 = tpu.memref_squeeze %dma_start3A_193 : memref<1x32x128xf32, #tpu.memory_space<vmem>> -> memref<32x128xf32, #tpu.memory_space<vmem>>
    %dma_start3A_195 = arith.constant 0 : i32
    %dma_start3A_196 = tpu.memref_slice %arg2[%dma_start3A_195, %multiple_of3A_188] : memref<32x1000000xf32, #tpu.memory_space<hbm>> -> memref<32x128xf32, #tpu.memory_space<hbm>>
    %dma_start3A_197 = tpu.memref_slice %arg8[%dma_start3A_190] : memref<16x!tpu.dma_semaphore, #tpu.memory_space<semaphore_mem>> -> memref<1x!tpu.dma_semaphore, #tpu.memory_space<semaphore_mem>>
    %dma_start3A_198 = tpu.memref_squeeze %dma_start3A_197 : memref<1x!tpu.dma_semaphore, #tpu.memory_space<semaphore_mem>> -> memref<!tpu.dma_semaphore, #tpu.memory_space<semaphore_mem>>
    %dma_start3A_199 = arith.constant 0 : i32
    %dma_start3A_200 = arith.constant 0 : i32
    %dma_start3A_201 = tpu.memref_slice %arg6[%dma_start3A_189, %dma_start3A_199, %dma_start3A_200] : memref<16x32x128xf32, #tpu.memory_space<vmem>> -> memref<1x32x128xf32, #tpu.memory_space<vmem>>
    %dma_start3A_202 = tpu.memref_squeeze %dma_start3A_201 : memref<1x32x128xf32, #tpu.memory_space<vmem>> -> memref<32x128xf32, #tpu.memory_space<vmem>>
    %dma_start3A_203 = arith.constant 0 : i32
    %dma_start3A_204 = tpu.memref_slice %arg2[%dma_start3A_203, %multiple_of3A_188] : memref<32x1000000xf32, #tpu.memory_space<hbm>> -> memref<32x128xf32, #tpu.memory_space<hbm>>
    tpu.enqueue_dma source(%dma_start3A_204 : memref<32x128xf32, #tpu.memory_space<hbm>>) target(%dma_start3A_202 : memref<32x128xf32, #tpu.memory_space<vmem>>) target_semaphore(%dma_start3A_198 : memref<!tpu.dma_semaphore, #tpu.memory_space<semaphore_mem>>)
    %eq3A_205 = arith.constant 4 : i32
    %eq3A_206 = vector.broadcast %eq3A_205 : i32 to vector<16xi32>
    %eq3A_207 = arith.cmpi eq, %iota3A, %eq3A_206 : vector<16xi32>
    %jit3A_208 = arith.constant 0 : i32
    %broadcast_in_dim3A_209 = vector.broadcast %jit3A_208 : i32 to vector<16xi32>
    %select_n3A_210 = arith.select %eq3A_207, %get3A_4, %broadcast_in_dim3A_209 : vector<16xi1>, vector<16xi32>
    %reduce_sum3A_211 = arith.constant true
    %reduce_sum3A_212 = vector.broadcast %reduce_sum3A_211 : i1 to vector<16xi1>
    %reduce_sum3A_213 = tpu.scan <sum>, %select_n3A_210 masked %reduce_sum3A_212 : vector<16xi32>, vector<16xi1> -> vector<16xi32>
    %reduce_sum3A_214 = vector.extract %reduce_sum3A_213[15] : i32 from vector<16xi32>
    %jit3A_215 = arith.constant 128 : i32
    %div3A_216 = arith.divsi %reduce_sum3A_214, %jit3A_215 : i32
    %sign3A_217 = arith.constant 0 : i32
    %sign3A_218 = arith.cmpi sgt, %reduce_sum3A_214, %sign3A_217 : i32
    %sign3A_219 = arith.extui %sign3A_218 : i1 to i32
    %sign3A_220 = arith.constant 0 : i32
    %sign3A_221 = arith.cmpi slt, %reduce_sum3A_214, %sign3A_220 : i32
    %sign3A_222 = arith.extui %sign3A_221 : i1 to i32
    %sign3A_223 = arith.subi %sign3A_219, %sign3A_222 : i32
    %sign3A_224 = arith.constant 0 : i32
    %sign3A_225 = arith.cmpi sgt, %jit3A_215, %sign3A_224 : i32
    %sign3A_226 = arith.extui %sign3A_225 : i1 to i32
    %sign3A_227 = arith.constant 0 : i32
    %sign3A_228 = arith.cmpi slt, %jit3A_215, %sign3A_227 : i32
    %sign3A_229 = arith.extui %sign3A_228 : i1 to i32
    %sign3A_230 = arith.subi %sign3A_226, %sign3A_229 : i32
    %ne3A_231 = arith.cmpi ne, %sign3A_223, %sign3A_230 : i32
    %rem3A_232 = arith.remsi %reduce_sum3A_214, %jit3A_215 : i32
    %ne3A_233 = arith.constant 0 : i32
    %ne3A_234 = arith.cmpi ne, %rem3A_232, %ne3A_233 : i32
    %and3A_235 = arith.andi %ne3A_231, %ne3A_234 : i1
    %sub3A_236 = arith.constant 1 : i32
    %sub3A_237 = arith.subi %div3A_216, %sub3A_236 : i32
    %select_n3A_238 = arith.select %and3A_235, %sub3A_237, %div3A_216 : i32
    %mul3A_239 = arith.constant 128 : i32
    %mul3A_240 = arith.muli %select_n3A_238, %mul3A_239 : i32
    %multiple_of3A_241 = tpu.assume_multiple %mul3A_240, 128 : i32
    %dma_start3A_242 = arith.constant 4 : i32
    %dma_start3A_243 = arith.constant 4 : i32
    %dma_start3A_244 = arith.constant 0 : i32
    %dma_start3A_245 = arith.constant 0 : i32
    %dma_start3A_246 = tpu.memref_slice %arg6[%dma_start3A_242, %dma_start3A_244, %dma_start3A_245] : memref<16x32x128xf32, #tpu.memory_space<vmem>> -> memref<1x32x128xf32, #tpu.memory_space<vmem>>
    %dma_start3A_247 = tpu.memref_squeeze %dma_start3A_246 : memref<1x32x128xf32, #tpu.memory_space<vmem>> -> memref<32x128xf32, #tpu.memory_space<vmem>>
    %dma_start3A_248 = arith.constant 0 : i32
    %dma_start3A_249 = tpu.memref_slice %arg2[%dma_start3A_248, %multiple_of3A_241] : memref<32x1000000xf32, #tpu.memory_space<hbm>> -> memref<32x128xf32, #tpu.memory_space<hbm>>
    %dma_start3A_250 = tpu.memref_slice %arg8[%dma_start3A_243] : memref<16x!tpu.dma_semaphore, #tpu.memory_space<semaphore_mem>> -> memref<1x!tpu.dma_semaphore, #tpu.memory_space<semaphore_mem>>
    %dma_start3A_251 = tpu.memref_squeeze %dma_start3A_250 : memref<1x!tpu.dma_semaphore, #tpu.memory_space<semaphore_mem>> -> memref<!tpu.dma_semaphore, #tpu.memory_space<semaphore_mem>>
    %dma_start3A_252 = arith.constant 0 : i32
    %dma_start3A_253 = arith.constant 0 : i32
    %dma_start3A_254 = tpu.memref_slice %arg6[%dma_start3A_242, %dma_start3A_252, %dma_start3A_253] : memref<16x32x128xf32, #tpu.memory_space<vmem>> -> memref<1x32x128xf32, #tpu.memory_space<vmem>>
    %dma_start3A_255 = tpu.memref_squeeze %dma_start3A_254 : memref<1x32x128xf32, #tpu.memory_space<vmem>> -> memref<32x128xf32, #tpu.memory_space<vmem>>
    %dma_start3A_256 = arith.constant 0 : i32
    %dma_start3A_257 = tpu.memref_slice %arg2[%dma_start3A_256, %multiple_of3A_241] : memref<32x1000000xf32, #tpu.memory_space<hbm>> -> memref<32x128xf32, #tpu.memory_space<hbm>>
    tpu.enqueue_dma source(%dma_start3A_257 : memref<32x128xf32, #tpu.memory_space<hbm>>) target(%dma_start3A_255 : memref<32x128xf32, #tpu.memory_space<vmem>>) target_semaphore(%dma_start3A_251 : memref<!tpu.dma_semaphore, #tpu.memory_space<semaphore_mem>>)
    %eq3A_258 = arith.constant 5 : i32
    %eq3A_259 = vector.broadcast %eq3A_258 : i32 to vector<16xi32>
    %eq3A_260 = arith.cmpi eq, %iota3A, %eq3A_259 : vector<16xi32>
    %jit3A_261 = arith.constant 0 : i32
    %broadcast_in_dim3A_262 = vector.broadcast %jit3A_261 : i32 to vector<16xi32>
    %select_n3A_263 = arith.select %eq3A_260, %get3A_4, %broadcast_in_dim3A_262 : vector<16xi1>, vector<16xi32>
    %reduce_sum3A_264 = arith.constant true
    %reduce_sum3A_265 = vector.broadcast %reduce_sum3A_264 : i1 to vector<16xi1>
    %reduce_sum3A_266 = tpu.scan <sum>, %select_n3A_263 masked %reduce_sum3A_265 : vector<16xi32>, vector<16xi1> -> vector<16xi32>
    %reduce_sum3A_267 = vector.extract %reduce_sum3A_266[15] : i32 from vector<16xi32>
    %jit3A_268 = arith.constant 128 : i32
    %div3A_269 = arith.divsi %reduce_sum3A_267, %jit3A_268 : i32
    %sign3A_270 = arith.constant 0 : i32
    %sign3A_271 = arith.cmpi sgt, %reduce_sum3A_267, %sign3A_270 : i32
    %sign3A_272 = arith.extui %sign3A_271 : i1 to i32
    %sign3A_273 = arith.constant 0 : i32
    %sign3A_274 = arith.cmpi slt, %reduce_sum3A_267, %sign3A_273 : i32
    %sign3A_275 = arith.extui %sign3A_274 : i1 to i32
    %sign3A_276 = arith.subi %sign3A_272, %sign3A_275 : i32
    %sign3A_277 = arith.constant 0 : i32
    %sign3A_278 = arith.cmpi sgt, %jit3A_268, %sign3A_277 : i32
    %sign3A_279 = arith.extui %sign3A_278 : i1 to i32
    %sign3A_280 = arith.constant 0 : i32
    %sign3A_281 = arith.cmpi slt, %jit3A_268, %sign3A_280 : i32
    %sign3A_282 = arith.extui %sign3A_281 : i1 to i32
    %sign3A_283 = arith.subi %sign3A_279, %sign3A_282 : i32
    %ne3A_284 = arith.cmpi ne, %sign3A_276, %sign3A_283 : i32
    %rem3A_285 = arith.remsi %reduce_sum3A_267, %jit3A_268 : i32
    %ne3A_286 = arith.constant 0 : i32
    %ne3A_287 = arith.cmpi ne, %rem3A_285, %ne3A_286 : i32
    %and3A_288 = arith.andi %ne3A_284, %ne3A_287 : i1
    %sub3A_289 = arith.constant 1 : i32
    %sub3A_290 = arith.subi %div3A_269, %sub3A_289 : i32
    %select_n3A_291 = arith.select %and3A_288, %sub3A_290, %div3A_269 : i32
    %mul3A_292 = arith.constant 128 : i32
    %mul3A_293 = arith.muli %select_n3A_291, %mul3A_292 : i32
    %multiple_of3A_294 = tpu.assume_multiple %mul3A_293, 128 : i32
    %dma_start3A_295 = arith.constant 5 : i32
    %dma_start3A_296 = arith.constant 5 : i32
    %dma_start3A_297 = arith.constant 0 : i32
    %dma_start3A_298 = arith.constant 0 : i32
    %dma_start3A_299 = tpu.memref_slice %arg6[%dma_start3A_295, %dma_start3A_297, %dma_start3A_298] : memref<16x32x128xf32, #tpu.memory_space<vmem>> -> memref<1x32x128xf32, #tpu.memory_space<vmem>>
    %dma_start3A_300 = tpu.memref_squeeze %dma_start3A_299 : memref<1x32x128xf32, #tpu.memory_space<vmem>> -> memref<32x128xf32, #tpu.memory_space<vmem>>
    %dma_start3A_301 = arith.constant 0 : i32
    %dma_start3A_302 = tpu.memref_slice %arg2[%dma_start3A_301, %multiple_of3A_294] : memref<32x1000000xf32, #tpu.memory_space<hbm>> -> memref<32x128xf32, #tpu.memory_space<hbm>>
    %dma_start3A_303 = tpu.memref_slice %arg8[%dma_start3A_296] : memref<16x!tpu.dma_semaphore, #tpu.memory_space<semaphore_mem>> -> memref<1x!tpu.dma_semaphore, #tpu.memory_space<semaphore_mem>>
    %dma_start3A_304 = tpu.memref_squeeze %dma_start3A_303 : memref<1x!tpu.dma_semaphore, #tpu.memory_space<semaphore_mem>> -> memref<!tpu.dma_semaphore, #tpu.memory_space<semaphore_mem>>
    %dma_start3A_305 = arith.constant 0 : i32
    %dma_start3A_306 = arith.constant 0 : i32
    %dma_start3A_307 = tpu.memref_slice %arg6[%dma_start3A_295, %dma_start3A_305, %dma_start3A_306] : memref<16x32x128xf32, #tpu.memory_space<vmem>> -> memref<1x32x128xf32, #tpu.memory_space<vmem>>
    %dma_start3A_308 = tpu.memref_squeeze %dma_start3A_307 : memref<1x32x128xf32, #tpu.memory_space<vmem>> -> memref<32x128xf32, #tpu.memory_space<vmem>>
    %dma_start3A_309 = arith.constant 0 : i32
    %dma_start3A_310 = tpu.memref_slice %arg2[%dma_start3A_309, %multiple_of3A_294] : memref<32x1000000xf32, #tpu.memory_space<hbm>> -> memref<32x128xf32, #tpu.memory_space<hbm>>
    tpu.enqueue_dma source(%dma_start3A_310 : memref<32x128xf32, #tpu.memory_space<hbm>>) target(%dma_start3A_308 : memref<32x128xf32, #tpu.memory_space<vmem>>) target_semaphore(%dma_start3A_304 : memref<!tpu.dma_semaphore, #tpu.memory_space<semaphore_mem>>)
    %eq3A_311 = arith.constant 6 : i32
    %eq3A_312 = vector.broadcast %eq3A_311 : i32 to vector<16xi32>
    %eq3A_313 = arith.cmpi eq, %iota3A, %eq3A_312 : vector<16xi32>
    %jit3A_314 = arith.constant 0 : i32
    %broadcast_in_dim3A_315 = vector.broadcast %jit3A_314 : i32 to vector<16xi32>
    %select_n3A_316 = arith.select %eq3A_313, %get3A_4, %broadcast_in_dim3A_315 : vector<16xi1>, vector<16xi32>
    %reduce_sum3A_317 = arith.constant true
    %reduce_sum3A_318 = vector.broadcast %reduce_sum3A_317 : i1 to vector<16xi1>
    %reduce_sum3A_319 = tpu.scan <sum>, %select_n3A_316 masked %reduce_sum3A_318 : vector<16xi32>, vector<16xi1> -> vector<16xi32>
    %reduce_sum3A_320 = vector.extract %reduce_sum3A_319[15] : i32 from vector<16xi32>
    %jit3A_321 = arith.constant 128 : i32
    %div3A_322 = arith.divsi %reduce_sum3A_320, %jit3A_321 : i32
    %sign3A_323 = arith.constant 0 : i32
    %sign3A_324 = arith.cmpi sgt, %reduce_sum3A_320, %sign3A_323 : i32
    %sign3A_325 = arith.extui %sign3A_324 : i1 to i32
    %sign3A_326 = arith.constant 0 : i32
    %sign3A_327 = arith.cmpi slt, %reduce_sum3A_320, %sign3A_326 : i32
    %sign3A_328 = arith.extui %sign3A_327 : i1 to i32
    %sign3A_329 = arith.subi %sign3A_325, %sign3A_328 : i32
    %sign3A_330 = arith.constant 0 : i32
    %sign3A_331 = arith.cmpi sgt, %jit3A_321, %sign3A_330 : i32
    %sign3A_332 = arith.extui %sign3A_331 : i1 to i32
    %sign3A_333 = arith.constant 0 : i32
    %sign3A_334 = arith.cmpi slt, %jit3A_321, %sign3A_333 : i32
    %sign3A_335 = arith.extui %sign3A_334 : i1 to i32
    %sign3A_336 = arith.subi %sign3A_332, %sign3A_335 : i32
    %ne3A_337 = arith.cmpi ne, %sign3A_329, %sign3A_336 : i32
    %rem3A_338 = arith.remsi %reduce_sum3A_320, %jit3A_321 : i32
    %ne3A_339 = arith.constant 0 : i32
    %ne3A_340 = arith.cmpi ne, %rem3A_338, %ne3A_339 : i32
    %and3A_341 = arith.andi %ne3A_337, %ne3A_340 : i1
    %sub3A_342 = arith.constant 1 : i32
    %sub3A_343 = arith.subi %div3A_322, %sub3A_342 : i32
    %select_n3A_344 = arith.select %and3A_341, %sub3A_343, %div3A_322 : i32
    %mul3A_345 = arith.constant 128 : i32
    %mul3A_346 = arith.muli %select_n3A_344, %mul3A_345 : i32
    %multiple_of3A_347 = tpu.assume_multiple %mul3A_346, 128 : i32
    %dma_start3A_348 = arith.constant 6 : i32
    %dma_start3A_349 = arith.constant 6 : i32
    %dma_start3A_350 = arith.constant 0 : i32
    %dma_start3A_351 = arith.constant 0 : i32
    %dma_start3A_352 = tpu.memref_slice %arg6[%dma_start3A_348, %dma_start3A_350, %dma_start3A_351] : memref<16x32x128xf32, #tpu.memory_space<vmem>> -> memref<1x32x128xf32, #tpu.memory_space<vmem>>
    %dma_start3A_353 = tpu.memref_squeeze %dma_start3A_352 : memref<1x32x128xf32, #tpu.memory_space<vmem>> -> memref<32x128xf32, #tpu.memory_space<vmem>>
    %dma_start3A_354 = arith.constant 0 : i32
    %dma_start3A_355 = tpu.memref_slice %arg2[%dma_start3A_354, %multiple_of3A_347] : memref<32x1000000xf32, #tpu.memory_space<hbm>> -> memref<32x128xf32, #tpu.memory_space<hbm>>
    %dma_start3A_356 = tpu.memref_slice %arg8[%dma_start3A_349] : memref<16x!tpu.dma_semaphore, #tpu.memory_space<semaphore_mem>> -> memref<1x!tpu.dma_semaphore, #tpu.memory_space<semaphore_mem>>
    %dma_start3A_357 = tpu.memref_squeeze %dma_start3A_356 : memref<1x!tpu.dma_semaphore, #tpu.memory_space<semaphore_mem>> -> memref<!tpu.dma_semaphore, #tpu.memory_space<semaphore_mem>>
    %dma_start3A_358 = arith.constant 0 : i32
    %dma_start3A_359 = arith.constant 0 : i32
    %dma_start3A_360 = tpu.memref_slice %arg6[%dma_start3A_348, %dma_start3A_358, %dma_start3A_359] : memref<16x32x128xf32, #tpu.memory_space<vmem>> -> memref<1x32x128xf32, #tpu.memory_space<vmem>>
    %dma_start3A_361 = tpu.memref_squeeze %dma_start3A_360 : memref<1x32x128xf32, #tpu.memory_space<vmem>> -> memref<32x128xf32, #tpu.memory_space<vmem>>
    %dma_start3A_362 = arith.constant 0 : i32
    %dma_start3A_363 = tpu.memref_slice %arg2[%dma_start3A_362, %multiple_of3A_347] : memref<32x1000000xf32, #tpu.memory_space<hbm>> -> memref<32x128xf32, #tpu.memory_space<hbm>>
    tpu.enqueue_dma source(%dma_start3A_363 : memref<32x128xf32, #tpu.memory_space<hbm>>) target(%dma_start3A_361 : memref<32x128xf32, #tpu.memory_space<vmem>>) target_semaphore(%dma_start3A_357 : memref<!tpu.dma_semaphore, #tpu.memory_space<semaphore_mem>>)
    %eq3A_364 = arith.constant 7 : i32
    %eq3A_365 = vector.broadcast %eq3A_364 : i32 to vector<16xi32>
    %eq3A_366 = arith.cmpi eq, %iota3A, %eq3A_365 : vector<16xi32>
    %jit3A_367 = arith.constant 0 : i32
    %broadcast_in_dim3A_368 = vector.broadcast %jit3A_367 : i32 to vector<16xi32>
    %select_n3A_369 = arith.select %eq3A_366, %get3A_4, %broadcast_in_dim3A_368 : vector<16xi1>, vector<16xi32>
    %reduce_sum3A_370 = arith.constant true
    %reduce_sum3A_371 = vector.broadcast %reduce_sum3A_370 : i1 to vector<16xi1>
    %reduce_sum3A_372 = tpu.scan <sum>, %select_n3A_369 masked %reduce_sum3A_371 : vector<16xi32>, vector<16xi1> -> vector<16xi32>
    %reduce_sum3A_373 = vector.extract %reduce_sum3A_372[15] : i32 from vector<16xi32>
    %jit3A_374 = arith.constant 128 : i32
    %div3A_375 = arith.divsi %reduce_sum3A_373, %jit3A_374 : i32
    %sign3A_376 = arith.constant 0 : i32
    %sign3A_377 = arith.cmpi sgt, %reduce_sum3A_373, %sign3A_376 : i32
    %sign3A_378 = arith.extui %sign3A_377 : i1 to i32
    %sign3A_379 = arith.constant 0 : i32
    %sign3A_380 = arith.cmpi slt, %reduce_sum3A_373, %sign3A_379 : i32
    %sign3A_381 = arith.extui %sign3A_380 : i1 to i32
    %sign3A_382 = arith.subi %sign3A_378, %sign3A_381 : i32
    %sign3A_383 = arith.constant 0 : i32
    %sign3A_384 = arith.cmpi sgt, %jit3A_374, %sign3A_383 : i32
    %sign3A_385 = arith.extui %sign3A_384 : i1 to i32
    %sign3A_386 = arith.constant 0 : i32
    %sign3A_387 = arith.cmpi slt, %jit3A_374, %sign3A_386 : i32
    %sign3A_388 = arith.extui %sign3A_387 : i1 to i32
    %sign3A_389 = arith.subi %sign3A_385, %sign3A_388 : i32
    %ne3A_390 = arith.cmpi ne, %sign3A_382, %sign3A_389 : i32
    %rem3A_391 = arith.remsi %reduce_sum3A_373, %jit3A_374 : i32
    %ne3A_392 = arith.constant 0 : i32
    %ne3A_393 = arith.cmpi ne, %rem3A_391, %ne3A_392 : i32
    %and3A_394 = arith.andi %ne3A_390, %ne3A_393 : i1
    %sub3A_395 = arith.constant 1 : i32
    %sub3A_396 = arith.subi %div3A_375, %sub3A_395 : i32
    %select_n3A_397 = arith.select %and3A_394, %sub3A_396, %div3A_375 : i32
    %mul3A_398 = arith.constant 128 : i32
    %mul3A_399 = arith.muli %select_n3A_397, %mul3A_398 : i32
    %multiple_of3A_400 = tpu.assume_multiple %mul3A_399, 128 : i32
    %dma_start3A_401 = arith.constant 7 : i32
    %dma_start3A_402 = arith.constant 7 : i32
    %dma_start3A_403 = arith.constant 0 : i32
    %dma_start3A_404 = arith.constant 0 : i32
    %dma_start3A_405 = tpu.memref_slice %arg6[%dma_start3A_401, %dma_start3A_403, %dma_start3A_404] : memref<16x32x128xf32, #tpu.memory_space<vmem>> -> memref<1x32x128xf32, #tpu.memory_space<vmem>>
    %dma_start3A_406 = tpu.memref_squeeze %dma_start3A_405 : memref<1x32x128xf32, #tpu.memory_space<vmem>> -> memref<32x128xf32, #tpu.memory_space<vmem>>
    %dma_start3A_407 = arith.constant 0 : i32
    %dma_start3A_408 = tpu.memref_slice %arg2[%dma_start3A_407, %multiple_of3A_400] : memref<32x1000000xf32, #tpu.memory_space<hbm>> -> memref<32x128xf32, #tpu.memory_space<hbm>>
    %dma_start3A_409 = tpu.memref_slice %arg8[%dma_start3A_402] : memref<16x!tpu.dma_semaphore, #tpu.memory_space<semaphore_mem>> -> memref<1x!tpu.dma_semaphore, #tpu.memory_space<semaphore_mem>>
    %dma_start3A_410 = tpu.memref_squeeze %dma_start3A_409 : memref<1x!tpu.dma_semaphore, #tpu.memory_space<semaphore_mem>> -> memref<!tpu.dma_semaphore, #tpu.memory_space<semaphore_mem>>
    %dma_start3A_411 = arith.constant 0 : i32
    %dma_start3A_412 = arith.constant 0 : i32
    %dma_start3A_413 = tpu.memref_slice %arg6[%dma_start3A_401, %dma_start3A_411, %dma_start3A_412] : memref<16x32x128xf32, #tpu.memory_space<vmem>> -> memref<1x32x128xf32, #tpu.memory_space<vmem>>
    %dma_start3A_414 = tpu.memref_squeeze %dma_start3A_413 : memref<1x32x128xf32, #tpu.memory_space<vmem>> -> memref<32x128xf32, #tpu.memory_space<vmem>>
    %dma_start3A_415 = arith.constant 0 : i32
    %dma_start3A_416 = tpu.memref_slice %arg2[%dma_start3A_415, %multiple_of3A_400] : memref<32x1000000xf32, #tpu.memory_space<hbm>> -> memref<32x128xf32, #tpu.memory_space<hbm>>
    tpu.enqueue_dma source(%dma_start3A_416 : memref<32x128xf32, #tpu.memory_space<hbm>>) target(%dma_start3A_414 : memref<32x128xf32, #tpu.memory_space<vmem>>) target_semaphore(%dma_start3A_410 : memref<!tpu.dma_semaphore, #tpu.memory_space<semaphore_mem>>)
    %eq3A_417 = arith.constant 8 : i32
    %eq3A_418 = vector.broadcast %eq3A_417 : i32 to vector<16xi32>
    %eq3A_419 = arith.cmpi eq, %iota3A, %eq3A_418 : vector<16xi32>
    %jit3A_420 = arith.constant 0 : i32
    %broadcast_in_dim3A_421 = vector.broadcast %jit3A_420 : i32 to vector<16xi32>
    %select_n3A_422 = arith.select %eq3A_419, %get3A_4, %broadcast_in_dim3A_421 : vector<16xi1>, vector<16xi32>
    %reduce_sum3A_423 = arith.constant true
    %reduce_sum3A_424 = vector.broadcast %reduce_sum3A_423 : i1 to vector<16xi1>
    %reduce_sum3A_425 = tpu.scan <sum>, %select_n3A_422 masked %reduce_sum3A_424 : vector<16xi32>, vector<16xi1> -> vector<16xi32>
    %reduce_sum3A_426 = vector.extract %reduce_sum3A_425[15] : i32 from vector<16xi32>
    %jit3A_427 = arith.constant 128 : i32
    %div3A_428 = arith.divsi %reduce_sum3A_426, %jit3A_427 : i32
    %sign3A_429 = arith.constant 0 : i32
    %sign3A_430 = arith.cmpi sgt, %reduce_sum3A_426, %sign3A_429 : i32
    %sign3A_431 = arith.extui %sign3A_430 : i1 to i32
    %sign3A_432 = arith.constant 0 : i32
    %sign3A_433 = arith.cmpi slt, %reduce_sum3A_426, %sign3A_432 : i32
    %sign3A_434 = arith.extui %sign3A_433 : i1 to i32
    %sign3A_435 = arith.subi %sign3A_431, %sign3A_434 : i32
    %sign3A_436 = arith.constant 0 : i32
    %sign3A_437 = arith.cmpi sgt, %jit3A_427, %sign3A_436 : i32
    %sign3A_438 = arith.extui %sign3A_437 : i1 to i32
    %sign3A_439 = arith.constant 0 : i32
    %sign3A_440 = arith.cmpi slt, %jit3A_427, %sign3A_439 : i32
    %sign3A_441 = arith.extui %sign3A_440 : i1 to i32
    %sign3A_442 = arith.subi %sign3A_438, %sign3A_441 : i32
    %ne3A_443 = arith.cmpi ne, %sign3A_435, %sign3A_442 : i32
    %rem3A_444 = arith.remsi %reduce_sum3A_426, %jit3A_427 : i32
    %ne3A_445 = arith.constant 0 : i32
    %ne3A_446 = arith.cmpi ne, %rem3A_444, %ne3A_445 : i32
    %and3A_447 = arith.andi %ne3A_443, %ne3A_446 : i1
    %sub3A_448 = arith.constant 1 : i32
    %sub3A_449 = arith.subi %div3A_428, %sub3A_448 : i32
    %select_n3A_450 = arith.select %and3A_447, %sub3A_449, %div3A_428 : i32
    %mul3A_451 = arith.constant 128 : i32
    %mul3A_452 = arith.muli %select_n3A_450, %mul3A_451 : i32
    %multiple_of3A_453 = tpu.assume_multiple %mul3A_452, 128 : i32
    %dma_start3A_454 = arith.constant 8 : i32
    %dma_start3A_455 = arith.constant 8 : i32
    %dma_start3A_456 = arith.constant 0 : i32
    %dma_start3A_457 = arith.constant 0 : i32
    %dma_start3A_458 = tpu.memref_slice %arg6[%dma_start3A_454, %dma_start3A_456, %dma_start3A_457] : memref<16x32x128xf32, #tpu.memory_space<vmem>> -> memref<1x32x128xf32, #tpu.memory_space<vmem>>
    %dma_start3A_459 = tpu.memref_squeeze %dma_start3A_458 : memref<1x32x128xf32, #tpu.memory_space<vmem>> -> memref<32x128xf32, #tpu.memory_space<vmem>>
    %dma_start3A_460 = arith.constant 0 : i32
    %dma_start3A_461 = tpu.memref_slice %arg2[%dma_start3A_460, %multiple_of3A_453] : memref<32x1000000xf32, #tpu.memory_space<hbm>> -> memref<32x128xf32, #tpu.memory_space<hbm>>
    %dma_start3A_462 = tpu.memref_slice %arg8[%dma_start3A_455] : memref<16x!tpu.dma_semaphore, #tpu.memory_space<semaphore_mem>> -> memref<1x!tpu.dma_semaphore, #tpu.memory_space<semaphore_mem>>
    %dma_start3A_463 = tpu.memref_squeeze %dma_start3A_462 : memref<1x!tpu.dma_semaphore, #tpu.memory_space<semaphore_mem>> -> memref<!tpu.dma_semaphore, #tpu.memory_space<semaphore_mem>>
    %dma_start3A_464 = arith.constant 0 : i32
    %dma_start3A_465 = arith.constant 0 : i32
    %dma_start3A_466 = tpu.memref_slice %arg6[%dma_start3A_454, %dma_start3A_464, %dma_start3A_465] : memref<16x32x128xf32, #tpu.memory_space<vmem>> -> memref<1x32x128xf32, #tpu.memory_space<vmem>>
    %dma_start3A_467 = tpu.memref_squeeze %dma_start3A_466 : memref<1x32x128xf32, #tpu.memory_space<vmem>> -> memref<32x128xf32, #tpu.memory_space<vmem>>
    %dma_start3A_468 = arith.constant 0 : i32
    %dma_start3A_469 = tpu.memref_slice %arg2[%dma_start3A_468, %multiple_of3A_453] : memref<32x1000000xf32, #tpu.memory_space<hbm>> -> memref<32x128xf32, #tpu.memory_space<hbm>>
    tpu.enqueue_dma source(%dma_start3A_469 : memref<32x128xf32, #tpu.memory_space<hbm>>) target(%dma_start3A_467 : memref<32x128xf32, #tpu.memory_space<vmem>>) target_semaphore(%dma_start3A_463 : memref<!tpu.dma_semaphore, #tpu.memory_space<semaphore_mem>>)
    %eq3A_470 = arith.constant 9 : i32
    %eq3A_471 = vector.broadcast %eq3A_470 : i32 to vector<16xi32>
    %eq3A_472 = arith.cmpi eq, %iota3A, %eq3A_471 : vector<16xi32>
    %jit3A_473 = arith.constant 0 : i32
    %broadcast_in_dim3A_474 = vector.broadcast %jit3A_473 : i32 to vector<16xi32>
    %select_n3A_475 = arith.select %eq3A_472, %get3A_4, %broadcast_in_dim3A_474 : vector<16xi1>, vector<16xi32>
    %reduce_sum3A_476 = arith.constant true
    %reduce_sum3A_477 = vector.broadcast %reduce_sum3A_476 : i1 to vector<16xi1>
    %reduce_sum3A_478 = tpu.scan <sum>, %select_n3A_475 masked %reduce_sum3A_477 : vector<16xi32>, vector<16xi1> -> vector<16xi32>
    %reduce_sum3A_479 = vector.extract %reduce_sum3A_478[15] : i32 from vector<16xi32>
    %jit3A_480 = arith.constant 128 : i32
    %div3A_481 = arith.divsi %reduce_sum3A_479, %jit3A_480 : i32
    %sign3A_482 = arith.constant 0 : i32
    %sign3A_483 = arith.cmpi sgt, %reduce_sum3A_479, %sign3A_482 : i32
    %sign3A_484 = arith.extui %sign3A_483 : i1 to i32
    %sign3A_485 = arith.constant 0 : i32
    %sign3A_486 = arith.cmpi slt, %reduce_sum3A_479, %sign3A_485 : i32
    %sign3A_487 = arith.extui %sign3A_486 : i1 to i32
    %sign3A_488 = arith.subi %sign3A_484, %sign3A_487 : i32
    %sign3A_489 = arith.constant 0 : i32
    %sign3A_490 = arith.cmpi sgt, %jit3A_480, %sign3A_489 : i32
    %sign3A_491 = arith.extui %sign3A_490 : i1 to i32
    %sign3A_492 = arith.constant 0 : i32
    %sign3A_493 = arith.cmpi slt, %jit3A_480, %sign3A_492 : i32
    %sign3A_494 = arith.extui %sign3A_493 : i1 to i32
    %sign3A_495 = arith.subi %sign3A_491, %sign3A_494 : i32
    %ne3A_496 = arith.cmpi ne, %sign3A_488, %sign3A_495 : i32
    %rem3A_497 = arith.remsi %reduce_sum3A_479, %jit3A_480 : i32
    %ne3A_498 = arith.constant 0 : i32
    %ne3A_499 = arith.cmpi ne, %rem3A_497, %ne3A_498 : i32
    %and3A_500 = arith.andi %ne3A_496, %ne3A_499 : i1
    %sub3A_501 = arith.constant 1 : i32
    %sub3A_502 = arith.subi %div3A_481, %sub3A_501 : i32
    %select_n3A_503 = arith.select %and3A_500, %sub3A_502, %div3A_481 : i32
    %mul3A_504 = arith.constant 128 : i32
    %mul3A_505 = arith.muli %select_n3A_503, %mul3A_504 : i32
    %multiple_of3A_506 = tpu.assume_multiple %mul3A_505, 128 : i32
    %dma_start3A_507 = arith.constant 9 : i32
    %dma_start3A_508 = arith.constant 9 : i32
    %dma_start3A_509 = arith.constant 0 : i32
    %dma_start3A_510 = arith.constant 0 : i32
    %dma_start3A_511 = tpu.memref_slice %arg6[%dma_start3A_507, %dma_start3A_509, %dma_start3A_510] : memref<16x32x128xf32, #tpu.memory_space<vmem>> -> memref<1x32x128xf32, #tpu.memory_space<vmem>>
    %dma_start3A_512 = tpu.memref_squeeze %dma_start3A_511 : memref<1x32x128xf32, #tpu.memory_space<vmem>> -> memref<32x128xf32, #tpu.memory_space<vmem>>
    %dma_start3A_513 = arith.constant 0 : i32
    %dma_start3A_514 = tpu.memref_slice %arg2[%dma_start3A_513, %multiple_of3A_506] : memref<32x1000000xf32, #tpu.memory_space<hbm>> -> memref<32x128xf32, #tpu.memory_space<hbm>>
    %dma_start3A_515 = tpu.memref_slice %arg8[%dma_start3A_508] : memref<16x!tpu.dma_semaphore, #tpu.memory_space<semaphore_mem>> -> memref<1x!tpu.dma_semaphore, #tpu.memory_space<semaphore_mem>>
    %dma_start3A_516 = tpu.memref_squeeze %dma_start3A_515 : memref<1x!tpu.dma_semaphore, #tpu.memory_space<semaphore_mem>> -> memref<!tpu.dma_semaphore, #tpu.memory_space<semaphore_mem>>
    %dma_start3A_517 = arith.constant 0 : i32
    %dma_start3A_518 = arith.constant 0 : i32
    %dma_start3A_519 = tpu.memref_slice %arg6[%dma_start3A_507, %dma_start3A_517, %dma_start3A_518] : memref<16x32x128xf32, #tpu.memory_space<vmem>> -> memref<1x32x128xf32, #tpu.memory_space<vmem>>
    %dma_start3A_520 = tpu.memref_squeeze %dma_start3A_519 : memref<1x32x128xf32, #tpu.memory_space<vmem>> -> memref<32x128xf32, #tpu.memory_space<vmem>>
    %dma_start3A_521 = arith.constant 0 : i32
    %dma_start3A_522 = tpu.memref_slice %arg2[%dma_start3A_521, %multiple_of3A_506] : memref<32x1000000xf32, #tpu.memory_space<hbm>> -> memref<32x128xf32, #tpu.memory_space<hbm>>
    tpu.enqueue_dma source(%dma_start3A_522 : memref<32x128xf32, #tpu.memory_space<hbm>>) target(%dma_start3A_520 : memref<32x128xf32, #tpu.memory_space<vmem>>) target_semaphore(%dma_start3A_516 : memref<!tpu.dma_semaphore, #tpu.memory_space<semaphore_mem>>)
    %eq3A_523 = arith.constant 10 : i32
    %eq3A_524 = vector.broadcast %eq3A_523 : i32 to vector<16xi32>
    %eq3A_525 = arith.cmpi eq, %iota3A, %eq3A_524 : vector<16xi32>
    %jit3A_526 = arith.constant 0 : i32
    %broadcast_in_dim3A_527 = vector.broadcast %jit3A_526 : i32 to vector<16xi32>
    %select_n3A_528 = arith.select %eq3A_525, %get3A_4, %broadcast_in_dim3A_527 : vector<16xi1>, vector<16xi32>
    %reduce_sum3A_529 = arith.constant true
    %reduce_sum3A_530 = vector.broadcast %reduce_sum3A_529 : i1 to vector<16xi1>
    %reduce_sum3A_531 = tpu.scan <sum>, %select_n3A_528 masked %reduce_sum3A_530 : vector<16xi32>, vector<16xi1> -> vector<16xi32>
    %reduce_sum3A_532 = vector.extract %reduce_sum3A_531[15] : i32 from vector<16xi32>
    %jit3A_533 = arith.constant 128 : i32
    %div3A_534 = arith.divsi %reduce_sum3A_532, %jit3A_533 : i32
    %sign3A_535 = arith.constant 0 : i32
    %sign3A_536 = arith.cmpi sgt, %reduce_sum3A_532, %sign3A_535 : i32
    %sign3A_537 = arith.extui %sign3A_536 : i1 to i32
    %sign3A_538 = arith.constant 0 : i32
    %sign3A_539 = arith.cmpi slt, %reduce_sum3A_532, %sign3A_538 : i32
    %sign3A_540 = arith.extui %sign3A_539 : i1 to i32
    %sign3A_541 = arith.subi %sign3A_537, %sign3A_540 : i32
    %sign3A_542 = arith.constant 0 : i32
    %sign3A_543 = arith.cmpi sgt, %jit3A_533, %sign3A_542 : i32
    %sign3A_544 = arith.extui %sign3A_543 : i1 to i32
    %sign3A_545 = arith.constant 0 : i32
    %sign3A_546 = arith.cmpi slt, %jit3A_533, %sign3A_545 : i32
    %sign3A_547 = arith.extui %sign3A_546 : i1 to i32
    %sign3A_548 = arith.subi %sign3A_544, %sign3A_547 : i32
    %ne3A_549 = arith.cmpi ne, %sign3A_541, %sign3A_548 : i32
    %rem3A_550 = arith.remsi %reduce_sum3A_532, %jit3A_533 : i32
    %ne3A_551 = arith.constant 0 : i32
    %ne3A_552 = arith.cmpi ne, %rem3A_550, %ne3A_551 : i32
    %and3A_553 = arith.andi %ne3A_549, %ne3A_552 : i1
    %sub3A_554 = arith.constant 1 : i32
    %sub3A_555 = arith.subi %div3A_534, %sub3A_554 : i32
    %select_n3A_556 = arith.select %and3A_553, %sub3A_555, %div3A_534 : i32
    %mul3A_557 = arith.constant 128 : i32
    %mul3A_558 = arith.muli %select_n3A_556, %mul3A_557 : i32
    %multiple_of3A_559 = tpu.assume_multiple %mul3A_558, 128 : i32
    %dma_start3A_560 = arith.constant 10 : i32
    %dma_start3A_561 = arith.constant 10 : i32
    %dma_start3A_562 = arith.constant 0 : i32
    %dma_start3A_563 = arith.constant 0 : i32
    %dma_start3A_564 = tpu.memref_slice %arg6[%dma_start3A_560, %dma_start3A_562, %dma_start3A_563] : memref<16x32x128xf32, #tpu.memory_space<vmem>> -> memref<1x32x128xf32, #tpu.memory_space<vmem>>
    %dma_start3A_565 = tpu.memref_squeeze %dma_start3A_564 : memref<1x32x128xf32, #tpu.memory_space<vmem>> -> memref<32x128xf32, #tpu.memory_space<vmem>>
    %dma_start3A_566 = arith.constant 0 : i32
    %dma_start3A_567 = tpu.memref_slice %arg2[%dma_start3A_566, %multiple_of3A_559] : memref<32x1000000xf32, #tpu.memory_space<hbm>> -> memref<32x128xf32, #tpu.memory_space<hbm>>
    %dma_start3A_568 = tpu.memref_slice %arg8[%dma_start3A_561] : memref<16x!tpu.dma_semaphore, #tpu.memory_space<semaphore_mem>> -> memref<1x!tpu.dma_semaphore, #tpu.memory_space<semaphore_mem>>
    %dma_start3A_569 = tpu.memref_squeeze %dma_start3A_568 : memref<1x!tpu.dma_semaphore, #tpu.memory_space<semaphore_mem>> -> memref<!tpu.dma_semaphore, #tpu.memory_space<semaphore_mem>>
    %dma_start3A_570 = arith.constant 0 : i32
    %dma_start3A_571 = arith.constant 0 : i32
    %dma_start3A_572 = tpu.memref_slice %arg6[%dma_start3A_560, %dma_start3A_570, %dma_start3A_571] : memref<16x32x128xf32, #tpu.memory_space<vmem>> -> memref<1x32x128xf32, #tpu.memory_space<vmem>>
    %dma_start3A_573 = tpu.memref_squeeze %dma_start3A_572 : memref<1x32x128xf32, #tpu.memory_space<vmem>> -> memref<32x128xf32, #tpu.memory_space<vmem>>
    %dma_start3A_574 = arith.constant 0 : i32
    %dma_start3A_575 = tpu.memref_slice %arg2[%dma_start3A_574, %multiple_of3A_559] : memref<32x1000000xf32, #tpu.memory_space<hbm>> -> memref<32x128xf32, #tpu.memory_space<hbm>>
    tpu.enqueue_dma source(%dma_start3A_575 : memref<32x128xf32, #tpu.memory_space<hbm>>) target(%dma_start3A_573 : memref<32x128xf32, #tpu.memory_space<vmem>>) target_semaphore(%dma_start3A_569 : memref<!tpu.dma_semaphore, #tpu.memory_space<semaphore_mem>>)
    %eq3A_576 = arith.constant 11 : i32
    %eq3A_577 = vector.broadcast %eq3A_576 : i32 to vector<16xi32>
    %eq3A_578 = arith.cmpi eq, %iota3A, %eq3A_577 : vector<16xi32>
    %jit3A_579 = arith.constant 0 : i32
    %broadcast_in_dim3A_580 = vector.broadcast %jit3A_579 : i32 to vector<16xi32>
    %select_n3A_581 = arith.select %eq3A_578, %get3A_4, %broadcast_in_dim3A_580 : vector<16xi1>, vector<16xi32>
    %reduce_sum3A_582 = arith.constant true
    %reduce_sum3A_583 = vector.broadcast %reduce_sum3A_582 : i1 to vector<16xi1>
    %reduce_sum3A_584 = tpu.scan <sum>, %select_n3A_581 masked %reduce_sum3A_583 : vector<16xi32>, vector<16xi1> -> vector<16xi32>
    %reduce_sum3A_585 = vector.extract %reduce_sum3A_584[15] : i32 from vector<16xi32>
    %jit3A_586 = arith.constant 128 : i32
    %div3A_587 = arith.divsi %reduce_sum3A_585, %jit3A_586 : i32
    %sign3A_588 = arith.constant 0 : i32
    %sign3A_589 = arith.cmpi sgt, %reduce_sum3A_585, %sign3A_588 : i32
    %sign3A_590 = arith.extui %sign3A_589 : i1 to i32
    %sign3A_591 = arith.constant 0 : i32
    %sign3A_592 = arith.cmpi slt, %reduce_sum3A_585, %sign3A_591 : i32
    %sign3A_593 = arith.extui %sign3A_592 : i1 to i32
    %sign3A_594 = arith.subi %sign3A_590, %sign3A_593 : i32
    %sign3A_595 = arith.constant 0 : i32
    %sign3A_596 = arith.cmpi sgt, %jit3A_586, %sign3A_595 : i32
    %sign3A_597 = arith.extui %sign3A_596 : i1 to i32
    %sign3A_598 = arith.constant 0 : i32
    %sign3A_599 = arith.cmpi slt, %jit3A_586, %sign3A_598 : i32
    %sign3A_600 = arith.extui %sign3A_599 : i1 to i32
    %sign3A_601 = arith.subi %sign3A_597, %sign3A_600 : i32
    %ne3A_602 = arith.cmpi ne, %sign3A_594, %sign3A_601 : i32
    %rem3A_603 = arith.remsi %reduce_sum3A_585, %jit3A_586 : i32
    %ne3A_604 = arith.constant 0 : i32
    %ne3A_605 = arith.cmpi ne, %rem3A_603, %ne3A_604 : i32
    %and3A_606 = arith.andi %ne3A_602, %ne3A_605 : i1
    %sub3A_607 = arith.constant 1 : i32
    %sub3A_608 = arith.subi %div3A_587, %sub3A_607 : i32
    %select_n3A_609 = arith.select %and3A_606, %sub3A_608, %div3A_587 : i32
    %mul3A_610 = arith.constant 128 : i32
    %mul3A_611 = arith.muli %select_n3A_609, %mul3A_610 : i32
    %multiple_of3A_612 = tpu.assume_multiple %mul3A_611, 128 : i32
    %dma_start3A_613 = arith.constant 11 : i32
    %dma_start3A_614 = arith.constant 11 : i32
    %dma_start3A_615 = arith.constant 0 : i32
    %dma_start3A_616 = arith.constant 0 : i32
    %dma_start3A_617 = tpu.memref_slice %arg6[%dma_start3A_613, %dma_start3A_615, %dma_start3A_616] : memref<16x32x128xf32, #tpu.memory_space<vmem>> -> memref<1x32x128xf32, #tpu.memory_space<vmem>>
    %dma_start3A_618 = tpu.memref_squeeze %dma_start3A_617 : memref<1x32x128xf32, #tpu.memory_space<vmem>> -> memref<32x128xf32, #tpu.memory_space<vmem>>
    %dma_start3A_619 = arith.constant 0 : i32
    %dma_start3A_620 = tpu.memref_slice %arg2[%dma_start3A_619, %multiple_of3A_612] : memref<32x1000000xf32, #tpu.memory_space<hbm>> -> memref<32x128xf32, #tpu.memory_space<hbm>>
    %dma_start3A_621 = tpu.memref_slice %arg8[%dma_start3A_614] : memref<16x!tpu.dma_semaphore, #tpu.memory_space<semaphore_mem>> -> memref<1x!tpu.dma_semaphore, #tpu.memory_space<semaphore_mem>>
    %dma_start3A_622 = tpu.memref_squeeze %dma_start3A_621 : memref<1x!tpu.dma_semaphore, #tpu.memory_space<semaphore_mem>> -> memref<!tpu.dma_semaphore, #tpu.memory_space<semaphore_mem>>
    %dma_start3A_623 = arith.constant 0 : i32
    %dma_start3A_624 = arith.constant 0 : i32
    %dma_start3A_625 = tpu.memref_slice %arg6[%dma_start3A_613, %dma_start3A_623, %dma_start3A_624] : memref<16x32x128xf32, #tpu.memory_space<vmem>> -> memref<1x32x128xf32, #tpu.memory_space<vmem>>
    %dma_start3A_626 = tpu.memref_squeeze %dma_start3A_625 : memref<1x32x128xf32, #tpu.memory_space<vmem>> -> memref<32x128xf32, #tpu.memory_space<vmem>>
    %dma_start3A_627 = arith.constant 0 : i32
    %dma_start3A_628 = tpu.memref_slice %arg2[%dma_start3A_627, %multiple_of3A_612] : memref<32x1000000xf32, #tpu.memory_space<hbm>> -> memref<32x128xf32, #tpu.memory_space<hbm>>
    tpu.enqueue_dma source(%dma_start3A_628 : memref<32x128xf32, #tpu.memory_space<hbm>>) target(%dma_start3A_626 : memref<32x128xf32, #tpu.memory_space<vmem>>) target_semaphore(%dma_start3A_622 : memref<!tpu.dma_semaphore, #tpu.memory_space<semaphore_mem>>)
    %eq3A_629 = arith.constant 12 : i32
    %eq3A_630 = vector.broadcast %eq3A_629 : i32 to vector<16xi32>
    %eq3A_631 = arith.cmpi eq, %iota3A, %eq3A_630 : vector<16xi32>
    %jit3A_632 = arith.constant 0 : i32
    %broadcast_in_dim3A_633 = vector.broadcast %jit3A_632 : i32 to vector<16xi32>
    %select_n3A_634 = arith.select %eq3A_631, %get3A_4, %broadcast_in_dim3A_633 : vector<16xi1>, vector<16xi32>
    %reduce_sum3A_635 = arith.constant true
    %reduce_sum3A_636 = vector.broadcast %reduce_sum3A_635 : i1 to vector<16xi1>
    %reduce_sum3A_637 = tpu.scan <sum>, %select_n3A_634 masked %reduce_sum3A_636 : vector<16xi32>, vector<16xi1> -> vector<16xi32>
    %reduce_sum3A_638 = vector.extract %reduce_sum3A_637[15] : i32 from vector<16xi32>
    %jit3A_639 = arith.constant 128 : i32
    %div3A_640 = arith.divsi %reduce_sum3A_638, %jit3A_639 : i32
    %sign3A_641 = arith.constant 0 : i32
    %sign3A_642 = arith.cmpi sgt, %reduce_sum3A_638, %sign3A_641 : i32
    %sign3A_643 = arith.extui %sign3A_642 : i1 to i32
    %sign3A_644 = arith.constant 0 : i32
    %sign3A_645 = arith.cmpi slt, %reduce_sum3A_638, %sign3A_644 : i32
    %sign3A_646 = arith.extui %sign3A_645 : i1 to i32
    %sign3A_647 = arith.subi %sign3A_643, %sign3A_646 : i32
    %sign3A_648 = arith.constant 0 : i32
    %sign3A_649 = arith.cmpi sgt, %jit3A_639, %sign3A_648 : i32
    %sign3A_650 = arith.extui %sign3A_649 : i1 to i32
    %sign3A_651 = arith.constant 0 : i32
    %sign3A_652 = arith.cmpi slt, %jit3A_639, %sign3A_651 : i32
    %sign3A_653 = arith.extui %sign3A_652 : i1 to i32
    %sign3A_654 = arith.subi %sign3A_650, %sign3A_653 : i32
    %ne3A_655 = arith.cmpi ne, %sign3A_647, %sign3A_654 : i32
    %rem3A_656 = arith.remsi %reduce_sum3A_638, %jit3A_639 : i32
    %ne3A_657 = arith.constant 0 : i32
    %ne3A_658 = arith.cmpi ne, %rem3A_656, %ne3A_657 : i32
    %and3A_659 = arith.andi %ne3A_655, %ne3A_658 : i1
    %sub3A_660 = arith.constant 1 : i32
    %sub3A_661 = arith.subi %div3A_640, %sub3A_660 : i32
    %select_n3A_662 = arith.select %and3A_659, %sub3A_661, %div3A_640 : i32
    %mul3A_663 = arith.constant 128 : i32
    %mul3A_664 = arith.muli %select_n3A_662, %mul3A_663 : i32
    %multiple_of3A_665 = tpu.assume_multiple %mul3A_664, 128 : i32
    %dma_start3A_666 = arith.constant 12 : i32
    %dma_start3A_667 = arith.constant 12 : i32
    %dma_start3A_668 = arith.constant 0 : i32
    %dma_start3A_669 = arith.constant 0 : i32
    %dma_start3A_670 = tpu.memref_slice %arg6[%dma_start3A_666, %dma_start3A_668, %dma_start3A_669] : memref<16x32x128xf32, #tpu.memory_space<vmem>> -> memref<1x32x128xf32, #tpu.memory_space<vmem>>
    %dma_start3A_671 = tpu.memref_squeeze %dma_start3A_670 : memref<1x32x128xf32, #tpu.memory_space<vmem>> -> memref<32x128xf32, #tpu.memory_space<vmem>>
    %dma_start3A_672 = arith.constant 0 : i32
    %dma_start3A_673 = tpu.memref_slice %arg2[%dma_start3A_672, %multiple_of3A_665] : memref<32x1000000xf32, #tpu.memory_space<hbm>> -> memref<32x128xf32, #tpu.memory_space<hbm>>
    %dma_start3A_674 = tpu.memref_slice %arg8[%dma_start3A_667] : memref<16x!tpu.dma_semaphore, #tpu.memory_space<semaphore_mem>> -> memref<1x!tpu.dma_semaphore, #tpu.memory_space<semaphore_mem>>
    %dma_start3A_675 = tpu.memref_squeeze %dma_start3A_674 : memref<1x!tpu.dma_semaphore, #tpu.memory_space<semaphore_mem>> -> memref<!tpu.dma_semaphore, #tpu.memory_space<semaphore_mem>>
    %dma_start3A_676 = arith.constant 0 : i32
    %dma_start3A_677 = arith.constant 0 : i32
    %dma_start3A_678 = tpu.memref_slice %arg6[%dma_start3A_666, %dma_start3A_676, %dma_start3A_677] : memref<16x32x128xf32, #tpu.memory_space<vmem>> -> memref<1x32x128xf32, #tpu.memory_space<vmem>>
    %dma_start3A_679 = tpu.memref_squeeze %dma_start3A_678 : memref<1x32x128xf32, #tpu.memory_space<vmem>> -> memref<32x128xf32, #tpu.memory_space<vmem>>
    %dma_start3A_680 = arith.constant 0 : i32
    %dma_start3A_681 = tpu.memref_slice %arg2[%dma_start3A_680, %multiple_of3A_665] : memref<32x1000000xf32, #tpu.memory_space<hbm>> -> memref<32x128xf32, #tpu.memory_space<hbm>>
    tpu.enqueue_dma source(%dma_start3A_681 : memref<32x128xf32, #tpu.memory_space<hbm>>) target(%dma_start3A_679 : memref<32x128xf32, #tpu.memory_space<vmem>>) target_semaphore(%dma_start3A_675 : memref<!tpu.dma_semaphore, #tpu.memory_space<semaphore_mem>>)
    %eq3A_682 = arith.constant 13 : i32
    %eq3A_683 = vector.broadcast %eq3A_682 : i32 to vector<16xi32>
    %eq3A_684 = arith.cmpi eq, %iota3A, %eq3A_683 : vector<16xi32>
    %jit3A_685 = arith.constant 0 : i32
    %broadcast_in_dim3A_686 = vector.broadcast %jit3A_685 : i32 to vector<16xi32>
    %select_n3A_687 = arith.select %eq3A_684, %get3A_4, %broadcast_in_dim3A_686 : vector<16xi1>, vector<16xi32>
    %reduce_sum3A_688 = arith.constant true
    %reduce_sum3A_689 = vector.broadcast %reduce_sum3A_688 : i1 to vector<16xi1>
    %reduce_sum3A_690 = tpu.scan <sum>, %select_n3A_687 masked %reduce_sum3A_689 : vector<16xi32>, vector<16xi1> -> vector<16xi32>
    %reduce_sum3A_691 = vector.extract %reduce_sum3A_690[15] : i32 from vector<16xi32>
    %jit3A_692 = arith.constant 128 : i32
    %div3A_693 = arith.divsi %reduce_sum3A_691, %jit3A_692 : i32
    %sign3A_694 = arith.constant 0 : i32
    %sign3A_695 = arith.cmpi sgt, %reduce_sum3A_691, %sign3A_694 : i32
    %sign3A_696 = arith.extui %sign3A_695 : i1 to i32
    %sign3A_697 = arith.constant 0 : i32
    %sign3A_698 = arith.cmpi slt, %reduce_sum3A_691, %sign3A_697 : i32
    %sign3A_699 = arith.extui %sign3A_698 : i1 to i32
    %sign3A_700 = arith.subi %sign3A_696, %sign3A_699 : i32
    %sign3A_701 = arith.constant 0 : i32
    %sign3A_702 = arith.cmpi sgt, %jit3A_692, %sign3A_701 : i32
    %sign3A_703 = arith.extui %sign3A_702 : i1 to i32
    %sign3A_704 = arith.constant 0 : i32
    %sign3A_705 = arith.cmpi slt, %jit3A_692, %sign3A_704 : i32
    %sign3A_706 = arith.extui %sign3A_705 : i1 to i32
    %sign3A_707 = arith.subi %sign3A_703, %sign3A_706 : i32
    %ne3A_708 = arith.cmpi ne, %sign3A_700, %sign3A_707 : i32
    %rem3A_709 = arith.remsi %reduce_sum3A_691, %jit3A_692 : i32
    %ne3A_710 = arith.constant 0 : i32
    %ne3A_711 = arith.cmpi ne, %rem3A_709, %ne3A_710 : i32
    %and3A_712 = arith.andi %ne3A_708, %ne3A_711 : i1
    %sub3A_713 = arith.constant 1 : i32
    %sub3A_714 = arith.subi %div3A_693, %sub3A_713 : i32
    %select_n3A_715 = arith.select %and3A_712, %sub3A_714, %div3A_693 : i32
    %mul3A_716 = arith.constant 128 : i32
    %mul3A_717 = arith.muli %select_n3A_715, %mul3A_716 : i32
    %multiple_of3A_718 = tpu.assume_multiple %mul3A_717, 128 : i32
    %dma_start3A_719 = arith.constant 13 : i32
    %dma_start3A_720 = arith.constant 13 : i32
    %dma_start3A_721 = arith.constant 0 : i32
    %dma_start3A_722 = arith.constant 0 : i32
    %dma_start3A_723 = tpu.memref_slice %arg6[%dma_start3A_719, %dma_start3A_721, %dma_start3A_722] : memref<16x32x128xf32, #tpu.memory_space<vmem>> -> memref<1x32x128xf32, #tpu.memory_space<vmem>>
    %dma_start3A_724 = tpu.memref_squeeze %dma_start3A_723 : memref<1x32x128xf32, #tpu.memory_space<vmem>> -> memref<32x128xf32, #tpu.memory_space<vmem>>
    %dma_start3A_725 = arith.constant 0 : i32
    %dma_start3A_726 = tpu.memref_slice %arg2[%dma_start3A_725, %multiple_of3A_718] : memref<32x1000000xf32, #tpu.memory_space<hbm>> -> memref<32x128xf32, #tpu.memory_space<hbm>>
    %dma_start3A_727 = tpu.memref_slice %arg8[%dma_start3A_720] : memref<16x!tpu.dma_semaphore, #tpu.memory_space<semaphore_mem>> -> memref<1x!tpu.dma_semaphore, #tpu.memory_space<semaphore_mem>>
    %dma_start3A_728 = tpu.memref_squeeze %dma_start3A_727 : memref<1x!tpu.dma_semaphore, #tpu.memory_space<semaphore_mem>> -> memref<!tpu.dma_semaphore, #tpu.memory_space<semaphore_mem>>
    %dma_start3A_729 = arith.constant 0 : i32
    %dma_start3A_730 = arith.constant 0 : i32
    %dma_start3A_731 = tpu.memref_slice %arg6[%dma_start3A_719, %dma_start3A_729, %dma_start3A_730] : memref<16x32x128xf32, #tpu.memory_space<vmem>> -> memref<1x32x128xf32, #tpu.memory_space<vmem>>
    %dma_start3A_732 = tpu.memref_squeeze %dma_start3A_731 : memref<1x32x128xf32, #tpu.memory_space<vmem>> -> memref<32x128xf32, #tpu.memory_space<vmem>>
    %dma_start3A_733 = arith.constant 0 : i32
    %dma_start3A_734 = tpu.memref_slice %arg2[%dma_start3A_733, %multiple_of3A_718] : memref<32x1000000xf32, #tpu.memory_space<hbm>> -> memref<32x128xf32, #tpu.memory_space<hbm>>
    tpu.enqueue_dma source(%dma_start3A_734 : memref<32x128xf32, #tpu.memory_space<hbm>>) target(%dma_start3A_732 : memref<32x128xf32, #tpu.memory_space<vmem>>) target_semaphore(%dma_start3A_728 : memref<!tpu.dma_semaphore, #tpu.memory_space<semaphore_mem>>)
    %eq3A_735 = arith.constant 14 : i32
    %eq3A_736 = vector.broadcast %eq3A_735 : i32 to vector<16xi32>
    %eq3A_737 = arith.cmpi eq, %iota3A, %eq3A_736 : vector<16xi32>
    %jit3A_738 = arith.constant 0 : i32
    %broadcast_in_dim3A_739 = vector.broadcast %jit3A_738 : i32 to vector<16xi32>
    %select_n3A_740 = arith.select %eq3A_737, %get3A_4, %broadcast_in_dim3A_739 : vector<16xi1>, vector<16xi32>
    %reduce_sum3A_741 = arith.constant true
    %reduce_sum3A_742 = vector.broadcast %reduce_sum3A_741 : i1 to vector<16xi1>
    %reduce_sum3A_743 = tpu.scan <sum>, %select_n3A_740 masked %reduce_sum3A_742 : vector<16xi32>, vector<16xi1> -> vector<16xi32>
    %reduce_sum3A_744 = vector.extract %reduce_sum3A_743[15] : i32 from vector<16xi32>
    %jit3A_745 = arith.constant 128 : i32
    %div3A_746 = arith.divsi %reduce_sum3A_744, %jit3A_745 : i32
    %sign3A_747 = arith.constant 0 : i32
    %sign3A_748 = arith.cmpi sgt, %reduce_sum3A_744, %sign3A_747 : i32
    %sign3A_749 = arith.extui %sign3A_748 : i1 to i32
    %sign3A_750 = arith.constant 0 : i32
    %sign3A_751 = arith.cmpi slt, %reduce_sum3A_744, %sign3A_750 : i32
    %sign3A_752 = arith.extui %sign3A_751 : i1 to i32
    %sign3A_753 = arith.subi %sign3A_749, %sign3A_752 : i32
    %sign3A_754 = arith.constant 0 : i32
    %sign3A_755 = arith.cmpi sgt, %jit3A_745, %sign3A_754 : i32
    %sign3A_756 = arith.extui %sign3A_755 : i1 to i32
    %sign3A_757 = arith.constant 0 : i32
    %sign3A_758 = arith.cmpi slt, %jit3A_745, %sign3A_757 : i32
    %sign3A_759 = arith.extui %sign3A_758 : i1 to i32
    %sign3A_760 = arith.subi %sign3A_756, %sign3A_759 : i32
    %ne3A_761 = arith.cmpi ne, %sign3A_753, %sign3A_760 : i32
    %rem3A_762 = arith.remsi %reduce_sum3A_744, %jit3A_745 : i32
    %ne3A_763 = arith.constant 0 : i32
    %ne3A_764 = arith.cmpi ne, %rem3A_762, %ne3A_763 : i32
    %and3A_765 = arith.andi %ne3A_761, %ne3A_764 : i1
    %sub3A_766 = arith.constant 1 : i32
    %sub3A_767 = arith.subi %div3A_746, %sub3A_766 : i32
    %select_n3A_768 = arith.select %and3A_765, %sub3A_767, %div3A_746 : i32
    %mul3A_769 = arith.constant 128 : i32
    %mul3A_770 = arith.muli %select_n3A_768, %mul3A_769 : i32
    %multiple_of3A_771 = tpu.assume_multiple %mul3A_770, 128 : i32
    %dma_start3A_772 = arith.constant 14 : i32
    %dma_start3A_773 = arith.constant 14 : i32
    %dma_start3A_774 = arith.constant 0 : i32
    %dma_start3A_775 = arith.constant 0 : i32
    %dma_start3A_776 = tpu.memref_slice %arg6[%dma_start3A_772, %dma_start3A_774, %dma_start3A_775] : memref<16x32x128xf32, #tpu.memory_space<vmem>> -> memref<1x32x128xf32, #tpu.memory_space<vmem>>
    %dma_start3A_777 = tpu.memref_squeeze %dma_start3A_776 : memref<1x32x128xf32, #tpu.memory_space<vmem>> -> memref<32x128xf32, #tpu.memory_space<vmem>>
    %dma_start3A_778 = arith.constant 0 : i32
    %dma_start3A_779 = tpu.memref_slice %arg2[%dma_start3A_778, %multiple_of3A_771] : memref<32x1000000xf32, #tpu.memory_space<hbm>> -> memref<32x128xf32, #tpu.memory_space<hbm>>
    %dma_start3A_780 = tpu.memref_slice %arg8[%dma_start3A_773] : memref<16x!tpu.dma_semaphore, #tpu.memory_space<semaphore_mem>> -> memref<1x!tpu.dma_semaphore, #tpu.memory_space<semaphore_mem>>
    %dma_start3A_781 = tpu.memref_squeeze %dma_start3A_780 : memref<1x!tpu.dma_semaphore, #tpu.memory_space<semaphore_mem>> -> memref<!tpu.dma_semaphore, #tpu.memory_space<semaphore_mem>>
    %dma_start3A_782 = arith.constant 0 : i32
    %dma_start3A_783 = arith.constant 0 : i32
    %dma_start3A_784 = tpu.memref_slice %arg6[%dma_start3A_772, %dma_start3A_782, %dma_start3A_783] : memref<16x32x128xf32, #tpu.memory_space<vmem>> -> memref<1x32x128xf32, #tpu.memory_space<vmem>>
    %dma_start3A_785 = tpu.memref_squeeze %dma_start3A_784 : memref<1x32x128xf32, #tpu.memory_space<vmem>> -> memref<32x128xf32, #tpu.memory_space<vmem>>
    %dma_start3A_786 = arith.constant 0 : i32
    %dma_start3A_787 = tpu.memref_slice %arg2[%dma_start3A_786, %multiple_of3A_771] : memref<32x1000000xf32, #tpu.memory_space<hbm>> -> memref<32x128xf32, #tpu.memory_space<hbm>>
    tpu.enqueue_dma source(%dma_start3A_787 : memref<32x128xf32, #tpu.memory_space<hbm>>) target(%dma_start3A_785 : memref<32x128xf32, #tpu.memory_space<vmem>>) target_semaphore(%dma_start3A_781 : memref<!tpu.dma_semaphore, #tpu.memory_space<semaphore_mem>>)
    %eq3A_788 = arith.constant 15 : i32
    %eq3A_789 = vector.broadcast %eq3A_788 : i32 to vector<16xi32>
    %eq3A_790 = arith.cmpi eq, %iota3A, %eq3A_789 : vector<16xi32>
    %jit3A_791 = arith.constant 0 : i32
    %broadcast_in_dim3A_792 = vector.broadcast %jit3A_791 : i32 to vector<16xi32>
    %select_n3A_793 = arith.select %eq3A_790, %get3A_4, %broadcast_in_dim3A_792 : vector<16xi1>, vector<16xi32>
    %reduce_sum3A_794 = arith.constant true
    %reduce_sum3A_795 = vector.broadcast %reduce_sum3A_794 : i1 to vector<16xi1>
    %reduce_sum3A_796 = tpu.scan <sum>, %select_n3A_793 masked %reduce_sum3A_795 : vector<16xi32>, vector<16xi1> -> vector<16xi32>
    %reduce_sum3A_797 = vector.extract %reduce_sum3A_796[15] : i32 from vector<16xi32>
    %jit3A_798 = arith.constant 128 : i32
    %div3A_799 = arith.divsi %reduce_sum3A_797, %jit3A_798 : i32
    %sign3A_800 = arith.constant 0 : i32
    %sign3A_801 = arith.cmpi sgt, %reduce_sum3A_797, %sign3A_800 : i32
    %sign3A_802 = arith.extui %sign3A_801 : i1 to i32
    %sign3A_803 = arith.constant 0 : i32
    %sign3A_804 = arith.cmpi slt, %reduce_sum3A_797, %sign3A_803 : i32
    %sign3A_805 = arith.extui %sign3A_804 : i1 to i32
    %sign3A_806 = arith.subi %sign3A_802, %sign3A_805 : i32
    %sign3A_807 = arith.constant 0 : i32
    %sign3A_808 = arith.cmpi sgt, %jit3A_798, %sign3A_807 : i32
    %sign3A_809 = arith.extui %sign3A_808 : i1 to i32
    %sign3A_810 = arith.constant 0 : i32
    %sign3A_811 = arith.cmpi slt, %jit3A_798, %sign3A_810 : i32
    %sign3A_812 = arith.extui %sign3A_811 : i1 to i32
    %sign3A_813 = arith.subi %sign3A_809, %sign3A_812 : i32
    %ne3A_814 = arith.cmpi ne, %sign3A_806, %sign3A_813 : i32
    %rem3A_815 = arith.remsi %reduce_sum3A_797, %jit3A_798 : i32
    %ne3A_816 = arith.constant 0 : i32
    %ne3A_817 = arith.cmpi ne, %rem3A_815, %ne3A_816 : i32
    %and3A_818 = arith.andi %ne3A_814, %ne3A_817 : i1
    %sub3A_819 = arith.constant 1 : i32
    %sub3A_820 = arith.subi %div3A_799, %sub3A_819 : i32
    %select_n3A_821 = arith.select %and3A_818, %sub3A_820, %div3A_799 : i32
    %mul3A_822 = arith.constant 128 : i32
    %mul3A_823 = arith.muli %select_n3A_821, %mul3A_822 : i32
    %multiple_of3A_824 = tpu.assume_multiple %mul3A_823, 128 : i32
    %dma_start3A_825 = arith.constant 15 : i32
    %dma_start3A_826 = arith.constant 15 : i32
    %dma_start3A_827 = arith.constant 0 : i32
    %dma_start3A_828 = arith.constant 0 : i32
    %dma_start3A_829 = tpu.memref_slice %arg6[%dma_start3A_825, %dma_start3A_827, %dma_start3A_828] : memref<16x32x128xf32, #tpu.memory_space<vmem>> -> memref<1x32x128xf32, #tpu.memory_space<vmem>>
    %dma_start3A_830 = tpu.memref_squeeze %dma_start3A_829 : memref<1x32x128xf32, #tpu.memory_space<vmem>> -> memref<32x128xf32, #tpu.memory_space<vmem>>
    %dma_start3A_831 = arith.constant 0 : i32
    %dma_start3A_832 = tpu.memref_slice %arg2[%dma_start3A_831, %multiple_of3A_824] : memref<32x1000000xf32, #tpu.memory_space<hbm>> -> memref<32x128xf32, #tpu.memory_space<hbm>>
    %dma_start3A_833 = tpu.memref_slice %arg8[%dma_start3A_826] : memref<16x!tpu.dma_semaphore, #tpu.memory_space<semaphore_mem>> -> memref<1x!tpu.dma_semaphore, #tpu.memory_space<semaphore_mem>>
    %dma_start3A_834 = tpu.memref_squeeze %dma_start3A_833 : memref<1x!tpu.dma_semaphore, #tpu.memory_space<semaphore_mem>> -> memref<!tpu.dma_semaphore, #tpu.memory_space<semaphore_mem>>
    %dma_start3A_835 = arith.constant 0 : i32
    %dma_start3A_836 = arith.constant 0 : i32
    %dma_start3A_837 = tpu.memref_slice %arg6[%dma_start3A_825, %dma_start3A_835, %dma_start3A_836] : memref<16x32x128xf32, #tpu.memory_space<vmem>> -> memref<1x32x128xf32, #tpu.memory_space<vmem>>
    %dma_start3A_838 = tpu.memref_squeeze %dma_start3A_837 : memref<1x32x128xf32, #tpu.memory_space<vmem>> -> memref<32x128xf32, #tpu.memory_space<vmem>>
    %dma_start3A_839 = arith.constant 0 : i32
    %dma_start3A_840 = tpu.memref_slice %arg2[%dma_start3A_839, %multiple_of3A_824] : memref<32x1000000xf32, #tpu.memory_space<hbm>> -> memref<32x128xf32, #tpu.memory_space<hbm>>
    tpu.enqueue_dma source(%dma_start3A_840 : memref<32x128xf32, #tpu.memory_space<hbm>>) target(%dma_start3A_838 : memref<32x128xf32, #tpu.memory_space<vmem>>) target_semaphore(%dma_start3A_834 : memref<!tpu.dma_semaphore, #tpu.memory_space<semaphore_mem>>)
    %scan3A = arith.constant 0 : i32
    %scan3A_841 = arith.constant 0 : i32
    %scan3A_842 = arith.constant 32 : i32
    %scan3A_843 = arith.addi %scan3A_841, %scan3A_842 : i32
    %scan3A_844 = arith.constant 1 : i32
    scf.for %scan3A_847 = %scan3A_841 to %scan3A_843 step %scan3A_844  : i32 {
      %mul3A_848 = arith.constant 16 : i32
      %mul3A_849 = arith.muli %scan3A_847, %mul3A_848 : i32
      %multiple_of3A_850 = tpu.assume_multiple %mul3A_849, 16 : i32
      %get3A_851 = arith.index_cast %multiple_of3A_850 : i32 to index
      %get3A_852 = tpu.vector_load %arg5[%get3A_851] {strides = array<i32>} : memref<512xi32, #tpu.memory_space<vmem>>, vector<16xi32>,
      %dma_wait3A = arith.constant 0 : i32
      %dma_wait3A_853 = arith.constant 0 : i32
      %dma_wait3A_854 = arith.constant 0 : i32
      %dma_wait3A_855 = arith.constant 0 : i32
      %dma_wait3A_856 = tpu.memref_slice %arg6[%dma_wait3A, %dma_wait3A_854, %dma_wait3A_855] : memref<16x32x128xf32, #tpu.memory_space<vmem>> -> memref<1x32x128xf32, #tpu.memory_space<vmem>>
      %dma_wait3A_857 = tpu.memref_squeeze %dma_wait3A_856 : memref<1x32x128xf32, #tpu.memory_space<vmem>> -> memref<32x128xf32, #tpu.memory_space<vmem>>
      %dma_wait3A_858 = arith.constant 0 : i32
      %dma_wait3A_859 = arith.constant 0 : i32
      %dma_wait3A_860 = tpu.memref_slice %arg2[%dma_wait3A_858, %dma_wait3A_859] : memref<32x1000000xf32, #tpu.memory_space<hbm>> -> memref<32x128xf32, #tpu.memory_space<hbm>>
      %dma_wait3A_861 = tpu.memref_slice %arg8[%dma_wait3A_853] : memref<16x!tpu.dma_semaphore, #tpu.memory_space<semaphore_mem>> -> memref<1x!tpu.dma_semaphore, #tpu.memory_space<semaphore_mem>>
      %dma_wait3A_862 = tpu.memref_squeeze %dma_wait3A_861 : memref<1x!tpu.dma_semaphore, #tpu.memory_space<semaphore_mem>> -> memref<!tpu.dma_semaphore, #tpu.memory_space<semaphore_mem>>
      %dma_wait3A_863 = arith.constant 0 : i32
      %dma_wait3A_864 = arith.constant 0 : i32
      %dma_wait3A_865 = tpu.memref_slice %arg6[%dma_wait3A, %dma_wait3A_863, %dma_wait3A_864] : memref<16x32x128xf32, #tpu.memory_space<vmem>> -> memref<1x32x128xf32, #tpu.memory_space<vmem>>
      %dma_wait3A_866 = tpu.memref_squeeze %dma_wait3A_865 : memref<1x32x128xf32, #tpu.memory_space<vmem>> -> memref<32x128xf32, #tpu.memory_space<vmem>>
      %dma_wait3A_867 = arith.constant 0 : i32
      %dma_wait3A_868 = arith.constant 0 : i32
      %dma_wait3A_869 = tpu.memref_slice %arg2[%dma_wait3A_867, %dma_wait3A_868] : memref<32x1000000xf32, #tpu.memory_space<hbm>> -> memref<32x128xf32, #tpu.memory_space<hbm>>
      tpu.wait_dma2 semaphore(%dma_wait3A_862 : memref<!tpu.dma_semaphore, #tpu.memory_space<semaphore_mem>>) src(%dma_wait3A_869 : memref<32x128xf32, #tpu.memory_space<hbm>>) dst(%dma_wait3A_866 : memref<32x128xf32, #tpu.memory_space<vmem>>)
      %eq3A_870 = arith.constant 0 : i32
      %eq3A_871 = vector.broadcast %eq3A_870 : i32 to vector<16xi32>
      %eq3A_872 = arith.cmpi eq, %iota3A, %eq3A_871 : vector<16xi32>
      %jit3A_873 = arith.constant 0 : i32
      %broadcast_in_dim3A_874 = vector.broadcast %jit3A_873 : i32 to vector<16xi32>
      %select_n3A_875 = arith.select %eq3A_872, %get3A_852, %broadcast_in_dim3A_874 : vector<16xi1>, vector<16xi32>
      %reduce_sum3A_876 = arith.constant true
      %reduce_sum3A_877 = vector.broadcast %reduce_sum3A_876 : i1 to vector<16xi1>
      %reduce_sum3A_878 = tpu.scan <sum>, %select_n3A_875 masked %reduce_sum3A_877 : vector<16xi32>, vector<16xi1> -> vector<16xi32>
      %reduce_sum3A_879 = vector.extract %reduce_sum3A_878[15] : i32 from vector<16xi32>
      %jit3A_880 = arith.constant 128 : i32
      %div3A_881 = arith.divsi %reduce_sum3A_879, %jit3A_880 : i32
      %sign3A_882 = arith.constant 0 : i32
      %sign3A_883 = arith.cmpi sgt, %reduce_sum3A_879, %sign3A_882 : i32
      %sign3A_884 = arith.extui %sign3A_883 : i1 to i32
      %sign3A_885 = arith.constant 0 : i32
      %sign3A_886 = arith.cmpi slt, %reduce_sum3A_879, %sign3A_885 : i32
      %sign3A_887 = arith.extui %sign3A_886 : i1 to i32
      %sign3A_888 = arith.subi %sign3A_884, %sign3A_887 : i32
      %sign3A_889 = arith.constant 0 : i32
      %sign3A_890 = arith.cmpi sgt, %jit3A_880, %sign3A_889 : i32
      %sign3A_891 = arith.extui %sign3A_890 : i1 to i32
      %sign3A_892 = arith.constant 0 : i32
      %sign3A_893 = arith.cmpi slt, %jit3A_880, %sign3A_892 : i32
      %sign3A_894 = arith.extui %sign3A_893 : i1 to i32
      %sign3A_895 = arith.subi %sign3A_891, %sign3A_894 : i32
      %ne3A_896 = arith.cmpi ne, %sign3A_888, %sign3A_895 : i32
      %rem3A_897 = arith.remsi %reduce_sum3A_879, %jit3A_880 : i32
      %ne3A_898 = arith.constant 0 : i32
      %ne3A_899 = arith.cmpi ne, %rem3A_897, %ne3A_898 : i32
      %and3A_900 = arith.andi %ne3A_896, %ne3A_899 : i1
      %sub3A_901 = arith.constant 1 : i32
      %sub3A_902 = arith.subi %div3A_881, %sub3A_901 : i32
      %select_n3A_903 = arith.select %and3A_900, %sub3A_902, %div3A_881 : i32
      %mul3A_904 = arith.constant 128 : i32
      %mul3A_905 = arith.muli %select_n3A_903, %mul3A_904 : i32
      %sub3A_906 = arith.subi %reduce_sum3A_879, %mul3A_905 : i32
      %broadcast_in_dim3A_907 = arith.constant 0 : i32
      %broadcast_in_dim3A_908 = vector.broadcast %broadcast_in_dim3A_907 : i32 to vector<16xi32>
      %broadcast_in_dim3A_909 = vector.broadcast %sub3A_906 : i32 to vector<16xi32>
      %gather3A = tpu.vector_load_idx %arg6[%broadcast_in_dim3A_908, %iota3A, %broadcast_in_dim3A_909] : memref<16x32x128xf32, #tpu.memory_space<vmem>>[vector<16xi32>, vector<16xi32>, vector<16xi32>], vector<16xf32>,
      %add3A_910 = arith.constant 16 : i32
      %add3A_911 = vector.broadcast %add3A_910 : i32 to vector<16xi32>
      %add3A_912 = arith.addi %iota3A, %add3A_911 : vector<16xi32>
      %gather3A_913 = tpu.vector_load_idx %arg6[%broadcast_in_dim3A_908, %add3A_912, %broadcast_in_dim3A_909] : memref<16x32x128xf32, #tpu.memory_space<vmem>>[vector<16xi32>, vector<16xi32>, vector<16xi32>], vector<16xf32>,
      %mul3A_914 = arith.constant 16 : i32
      %mul3A_915 = arith.muli %scan3A_847, %mul3A_914 : i32
      %add3A_916 = arith.constant 0 : i32
      %add3A_917 = arith.addi %mul3A_915, %add3A_916 : i32
      %broadcast_in_dim3A_918 = vector.broadcast %add3A_917 : i32 to vector<16xi32>
      tpu.vector_store_idx %arg7[%iota3A, %broadcast_in_dim3A_918], %gather3A : memref<32x512xf32, #tpu.memory_space<vmem>>[vector<16xi32>, vector<16xi32>], vector<16xf32>,
      %add3A_919 = arith.constant 16 : i32
      %add3A_920 = vector.broadcast %add3A_919 : i32 to vector<16xi32>
      %add3A_921 = arith.addi %iota3A, %add3A_920 : vector<16xi32>
      tpu.vector_store_idx %arg7[%add3A_921, %broadcast_in_dim3A_918], %gather3A_913 : memref<32x512xf32, #tpu.memory_space<vmem>>[vector<16xi32>, vector<16xi32>], vector<16xf32>,
      %dma_wait3A_922 = arith.constant 1 : i32
      %dma_wait3A_923 = arith.constant 1 : i32
      %dma_wait3A_924 = arith.constant 0 : i32
      %dma_wait3A_925 = arith.constant 0 : i32
      %dma_wait3A_926 = tpu.memref_slice %arg6[%dma_wait3A_922, %dma_wait3A_924, %dma_wait3A_925] : memref<16x32x128xf32, #tpu.memory_space<vmem>> -> memref<1x32x128xf32, #tpu.memory_space<vmem>>
      %dma_wait3A_927 = tpu.memref_squeeze %dma_wait3A_926 : memref<1x32x128xf32, #tpu.memory_space<vmem>> -> memref<32x128xf32, #tpu.memory_space<vmem>>
      %dma_wait3A_928 = arith.constant 0 : i32
      %dma_wait3A_929 = arith.constant 0 : i32
      %dma_wait3A_930 = tpu.memref_slice %arg2[%dma_wait3A_928, %dma_wait3A_929] : memref<32x1000000xf32, #tpu.memory_space<hbm>> -> memref<32x128xf32, #tpu.memory_space<hbm>>
      %dma_wait3A_931 = tpu.memref_slice %arg8[%dma_wait3A_923] : memref<16x!tpu.dma_semaphore, #tpu.memory_space<semaphore_mem>> -> memref<1x!tpu.dma_semaphore, #tpu.memory_space<semaphore_mem>>
      %dma_wait3A_932 = tpu.memref_squeeze %dma_wait3A_931 : memref<1x!tpu.dma_semaphore, #tpu.memory_space<semaphore_mem>> -> memref<!tpu.dma_semaphore, #tpu.memory_space<semaphore_mem>>
      %dma_wait3A_933 = arith.constant 0 : i32
      %dma_wait3A_934 = arith.constant 0 : i32
      %dma_wait3A_935 = tpu.memref_slice %arg6[%dma_wait3A_922, %dma_wait3A_933, %dma_wait3A_934] : memref<16x32x128xf32, #tpu.memory_space<vmem>> -> memref<1x32x128xf32, #tpu.memory_space<vmem>>
      %dma_wait3A_936 = tpu.memref_squeeze %dma_wait3A_935 : memref<1x32x128xf32, #tpu.memory_space<vmem>> -> memref<32x128xf32, #tpu.memory_space<vmem>>
      %dma_wait3A_937 = arith.constant 0 : i32
      %dma_wait3A_938 = arith.constant 0 : i32
      %dma_wait3A_939 = tpu.memref_slice %arg2[%dma_wait3A_937, %dma_wait3A_938] : memref<32x1000000xf32, #tpu.memory_space<hbm>> -> memref<32x128xf32, #tpu.memory_space<hbm>>
      tpu.wait_dma2 semaphore(%dma_wait3A_932 : memref<!tpu.dma_semaphore, #tpu.memory_space<semaphore_mem>>) src(%dma_wait3A_939 : memref<32x128xf32, #tpu.memory_space<hbm>>) dst(%dma_wait3A_936 : memref<32x128xf32, #tpu.memory_space<vmem>>)
      %eq3A_940 = arith.constant 1 : i32
      %eq3A_941 = vector.broadcast %eq3A_940 : i32 to vector<16xi32>
      %eq3A_942 = arith.cmpi eq, %iota3A, %eq3A_941 : vector<16xi32>
      %jit3A_943 = arith.constant 0 : i32
      %broadcast_in_dim3A_944 = vector.broadcast %jit3A_943 : i32 to vector<16xi32>
      %select_n3A_945 = arith.select %eq3A_942, %get3A_852, %broadcast_in_dim3A_944 : vector<16xi1>, vector<16xi32>
      %reduce_sum3A_946 = arith.constant true
      %reduce_sum3A_947 = vector.broadcast %reduce_sum3A_946 : i1 to vector<16xi1>
      %reduce_sum3A_948 = tpu.scan <sum>, %select_n3A_945 masked %reduce_sum3A_947 : vector<16xi32>, vector<16xi1> -> vector<16xi32>
      %reduce_sum3A_949 = vector.extract %reduce_sum3A_948[15] : i32 from vector<16xi32>
      %jit3A_950 = arith.constant 128 : i32
      %div3A_951 = arith.divsi %reduce_sum3A_949, %jit3A_950 : i32
      %sign3A_952 = arith.constant 0 : i32
      %sign3A_953 = arith.cmpi sgt, %reduce_sum3A_949, %sign3A_952 : i32
      %sign3A_954 = arith.extui %sign3A_953 : i1 to i32
      %sign3A_955 = arith.constant 0 : i32
      %sign3A_956 = arith.cmpi slt, %reduce_sum3A_949, %sign3A_955 : i32
      %sign3A_957 = arith.extui %sign3A_956 : i1 to i32
      %sign3A_958 = arith.subi %sign3A_954, %sign3A_957 : i32
      %sign3A_959 = arith.constant 0 : i32
      %sign3A_960 = arith.cmpi sgt, %jit3A_950, %sign3A_959 : i32
      %sign3A_961 = arith.extui %sign3A_960 : i1 to i32
      %sign3A_962 = arith.constant 0 : i32
      %sign3A_963 = arith.cmpi slt, %jit3A_950, %sign3A_962 : i32
      %sign3A_964 = arith.extui %sign3A_963 : i1 to i32
      %sign3A_965 = arith.subi %sign3A_961, %sign3A_964 : i32
      %ne3A_966 = arith.cmpi ne, %sign3A_958, %sign3A_965 : i32
      %rem3A_967 = arith.remsi %reduce_sum3A_949, %jit3A_950 : i32
      %ne3A_968 = arith.constant 0 : i32
      %ne3A_969 = arith.cmpi ne, %rem3A_967, %ne3A_968 : i32
      %and3A_970 = arith.andi %ne3A_966, %ne3A_969 : i1
      %sub3A_971 = arith.constant 1 : i32
      %sub3A_972 = arith.subi %div3A_951, %sub3A_971 : i32
      %select_n3A_973 = arith.select %and3A_970, %sub3A_972, %div3A_951 : i32
      %mul3A_974 = arith.constant 128 : i32
      %mul3A_975 = arith.muli %select_n3A_973, %mul3A_974 : i32
      %sub3A_976 = arith.subi %reduce_sum3A_949, %mul3A_975 : i32
      %broadcast_in_dim3A_977 = arith.constant 1 : i32
      %broadcast_in_dim3A_978 = vector.broadcast %broadcast_in_dim3A_977 : i32 to vector<16xi32>
      %broadcast_in_dim3A_979 = vector.broadcast %sub3A_976 : i32 to vector<16xi32>
      %gather3A_980 = tpu.vector_load_idx %arg6[%broadcast_in_dim3A_978, %iota3A, %broadcast_in_dim3A_979] : memref<16x32x128xf32, #tpu.memory_space<vmem>>[vector<16xi32>, vector<16xi32>, vector<16xi32>], vector<16xf32>,
      %add3A_981 = arith.constant 16 : i32
      %add3A_982 = vector.broadcast %add3A_981 : i32 to vector<16xi32>
      %add3A_983 = arith.addi %iota3A, %add3A_982 : vector<16xi32>
      %gather3A_984 = tpu.vector_load_idx %arg6[%broadcast_in_dim3A_978, %add3A_983, %broadcast_in_dim3A_979] : memref<16x32x128xf32, #tpu.memory_space<vmem>>[vector<16xi32>, vector<16xi32>, vector<16xi32>], vector<16xf32>,
      %mul3A_985 = arith.constant 16 : i32
      %mul3A_986 = arith.muli %scan3A_847, %mul3A_985 : i32
      %add3A_987 = arith.constant 1 : i32
      %add3A_988 = arith.addi %mul3A_986, %add3A_987 : i32
      %broadcast_in_dim3A_989 = vector.broadcast %add3A_988 : i32 to vector<16xi32>
      tpu.vector_store_idx %arg7[%iota3A, %broadcast_in_dim3A_989], %gather3A_980 : memref<32x512xf32, #tpu.memory_space<vmem>>[vector<16xi32>, vector<16xi32>], vector<16xf32>,
      %add3A_990 = arith.constant 16 : i32
      %add3A_991 = vector.broadcast %add3A_990 : i32 to vector<16xi32>
      %add3A_992 = arith.addi %iota3A, %add3A_991 : vector<16xi32>
      tpu.vector_store_idx %arg7[%add3A_992, %broadcast_in_dim3A_989], %gather3A_984 : memref<32x512xf32, #tpu.memory_space<vmem>>[vector<16xi32>, vector<16xi32>], vector<16xf32>,
      %dma_wait3A_993 = arith.constant 2 : i32
      %dma_wait3A_994 = arith.constant 2 : i32
      %dma_wait3A_995 = arith.constant 0 : i32
      %dma_wait3A_996 = arith.constant 0 : i32
      %dma_wait3A_997 = tpu.memref_slice %arg6[%dma_wait3A_993, %dma_wait3A_995, %dma_wait3A_996] : memref<16x32x128xf32, #tpu.memory_space<vmem>> -> memref<1x32x128xf32, #tpu.memory_space<vmem>>
      %dma_wait3A_998 = tpu.memref_squeeze %dma_wait3A_997 : memref<1x32x128xf32, #tpu.memory_space<vmem>> -> memref<32x128xf32, #tpu.memory_space<vmem>>
      %dma_wait3A_999 = arith.constant 0 : i32
      %dma_wait3A_1000 = arith.constant 0 : i32
      %dma_wait3A_1001 = tpu.memref_slice %arg2[%dma_wait3A_999, %dma_wait3A_1000] : memref<32x1000000xf32, #tpu.memory_space<hbm>> -> memref<32x128xf32, #tpu.memory_space<hbm>>
      %dma_wait3A_1002 = tpu.memref_slice %arg8[%dma_wait3A_994] : memref<16x!tpu.dma_semaphore, #tpu.memory_space<semaphore_mem>> -> memref<1x!tpu.dma_semaphore, #tpu.memory_space<semaphore_mem>>
      %dma_wait3A_1003 = tpu.memref_squeeze %dma_wait3A_1002 : memref<1x!tpu.dma_semaphore, #tpu.memory_space<semaphore_mem>> -> memref<!tpu.dma_semaphore, #tpu.memory_space<semaphore_mem>>
      %dma_wait3A_1004 = arith.constant 0 : i32
      %dma_wait3A_1005 = arith.constant 0 : i32
      %dma_wait3A_1006 = tpu.memref_slice %arg6[%dma_wait3A_993, %dma_wait3A_1004, %dma_wait3A_1005] : memref<16x32x128xf32, #tpu.memory_space<vmem>> -> memref<1x32x128xf32, #tpu.memory_space<vmem>>
      %dma_wait3A_1007 = tpu.memref_squeeze %dma_wait3A_1006 : memref<1x32x128xf32, #tpu.memory_space<vmem>> -> memref<32x128xf32, #tpu.memory_space<vmem>>
      %dma_wait3A_1008 = arith.constant 0 : i32
      %dma_wait3A_1009 = arith.constant 0 : i32
      %dma_wait3A_1010 = tpu.memref_slice %arg2[%dma_wait3A_1008, %dma_wait3A_1009] : memref<32x1000000xf32, #tpu.memory_space<hbm>> -> memref<32x128xf32, #tpu.memory_space<hbm>>
      tpu.wait_dma2 semaphore(%dma_wait3A_1003 : memref<!tpu.dma_semaphore, #tpu.memory_space<semaphore_mem>>) src(%dma_wait3A_1010 : memref<32x128xf32, #tpu.memory_space<hbm>>) dst(%dma_wait3A_1007 : memref<32x128xf32, #tpu.memory_space<vmem>>)
      %eq3A_1011 = arith.constant 2 : i32
      %eq3A_1012 = vector.broadcast %eq3A_1011 : i32 to vector<16xi32>
      %eq3A_1013 = arith.cmpi eq, %iota3A, %eq3A_1012 : vector<16xi32>
      %jit3A_1014 = arith.constant 0 : i32
      %broadcast_in_dim3A_1015 = vector.broadcast %jit3A_1014 : i32 to vector<16xi32>
      %select_n3A_1016 = arith.select %eq3A_1013, %get3A_852, %broadcast_in_dim3A_1015 : vector<16xi1>, vector<16xi32>
      %reduce_sum3A_1017 = arith.constant true
      %reduce_sum3A_1018 = vector.broadcast %reduce_sum3A_1017 : i1 to vector<16xi1>
      %reduce_sum3A_1019 = tpu.scan <sum>, %select_n3A_1016 masked %reduce_sum3A_1018 : vector<16xi32>, vector<16xi1> -> vector<16xi32>
      %reduce_sum3A_1020 = vector.extract %reduce_sum3A_1019[15] : i32 from vector<16xi32>
      %jit3A_1021 = arith.constant 128 : i32
      %div3A_1022 = arith.divsi %reduce_sum3A_1020, %jit3A_1021 : i32
      %sign3A_1023 = arith.constant 0 : i32
      %sign3A_1024 = arith.cmpi sgt, %reduce_sum3A_1020, %sign3A_1023 : i32
      %sign3A_1025 = arith.extui %sign3A_1024 : i1 to i32
      %sign3A_1026 = arith.constant 0 : i32
      %sign3A_1027 = arith.cmpi slt, %reduce_sum3A_1020, %sign3A_1026 : i32
      %sign3A_1028 = arith.extui %sign3A_1027 : i1 to i32
      %sign3A_1029 = arith.subi %sign3A_1025, %sign3A_1028 : i32
      %sign3A_1030 = arith.constant 0 : i32
      %sign3A_1031 = arith.cmpi sgt, %jit3A_1021, %sign3A_1030 : i32
      %sign3A_1032 = arith.extui %sign3A_1031 : i1 to i32
      %sign3A_1033 = arith.constant 0 : i32
      %sign3A_1034 = arith.cmpi slt, %jit3A_1021, %sign3A_1033 : i32
      %sign3A_1035 = arith.extui %sign3A_1034 : i1 to i32
      %sign3A_1036 = arith.subi %sign3A_1032, %sign3A_1035 : i32
      %ne3A_1037 = arith.cmpi ne, %sign3A_1029, %sign3A_1036 : i32
      %rem3A_1038 = arith.remsi %reduce_sum3A_1020, %jit3A_1021 : i32
      %ne3A_1039 = arith.constant 0 : i32
      %ne3A_1040 = arith.cmpi ne, %rem3A_1038, %ne3A_1039 : i32
      %and3A_1041 = arith.andi %ne3A_1037, %ne3A_1040 : i1
      %sub3A_1042 = arith.constant 1 : i32
      %sub3A_1043 = arith.subi %div3A_1022, %sub3A_1042 : i32
      %select_n3A_1044 = arith.select %and3A_1041, %sub3A_1043, %div3A_1022 : i32
      %mul3A_1045 = arith.constant 128 : i32
      %mul3A_1046 = arith.muli %select_n3A_1044, %mul3A_1045 : i32
      %sub3A_1047 = arith.subi %reduce_sum3A_1020, %mul3A_1046 : i32
      %broadcast_in_dim3A_1048 = arith.constant 2 : i32
      %broadcast_in_dim3A_1049 = vector.broadcast %broadcast_in_dim3A_1048 : i32 to vector<16xi32>
      %broadcast_in_dim3A_1050 = vector.broadcast %sub3A_1047 : i32 to vector<16xi32>
      %gather3A_1051 = tpu.vector_load_idx %arg6[%broadcast_in_dim3A_1049, %iota3A, %broadcast_in_dim3A_1050] : memref<16x32x128xf32, #tpu.memory_space<vmem>>[vector<16xi32>, vector<16xi32>, vector<16xi32>], vector<16xf32>,
      %add3A_1052 = arith.constant 16 : i32
      %add3A_1053 = vector.broadcast %add3A_1052 : i32 to vector<16xi32>
      %add3A_1054 = arith.addi %iota3A, %add3A_1053 : vector<16xi32>
      %gather3A_1055 = tpu.vector_load_idx %arg6[%broadcast_in_dim3A_1049, %add3A_1054, %broadcast_in_dim3A_1050] : memref<16x32x128xf32, #tpu.memory_space<vmem>>[vector<16xi32>, vector<16xi32>, vector<16xi32>], vector<16xf32>,
      %mul3A_1056 = arith.constant 16 : i32
      %mul3A_1057 = arith.muli %scan3A_847, %mul3A_1056 : i32
      %add3A_1058 = arith.constant 2 : i32
      %add3A_1059 = arith.addi %mul3A_1057, %add3A_1058 : i32
      %broadcast_in_dim3A_1060 = vector.broadcast %add3A_1059 : i32 to vector<16xi32>
      tpu.vector_store_idx %arg7[%iota3A, %broadcast_in_dim3A_1060], %gather3A_1051 : memref<32x512xf32, #tpu.memory_space<vmem>>[vector<16xi32>, vector<16xi32>], vector<16xf32>,
      %add3A_1061 = arith.constant 16 : i32
      %add3A_1062 = vector.broadcast %add3A_1061 : i32 to vector<16xi32>
      %add3A_1063 = arith.addi %iota3A, %add3A_1062 : vector<16xi32>
      tpu.vector_store_idx %arg7[%add3A_1063, %broadcast_in_dim3A_1060], %gather3A_1055 : memref<32x512xf32, #tpu.memory_space<vmem>>[vector<16xi32>, vector<16xi32>], vector<16xf32>,
      %dma_wait3A_1064 = arith.constant 3 : i32
      %dma_wait3A_1065 = arith.constant 3 : i32
      %dma_wait3A_1066 = arith.constant 0 : i32
      %dma_wait3A_1067 = arith.constant 0 : i32
      %dma_wait3A_1068 = tpu.memref_slice %arg6[%dma_wait3A_1064, %dma_wait3A_1066, %dma_wait3A_1067] : memref<16x32x128xf32, #tpu.memory_space<vmem>> -> memref<1x32x128xf32, #tpu.memory_space<vmem>>
      %dma_wait3A_1069 = tpu.memref_squeeze %dma_wait3A_1068 : memref<1x32x128xf32, #tpu.memory_space<vmem>> -> memref<32x128xf32, #tpu.memory_space<vmem>>
      %dma_wait3A_1070 = arith.constant 0 : i32
      %dma_wait3A_1071 = arith.constant 0 : i32
      %dma_wait3A_1072 = tpu.memref_slice %arg2[%dma_wait3A_1070, %dma_wait3A_1071] : memref<32x1000000xf32, #tpu.memory_space<hbm>> -> memref<32x128xf32, #tpu.memory_space<hbm>>
      %dma_wait3A_1073 = tpu.memref_slice %arg8[%dma_wait3A_1065] : memref<16x!tpu.dma_semaphore, #tpu.memory_space<semaphore_mem>> -> memref<1x!tpu.dma_semaphore, #tpu.memory_space<semaphore_mem>>
      %dma_wait3A_1074 = tpu.memref_squeeze %dma_wait3A_1073 : memref<1x!tpu.dma_semaphore, #tpu.memory_space<semaphore_mem>> -> memref<!tpu.dma_semaphore, #tpu.memory_space<semaphore_mem>>
      %dma_wait3A_1075 = arith.constant 0 : i32
      %dma_wait3A_1076 = arith.constant 0 : i32
      %dma_wait3A_1077 = tpu.memref_slice %arg6[%dma_wait3A_1064, %dma_wait3A_1075, %dma_wait3A_1076] : memref<16x32x128xf32, #tpu.memory_space<vmem>> -> memref<1x32x128xf32, #tpu.memory_space<vmem>>
      %dma_wait3A_1078 = tpu.memref_squeeze %dma_wait3A_1077 : memref<1x32x128xf32, #tpu.memory_space<vmem>> -> memref<32x128xf32, #tpu.memory_space<vmem>>
      %dma_wait3A_1079 = arith.constant 0 : i32
      %dma_wait3A_1080 = arith.constant 0 : i32
      %dma_wait3A_1081 = tpu.memref_slice %arg2[%dma_wait3A_1079, %dma_wait3A_1080] : memref<32x1000000xf32, #tpu.memory_space<hbm>> -> memref<32x128xf32, #tpu.memory_space<hbm>>
      tpu.wait_dma2 semaphore(%dma_wait3A_1074 : memref<!tpu.dma_semaphore, #tpu.memory_space<semaphore_mem>>) src(%dma_wait3A_1081 : memref<32x128xf32, #tpu.memory_space<hbm>>) dst(%dma_wait3A_1078 : memref<32x128xf32, #tpu.memory_space<vmem>>)
      %eq3A_1082 = arith.constant 3 : i32
      %eq3A_1083 = vector.broadcast %eq3A_1082 : i32 to vector<16xi32>
      %eq3A_1084 = arith.cmpi eq, %iota3A, %eq3A_1083 : vector<16xi32>
      %jit3A_1085 = arith.constant 0 : i32
      %broadcast_in_dim3A_1086 = vector.broadcast %jit3A_1085 : i32 to vector<16xi32>
      %select_n3A_1087 = arith.select %eq3A_1084, %get3A_852, %broadcast_in_dim3A_1086 : vector<16xi1>, vector<16xi32>
      %reduce_sum3A_1088 = arith.constant true
      %reduce_sum3A_1089 = vector.broadcast %reduce_sum3A_1088 : i1 to vector<16xi1>
      %reduce_sum3A_1090 = tpu.scan <sum>, %select_n3A_1087 masked %reduce_sum3A_1089 : vector<16xi32>, vector<16xi1> -> vector<16xi32>
      %reduce_sum3A_1091 = vector.extract %reduce_sum3A_1090[15] : i32 from vector<16xi32>
      %jit3A_1092 = arith.constant 128 : i32
      %div3A_1093 = arith.divsi %reduce_sum3A_1091, %jit3A_1092 : i32
      %sign3A_1094 = arith.constant 0 : i32
      %sign3A_1095 = arith.cmpi sgt, %reduce_sum3A_1091, %sign3A_1094 : i32
      %sign3A_1096 = arith.extui %sign3A_1095 : i1 to i32
      %sign3A_1097 = arith.constant 0 : i32
      %sign3A_1098 = arith.cmpi slt, %reduce_sum3A_1091, %sign3A_1097 : i32
      %sign3A_1099 = arith.extui %sign3A_1098 : i1 to i32
      %sign3A_1100 = arith.subi %sign3A_1096, %sign3A_1099 : i32
      %sign3A_1101 = arith.constant 0 : i32
      %sign3A_1102 = arith.cmpi sgt, %jit3A_1092, %sign3A_1101 : i32
      %sign3A_1103 = arith.extui %sign3A_1102 : i1 to i32
      %sign3A_1104 = arith.constant 0 : i32
      %sign3A_1105 = arith.cmpi slt, %jit3A_1092, %sign3A_1104 : i32
      %sign3A_1106 = arith.extui %sign3A_1105 : i1 to i32
      %sign3A_1107 = arith.subi %sign3A_1103, %sign3A_1106 : i32
      %ne3A_1108 = arith.cmpi ne, %sign3A_1100, %sign3A_1107 : i32
      %rem3A_1109 = arith.remsi %reduce_sum3A_1091, %jit3A_1092 : i32
      %ne3A_1110 = arith.constant 0 : i32
      %ne3A_1111 = arith.cmpi ne, %rem3A_1109, %ne3A_1110 : i32
      %and3A_1112 = arith.andi %ne3A_1108, %ne3A_1111 : i1
      %sub3A_1113 = arith.constant 1 : i32
      %sub3A_1114 = arith.subi %div3A_1093, %sub3A_1113 : i32
      %select_n3A_1115 = arith.select %and3A_1112, %sub3A_1114, %div3A_1093 : i32
      %mul3A_1116 = arith.constant 128 : i32
      %mul3A_1117 = arith.muli %select_n3A_1115, %mul3A_1116 : i32
      %sub3A_1118 = arith.subi %reduce_sum3A_1091, %mul3A_1117 : i32
      %broadcast_in_dim3A_1119 = arith.constant 3 : i32
      %broadcast_in_dim3A_1120 = vector.broadcast %broadcast_in_dim3A_1119 : i32 to vector<16xi32>
      %broadcast_in_dim3A_1121 = vector.broadcast %sub3A_1118 : i32 to vector<16xi32>
      %gather3A_1122 = tpu.vector_load_idx %arg6[%broadcast_in_dim3A_1120, %iota3A, %broadcast_in_dim3A_1121] : memref<16x32x128xf32, #tpu.memory_space<vmem>>[vector<16xi32>, vector<16xi32>, vector<16xi32>], vector<16xf32>,
      %add3A_1123 = arith.constant 16 : i32
      %add3A_1124 = vector.broadcast %add3A_1123 : i32 to vector<16xi32>
      %add3A_1125 = arith.addi %iota3A, %add3A_1124 : vector<16xi32>
      %gather3A_1126 = tpu.vector_load_idx %arg6[%broadcast_in_dim3A_1120, %add3A_1125, %broadcast_in_dim3A_1121] : memref<16x32x128xf32, #tpu.memory_space<vmem>>[vector<16xi32>, vector<16xi32>, vector<16xi32>], vector<16xf32>,
      %mul3A_1127 = arith.constant 16 : i32
      %mul3A_1128 = arith.muli %scan3A_847, %mul3A_1127 : i32
      %add3A_1129 = arith.constant 3 : i32
      %add3A_1130 = arith.addi %mul3A_1128, %add3A_1129 : i32
      %broadcast_in_dim3A_1131 = vector.broadcast %add3A_1130 : i32 to vector<16xi32>
      tpu.vector_store_idx %arg7[%iota3A, %broadcast_in_dim3A_1131], %gather3A_1122 : memref<32x512xf32, #tpu.memory_space<vmem>>[vector<16xi32>, vector<16xi32>], vector<16xf32>,
      %add3A_1132 = arith.constant 16 : i32
      %add3A_1133 = vector.broadcast %add3A_1132 : i32 to vector<16xi32>
      %add3A_1134 = arith.addi %iota3A, %add3A_1133 : vector<16xi32>
      tpu.vector_store_idx %arg7[%add3A_1134, %broadcast_in_dim3A_1131], %gather3A_1126 : memref<32x512xf32, #tpu.memory_space<vmem>>[vector<16xi32>, vector<16xi32>], vector<16xf32>,
      %dma_wait3A_1135 = arith.constant 4 : i32
      %dma_wait3A_1136 = arith.constant 4 : i32
      %dma_wait3A_1137 = arith.constant 0 : i32
      %dma_wait3A_1138 = arith.constant 0 : i32
      %dma_wait3A_1139 = tpu.memref_slice %arg6[%dma_wait3A_1135, %dma_wait3A_1137, %dma_wait3A_1138] : memref<16x32x128xf32, #tpu.memory_space<vmem>> -> memref<1x32x128xf32, #tpu.memory_space<vmem>>
      %dma_wait3A_1140 = tpu.memref_squeeze %dma_wait3A_1139 : memref<1x32x128xf32, #tpu.memory_space<vmem>> -> memref<32x128xf32, #tpu.memory_space<vmem>>
      %dma_wait3A_1141 = arith.constant 0 : i32
      %dma_wait3A_1142 = arith.constant 0 : i32
      %dma_wait3A_1143 = tpu.memref_slice %arg2[%dma_wait3A_1141, %dma_wait3A_1142] : memref<32x1000000xf32, #tpu.memory_space<hbm>> -> memref<32x128xf32, #tpu.memory_space<hbm>>
      %dma_wait3A_1144 = tpu.memref_slice %arg8[%dma_wait3A_1136] : memref<16x!tpu.dma_semaphore, #tpu.memory_space<semaphore_mem>> -> memref<1x!tpu.dma_semaphore, #tpu.memory_space<semaphore_mem>>
      %dma_wait3A_1145 = tpu.memref_squeeze %dma_wait3A_1144 : memref<1x!tpu.dma_semaphore, #tpu.memory_space<semaphore_mem>> -> memref<!tpu.dma_semaphore, #tpu.memory_space<semaphore_mem>>
      %dma_wait3A_1146 = arith.constant 0 : i32
      %dma_wait3A_1147 = arith.constant 0 : i32
      %dma_wait3A_1148 = tpu.memref_slice %arg6[%dma_wait3A_1135, %dma_wait3A_1146, %dma_wait3A_1147] : memref<16x32x128xf32, #tpu.memory_space<vmem>> -> memref<1x32x128xf32, #tpu.memory_space<vmem>>
      %dma_wait3A_1149 = tpu.memref_squeeze %dma_wait3A_1148 : memref<1x32x128xf32, #tpu.memory_space<vmem>> -> memref<32x128xf32, #tpu.memory_space<vmem>>
      %dma_wait3A_1150 = arith.constant 0 : i32
      %dma_wait3A_1151 = arith.constant 0 : i32
      %dma_wait3A_1152 = tpu.memref_slice %arg2[%dma_wait3A_1150, %dma_wait3A_1151] : memref<32x1000000xf32, #tpu.memory_space<hbm>> -> memref<32x128xf32, #tpu.memory_space<hbm>>
      tpu.wait_dma2 semaphore(%dma_wait3A_1145 : memref<!tpu.dma_semaphore, #tpu.memory_space<semaphore_mem>>) src(%dma_wait3A_1152 : memref<32x128xf32, #tpu.memory_space<hbm>>) dst(%dma_wait3A_1149 : memref<32x128xf32, #tpu.memory_space<vmem>>)
      %eq3A_1153 = arith.constant 4 : i32
      %eq3A_1154 = vector.broadcast %eq3A_1153 : i32 to vector<16xi32>
      %eq3A_1155 = arith.cmpi eq, %iota3A, %eq3A_1154 : vector<16xi32>
      %jit3A_1156 = arith.constant 0 : i32
      %broadcast_in_dim3A_1157 = vector.broadcast %jit3A_1156 : i32 to vector<16xi32>
      %select_n3A_1158 = arith.select %eq3A_1155, %get3A_852, %broadcast_in_dim3A_1157 : vector<16xi1>, vector<16xi32>
      %reduce_sum3A_1159 = arith.constant true
      %reduce_sum3A_1160 = vector.broadcast %reduce_sum3A_1159 : i1 to vector<16xi1>
      %reduce_sum3A_1161 = tpu.scan <sum>, %select_n3A_1158 masked %reduce_sum3A_1160 : vector<16xi32>, vector<16xi1> -> vector<16xi32>
      %reduce_sum3A_1162 = vector.extract %reduce_sum3A_1161[15] : i32 from vector<16xi32>
      %jit3A_1163 = arith.constant 128 : i32
      %div3A_1164 = arith.divsi %reduce_sum3A_1162, %jit3A_1163 : i32
      %sign3A_1165 = arith.constant 0 : i32
      %sign3A_1166 = arith.cmpi sgt, %reduce_sum3A_1162, %sign3A_1165 : i32
      %sign3A_1167 = arith.extui %sign3A_1166 : i1 to i32
      %sign3A_1168 = arith.constant 0 : i32
      %sign3A_1169 = arith.cmpi slt, %reduce_sum3A_1162, %sign3A_1168 : i32
      %sign3A_1170 = arith.extui %sign3A_1169 : i1 to i32
      %sign3A_1171 = arith.subi %sign3A_1167, %sign3A_1170 : i32
      %sign3A_1172 = arith.constant 0 : i32
      %sign3A_1173 = arith.cmpi sgt, %jit3A_1163, %sign3A_1172 : i32
      %sign3A_1174 = arith.extui %sign3A_1173 : i1 to i32
      %sign3A_1175 = arith.constant 0 : i32
      %sign3A_1176 = arith.cmpi slt, %jit3A_1163, %sign3A_1175 : i32
      %sign3A_1177 = arith.extui %sign3A_1176 : i1 to i32
      %sign3A_1178 = arith.subi %sign3A_1174, %sign3A_1177 : i32
      %ne3A_1179 = arith.cmpi ne, %sign3A_1171, %sign3A_1178 : i32
      %rem3A_1180 = arith.remsi %reduce_sum3A_1162, %jit3A_1163 : i32
      %ne3A_1181 = arith.constant 0 : i32
      %ne3A_1182 = arith.cmpi ne, %rem3A_1180, %ne3A_1181 : i32
      %and3A_1183 = arith.andi %ne3A_1179, %ne3A_1182 : i1
      %sub3A_1184 = arith.constant 1 : i32
      %sub3A_1185 = arith.subi %div3A_1164, %sub3A_1184 : i32
      %select_n3A_1186 = arith.select %and3A_1183, %sub3A_1185, %div3A_1164 : i32
      %mul3A_1187 = arith.constant 128 : i32
      %mul3A_1188 = arith.muli %select_n3A_1186, %mul3A_1187 : i32
      %sub3A_1189 = arith.subi %reduce_sum3A_1162, %mul3A_1188 : i32
      %broadcast_in_dim3A_1190 = arith.constant 4 : i32
      %broadcast_in_dim3A_1191 = vector.broadcast %broadcast_in_dim3A_1190 : i32 to vector<16xi32>
      %broadcast_in_dim3A_1192 = vector.broadcast %sub3A_1189 : i32 to vector<16xi32>
      %gather3A_1193 = tpu.vector_load_idx %arg6[%broadcast_in_dim3A_1191, %iota3A, %broadcast_in_dim3A_1192] : memref<16x32x128xf32, #tpu.memory_space<vmem>>[vector<16xi32>, vector<16xi32>, vector<16xi32>], vector<16xf32>,
      %add3A_1194 = arith.constant 16 : i32
      %add3A_1195 = vector.broadcast %add3A_1194 : i32 to vector<16xi32>
      %add3A_1196 = arith.addi %iota3A, %add3A_1195 : vector<16xi32>
      %gather3A_1197 = tpu.vector_load_idx %arg6[%broadcast_in_dim3A_1191, %add3A_1196, %broadcast_in_dim3A_1192] : memref<16x32x128xf32, #tpu.memory_space<vmem>>[vector<16xi32>, vector<16xi32>, vector<16xi32>], vector<16xf32>,
      %mul3A_1198 = arith.constant 16 : i32
      %mul3A_1199 = arith.muli %scan3A_847, %mul3A_1198 : i32
      %add3A_1200 = arith.constant 4 : i32
      %add3A_1201 = arith.addi %mul3A_1199, %add3A_1200 : i32
      %broadcast_in_dim3A_1202 = vector.broadcast %add3A_1201 : i32 to vector<16xi32>
      tpu.vector_store_idx %arg7[%iota3A, %broadcast_in_dim3A_1202], %gather3A_1193 : memref<32x512xf32, #tpu.memory_space<vmem>>[vector<16xi32>, vector<16xi32>], vector<16xf32>,
      %add3A_1203 = arith.constant 16 : i32
      %add3A_1204 = vector.broadcast %add3A_1203 : i32 to vector<16xi32>
      %add3A_1205 = arith.addi %iota3A, %add3A_1204 : vector<16xi32>
      tpu.vector_store_idx %arg7[%add3A_1205, %broadcast_in_dim3A_1202], %gather3A_1197 : memref<32x512xf32, #tpu.memory_space<vmem>>[vector<16xi32>, vector<16xi32>], vector<16xf32>,
      %dma_wait3A_1206 = arith.constant 5 : i32
      %dma_wait3A_1207 = arith.constant 5 : i32
      %dma_wait3A_1208 = arith.constant 0 : i32
      %dma_wait3A_1209 = arith.constant 0 : i32
      %dma_wait3A_1210 = tpu.memref_slice %arg6[%dma_wait3A_1206, %dma_wait3A_1208, %dma_wait3A_1209] : memref<16x32x128xf32, #tpu.memory_space<vmem>> -> memref<1x32x128xf32, #tpu.memory_space<vmem>>
      %dma_wait3A_1211 = tpu.memref_squeeze %dma_wait3A_1210 : memref<1x32x128xf32, #tpu.memory_space<vmem>> -> memref<32x128xf32, #tpu.memory_space<vmem>>
      %dma_wait3A_1212 = arith.constant 0 : i32
      %dma_wait3A_1213 = arith.constant 0 : i32
      %dma_wait3A_1214 = tpu.memref_slice %arg2[%dma_wait3A_1212, %dma_wait3A_1213] : memref<32x1000000xf32, #tpu.memory_space<hbm>> -> memref<32x128xf32, #tpu.memory_space<hbm>>
      %dma_wait3A_1215 = tpu.memref_slice %arg8[%dma_wait3A_1207] : memref<16x!tpu.dma_semaphore, #tpu.memory_space<semaphore_mem>> -> memref<1x!tpu.dma_semaphore, #tpu.memory_space<semaphore_mem>>
      %dma_wait3A_1216 = tpu.memref_squeeze %dma_wait3A_1215 : memref<1x!tpu.dma_semaphore, #tpu.memory_space<semaphore_mem>> -> memref<!tpu.dma_semaphore, #tpu.memory_space<semaphore_mem>>
      %dma_wait3A_1217 = arith.constant 0 : i32
      %dma_wait3A_1218 = arith.constant 0 : i32
      %dma_wait3A_1219 = tpu.memref_slice %arg6[%dma_wait3A_1206, %dma_wait3A_1217, %dma_wait3A_1218] : memref<16x32x128xf32, #tpu.memory_space<vmem>> -> memref<1x32x128xf32, #tpu.memory_space<vmem>>
      %dma_wait3A_1220 = tpu.memref_squeeze %dma_wait3A_1219 : memref<1x32x128xf32, #tpu.memory_space<vmem>> -> memref<32x128xf32, #tpu.memory_space<vmem>>
      %dma_wait3A_1221 = arith.constant 0 : i32
      %dma_wait3A_1222 = arith.constant 0 : i32
      %dma_wait3A_1223 = tpu.memref_slice %arg2[%dma_wait3A_1221, %dma_wait3A_1222] : memref<32x1000000xf32, #tpu.memory_space<hbm>> -> memref<32x128xf32, #tpu.memory_space<hbm>>
      tpu.wait_dma2 semaphore(%dma_wait3A_1216 : memref<!tpu.dma_semaphore, #tpu.memory_space<semaphore_mem>>) src(%dma_wait3A_1223 : memref<32x128xf32, #tpu.memory_space<hbm>>) dst(%dma_wait3A_1220 : memref<32x128xf32, #tpu.memory_space<vmem>>)
      %eq3A_1224 = arith.constant 5 : i32
      %eq3A_1225 = vector.broadcast %eq3A_1224 : i32 to vector<16xi32>
      %eq3A_1226 = arith.cmpi eq, %iota3A, %eq3A_1225 : vector<16xi32>
      %jit3A_1227 = arith.constant 0 : i32
      %broadcast_in_dim3A_1228 = vector.broadcast %jit3A_1227 : i32 to vector<16xi32>
      %select_n3A_1229 = arith.select %eq3A_1226, %get3A_852, %broadcast_in_dim3A_1228 : vector<16xi1>, vector<16xi32>
      %reduce_sum3A_1230 = arith.constant true
      %reduce_sum3A_1231 = vector.broadcast %reduce_sum3A_1230 : i1 to vector<16xi1>
      %reduce_sum3A_1232 = tpu.scan <sum>, %select_n3A_1229 masked %reduce_sum3A_1231 : vector<16xi32>, vector<16xi1> -> vector<16xi32>
      %reduce_sum3A_1233 = vector.extract %reduce_sum3A_1232[15] : i32 from vector<16xi32>
      %jit3A_1234 = arith.constant 128 : i32
      %div3A_1235 = arith.divsi %reduce_sum3A_1233, %jit3A_1234 : i32
      %sign3A_1236 = arith.constant 0 : i32
      %sign3A_1237 = arith.cmpi sgt, %reduce_sum3A_1233, %sign3A_1236 : i32
      %sign3A_1238 = arith.extui %sign3A_1237 : i1 to i32
      %sign3A_1239 = arith.constant 0 : i32
      %sign3A_1240 = arith.cmpi slt, %reduce_sum3A_1233, %sign3A_1239 : i32
      %sign3A_1241 = arith.extui %sign3A_1240 : i1 to i32
      %sign3A_1242 = arith.subi %sign3A_1238, %sign3A_1241 : i32
      %sign3A_1243 = arith.constant 0 : i32
      %sign3A_1244 = arith.cmpi sgt, %jit3A_1234, %sign3A_1243 : i32
      %sign3A_1245 = arith.extui %sign3A_1244 : i1 to i32
      %sign3A_1246 = arith.constant 0 : i32
      %sign3A_1247 = arith.cmpi slt, %jit3A_1234, %sign3A_1246 : i32
      %sign3A_1248 = arith.extui %sign3A_1247 : i1 to i32
      %sign3A_1249 = arith.subi %sign3A_1245, %sign3A_1248 : i32
      %ne3A_1250 = arith.cmpi ne, %sign3A_1242, %sign3A_1249 : i32
      %rem3A_1251 = arith.remsi %reduce_sum3A_1233, %jit3A_1234 : i32
      %ne3A_1252 = arith.constant 0 : i32
      %ne3A_1253 = arith.cmpi ne, %rem3A_1251, %ne3A_1252 : i32
      %and3A_1254 = arith.andi %ne3A_1250, %ne3A_1253 : i1
      %sub3A_1255 = arith.constant 1 : i32
      %sub3A_1256 = arith.subi %div3A_1235, %sub3A_1255 : i32
      %select_n3A_1257 = arith.select %and3A_1254, %sub3A_1256, %div3A_1235 : i32
      %mul3A_1258 = arith.constant 128 : i32
      %mul3A_1259 = arith.muli %select_n3A_1257, %mul3A_1258 : i32
      %sub3A_1260 = arith.subi %reduce_sum3A_1233, %mul3A_1259 : i32
      %broadcast_in_dim3A_1261 = arith.constant 5 : i32
      %broadcast_in_dim3A_1262 = vector.broadcast %broadcast_in_dim3A_1261 : i32 to vector<16xi32>
      %broadcast_in_dim3A_1263 = vector.broadcast %sub3A_1260 : i32 to vector<16xi32>
      %gather3A_1264 = tpu.vector_load_idx %arg6[%broadcast_in_dim3A_1262, %iota3A, %broadcast_in_dim3A_1263] : memref<16x32x128xf32, #tpu.memory_space<vmem>>[vector<16xi32>, vector<16xi32>, vector<16xi32>], vector<16xf32>,
      %add3A_1265 = arith.constant 16 : i32
      %add3A_1266 = vector.broadcast %add3A_1265 : i32 to vector<16xi32>
      %add3A_1267 = arith.addi %iota3A, %add3A_1266 : vector<16xi32>
      %gather3A_1268 = tpu.vector_load_idx %arg6[%broadcast_in_dim3A_1262, %add3A_1267, %broadcast_in_dim3A_1263] : memref<16x32x128xf32, #tpu.memory_space<vmem>>[vector<16xi32>, vector<16xi32>, vector<16xi32>], vector<16xf32>,
      %mul3A_1269 = arith.constant 16 : i32
      %mul3A_1270 = arith.muli %scan3A_847, %mul3A_1269 : i32
      %add3A_1271 = arith.constant 5 : i32
      %add3A_1272 = arith.addi %mul3A_1270, %add3A_1271 : i32
      %broadcast_in_dim3A_1273 = vector.broadcast %add3A_1272 : i32 to vector<16xi32>
      tpu.vector_store_idx %arg7[%iota3A, %broadcast_in_dim3A_1273], %gather3A_1264 : memref<32x512xf32, #tpu.memory_space<vmem>>[vector<16xi32>, vector<16xi32>], vector<16xf32>,
      %add3A_1274 = arith.constant 16 : i32
      %add3A_1275 = vector.broadcast %add3A_1274 : i32 to vector<16xi32>
      %add3A_1276 = arith.addi %iota3A, %add3A_1275 : vector<16xi32>
      tpu.vector_store_idx %arg7[%add3A_1276, %broadcast_in_dim3A_1273], %gather3A_1268 : memref<32x512xf32, #tpu.memory_space<vmem>>[vector<16xi32>, vector<16xi32>], vector<16xf32>,
      %dma_wait3A_1277 = arith.constant 6 : i32
      %dma_wait3A_1278 = arith.constant 6 : i32
      %dma_wait3A_1279 = arith.constant 0 : i32
      %dma_wait3A_1280 = arith.constant 0 : i32
      %dma_wait3A_1281 = tpu.memref_slice %arg6[%dma_wait3A_1277, %dma_wait3A_1279, %dma_wait3A_1280] : memref<16x32x128xf32, #tpu.memory_space<vmem>> -> memref<1x32x128xf32, #tpu.memory_space<vmem>>
      %dma_wait3A_1282 = tpu.memref_squeeze %dma_wait3A_1281 : memref<1x32x128xf32, #tpu.memory_space<vmem>> -> memref<32x128xf32, #tpu.memory_space<vmem>>
      %dma_wait3A_1283 = arith.constant 0 : i32
      %dma_wait3A_1284 = arith.constant 0 : i32
      %dma_wait3A_1285 = tpu.memref_slice %arg2[%dma_wait3A_1283, %dma_wait3A_1284] : memref<32x1000000xf32, #tpu.memory_space<hbm>> -> memref<32x128xf32, #tpu.memory_space<hbm>>
      %dma_wait3A_1286 = tpu.memref_slice %arg8[%dma_wait3A_1278] : memref<16x!tpu.dma_semaphore, #tpu.memory_space<semaphore_mem>> -> memref<1x!tpu.dma_semaphore, #tpu.memory_space<semaphore_mem>>
      %dma_wait3A_1287 = tpu.memref_squeeze %dma_wait3A_1286 : memref<1x!tpu.dma_semaphore, #tpu.memory_space<semaphore_mem>> -> memref<!tpu.dma_semaphore, #tpu.memory_space<semaphore_mem>>
      %dma_wait3A_1288 = arith.constant 0 : i32
      %dma_wait3A_1289 = arith.constant 0 : i32
      %dma_wait3A_1290 = tpu.memref_slice %arg6[%dma_wait3A_1277, %dma_wait3A_1288, %dma_wait3A_1289] : memref<16x32x128xf32, #tpu.memory_space<vmem>> -> memref<1x32x128xf32, #tpu.memory_space<vmem>>
      %dma_wait3A_1291 = tpu.memref_squeeze %dma_wait3A_1290 : memref<1x32x128xf32, #tpu.memory_space<vmem>> -> memref<32x128xf32, #tpu.memory_space<vmem>>
      %dma_wait3A_1292 = arith.constant 0 : i32
      %dma_wait3A_1293 = arith.constant 0 : i32
      %dma_wait3A_1294 = tpu.memref_slice %arg2[%dma_wait3A_1292, %dma_wait3A_1293] : memref<32x1000000xf32, #tpu.memory_space<hbm>> -> memref<32x128xf32, #tpu.memory_space<hbm>>
      tpu.wait_dma2 semaphore(%dma_wait3A_1287 : memref<!tpu.dma_semaphore, #tpu.memory_space<semaphore_mem>>) src(%dma_wait3A_1294 : memref<32x128xf32, #tpu.memory_space<hbm>>) dst(%dma_wait3A_1291 : memref<32x128xf32, #tpu.memory_space<vmem>>)
      %eq3A_1295 = arith.constant 6 : i32
      %eq3A_1296 = vector.broadcast %eq3A_1295 : i32 to vector<16xi32>
      %eq3A_1297 = arith.cmpi eq, %iota3A, %eq3A_1296 : vector<16xi32>
      %jit3A_1298 = arith.constant 0 : i32
      %broadcast_in_dim3A_1299 = vector.broadcast %jit3A_1298 : i32 to vector<16xi32>
      %select_n3A_1300 = arith.select %eq3A_1297, %get3A_852, %broadcast_in_dim3A_1299 : vector<16xi1>, vector<16xi32>
      %reduce_sum3A_1301 = arith.constant true
      %reduce_sum3A_1302 = vector.broadcast %reduce_sum3A_1301 : i1 to vector<16xi1>
      %reduce_sum3A_1303 = tpu.scan <sum>, %select_n3A_1300 masked %reduce_sum3A_1302 : vector<16xi32>, vector<16xi1> -> vector<16xi32>
      %reduce_sum3A_1304 = vector.extract %reduce_sum3A_1303[15] : i32 from vector<16xi32>
      %jit3A_1305 = arith.constant 128 : i32
      %div3A_1306 = arith.divsi %reduce_sum3A_1304, %jit3A_1305 : i32
      %sign3A_1307 = arith.constant 0 : i32
      %sign3A_1308 = arith.cmpi sgt, %reduce_sum3A_1304, %sign3A_1307 : i32
      %sign3A_1309 = arith.extui %sign3A_1308 : i1 to i32
      %sign3A_1310 = arith.constant 0 : i32
      %sign3A_1311 = arith.cmpi slt, %reduce_sum3A_1304, %sign3A_1310 : i32
      %sign3A_1312 = arith.extui %sign3A_1311 : i1 to i32
      %sign3A_1313 = arith.subi %sign3A_1309, %sign3A_1312 : i32
      %sign3A_1314 = arith.constant 0 : i32
      %sign3A_1315 = arith.cmpi sgt, %jit3A_1305, %sign3A_1314 : i32
      %sign3A_1316 = arith.extui %sign3A_1315 : i1 to i32
      %sign3A_1317 = arith.constant 0 : i32
      %sign3A_1318 = arith.cmpi slt, %jit3A_1305, %sign3A_1317 : i32
      %sign3A_1319 = arith.extui %sign3A_1318 : i1 to i32
      %sign3A_1320 = arith.subi %sign3A_1316, %sign3A_1319 : i32
      %ne3A_1321 = arith.cmpi ne, %sign3A_1313, %sign3A_1320 : i32
      %rem3A_1322 = arith.remsi %reduce_sum3A_1304, %jit3A_1305 : i32
      %ne3A_1323 = arith.constant 0 : i32
      %ne3A_1324 = arith.cmpi ne, %rem3A_1322, %ne3A_1323 : i32
      %and3A_1325 = arith.andi %ne3A_1321, %ne3A_1324 : i1
      %sub3A_1326 = arith.constant 1 : i32
      %sub3A_1327 = arith.subi %div3A_1306, %sub3A_1326 : i32
      %select_n3A_1328 = arith.select %and3A_1325, %sub3A_1327, %div3A_1306 : i32
      %mul3A_1329 = arith.constant 128 : i32
      %mul3A_1330 = arith.muli %select_n3A_1328, %mul3A_1329 : i32
      %sub3A_1331 = arith.subi %reduce_sum3A_1304, %mul3A_1330 : i32
      %broadcast_in_dim3A_1332 = arith.constant 6 : i32
      %broadcast_in_dim3A_1333 = vector.broadcast %broadcast_in_dim3A_1332 : i32 to vector<16xi32>
      %broadcast_in_dim3A_1334 = vector.broadcast %sub3A_1331 : i32 to vector<16xi32>
      %gather3A_1335 = tpu.vector_load_idx %arg6[%broadcast_in_dim3A_1333, %iota3A, %broadcast_in_dim3A_1334] : memref<16x32x128xf32, #tpu.memory_space<vmem>>[vector<16xi32>, vector<16xi32>, vector<16xi32>], vector<16xf32>,
      %add3A_1336 = arith.constant 16 : i32
      %add3A_1337 = vector.broadcast %add3A_1336 : i32 to vector<16xi32>
      %add3A_1338 = arith.addi %iota3A, %add3A_1337 : vector<16xi32>
      %gather3A_1339 = tpu.vector_load_idx %arg6[%broadcast_in_dim3A_1333, %add3A_1338, %broadcast_in_dim3A_1334] : memref<16x32x128xf32, #tpu.memory_space<vmem>>[vector<16xi32>, vector<16xi32>, vector<16xi32>], vector<16xf32>,
      %mul3A_1340 = arith.constant 16 : i32
      %mul3A_1341 = arith.muli %scan3A_847, %mul3A_1340 : i32
      %add3A_1342 = arith.constant 6 : i32
      %add3A_1343 = arith.addi %mul3A_1341, %add3A_1342 : i32
      %broadcast_in_dim3A_1344 = vector.broadcast %add3A_1343 : i32 to vector<16xi32>
      tpu.vector_store_idx %arg7[%iota3A, %broadcast_in_dim3A_1344], %gather3A_1335 : memref<32x512xf32, #tpu.memory_space<vmem>>[vector<16xi32>, vector<16xi32>], vector<16xf32>,
      %add3A_1345 = arith.constant 16 : i32
      %add3A_1346 = vector.broadcast %add3A_1345 : i32 to vector<16xi32>
      %add3A_1347 = arith.addi %iota3A, %add3A_1346 : vector<16xi32>
      tpu.vector_store_idx %arg7[%add3A_1347, %broadcast_in_dim3A_1344], %gather3A_1339 : memref<32x512xf32, #tpu.memory_space<vmem>>[vector<16xi32>, vector<16xi32>], vector<16xf32>,
      %dma_wait3A_1348 = arith.constant 7 : i32
      %dma_wait3A_1349 = arith.constant 7 : i32
      %dma_wait3A_1350 = arith.constant 0 : i32
      %dma_wait3A_1351 = arith.constant 0 : i32
      %dma_wait3A_1352 = tpu.memref_slice %arg6[%dma_wait3A_1348, %dma_wait3A_1350, %dma_wait3A_1351] : memref<16x32x128xf32, #tpu.memory_space<vmem>> -> memref<1x32x128xf32, #tpu.memory_space<vmem>>
      %dma_wait3A_1353 = tpu.memref_squeeze %dma_wait3A_1352 : memref<1x32x128xf32, #tpu.memory_space<vmem>> -> memref<32x128xf32, #tpu.memory_space<vmem>>
      %dma_wait3A_1354 = arith.constant 0 : i32
      %dma_wait3A_1355 = arith.constant 0 : i32
      %dma_wait3A_1356 = tpu.memref_slice %arg2[%dma_wait3A_1354, %dma_wait3A_1355] : memref<32x1000000xf32, #tpu.memory_space<hbm>> -> memref<32x128xf32, #tpu.memory_space<hbm>>
      %dma_wait3A_1357 = tpu.memref_slice %arg8[%dma_wait3A_1349] : memref<16x!tpu.dma_semaphore, #tpu.memory_space<semaphore_mem>> -> memref<1x!tpu.dma_semaphore, #tpu.memory_space<semaphore_mem>>
      %dma_wait3A_1358 = tpu.memref_squeeze %dma_wait3A_1357 : memref<1x!tpu.dma_semaphore, #tpu.memory_space<semaphore_mem>> -> memref<!tpu.dma_semaphore, #tpu.memory_space<semaphore_mem>>
      %dma_wait3A_1359 = arith.constant 0 : i32
      %dma_wait3A_1360 = arith.constant 0 : i32
      %dma_wait3A_1361 = tpu.memref_slice %arg6[%dma_wait3A_1348, %dma_wait3A_1359, %dma_wait3A_1360] : memref<16x32x128xf32, #tpu.memory_space<vmem>> -> memref<1x32x128xf32, #tpu.memory_space<vmem>>
      %dma_wait3A_1362 = tpu.memref_squeeze %dma_wait3A_1361 : memref<1x32x128xf32, #tpu.memory_space<vmem>> -> memref<32x128xf32, #tpu.memory_space<vmem>>
      %dma_wait3A_1363 = arith.constant 0 : i32
      %dma_wait3A_1364 = arith.constant 0 : i32
      %dma_wait3A_1365 = tpu.memref_slice %arg2[%dma_wait3A_1363, %dma_wait3A_1364] : memref<32x1000000xf32, #tpu.memory_space<hbm>> -> memref<32x128xf32, #tpu.memory_space<hbm>>
      tpu.wait_dma2 semaphore(%dma_wait3A_1358 : memref<!tpu.dma_semaphore, #tpu.memory_space<semaphore_mem>>) src(%dma_wait3A_1365 : memref<32x128xf32, #tpu.memory_space<hbm>>) dst(%dma_wait3A_1362 : memref<32x128xf32, #tpu.memory_space<vmem>>)
      %eq3A_1366 = arith.constant 7 : i32
      %eq3A_1367 = vector.broadcast %eq3A_1366 : i32 to vector<16xi32>
      %eq3A_1368 = arith.cmpi eq, %iota3A, %eq3A_1367 : vector<16xi32>
      %jit3A_1369 = arith.constant 0 : i32
      %broadcast_in_dim3A_1370 = vector.broadcast %jit3A_1369 : i32 to vector<16xi32>
      %select_n3A_1371 = arith.select %eq3A_1368, %get3A_852, %broadcast_in_dim3A_1370 : vector<16xi1>, vector<16xi32>
      %reduce_sum3A_1372 = arith.constant true
      %reduce_sum3A_1373 = vector.broadcast %reduce_sum3A_1372 : i1 to vector<16xi1>
      %reduce_sum3A_1374 = tpu.scan <sum>, %select_n3A_1371 masked %reduce_sum3A_1373 : vector<16xi32>, vector<16xi1> -> vector<16xi32>
      %reduce_sum3A_1375 = vector.extract %reduce_sum3A_1374[15] : i32 from vector<16xi32>
      %jit3A_1376 = arith.constant 128 : i32
      %div3A_1377 = arith.divsi %reduce_sum3A_1375, %jit3A_1376 : i32
      %sign3A_1378 = arith.constant 0 : i32
      %sign3A_1379 = arith.cmpi sgt, %reduce_sum3A_1375, %sign3A_1378 : i32
      %sign3A_1380 = arith.extui %sign3A_1379 : i1 to i32
      %sign3A_1381 = arith.constant 0 : i32
      %sign3A_1382 = arith.cmpi slt, %reduce_sum3A_1375, %sign3A_1381 : i32
      %sign3A_1383 = arith.extui %sign3A_1382 : i1 to i32
      %sign3A_1384 = arith.subi %sign3A_1380, %sign3A_1383 : i32
      %sign3A_1385 = arith.constant 0 : i32
      %sign3A_1386 = arith.cmpi sgt, %jit3A_1376, %sign3A_1385 : i32
      %sign3A_1387 = arith.extui %sign3A_1386 : i1 to i32
      %sign3A_1388 = arith.constant 0 : i32
      %sign3A_1389 = arith.cmpi slt, %jit3A_1376, %sign3A_1388 : i32
      %sign3A_1390 = arith.extui %sign3A_1389 : i1 to i32
      %sign3A_1391 = arith.subi %sign3A_1387, %sign3A_1390 : i32
      %ne3A_1392 = arith.cmpi ne, %sign3A_1384, %sign3A_1391 : i32
      %rem3A_1393 = arith.remsi %reduce_sum3A_1375, %jit3A_1376 : i32
      %ne3A_1394 = arith.constant 0 : i32
      %ne3A_1395 = arith.cmpi ne, %rem3A_1393, %ne3A_1394 : i32
      %and3A_1396 = arith.andi %ne3A_1392, %ne3A_1395 : i1
      %sub3A_1397 = arith.constant 1 : i32
      %sub3A_1398 = arith.subi %div3A_1377, %sub3A_1397 : i32
      %select_n3A_1399 = arith.select %and3A_1396, %sub3A_1398, %div3A_1377 : i32
      %mul3A_1400 = arith.constant 128 : i32
      %mul3A_1401 = arith.muli %select_n3A_1399, %mul3A_1400 : i32
      %sub3A_1402 = arith.subi %reduce_sum3A_1375, %mul3A_1401 : i32
      %broadcast_in_dim3A_1403 = arith.constant 7 : i32
      %broadcast_in_dim3A_1404 = vector.broadcast %broadcast_in_dim3A_1403 : i32 to vector<16xi32>
      %broadcast_in_dim3A_1405 = vector.broadcast %sub3A_1402 : i32 to vector<16xi32>
      %gather3A_1406 = tpu.vector_load_idx %arg6[%broadcast_in_dim3A_1404, %iota3A, %broadcast_in_dim3A_1405] : memref<16x32x128xf32, #tpu.memory_space<vmem>>[vector<16xi32>, vector<16xi32>, vector<16xi32>], vector<16xf32>,
      %add3A_1407 = arith.constant 16 : i32
      %add3A_1408 = vector.broadcast %add3A_1407 : i32 to vector<16xi32>
      %add3A_1409 = arith.addi %iota3A, %add3A_1408 : vector<16xi32>
      %gather3A_1410 = tpu.vector_load_idx %arg6[%broadcast_in_dim3A_1404, %add3A_1409, %broadcast_in_dim3A_1405] : memref<16x32x128xf32, #tpu.memory_space<vmem>>[vector<16xi32>, vector<16xi32>, vector<16xi32>], vector<16xf32>,
      %mul3A_1411 = arith.constant 16 : i32
      %mul3A_1412 = arith.muli %scan3A_847, %mul3A_1411 : i32
      %add3A_1413 = arith.constant 7 : i32
      %add3A_1414 = arith.addi %mul3A_1412, %add3A_1413 : i32
      %broadcast_in_dim3A_1415 = vector.broadcast %add3A_1414 : i32 to vector<16xi32>
      tpu.vector_store_idx %arg7[%iota3A, %broadcast_in_dim3A_1415], %gather3A_1406 : memref<32x512xf32, #tpu.memory_space<vmem>>[vector<16xi32>, vector<16xi32>], vector<16xf32>,
      %add3A_1416 = arith.constant 16 : i32
      %add3A_1417 = vector.broadcast %add3A_1416 : i32 to vector<16xi32>
      %add3A_1418 = arith.addi %iota3A, %add3A_1417 : vector<16xi32>
      tpu.vector_store_idx %arg7[%add3A_1418, %broadcast_in_dim3A_1415], %gather3A_1410 : memref<32x512xf32, #tpu.memory_space<vmem>>[vector<16xi32>, vector<16xi32>], vector<16xf32>,
      %dma_wait3A_1419 = arith.constant 8 : i32
      %dma_wait3A_1420 = arith.constant 8 : i32
      %dma_wait3A_1421 = arith.constant 0 : i32
      %dma_wait3A_1422 = arith.constant 0 : i32
      %dma_wait3A_1423 = tpu.memref_slice %arg6[%dma_wait3A_1419, %dma_wait3A_1421, %dma_wait3A_1422] : memref<16x32x128xf32, #tpu.memory_space<vmem>> -> memref<1x32x128xf32, #tpu.memory_space<vmem>>
      %dma_wait3A_1424 = tpu.memref_squeeze %dma_wait3A_1423 : memref<1x32x128xf32, #tpu.memory_space<vmem>> -> memref<32x128xf32, #tpu.memory_space<vmem>>
      %dma_wait3A_1425 = arith.constant 0 : i32
      %dma_wait3A_1426 = arith.constant 0 : i32
      %dma_wait3A_1427 = tpu.memref_slice %arg2[%dma_wait3A_1425, %dma_wait3A_1426] : memref<32x1000000xf32, #tpu.memory_space<hbm>> -> memref<32x128xf32, #tpu.memory_space<hbm>>
      %dma_wait3A_1428 = tpu.memref_slice %arg8[%dma_wait3A_1420] : memref<16x!tpu.dma_semaphore, #tpu.memory_space<semaphore_mem>> -> memref<1x!tpu.dma_semaphore, #tpu.memory_space<semaphore_mem>>
      %dma_wait3A_1429 = tpu.memref_squeeze %dma_wait3A_1428 : memref<1x!tpu.dma_semaphore, #tpu.memory_space<semaphore_mem>> -> memref<!tpu.dma_semaphore, #tpu.memory_space<semaphore_mem>>
      %dma_wait3A_1430 = arith.constant 0 : i32
      %dma_wait3A_1431 = arith.constant 0 : i32
      %dma_wait3A_1432 = tpu.memref_slice %arg6[%dma_wait3A_1419, %dma_wait3A_1430, %dma_wait3A_1431] : memref<16x32x128xf32, #tpu.memory_space<vmem>> -> memref<1x32x128xf32, #tpu.memory_space<vmem>>
      %dma_wait3A_1433 = tpu.memref_squeeze %dma_wait3A_1432 : memref<1x32x128xf32, #tpu.memory_space<vmem>> -> memref<32x128xf32, #tpu.memory_space<vmem>>
      %dma_wait3A_1434 = arith.constant 0 : i32
      %dma_wait3A_1435 = arith.constant 0 : i32
      %dma_wait3A_1436 = tpu.memref_slice %arg2[%dma_wait3A_1434, %dma_wait3A_1435] : memref<32x1000000xf32, #tpu.memory_space<hbm>> -> memref<32x128xf32, #tpu.memory_space<hbm>>
      tpu.wait_dma2 semaphore(%dma_wait3A_1429 : memref<!tpu.dma_semaphore, #tpu.memory_space<semaphore_mem>>) src(%dma_wait3A_1436 : memref<32x128xf32, #tpu.memory_space<hbm>>) dst(%dma_wait3A_1433 : memref<32x128xf32, #tpu.memory_space<vmem>>)
      %eq3A_1437 = arith.constant 8 : i32
      %eq3A_1438 = vector.broadcast %eq3A_1437 : i32 to vector<16xi32>
      %eq3A_1439 = arith.cmpi eq, %iota3A, %eq3A_1438 : vector<16xi32>
      %jit3A_1440 = arith.constant 0 : i32
      %broadcast_in_dim3A_1441 = vector.broadcast %jit3A_1440 : i32 to vector<16xi32>
      %select_n3A_1442 = arith.select %eq3A_1439, %get3A_852, %broadcast_in_dim3A_1441 : vector<16xi1>, vector<16xi32>
      %reduce_sum3A_1443 = arith.constant true
      %reduce_sum3A_1444 = vector.broadcast %reduce_sum3A_1443 : i1 to vector<16xi1>
      %reduce_sum3A_1445 = tpu.scan <sum>, %select_n3A_1442 masked %reduce_sum3A_1444 : vector<16xi32>, vector<16xi1> -> vector<16xi32>
      %reduce_sum3A_1446 = vector.extract %reduce_sum3A_1445[15] : i32 from vector<16xi32>
      %jit3A_1447 = arith.constant 128 : i32
      %div3A_1448 = arith.divsi %reduce_sum3A_1446, %jit3A_1447 : i32
      %sign3A_1449 = arith.constant 0 : i32
      %sign3A_1450 = arith.cmpi sgt, %reduce_sum3A_1446, %sign3A_1449 : i32
      %sign3A_1451 = arith.extui %sign3A_1450 : i1 to i32
      %sign3A_1452 = arith.constant 0 : i32
      %sign3A_1453 = arith.cmpi slt, %reduce_sum3A_1446, %sign3A_1452 : i32
      %sign3A_1454 = arith.extui %sign3A_1453 : i1 to i32
      %sign3A_1455 = arith.subi %sign3A_1451, %sign3A_1454 : i32
      %sign3A_1456 = arith.constant 0 : i32
      %sign3A_1457 = arith.cmpi sgt, %jit3A_1447, %sign3A_1456 : i32
      %sign3A_1458 = arith.extui %sign3A_1457 : i1 to i32
      %sign3A_1459 = arith.constant 0 : i32
      %sign3A_1460 = arith.cmpi slt, %jit3A_1447, %sign3A_1459 : i32
      %sign3A_1461 = arith.extui %sign3A_1460 : i1 to i32
      %sign3A_1462 = arith.subi %sign3A_1458, %sign3A_1461 : i32
      %ne3A_1463 = arith.cmpi ne, %sign3A_1455, %sign3A_1462 : i32
      %rem3A_1464 = arith.remsi %reduce_sum3A_1446, %jit3A_1447 : i32
      %ne3A_1465 = arith.constant 0 : i32
      %ne3A_1466 = arith.cmpi ne, %rem3A_1464, %ne3A_1465 : i32
      %and3A_1467 = arith.andi %ne3A_1463, %ne3A_1466 : i1
      %sub3A_1468 = arith.constant 1 : i32
      %sub3A_1469 = arith.subi %div3A_1448, %sub3A_1468 : i32
      %select_n3A_1470 = arith.select %and3A_1467, %sub3A_1469, %div3A_1448 : i32
      %mul3A_1471 = arith.constant 128 : i32
      %mul3A_1472 = arith.muli %select_n3A_1470, %mul3A_1471 : i32
      %sub3A_1473 = arith.subi %reduce_sum3A_1446, %mul3A_1472 : i32
      %broadcast_in_dim3A_1474 = arith.constant 8 : i32
      %broadcast_in_dim3A_1475 = vector.broadcast %broadcast_in_dim3A_1474 : i32 to vector<16xi32>
      %broadcast_in_dim3A_1476 = vector.broadcast %sub3A_1473 : i32 to vector<16xi32>
      %gather3A_1477 = tpu.vector_load_idx %arg6[%broadcast_in_dim3A_1475, %iota3A, %broadcast_in_dim3A_1476] : memref<16x32x128xf32, #tpu.memory_space<vmem>>[vector<16xi32>, vector<16xi32>, vector<16xi32>], vector<16xf32>,
      %add3A_1478 = arith.constant 16 : i32
      %add3A_1479 = vector.broadcast %add3A_1478 : i32 to vector<16xi32>
      %add3A_1480 = arith.addi %iota3A, %add3A_1479 : vector<16xi32>
      %gather3A_1481 = tpu.vector_load_idx %arg6[%broadcast_in_dim3A_1475, %add3A_1480, %broadcast_in_dim3A_1476] : memref<16x32x128xf32, #tpu.memory_space<vmem>>[vector<16xi32>, vector<16xi32>, vector<16xi32>], vector<16xf32>,
      %mul3A_1482 = arith.constant 16 : i32
      %mul3A_1483 = arith.muli %scan3A_847, %mul3A_1482 : i32
      %add3A_1484 = arith.constant 8 : i32
      %add3A_1485 = arith.addi %mul3A_1483, %add3A_1484 : i32
      %broadcast_in_dim3A_1486 = vector.broadcast %add3A_1485 : i32 to vector<16xi32>
      tpu.vector_store_idx %arg7[%iota3A, %broadcast_in_dim3A_1486], %gather3A_1477 : memref<32x512xf32, #tpu.memory_space<vmem>>[vector<16xi32>, vector<16xi32>], vector<16xf32>,
      %add3A_1487 = arith.constant 16 : i32
      %add3A_1488 = vector.broadcast %add3A_1487 : i32 to vector<16xi32>
      %add3A_1489 = arith.addi %iota3A, %add3A_1488 : vector<16xi32>
      tpu.vector_store_idx %arg7[%add3A_1489, %broadcast_in_dim3A_1486], %gather3A_1481 : memref<32x512xf32, #tpu.memory_space<vmem>>[vector<16xi32>, vector<16xi32>], vector<16xf32>,
      %dma_wait3A_1490 = arith.constant 9 : i32
      %dma_wait3A_1491 = arith.constant 9 : i32
      %dma_wait3A_1492 = arith.constant 0 : i32
      %dma_wait3A_1493 = arith.constant 0 : i32
      %dma_wait3A_1494 = tpu.memref_slice %arg6[%dma_wait3A_1490, %dma_wait3A_1492, %dma_wait3A_1493] : memref<16x32x128xf32, #tpu.memory_space<vmem>> -> memref<1x32x128xf32, #tpu.memory_space<vmem>>
      %dma_wait3A_1495 = tpu.memref_squeeze %dma_wait3A_1494 : memref<1x32x128xf32, #tpu.memory_space<vmem>> -> memref<32x128xf32, #tpu.memory_space<vmem>>
      %dma_wait3A_1496 = arith.constant 0 : i32
      %dma_wait3A_1497 = arith.constant 0 : i32
      %dma_wait3A_1498 = tpu.memref_slice %arg2[%dma_wait3A_1496, %dma_wait3A_1497] : memref<32x1000000xf32, #tpu.memory_space<hbm>> -> memref<32x128xf32, #tpu.memory_space<hbm>>
      %dma_wait3A_1499 = tpu.memref_slice %arg8[%dma_wait3A_1491] : memref<16x!tpu.dma_semaphore, #tpu.memory_space<semaphore_mem>> -> memref<1x!tpu.dma_semaphore, #tpu.memory_space<semaphore_mem>>
      %dma_wait3A_1500 = tpu.memref_squeeze %dma_wait3A_1499 : memref<1x!tpu.dma_semaphore, #tpu.memory_space<semaphore_mem>> -> memref<!tpu.dma_semaphore, #tpu.memory_space<semaphore_mem>>
      %dma_wait3A_1501 = arith.constant 0 : i32
      %dma_wait3A_1502 = arith.constant 0 : i32
      %dma_wait3A_1503 = tpu.memref_slice %arg6[%dma_wait3A_1490, %dma_wait3A_1501, %dma_wait3A_1502] : memref<16x32x128xf32, #tpu.memory_space<vmem>> -> memref<1x32x128xf32, #tpu.memory_space<vmem>>
      %dma_wait3A_1504 = tpu.memref_squeeze %dma_wait3A_1503 : memref<1x32x128xf32, #tpu.memory_space<vmem>> -> memref<32x128xf32, #tpu.memory_space<vmem>>
      %dma_wait3A_1505 = arith.constant 0 : i32
      %dma_wait3A_1506 = arith.constant 0 : i32
      %dma_wait3A_1507 = tpu.memref_slice %arg2[%dma_wait3A_1505, %dma_wait3A_1506] : memref<32x1000000xf32, #tpu.memory_space<hbm>> -> memref<32x128xf32, #tpu.memory_space<hbm>>
      tpu.wait_dma2 semaphore(%dma_wait3A_1500 : memref<!tpu.dma_semaphore, #tpu.memory_space<semaphore_mem>>) src(%dma_wait3A_1507 : memref<32x128xf32, #tpu.memory_space<hbm>>) dst(%dma_wait3A_1504 : memref<32x128xf32, #tpu.memory_space<vmem>>)
      %eq3A_1508 = arith.constant 9 : i32
      %eq3A_1509 = vector.broadcast %eq3A_1508 : i32 to vector<16xi32>
      %eq3A_1510 = arith.cmpi eq, %iota3A, %eq3A_1509 : vector<16xi32>
      %jit3A_1511 = arith.constant 0 : i32
      %broadcast_in_dim3A_1512 = vector.broadcast %jit3A_1511 : i32 to vector<16xi32>
      %select_n3A_1513 = arith.select %eq3A_1510, %get3A_852, %broadcast_in_dim3A_1512 : vector<16xi1>, vector<16xi32>
      %reduce_sum3A_1514 = arith.constant true
      %reduce_sum3A_1515 = vector.broadcast %reduce_sum3A_1514 : i1 to vector<16xi1>
      %reduce_sum3A_1516 = tpu.scan <sum>, %select_n3A_1513 masked %reduce_sum3A_1515 : vector<16xi32>, vector<16xi1> -> vector<16xi32>
      %reduce_sum3A_1517 = vector.extract %reduce_sum3A_1516[15] : i32 from vector<16xi32>
      %jit3A_1518 = arith.constant 128 : i32
      %div3A_1519 = arith.divsi %reduce_sum3A_1517, %jit3A_1518 : i32
      %sign3A_1520 = arith.constant 0 : i32
      %sign3A_1521 = arith.cmpi sgt, %reduce_sum3A_1517, %sign3A_1520 : i32
      %sign3A_1522 = arith.extui %sign3A_1521 : i1 to i32
      %sign3A_1523 = arith.constant 0 : i32
      %sign3A_1524 = arith.cmpi slt, %reduce_sum3A_1517, %sign3A_1523 : i32
      %sign3A_1525 = arith.extui %sign3A_1524 : i1 to i32
      %sign3A_1526 = arith.subi %sign3A_1522, %sign3A_1525 : i32
      %sign3A_1527 = arith.constant 0 : i32
      %sign3A_1528 = arith.cmpi sgt, %jit3A_1518, %sign3A_1527 : i32
      %sign3A_1529 = arith.extui %sign3A_1528 : i1 to i32
      %sign3A_1530 = arith.constant 0 : i32
      %sign3A_1531 = arith.cmpi slt, %jit3A_1518, %sign3A_1530 : i32
      %sign3A_1532 = arith.extui %sign3A_1531 : i1 to i32
      %sign3A_1533 = arith.subi %sign3A_1529, %sign3A_1532 : i32
      %ne3A_1534 = arith.cmpi ne, %sign3A_1526, %sign3A_1533 : i32
      %rem3A_1535 = arith.remsi %reduce_sum3A_1517, %jit3A_1518 : i32
      %ne3A_1536 = arith.constant 0 : i32
      %ne3A_1537 = arith.cmpi ne, %rem3A_1535, %ne3A_1536 : i32
      %and3A_1538 = arith.andi %ne3A_1534, %ne3A_1537 : i1
      %sub3A_1539 = arith.constant 1 : i32
      %sub3A_1540 = arith.subi %div3A_1519, %sub3A_1539 : i32
      %select_n3A_1541 = arith.select %and3A_1538, %sub3A_1540, %div3A_1519 : i32
      %mul3A_1542 = arith.constant 128 : i32
      %mul3A_1543 = arith.muli %select_n3A_1541, %mul3A_1542 : i32
      %sub3A_1544 = arith.subi %reduce_sum3A_1517, %mul3A_1543 : i32
      %broadcast_in_dim3A_1545 = arith.constant 9 : i32
      %broadcast_in_dim3A_1546 = vector.broadcast %broadcast_in_dim3A_1545 : i32 to vector<16xi32>
      %broadcast_in_dim3A_1547 = vector.broadcast %sub3A_1544 : i32 to vector<16xi32>
      %gather3A_1548 = tpu.vector_load_idx %arg6[%broadcast_in_dim3A_1546, %iota3A, %broadcast_in_dim3A_1547] : memref<16x32x128xf32, #tpu.memory_space<vmem>>[vector<16xi32>, vector<16xi32>, vector<16xi32>], vector<16xf32>,
      %add3A_1549 = arith.constant 16 : i32
      %add3A_1550 = vector.broadcast %add3A_1549 : i32 to vector<16xi32>
      %add3A_1551 = arith.addi %iota3A, %add3A_1550 : vector<16xi32>
      %gather3A_1552 = tpu.vector_load_idx %arg6[%broadcast_in_dim3A_1546, %add3A_1551, %broadcast_in_dim3A_1547] : memref<16x32x128xf32, #tpu.memory_space<vmem>>[vector<16xi32>, vector<16xi32>, vector<16xi32>], vector<16xf32>,
      %mul3A_1553 = arith.constant 16 : i32
      %mul3A_1554 = arith.muli %scan3A_847, %mul3A_1553 : i32
      %add3A_1555 = arith.constant 9 : i32
      %add3A_1556 = arith.addi %mul3A_1554, %add3A_1555 : i32
      %broadcast_in_dim3A_1557 = vector.broadcast %add3A_1556 : i32 to vector<16xi32>
      tpu.vector_store_idx %arg7[%iota3A, %broadcast_in_dim3A_1557], %gather3A_1548 : memref<32x512xf32, #tpu.memory_space<vmem>>[vector<16xi32>, vector<16xi32>], vector<16xf32>,
      %add3A_1558 = arith.constant 16 : i32
      %add3A_1559 = vector.broadcast %add3A_1558 : i32 to vector<16xi32>
      %add3A_1560 = arith.addi %iota3A, %add3A_1559 : vector<16xi32>
      tpu.vector_store_idx %arg7[%add3A_1560, %broadcast_in_dim3A_1557], %gather3A_1552 : memref<32x512xf32, #tpu.memory_space<vmem>>[vector<16xi32>, vector<16xi32>], vector<16xf32>,
      %dma_wait3A_1561 = arith.constant 10 : i32
      %dma_wait3A_1562 = arith.constant 10 : i32
      %dma_wait3A_1563 = arith.constant 0 : i32
      %dma_wait3A_1564 = arith.constant 0 : i32
      %dma_wait3A_1565 = tpu.memref_slice %arg6[%dma_wait3A_1561, %dma_wait3A_1563, %dma_wait3A_1564] : memref<16x32x128xf32, #tpu.memory_space<vmem>> -> memref<1x32x128xf32, #tpu.memory_space<vmem>>
      %dma_wait3A_1566 = tpu.memref_squeeze %dma_wait3A_1565 : memref<1x32x128xf32, #tpu.memory_space<vmem>> -> memref<32x128xf32, #tpu.memory_space<vmem>>
      %dma_wait3A_1567 = arith.constant 0 : i32
      %dma_wait3A_1568 = arith.constant 0 : i32
      %dma_wait3A_1569 = tpu.memref_slice %arg2[%dma_wait3A_1567, %dma_wait3A_1568] : memref<32x1000000xf32, #tpu.memory_space<hbm>> -> memref<32x128xf32, #tpu.memory_space<hbm>>
      %dma_wait3A_1570 = tpu.memref_slice %arg8[%dma_wait3A_1562] : memref<16x!tpu.dma_semaphore, #tpu.memory_space<semaphore_mem>> -> memref<1x!tpu.dma_semaphore, #tpu.memory_space<semaphore_mem>>
      %dma_wait3A_1571 = tpu.memref_squeeze %dma_wait3A_1570 : memref<1x!tpu.dma_semaphore, #tpu.memory_space<semaphore_mem>> -> memref<!tpu.dma_semaphore, #tpu.memory_space<semaphore_mem>>
      %dma_wait3A_1572 = arith.constant 0 : i32
      %dma_wait3A_1573 = arith.constant 0 : i32
      %dma_wait3A_1574 = tpu.memref_slice %arg6[%dma_wait3A_1561, %dma_wait3A_1572, %dma_wait3A_1573] : memref<16x32x128xf32, #tpu.memory_space<vmem>> -> memref<1x32x128xf32, #tpu.memory_space<vmem>>
      %dma_wait3A_1575 = tpu.memref_squeeze %dma_wait3A_1574 : memref<1x32x128xf32, #tpu.memory_space<vmem>> -> memref<32x128xf32, #tpu.memory_space<vmem>>
      %dma_wait3A_1576 = arith.constant 0 : i32
      %dma_wait3A_1577 = arith.constant 0 : i32
      %dma_wait3A_1578 = tpu.memref_slice %arg2[%dma_wait3A_1576, %dma_wait3A_1577] : memref<32x1000000xf32, #tpu.memory_space<hbm>> -> memref<32x128xf32, #tpu.memory_space<hbm>>
      tpu.wait_dma2 semaphore(%dma_wait3A_1571 : memref<!tpu.dma_semaphore, #tpu.memory_space<semaphore_mem>>) src(%dma_wait3A_1578 : memref<32x128xf32, #tpu.memory_space<hbm>>) dst(%dma_wait3A_1575 : memref<32x128xf32, #tpu.memory_space<vmem>>)
      %eq3A_1579 = arith.constant 10 : i32
      %eq3A_1580 = vector.broadcast %eq3A_1579 : i32 to vector<16xi32>
      %eq3A_1581 = arith.cmpi eq, %iota3A, %eq3A_1580 : vector<16xi32>
      %jit3A_1582 = arith.constant 0 : i32
      %broadcast_in_dim3A_1583 = vector.broadcast %jit3A_1582 : i32 to vector<16xi32>
      %select_n3A_1584 = arith.select %eq3A_1581, %get3A_852, %broadcast_in_dim3A_1583 : vector<16xi1>, vector<16xi32>
      %reduce_sum3A_1585 = arith.constant true
      %reduce_sum3A_1586 = vector.broadcast %reduce_sum3A_1585 : i1 to vector<16xi1>
      %reduce_sum3A_1587 = tpu.scan <sum>, %select_n3A_1584 masked %reduce_sum3A_1586 : vector<16xi32>, vector<16xi1> -> vector<16xi32>
      %reduce_sum3A_1588 = vector.extract %reduce_sum3A_1587[15] : i32 from vector<16xi32>
      %jit3A_1589 = arith.constant 128 : i32
      %div3A_1590 = arith.divsi %reduce_sum3A_1588, %jit3A_1589 : i32
      %sign3A_1591 = arith.constant 0 : i32
      %sign3A_1592 = arith.cmpi sgt, %reduce_sum3A_1588, %sign3A_1591 : i32
      %sign3A_1593 = arith.extui %sign3A_1592 : i1 to i32
      %sign3A_1594 = arith.constant 0 : i32
      %sign3A_1595 = arith.cmpi slt, %reduce_sum3A_1588, %sign3A_1594 : i32
      %sign3A_1596 = arith.extui %sign3A_1595 : i1 to i32
      %sign3A_1597 = arith.subi %sign3A_1593, %sign3A_1596 : i32
      %sign3A_1598 = arith.constant 0 : i32
      %sign3A_1599 = arith.cmpi sgt, %jit3A_1589, %sign3A_1598 : i32
      %sign3A_1600 = arith.extui %sign3A_1599 : i1 to i32
      %sign3A_1601 = arith.constant 0 : i32
      %sign3A_1602 = arith.cmpi slt, %jit3A_1589, %sign3A_1601 : i32
      %sign3A_1603 = arith.extui %sign3A_1602 : i1 to i32
      %sign3A_1604 = arith.subi %sign3A_1600, %sign3A_1603 : i32
      %ne3A_1605 = arith.cmpi ne, %sign3A_1597, %sign3A_1604 : i32
      %rem3A_1606 = arith.remsi %reduce_sum3A_1588, %jit3A_1589 : i32
      %ne3A_1607 = arith.constant 0 : i32
      %ne3A_1608 = arith.cmpi ne, %rem3A_1606, %ne3A_1607 : i32
      %and3A_1609 = arith.andi %ne3A_1605, %ne3A_1608 : i1
      %sub3A_1610 = arith.constant 1 : i32
      %sub3A_1611 = arith.subi %div3A_1590, %sub3A_1610 : i32
      %select_n3A_1612 = arith.select %and3A_1609, %sub3A_1611, %div3A_1590 : i32
      %mul3A_1613 = arith.constant 128 : i32
      %mul3A_1614 = arith.muli %select_n3A_1612, %mul3A_1613 : i32
      %sub3A_1615 = arith.subi %reduce_sum3A_1588, %mul3A_1614 : i32
      %broadcast_in_dim3A_1616 = arith.constant 10 : i32
      %broadcast_in_dim3A_1617 = vector.broadcast %broadcast_in_dim3A_1616 : i32 to vector<16xi32>
      %broadcast_in_dim3A_1618 = vector.broadcast %sub3A_1615 : i32 to vector<16xi32>
      %gather3A_1619 = tpu.vector_load_idx %arg6[%broadcast_in_dim3A_1617, %iota3A, %broadcast_in_dim3A_1618] : memref<16x32x128xf32, #tpu.memory_space<vmem>>[vector<16xi32>, vector<16xi32>, vector<16xi32>], vector<16xf32>,
      %add3A_1620 = arith.constant 16 : i32
      %add3A_1621 = vector.broadcast %add3A_1620 : i32 to vector<16xi32>
      %add3A_1622 = arith.addi %iota3A, %add3A_1621 : vector<16xi32>
      %gather3A_1623 = tpu.vector_load_idx %arg6[%broadcast_in_dim3A_1617, %add3A_1622, %broadcast_in_dim3A_1618] : memref<16x32x128xf32, #tpu.memory_space<vmem>>[vector<16xi32>, vector<16xi32>, vector<16xi32>], vector<16xf32>,
      %mul3A_1624 = arith.constant 16 : i32
      %mul3A_1625 = arith.muli %scan3A_847, %mul3A_1624 : i32
      %add3A_1626 = arith.constant 10 : i32
      %add3A_1627 = arith.addi %mul3A_1625, %add3A_1626 : i32
      %broadcast_in_dim3A_1628 = vector.broadcast %add3A_1627 : i32 to vector<16xi32>
      tpu.vector_store_idx %arg7[%iota3A, %broadcast_in_dim3A_1628], %gather3A_1619 : memref<32x512xf32, #tpu.memory_space<vmem>>[vector<16xi32>, vector<16xi32>], vector<16xf32>,
      %add3A_1629 = arith.constant 16 : i32
      %add3A_1630 = vector.broadcast %add3A_1629 : i32 to vector<16xi32>
      %add3A_1631 = arith.addi %iota3A, %add3A_1630 : vector<16xi32>
      tpu.vector_store_idx %arg7[%add3A_1631, %broadcast_in_dim3A_1628], %gather3A_1623 : memref<32x512xf32, #tpu.memory_space<vmem>>[vector<16xi32>, vector<16xi32>], vector<16xf32>,
      %dma_wait3A_1632 = arith.constant 11 : i32
      %dma_wait3A_1633 = arith.constant 11 : i32
      %dma_wait3A_1634 = arith.constant 0 : i32
      %dma_wait3A_1635 = arith.constant 0 : i32
      %dma_wait3A_1636 = tpu.memref_slice %arg6[%dma_wait3A_1632, %dma_wait3A_1634, %dma_wait3A_1635] : memref<16x32x128xf32, #tpu.memory_space<vmem>> -> memref<1x32x128xf32, #tpu.memory_space<vmem>>
      %dma_wait3A_1637 = tpu.memref_squeeze %dma_wait3A_1636 : memref<1x32x128xf32, #tpu.memory_space<vmem>> -> memref<32x128xf32, #tpu.memory_space<vmem>>
      %dma_wait3A_1638 = arith.constant 0 : i32
      %dma_wait3A_1639 = arith.constant 0 : i32
      %dma_wait3A_1640 = tpu.memref_slice %arg2[%dma_wait3A_1638, %dma_wait3A_1639] : memref<32x1000000xf32, #tpu.memory_space<hbm>> -> memref<32x128xf32, #tpu.memory_space<hbm>>
      %dma_wait3A_1641 = tpu.memref_slice %arg8[%dma_wait3A_1633] : memref<16x!tpu.dma_semaphore, #tpu.memory_space<semaphore_mem>> -> memref<1x!tpu.dma_semaphore, #tpu.memory_space<semaphore_mem>>
      %dma_wait3A_1642 = tpu.memref_squeeze %dma_wait3A_1641 : memref<1x!tpu.dma_semaphore, #tpu.memory_space<semaphore_mem>> -> memref<!tpu.dma_semaphore, #tpu.memory_space<semaphore_mem>>
      %dma_wait3A_1643 = arith.constant 0 : i32
      %dma_wait3A_1644 = arith.constant 0 : i32
      %dma_wait3A_1645 = tpu.memref_slice %arg6[%dma_wait3A_1632, %dma_wait3A_1643, %dma_wait3A_1644] : memref<16x32x128xf32, #tpu.memory_space<vmem>> -> memref<1x32x128xf32, #tpu.memory_space<vmem>>
      %dma_wait3A_1646 = tpu.memref_squeeze %dma_wait3A_1645 : memref<1x32x128xf32, #tpu.memory_space<vmem>> -> memref<32x128xf32, #tpu.memory_space<vmem>>
      %dma_wait3A_1647 = arith.constant 0 : i32
      %dma_wait3A_1648 = arith.constant 0 : i32
      %dma_wait3A_1649 = tpu.memref_slice %arg2[%dma_wait3A_1647, %dma_wait3A_1648] : memref<32x1000000xf32, #tpu.memory_space<hbm>> -> memref<32x128xf32, #tpu.memory_space<hbm>>
      tpu.wait_dma2 semaphore(%dma_wait3A_1642 : memref<!tpu.dma_semaphore, #tpu.memory_space<semaphore_mem>>) src(%dma_wait3A_1649 : memref<32x128xf32, #tpu.memory_space<hbm>>) dst(%dma_wait3A_1646 : memref<32x128xf32, #tpu.memory_space<vmem>>)
      %eq3A_1650 = arith.constant 11 : i32
      %eq3A_1651 = vector.broadcast %eq3A_1650 : i32 to vector<16xi32>
      %eq3A_1652 = arith.cmpi eq, %iota3A, %eq3A_1651 : vector<16xi32>
      %jit3A_1653 = arith.constant 0 : i32
      %broadcast_in_dim3A_1654 = vector.broadcast %jit3A_1653 : i32 to vector<16xi32>
      %select_n3A_1655 = arith.select %eq3A_1652, %get3A_852, %broadcast_in_dim3A_1654 : vector<16xi1>, vector<16xi32>
      %reduce_sum3A_1656 = arith.constant true
      %reduce_sum3A_1657 = vector.broadcast %reduce_sum3A_1656 : i1 to vector<16xi1>
      %reduce_sum3A_1658 = tpu.scan <sum>, %select_n3A_1655 masked %reduce_sum3A_1657 : vector<16xi32>, vector<16xi1> -> vector<16xi32>
      %reduce_sum3A_1659 = vector.extract %reduce_sum3A_1658[15] : i32 from vector<16xi32>
      %jit3A_1660 = arith.constant 128 : i32
      %div3A_1661 = arith.divsi %reduce_sum3A_1659, %jit3A_1660 : i32
      %sign3A_1662 = arith.constant 0 : i32
      %sign3A_1663 = arith.cmpi sgt, %reduce_sum3A_1659, %sign3A_1662 : i32
      %sign3A_1664 = arith.extui %sign3A_1663 : i1 to i32
      %sign3A_1665 = arith.constant 0 : i32
      %sign3A_1666 = arith.cmpi slt, %reduce_sum3A_1659, %sign3A_1665 : i32
      %sign3A_1667 = arith.extui %sign3A_1666 : i1 to i32
      %sign3A_1668 = arith.subi %sign3A_1664, %sign3A_1667 : i32
      %sign3A_1669 = arith.constant 0 : i32
      %sign3A_1670 = arith.cmpi sgt, %jit3A_1660, %sign3A_1669 : i32
      %sign3A_1671 = arith.extui %sign3A_1670 : i1 to i32
      %sign3A_1672 = arith.constant 0 : i32
      %sign3A_1673 = arith.cmpi slt, %jit3A_1660, %sign3A_1672 : i32
      %sign3A_1674 = arith.extui %sign3A_1673 : i1 to i32
      %sign3A_1675 = arith.subi %sign3A_1671, %sign3A_1674 : i32
      %ne3A_1676 = arith.cmpi ne, %sign3A_1668, %sign3A_1675 : i32
      %rem3A_1677 = arith.remsi %reduce_sum3A_1659, %jit3A_1660 : i32
      %ne3A_1678 = arith.constant 0 : i32
      %ne3A_1679 = arith.cmpi ne, %rem3A_1677, %ne3A_1678 : i32
      %and3A_1680 = arith.andi %ne3A_1676, %ne3A_1679 : i1
      %sub3A_1681 = arith.constant 1 : i32
      %sub3A_1682 = arith.subi %div3A_1661, %sub3A_1681 : i32
      %select_n3A_1683 = arith.select %and3A_1680, %sub3A_1682, %div3A_1661 : i32
      %mul3A_1684 = arith.constant 128 : i32
      %mul3A_1685 = arith.muli %select_n3A_1683, %mul3A_1684 : i32
      %sub3A_1686 = arith.subi %reduce_sum3A_1659, %mul3A_1685 : i32
      %broadcast_in_dim3A_1687 = arith.constant 11 : i32
      %broadcast_in_dim3A_1688 = vector.broadcast %broadcast_in_dim3A_1687 : i32 to vector<16xi32>
      %broadcast_in_dim3A_1689 = vector.broadcast %sub3A_1686 : i32 to vector<16xi32>
      %gather3A_1690 = tpu.vector_load_idx %arg6[%broadcast_in_dim3A_1688, %iota3A, %broadcast_in_dim3A_1689] : memref<16x32x128xf32, #tpu.memory_space<vmem>>[vector<16xi32>, vector<16xi32>, vector<16xi32>], vector<16xf32>,
      %add3A_1691 = arith.constant 16 : i32
      %add3A_1692 = vector.broadcast %add3A_1691 : i32 to vector<16xi32>
      %add3A_1693 = arith.addi %iota3A, %add3A_1692 : vector<16xi32>
      %gather3A_1694 = tpu.vector_load_idx %arg6[%broadcast_in_dim3A_1688, %add3A_1693, %broadcast_in_dim3A_1689] : memref<16x32x128xf32, #tpu.memory_space<vmem>>[vector<16xi32>, vector<16xi32>, vector<16xi32>], vector<16xf32>,
      %mul3A_1695 = arith.constant 16 : i32
      %mul3A_1696 = arith.muli %scan3A_847, %mul3A_1695 : i32
      %add3A_1697 = arith.constant 11 : i32
      %add3A_1698 = arith.addi %mul3A_1696, %add3A_1697 : i32
      %broadcast_in_dim3A_1699 = vector.broadcast %add3A_1698 : i32 to vector<16xi32>
      tpu.vector_store_idx %arg7[%iota3A, %broadcast_in_dim3A_1699], %gather3A_1690 : memref<32x512xf32, #tpu.memory_space<vmem>>[vector<16xi32>, vector<16xi32>], vector<16xf32>,
      %add3A_1700 = arith.constant 16 : i32
      %add3A_1701 = vector.broadcast %add3A_1700 : i32 to vector<16xi32>
      %add3A_1702 = arith.addi %iota3A, %add3A_1701 : vector<16xi32>
      tpu.vector_store_idx %arg7[%add3A_1702, %broadcast_in_dim3A_1699], %gather3A_1694 : memref<32x512xf32, #tpu.memory_space<vmem>>[vector<16xi32>, vector<16xi32>], vector<16xf32>,
      %dma_wait3A_1703 = arith.constant 12 : i32
      %dma_wait3A_1704 = arith.constant 12 : i32
      %dma_wait3A_1705 = arith.constant 0 : i32
      %dma_wait3A_1706 = arith.constant 0 : i32
      %dma_wait3A_1707 = tpu.memref_slice %arg6[%dma_wait3A_1703, %dma_wait3A_1705, %dma_wait3A_1706] : memref<16x32x128xf32, #tpu.memory_space<vmem>> -> memref<1x32x128xf32, #tpu.memory_space<vmem>>
      %dma_wait3A_1708 = tpu.memref_squeeze %dma_wait3A_1707 : memref<1x32x128xf32, #tpu.memory_space<vmem>> -> memref<32x128xf32, #tpu.memory_space<vmem>>
      %dma_wait3A_1709 = arith.constant 0 : i32
      %dma_wait3A_1710 = arith.constant 0 : i32
      %dma_wait3A_1711 = tpu.memref_slice %arg2[%dma_wait3A_1709, %dma_wait3A_1710] : memref<32x1000000xf32, #tpu.memory_space<hbm>> -> memref<32x128xf32, #tpu.memory_space<hbm>>
      %dma_wait3A_1712 = tpu.memref_slice %arg8[%dma_wait3A_1704] : memref<16x!tpu.dma_semaphore, #tpu.memory_space<semaphore_mem>> -> memref<1x!tpu.dma_semaphore, #tpu.memory_space<semaphore_mem>>
      %dma_wait3A_1713 = tpu.memref_squeeze %dma_wait3A_1712 : memref<1x!tpu.dma_semaphore, #tpu.memory_space<semaphore_mem>> -> memref<!tpu.dma_semaphore, #tpu.memory_space<semaphore_mem>>
      %dma_wait3A_1714 = arith.constant 0 : i32
      %dma_wait3A_1715 = arith.constant 0 : i32
      %dma_wait3A_1716 = tpu.memref_slice %arg6[%dma_wait3A_1703, %dma_wait3A_1714, %dma_wait3A_1715] : memref<16x32x128xf32, #tpu.memory_space<vmem>> -> memref<1x32x128xf32, #tpu.memory_space<vmem>>
      %dma_wait3A_1717 = tpu.memref_squeeze %dma_wait3A_1716 : memref<1x32x128xf32, #tpu.memory_space<vmem>> -> memref<32x128xf32, #tpu.memory_space<vmem>>
      %dma_wait3A_1718 = arith.constant 0 : i32
      %dma_wait3A_1719 = arith.constant 0 : i32
      %dma_wait3A_1720 = tpu.memref_slice %arg2[%dma_wait3A_1718, %dma_wait3A_1719] : memref<32x1000000xf32, #tpu.memory_space<hbm>> -> memref<32x128xf32, #tpu.memory_space<hbm>>
      tpu.wait_dma2 semaphore(%dma_wait3A_1713 : memref<!tpu.dma_semaphore, #tpu.memory_space<semaphore_mem>>) src(%dma_wait3A_1720 : memref<32x128xf32, #tpu.memory_space<hbm>>) dst(%dma_wait3A_1717 : memref<32x128xf32, #tpu.memory_space<vmem>>)
      %eq3A_1721 = arith.constant 12 : i32
      %eq3A_1722 = vector.broadcast %eq3A_1721 : i32 to vector<16xi32>
      %eq3A_1723 = arith.cmpi eq, %iota3A, %eq3A_1722 : vector<16xi32>
      %jit3A_1724 = arith.constant 0 : i32
      %broadcast_in_dim3A_1725 = vector.broadcast %jit3A_1724 : i32 to vector<16xi32>
      %select_n3A_1726 = arith.select %eq3A_1723, %get3A_852, %broadcast_in_dim3A_1725 : vector<16xi1>, vector<16xi32>
      %reduce_sum3A_1727 = arith.constant true
      %reduce_sum3A_1728 = vector.broadcast %reduce_sum3A_1727 : i1 to vector<16xi1>
      %reduce_sum3A_1729 = tpu.scan <sum>, %select_n3A_1726 masked %reduce_sum3A_1728 : vector<16xi32>, vector<16xi1> -> vector<16xi32>
      %reduce_sum3A_1730 = vector.extract %reduce_sum3A_1729[15] : i32 from vector<16xi32>
      %jit3A_1731 = arith.constant 128 : i32
      %div3A_1732 = arith.divsi %reduce_sum3A_1730, %jit3A_1731 : i32
      %sign3A_1733 = arith.constant 0 : i32
      %sign3A_1734 = arith.cmpi sgt, %reduce_sum3A_1730, %sign3A_1733 : i32
      %sign3A_1735 = arith.extui %sign3A_1734 : i1 to i32
      %sign3A_1736 = arith.constant 0 : i32
      %sign3A_1737 = arith.cmpi slt, %reduce_sum3A_1730, %sign3A_1736 : i32
      %sign3A_1738 = arith.extui %sign3A_1737 : i1 to i32
      %sign3A_1739 = arith.subi %sign3A_1735, %sign3A_1738 : i32
      %sign3A_1740 = arith.constant 0 : i32
      %sign3A_1741 = arith.cmpi sgt, %jit3A_1731, %sign3A_1740 : i32
      %sign3A_1742 = arith.extui %sign3A_1741 : i1 to i32
      %sign3A_1743 = arith.constant 0 : i32
      %sign3A_1744 = arith.cmpi slt, %jit3A_1731, %sign3A_1743 : i32
      %sign3A_1745 = arith.extui %sign3A_1744 : i1 to i32
      %sign3A_1746 = arith.subi %sign3A_1742, %sign3A_1745 : i32
      %ne3A_1747 = arith.cmpi ne, %sign3A_1739, %sign3A_1746 : i32
      %rem3A_1748 = arith.remsi %reduce_sum3A_1730, %jit3A_1731 : i32
      %ne3A_1749 = arith.constant 0 : i32
      %ne3A_1750 = arith.cmpi ne, %rem3A_1748, %ne3A_1749 : i32
      %and3A_1751 = arith.andi %ne3A_1747, %ne3A_1750 : i1
      %sub3A_1752 = arith.constant 1 : i32
      %sub3A_1753 = arith.subi %div3A_1732, %sub3A_1752 : i32
      %select_n3A_1754 = arith.select %and3A_1751, %sub3A_1753, %div3A_1732 : i32
      %mul3A_1755 = arith.constant 128 : i32
      %mul3A_1756 = arith.muli %select_n3A_1754, %mul3A_1755 : i32
      %sub3A_1757 = arith.subi %reduce_sum3A_1730, %mul3A_1756 : i32
      %broadcast_in_dim3A_1758 = arith.constant 12 : i32
      %broadcast_in_dim3A_1759 = vector.broadcast %broadcast_in_dim3A_1758 : i32 to vector<16xi32>
      %broadcast_in_dim3A_1760 = vector.broadcast %sub3A_1757 : i32 to vector<16xi32>
      %gather3A_1761 = tpu.vector_load_idx %arg6[%broadcast_in_dim3A_1759, %iota3A, %broadcast_in_dim3A_1760] : memref<16x32x128xf32, #tpu.memory_space<vmem>>[vector<16xi32>, vector<16xi32>, vector<16xi32>], vector<16xf32>,
      %add3A_1762 = arith.constant 16 : i32
      %add3A_1763 = vector.broadcast %add3A_1762 : i32 to vector<16xi32>
      %add3A_1764 = arith.addi %iota3A, %add3A_1763 : vector<16xi32>
      %gather3A_1765 = tpu.vector_load_idx %arg6[%broadcast_in_dim3A_1759, %add3A_1764, %broadcast_in_dim3A_1760] : memref<16x32x128xf32, #tpu.memory_space<vmem>>[vector<16xi32>, vector<16xi32>, vector<16xi32>], vector<16xf32>,
      %mul3A_1766 = arith.constant 16 : i32
      %mul3A_1767 = arith.muli %scan3A_847, %mul3A_1766 : i32
      %add3A_1768 = arith.constant 12 : i32
      %add3A_1769 = arith.addi %mul3A_1767, %add3A_1768 : i32
      %broadcast_in_dim3A_1770 = vector.broadcast %add3A_1769 : i32 to vector<16xi32>
      tpu.vector_store_idx %arg7[%iota3A, %broadcast_in_dim3A_1770], %gather3A_1761 : memref<32x512xf32, #tpu.memory_space<vmem>>[vector<16xi32>, vector<16xi32>], vector<16xf32>,
      %add3A_1771 = arith.constant 16 : i32
      %add3A_1772 = vector.broadcast %add3A_1771 : i32 to vector<16xi32>
      %add3A_1773 = arith.addi %iota3A, %add3A_1772 : vector<16xi32>
      tpu.vector_store_idx %arg7[%add3A_1773, %broadcast_in_dim3A_1770], %gather3A_1765 : memref<32x512xf32, #tpu.memory_space<vmem>>[vector<16xi32>, vector<16xi32>], vector<16xf32>,
      %dma_wait3A_1774 = arith.constant 13 : i32
      %dma_wait3A_1775 = arith.constant 13 : i32
      %dma_wait3A_1776 = arith.constant 0 : i32
      %dma_wait3A_1777 = arith.constant 0 : i32
      %dma_wait3A_1778 = tpu.memref_slice %arg6[%dma_wait3A_1774, %dma_wait3A_1776, %dma_wait3A_1777] : memref<16x32x128xf32, #tpu.memory_space<vmem>> -> memref<1x32x128xf32, #tpu.memory_space<vmem>>
      %dma_wait3A_1779 = tpu.memref_squeeze %dma_wait3A_1778 : memref<1x32x128xf32, #tpu.memory_space<vmem>> -> memref<32x128xf32, #tpu.memory_space<vmem>>
      %dma_wait3A_1780 = arith.constant 0 : i32
      %dma_wait3A_1781 = arith.constant 0 : i32
      %dma_wait3A_1782 = tpu.memref_slice %arg2[%dma_wait3A_1780, %dma_wait3A_1781] : memref<32x1000000xf32, #tpu.memory_space<hbm>> -> memref<32x128xf32, #tpu.memory_space<hbm>>
      %dma_wait3A_1783 = tpu.memref_slice %arg8[%dma_wait3A_1775] : memref<16x!tpu.dma_semaphore, #tpu.memory_space<semaphore_mem>> -> memref<1x!tpu.dma_semaphore, #tpu.memory_space<semaphore_mem>>
      %dma_wait3A_1784 = tpu.memref_squeeze %dma_wait3A_1783 : memref<1x!tpu.dma_semaphore, #tpu.memory_space<semaphore_mem>> -> memref<!tpu.dma_semaphore, #tpu.memory_space<semaphore_mem>>
      %dma_wait3A_1785 = arith.constant 0 : i32
      %dma_wait3A_1786 = arith.constant 0 : i32
      %dma_wait3A_1787 = tpu.memref_slice %arg6[%dma_wait3A_1774, %dma_wait3A_1785, %dma_wait3A_1786] : memref<16x32x128xf32, #tpu.memory_space<vmem>> -> memref<1x32x128xf32, #tpu.memory_space<vmem>>
      %dma_wait3A_1788 = tpu.memref_squeeze %dma_wait3A_1787 : memref<1x32x128xf32, #tpu.memory_space<vmem>> -> memref<32x128xf32, #tpu.memory_space<vmem>>
      %dma_wait3A_1789 = arith.constant 0 : i32
      %dma_wait3A_1790 = arith.constant 0 : i32
      %dma_wait3A_1791 = tpu.memref_slice %arg2[%dma_wait3A_1789, %dma_wait3A_1790] : memref<32x1000000xf32, #tpu.memory_space<hbm>> -> memref<32x128xf32, #tpu.memory_space<hbm>>
      tpu.wait_dma2 semaphore(%dma_wait3A_1784 : memref<!tpu.dma_semaphore, #tpu.memory_space<semaphore_mem>>) src(%dma_wait3A_1791 : memref<32x128xf32, #tpu.memory_space<hbm>>) dst(%dma_wait3A_1788 : memref<32x128xf32, #tpu.memory_space<vmem>>)
      %eq3A_1792 = arith.constant 13 : i32
      %eq3A_1793 = vector.broadcast %eq3A_1792 : i32 to vector<16xi32>
      %eq3A_1794 = arith.cmpi eq, %iota3A, %eq3A_1793 : vector<16xi32>
      %jit3A_1795 = arith.constant 0 : i32
      %broadcast_in_dim3A_1796 = vector.broadcast %jit3A_1795 : i32 to vector<16xi32>
      %select_n3A_1797 = arith.select %eq3A_1794, %get3A_852, %broadcast_in_dim3A_1796 : vector<16xi1>, vector<16xi32>
      %reduce_sum3A_1798 = arith.constant true
      %reduce_sum3A_1799 = vector.broadcast %reduce_sum3A_1798 : i1 to vector<16xi1>
      %reduce_sum3A_1800 = tpu.scan <sum>, %select_n3A_1797 masked %reduce_sum3A_1799 : vector<16xi32>, vector<16xi1> -> vector<16xi32>
      %reduce_sum3A_1801 = vector.extract %reduce_sum3A_1800[15] : i32 from vector<16xi32>
      %jit3A_1802 = arith.constant 128 : i32
      %div3A_1803 = arith.divsi %reduce_sum3A_1801, %jit3A_1802 : i32
      %sign3A_1804 = arith.constant 0 : i32
      %sign3A_1805 = arith.cmpi sgt, %reduce_sum3A_1801, %sign3A_1804 : i32
      %sign3A_1806 = arith.extui %sign3A_1805 : i1 to i32
      %sign3A_1807 = arith.constant 0 : i32
      %sign3A_1808 = arith.cmpi slt, %reduce_sum3A_1801, %sign3A_1807 : i32
      %sign3A_1809 = arith.extui %sign3A_1808 : i1 to i32
      %sign3A_1810 = arith.subi %sign3A_1806, %sign3A_1809 : i32
      %sign3A_1811 = arith.constant 0 : i32
      %sign3A_1812 = arith.cmpi sgt, %jit3A_1802, %sign3A_1811 : i32
      %sign3A_1813 = arith.extui %sign3A_1812 : i1 to i32
      %sign3A_1814 = arith.constant 0 : i32
      %sign3A_1815 = arith.cmpi slt, %jit3A_1802, %sign3A_1814 : i32
      %sign3A_1816 = arith.extui %sign3A_1815 : i1 to i32
      %sign3A_1817 = arith.subi %sign3A_1813, %sign3A_1816 : i32
      %ne3A_1818 = arith.cmpi ne, %sign3A_1810, %sign3A_1817 : i32
      %rem3A_1819 = arith.remsi %reduce_sum3A_1801, %jit3A_1802 : i32
      %ne3A_1820 = arith.constant 0 : i32
      %ne3A_1821 = arith.cmpi ne, %rem3A_1819, %ne3A_1820 : i32
      %and3A_1822 = arith.andi %ne3A_1818, %ne3A_1821 : i1
      %sub3A_1823 = arith.constant 1 : i32
      %sub3A_1824 = arith.subi %div3A_1803, %sub3A_1823 : i32
      %select_n3A_1825 = arith.select %and3A_1822, %sub3A_1824, %div3A_1803 : i32
      %mul3A_1826 = arith.constant 128 : i32
      %mul3A_1827 = arith.muli %select_n3A_1825, %mul3A_1826 : i32
      %sub3A_1828 = arith.subi %reduce_sum3A_1801, %mul3A_1827 : i32
      %broadcast_in_dim3A_1829 = arith.constant 13 : i32
      %broadcast_in_dim3A_1830 = vector.broadcast %broadcast_in_dim3A_1829 : i32 to vector<16xi32>
      %broadcast_in_dim3A_1831 = vector.broadcast %sub3A_1828 : i32 to vector<16xi32>
      %gather3A_1832 = tpu.vector_load_idx %arg6[%broadcast_in_dim3A_1830, %iota3A, %broadcast_in_dim3A_1831] : memref<16x32x128xf32, #tpu.memory_space<vmem>>[vector<16xi32>, vector<16xi32>, vector<16xi32>], vector<16xf32>,
      %add3A_1833 = arith.constant 16 : i32
      %add3A_1834 = vector.broadcast %add3A_1833 : i32 to vector<16xi32>
      %add3A_1835 = arith.addi %iota3A, %add3A_1834 : vector<16xi32>
      %gather3A_1836 = tpu.vector_load_idx %arg6[%broadcast_in_dim3A_1830, %add3A_1835, %broadcast_in_dim3A_1831] : memref<16x32x128xf32, #tpu.memory_space<vmem>>[vector<16xi32>, vector<16xi32>, vector<16xi32>], vector<16xf32>,
      %mul3A_1837 = arith.constant 16 : i32
      %mul3A_1838 = arith.muli %scan3A_847, %mul3A_1837 : i32
      %add3A_1839 = arith.constant 13 : i32
      %add3A_1840 = arith.addi %mul3A_1838, %add3A_1839 : i32
      %broadcast_in_dim3A_1841 = vector.broadcast %add3A_1840 : i32 to vector<16xi32>
      tpu.vector_store_idx %arg7[%iota3A, %broadcast_in_dim3A_1841], %gather3A_1832 : memref<32x512xf32, #tpu.memory_space<vmem>>[vector<16xi32>, vector<16xi32>], vector<16xf32>,
      %add3A_1842 = arith.constant 16 : i32
      %add3A_1843 = vector.broadcast %add3A_1842 : i32 to vector<16xi32>
      %add3A_1844 = arith.addi %iota3A, %add3A_1843 : vector<16xi32>
      tpu.vector_store_idx %arg7[%add3A_1844, %broadcast_in_dim3A_1841], %gather3A_1836 : memref<32x512xf32, #tpu.memory_space<vmem>>[vector<16xi32>, vector<16xi32>], vector<16xf32>,
      %dma_wait3A_1845 = arith.constant 14 : i32
      %dma_wait3A_1846 = arith.constant 14 : i32
      %dma_wait3A_1847 = arith.constant 0 : i32
      %dma_wait3A_1848 = arith.constant 0 : i32
      %dma_wait3A_1849 = tpu.memref_slice %arg6[%dma_wait3A_1845, %dma_wait3A_1847, %dma_wait3A_1848] : memref<16x32x128xf32, #tpu.memory_space<vmem>> -> memref<1x32x128xf32, #tpu.memory_space<vmem>>
      %dma_wait3A_1850 = tpu.memref_squeeze %dma_wait3A_1849 : memref<1x32x128xf32, #tpu.memory_space<vmem>> -> memref<32x128xf32, #tpu.memory_space<vmem>>
      %dma_wait3A_1851 = arith.constant 0 : i32
      %dma_wait3A_1852 = arith.constant 0 : i32
      %dma_wait3A_1853 = tpu.memref_slice %arg2[%dma_wait3A_1851, %dma_wait3A_1852] : memref<32x1000000xf32, #tpu.memory_space<hbm>> -> memref<32x128xf32, #tpu.memory_space<hbm>>
      %dma_wait3A_1854 = tpu.memref_slice %arg8[%dma_wait3A_1846] : memref<16x!tpu.dma_semaphore, #tpu.memory_space<semaphore_mem>> -> memref<1x!tpu.dma_semaphore, #tpu.memory_space<semaphore_mem>>
      %dma_wait3A_1855 = tpu.memref_squeeze %dma_wait3A_1854 : memref<1x!tpu.dma_semaphore, #tpu.memory_space<semaphore_mem>> -> memref<!tpu.dma_semaphore, #tpu.memory_space<semaphore_mem>>
      %dma_wait3A_1856 = arith.constant 0 : i32
      %dma_wait3A_1857 = arith.constant 0 : i32
      %dma_wait3A_1858 = tpu.memref_slice %arg6[%dma_wait3A_1845, %dma_wait3A_1856, %dma_wait3A_1857] : memref<16x32x128xf32, #tpu.memory_space<vmem>> -> memref<1x32x128xf32, #tpu.memory_space<vmem>>
      %dma_wait3A_1859 = tpu.memref_squeeze %dma_wait3A_1858 : memref<1x32x128xf32, #tpu.memory_space<vmem>> -> memref<32x128xf32, #tpu.memory_space<vmem>>
      %dma_wait3A_1860 = arith.constant 0 : i32
      %dma_wait3A_1861 = arith.constant 0 : i32
      %dma_wait3A_1862 = tpu.memref_slice %arg2[%dma_wait3A_1860, %dma_wait3A_1861] : memref<32x1000000xf32, #tpu.memory_space<hbm>> -> memref<32x128xf32, #tpu.memory_space<hbm>>
      tpu.wait_dma2 semaphore(%dma_wait3A_1855 : memref<!tpu.dma_semaphore, #tpu.memory_space<semaphore_mem>>) src(%dma_wait3A_1862 : memref<32x128xf32, #tpu.memory_space<hbm>>) dst(%dma_wait3A_1859 : memref<32x128xf32, #tpu.memory_space<vmem>>)
      %eq3A_1863 = arith.constant 14 : i32
      %eq3A_1864 = vector.broadcast %eq3A_1863 : i32 to vector<16xi32>
      %eq3A_1865 = arith.cmpi eq, %iota3A, %eq3A_1864 : vector<16xi32>
      %jit3A_1866 = arith.constant 0 : i32
      %broadcast_in_dim3A_1867 = vector.broadcast %jit3A_1866 : i32 to vector<16xi32>
      %select_n3A_1868 = arith.select %eq3A_1865, %get3A_852, %broadcast_in_dim3A_1867 : vector<16xi1>, vector<16xi32>
      %reduce_sum3A_1869 = arith.constant true
      %reduce_sum3A_1870 = vector.broadcast %reduce_sum3A_1869 : i1 to vector<16xi1>
      %reduce_sum3A_1871 = tpu.scan <sum>, %select_n3A_1868 masked %reduce_sum3A_1870 : vector<16xi32>, vector<16xi1> -> vector<16xi32>
      %reduce_sum3A_1872 = vector.extract %reduce_sum3A_1871[15] : i32 from vector<16xi32>
      %jit3A_1873 = arith.constant 128 : i32
      %div3A_1874 = arith.divsi %reduce_sum3A_1872, %jit3A_1873 : i32
      %sign3A_1875 = arith.constant 0 : i32
      %sign3A_1876 = arith.cmpi sgt, %reduce_sum3A_1872, %sign3A_1875 : i32
      %sign3A_1877 = arith.extui %sign3A_1876 : i1 to i32
      %sign3A_1878 = arith.constant 0 : i32
      %sign3A_1879 = arith.cmpi slt, %reduce_sum3A_1872, %sign3A_1878 : i32
      %sign3A_1880 = arith.extui %sign3A_1879 : i1 to i32
      %sign3A_1881 = arith.subi %sign3A_1877, %sign3A_1880 : i32
      %sign3A_1882 = arith.constant 0 : i32
      %sign3A_1883 = arith.cmpi sgt, %jit3A_1873, %sign3A_1882 : i32
      %sign3A_1884 = arith.extui %sign3A_1883 : i1 to i32
      %sign3A_1885 = arith.constant 0 : i32
      %sign3A_1886 = arith.cmpi slt, %jit3A_1873, %sign3A_1885 : i32
      %sign3A_1887 = arith.extui %sign3A_1886 : i1 to i32
      %sign3A_1888 = arith.subi %sign3A_1884, %sign3A_1887 : i32
      %ne3A_1889 = arith.cmpi ne, %sign3A_1881, %sign3A_1888 : i32
      %rem3A_1890 = arith.remsi %reduce_sum3A_1872, %jit3A_1873 : i32
      %ne3A_1891 = arith.constant 0 : i32
      %ne3A_1892 = arith.cmpi ne, %rem3A_1890, %ne3A_1891 : i32
      %and3A_1893 = arith.andi %ne3A_1889, %ne3A_1892 : i1
      %sub3A_1894 = arith.constant 1 : i32
      %sub3A_1895 = arith.subi %div3A_1874, %sub3A_1894 : i32
      %select_n3A_1896 = arith.select %and3A_1893, %sub3A_1895, %div3A_1874 : i32
      %mul3A_1897 = arith.constant 128 : i32
      %mul3A_1898 = arith.muli %select_n3A_1896, %mul3A_1897 : i32
      %sub3A_1899 = arith.subi %reduce_sum3A_1872, %mul3A_1898 : i32
      %broadcast_in_dim3A_1900 = arith.constant 14 : i32
      %broadcast_in_dim3A_1901 = vector.broadcast %broadcast_in_dim3A_1900 : i32 to vector<16xi32>
      %broadcast_in_dim3A_1902 = vector.broadcast %sub3A_1899 : i32 to vector<16xi32>
      %gather3A_1903 = tpu.vector_load_idx %arg6[%broadcast_in_dim3A_1901, %iota3A, %broadcast_in_dim3A_1902] : memref<16x32x128xf32, #tpu.memory_space<vmem>>[vector<16xi32>, vector<16xi32>, vector<16xi32>], vector<16xf32>,
      %add3A_1904 = arith.constant 16 : i32
      %add3A_1905 = vector.broadcast %add3A_1904 : i32 to vector<16xi32>
      %add3A_1906 = arith.addi %iota3A, %add3A_1905 : vector<16xi32>
      %gather3A_1907 = tpu.vector_load_idx %arg6[%broadcast_in_dim3A_1901, %add3A_1906, %broadcast_in_dim3A_1902] : memref<16x32x128xf32, #tpu.memory_space<vmem>>[vector<16xi32>, vector<16xi32>, vector<16xi32>], vector<16xf32>,
      %mul3A_1908 = arith.constant 16 : i32
      %mul3A_1909 = arith.muli %scan3A_847, %mul3A_1908 : i32
      %add3A_1910 = arith.constant 14 : i32
      %add3A_1911 = arith.addi %mul3A_1909, %add3A_1910 : i32
      %broadcast_in_dim3A_1912 = vector.broadcast %add3A_1911 : i32 to vector<16xi32>
      tpu.vector_store_idx %arg7[%iota3A, %broadcast_in_dim3A_1912], %gather3A_1903 : memref<32x512xf32, #tpu.memory_space<vmem>>[vector<16xi32>, vector<16xi32>], vector<16xf32>,
      %add3A_1913 = arith.constant 16 : i32
      %add3A_1914 = vector.broadcast %add3A_1913 : i32 to vector<16xi32>
      %add3A_1915 = arith.addi %iota3A, %add3A_1914 : vector<16xi32>
      tpu.vector_store_idx %arg7[%add3A_1915, %broadcast_in_dim3A_1912], %gather3A_1907 : memref<32x512xf32, #tpu.memory_space<vmem>>[vector<16xi32>, vector<16xi32>], vector<16xf32>,
      %dma_wait3A_1916 = arith.constant 15 : i32
      %dma_wait3A_1917 = arith.constant 15 : i32
      %dma_wait3A_1918 = arith.constant 0 : i32
      %dma_wait3A_1919 = arith.constant 0 : i32
      %dma_wait3A_1920 = tpu.memref_slice %arg6[%dma_wait3A_1916, %dma_wait3A_1918, %dma_wait3A_1919] : memref<16x32x128xf32, #tpu.memory_space<vmem>> -> memref<1x32x128xf32, #tpu.memory_space<vmem>>
      %dma_wait3A_1921 = tpu.memref_squeeze %dma_wait3A_1920 : memref<1x32x128xf32, #tpu.memory_space<vmem>> -> memref<32x128xf32, #tpu.memory_space<vmem>>
      %dma_wait3A_1922 = arith.constant 0 : i32
      %dma_wait3A_1923 = arith.constant 0 : i32
      %dma_wait3A_1924 = tpu.memref_slice %arg2[%dma_wait3A_1922, %dma_wait3A_1923] : memref<32x1000000xf32, #tpu.memory_space<hbm>> -> memref<32x128xf32, #tpu.memory_space<hbm>>
      %dma_wait3A_1925 = tpu.memref_slice %arg8[%dma_wait3A_1917] : memref<16x!tpu.dma_semaphore, #tpu.memory_space<semaphore_mem>> -> memref<1x!tpu.dma_semaphore, #tpu.memory_space<semaphore_mem>>
      %dma_wait3A_1926 = tpu.memref_squeeze %dma_wait3A_1925 : memref<1x!tpu.dma_semaphore, #tpu.memory_space<semaphore_mem>> -> memref<!tpu.dma_semaphore, #tpu.memory_space<semaphore_mem>>
      %dma_wait3A_1927 = arith.constant 0 : i32
      %dma_wait3A_1928 = arith.constant 0 : i32
      %dma_wait3A_1929 = tpu.memref_slice %arg6[%dma_wait3A_1916, %dma_wait3A_1927, %dma_wait3A_1928] : memref<16x32x128xf32, #tpu.memory_space<vmem>> -> memref<1x32x128xf32, #tpu.memory_space<vmem>>
      %dma_wait3A_1930 = tpu.memref_squeeze %dma_wait3A_1929 : memref<1x32x128xf32, #tpu.memory_space<vmem>> -> memref<32x128xf32, #tpu.memory_space<vmem>>
      %dma_wait3A_1931 = arith.constant 0 : i32
      %dma_wait3A_1932 = arith.constant 0 : i32
      %dma_wait3A_1933 = tpu.memref_slice %arg2[%dma_wait3A_1931, %dma_wait3A_1932] : memref<32x1000000xf32, #tpu.memory_space<hbm>> -> memref<32x128xf32, #tpu.memory_space<hbm>>
      tpu.wait_dma2 semaphore(%dma_wait3A_1926 : memref<!tpu.dma_semaphore, #tpu.memory_space<semaphore_mem>>) src(%dma_wait3A_1933 : memref<32x128xf32, #tpu.memory_space<hbm>>) dst(%dma_wait3A_1930 : memref<32x128xf32, #tpu.memory_space<vmem>>)
      %eq3A_1934 = arith.constant 15 : i32
      %eq3A_1935 = vector.broadcast %eq3A_1934 : i32 to vector<16xi32>
      %eq3A_1936 = arith.cmpi eq, %iota3A, %eq3A_1935 : vector<16xi32>
      %jit3A_1937 = arith.constant 0 : i32
      %broadcast_in_dim3A_1938 = vector.broadcast %jit3A_1937 : i32 to vector<16xi32>
      %select_n3A_1939 = arith.select %eq3A_1936, %get3A_852, %broadcast_in_dim3A_1938 : vector<16xi1>, vector<16xi32>
      %reduce_sum3A_1940 = arith.constant true
      %reduce_sum3A_1941 = vector.broadcast %reduce_sum3A_1940 : i1 to vector<16xi1>
      %reduce_sum3A_1942 = tpu.scan <sum>, %select_n3A_1939 masked %reduce_sum3A_1941 : vector<16xi32>, vector<16xi1> -> vector<16xi32>
      %reduce_sum3A_1943 = vector.extract %reduce_sum3A_1942[15] : i32 from vector<16xi32>
      %jit3A_1944 = arith.constant 128 : i32
      %div3A_1945 = arith.divsi %reduce_sum3A_1943, %jit3A_1944 : i32
      %sign3A_1946 = arith.constant 0 : i32
      %sign3A_1947 = arith.cmpi sgt, %reduce_sum3A_1943, %sign3A_1946 : i32
      %sign3A_1948 = arith.extui %sign3A_1947 : i1 to i32
      %sign3A_1949 = arith.constant 0 : i32
      %sign3A_1950 = arith.cmpi slt, %reduce_sum3A_1943, %sign3A_1949 : i32
      %sign3A_1951 = arith.extui %sign3A_1950 : i1 to i32
      %sign3A_1952 = arith.subi %sign3A_1948, %sign3A_1951 : i32
      %sign3A_1953 = arith.constant 0 : i32
      %sign3A_1954 = arith.cmpi sgt, %jit3A_1944, %sign3A_1953 : i32
      %sign3A_1955 = arith.extui %sign3A_1954 : i1 to i32
      %sign3A_1956 = arith.constant 0 : i32
      %sign3A_1957 = arith.cmpi slt, %jit3A_1944, %sign3A_1956 : i32
      %sign3A_1958 = arith.extui %sign3A_1957 : i1 to i32
      %sign3A_1959 = arith.subi %sign3A_1955, %sign3A_1958 : i32
      %ne3A_1960 = arith.cmpi ne, %sign3A_1952, %sign3A_1959 : i32
      %rem3A_1961 = arith.remsi %reduce_sum3A_1943, %jit3A_1944 : i32
      %ne3A_1962 = arith.constant 0 : i32
      %ne3A_1963 = arith.cmpi ne, %rem3A_1961, %ne3A_1962 : i32
      %and3A_1964 = arith.andi %ne3A_1960, %ne3A_1963 : i1
      %sub3A_1965 = arith.constant 1 : i32
      %sub3A_1966 = arith.subi %div3A_1945, %sub3A_1965 : i32
      %select_n3A_1967 = arith.select %and3A_1964, %sub3A_1966, %div3A_1945 : i32
      %mul3A_1968 = arith.constant 128 : i32
      %mul3A_1969 = arith.muli %select_n3A_1967, %mul3A_1968 : i32
      %sub3A_1970 = arith.subi %reduce_sum3A_1943, %mul3A_1969 : i32
      %broadcast_in_dim3A_1971 = arith.constant 15 : i32
      %broadcast_in_dim3A_1972 = vector.broadcast %broadcast_in_dim3A_1971 : i32 to vector<16xi32>
      %broadcast_in_dim3A_1973 = vector.broadcast %sub3A_1970 : i32 to vector<16xi32>
      %gather3A_1974 = tpu.vector_load_idx %arg6[%broadcast_in_dim3A_1972, %iota3A, %broadcast_in_dim3A_1973] : memref<16x32x128xf32, #tpu.memory_space<vmem>>[vector<16xi32>, vector<16xi32>, vector<16xi32>], vector<16xf32>,
      %add3A_1975 = arith.constant 16 : i32
      %add3A_1976 = vector.broadcast %add3A_1975 : i32 to vector<16xi32>
      %add3A_1977 = arith.addi %iota3A, %add3A_1976 : vector<16xi32>
      %gather3A_1978 = tpu.vector_load_idx %arg6[%broadcast_in_dim3A_1972, %add3A_1977, %broadcast_in_dim3A_1973] : memref<16x32x128xf32, #tpu.memory_space<vmem>>[vector<16xi32>, vector<16xi32>, vector<16xi32>], vector<16xf32>,
      %mul3A_1979 = arith.constant 16 : i32
      %mul3A_1980 = arith.muli %scan3A_847, %mul3A_1979 : i32
      %add3A_1981 = arith.constant 15 : i32
      %add3A_1982 = arith.addi %mul3A_1980, %add3A_1981 : i32
      %broadcast_in_dim3A_1983 = vector.broadcast %add3A_1982 : i32 to vector<16xi32>
      tpu.vector_store_idx %arg7[%iota3A, %broadcast_in_dim3A_1983], %gather3A_1974 : memref<32x512xf32, #tpu.memory_space<vmem>>[vector<16xi32>, vector<16xi32>], vector<16xf32>,
      %add3A_1984 = arith.constant 16 : i32
      %add3A_1985 = vector.broadcast %add3A_1984 : i32 to vector<16xi32>
      %add3A_1986 = arith.addi %iota3A, %add3A_1985 : vector<16xi32>
      tpu.vector_store_idx %arg7[%add3A_1986, %broadcast_in_dim3A_1983], %gather3A_1978 : memref<32x512xf32, #tpu.memory_space<vmem>>[vector<16xi32>, vector<16xi32>], vector<16xf32>,
      %add3A_1987 = arith.constant 1 : i32
      %add3A_1988 = arith.addi %scan3A_847, %add3A_1987 : i32
      %lt3A = arith.constant 32 : i32
      %lt3A_1989 = arith.cmpi slt, %add3A_1988, %lt3A : i32
      %convert_element_type3A = arith.extui %lt3A_1989 : i1 to i32
      %cond3A = arith.constant 0 : i32
      %cond3A_1990 = arith.cmpi ne, %convert_element_type3A, %cond3A : i32
      scf.if %cond3A_1990 {
        %add3A_1991 = arith.constant 1 : i32
        %add3A_1992 = arith.addi %scan3A_847, %add3A_1991 : i32
        %mul3A_1993 = arith.constant 16 : i32
        %mul3A_1994 = arith.muli %add3A_1992, %mul3A_1993 : i32
        %multiple_of3A_1995 = tpu.assume_multiple %mul3A_1994, 16 : i32
        %get3A_1996 = arith.index_cast %multiple_of3A_1995 : i32 to index
        %get3A_1997 = tpu.vector_load %arg5[%get3A_1996] {strides = array<i32>} : memref<512xi32, #tpu.memory_space<vmem>>, vector<16xi32>,
        %eq3A_1998 = arith.constant 0 : i32
        %eq3A_1999 = vector.broadcast %eq3A_1998 : i32 to vector<16xi32>
        %eq3A_2000 = arith.cmpi eq, %iota3A, %eq3A_1999 : vector<16xi32>
        %jit3A_2001 = arith.constant 0 : i32
        %broadcast_in_dim3A_2002 = vector.broadcast %jit3A_2001 : i32 to vector<16xi32>
        %select_n3A_2003 = arith.select %eq3A_2000, %get3A_1997, %broadcast_in_dim3A_2002 : vector<16xi1>, vector<16xi32>
        %reduce_sum3A_2004 = arith.constant true
        %reduce_sum3A_2005 = vector.broadcast %reduce_sum3A_2004 : i1 to vector<16xi1>
        %reduce_sum3A_2006 = tpu.scan <sum>, %select_n3A_2003 masked %reduce_sum3A_2005 : vector<16xi32>, vector<16xi1> -> vector<16xi32>
        %reduce_sum3A_2007 = vector.extract %reduce_sum3A_2006[15] : i32 from vector<16xi32>
        %jit3A_2008 = arith.constant 128 : i32
        %div3A_2009 = arith.divsi %reduce_sum3A_2007, %jit3A_2008 : i32
        %sign3A_2010 = arith.constant 0 : i32
        %sign3A_2011 = arith.cmpi sgt, %reduce_sum3A_2007, %sign3A_2010 : i32
        %sign3A_2012 = arith.extui %sign3A_2011 : i1 to i32
        %sign3A_2013 = arith.constant 0 : i32
        %sign3A_2014 = arith.cmpi slt, %reduce_sum3A_2007, %sign3A_2013 : i32
        %sign3A_2015 = arith.extui %sign3A_2014 : i1 to i32
        %sign3A_2016 = arith.subi %sign3A_2012, %sign3A_2015 : i32
        %sign3A_2017 = arith.constant 0 : i32
        %sign3A_2018 = arith.cmpi sgt, %jit3A_2008, %sign3A_2017 : i32
        %sign3A_2019 = arith.extui %sign3A_2018 : i1 to i32
        %sign3A_2020 = arith.constant 0 : i32
        %sign3A_2021 = arith.cmpi slt, %jit3A_2008, %sign3A_2020 : i32
        %sign3A_2022 = arith.extui %sign3A_2021 : i1 to i32
        %sign3A_2023 = arith.subi %sign3A_2019, %sign3A_2022 : i32
        %ne3A_2024 = arith.cmpi ne, %sign3A_2016, %sign3A_2023 : i32
        %rem3A_2025 = arith.remsi %reduce_sum3A_2007, %jit3A_2008 : i32
        %ne3A_2026 = arith.constant 0 : i32
        %ne3A_2027 = arith.cmpi ne, %rem3A_2025, %ne3A_2026 : i32
        %and3A_2028 = arith.andi %ne3A_2024, %ne3A_2027 : i1
        %sub3A_2029 = arith.constant 1 : i32
        %sub3A_2030 = arith.subi %div3A_2009, %sub3A_2029 : i32
        %select_n3A_2031 = arith.select %and3A_2028, %sub3A_2030, %div3A_2009 : i32
        %mul3A_2032 = arith.constant 128 : i32
        %mul3A_2033 = arith.muli %select_n3A_2031, %mul3A_2032 : i32
        %multiple_of3A_2034 = tpu.assume_multiple %mul3A_2033, 128 : i32
        %dma_start3A_2035 = arith.constant 0 : i32
        %dma_start3A_2036 = arith.constant 0 : i32
        %dma_start3A_2037 = arith.constant 0 : i32
        %dma_start3A_2038 = arith.constant 0 : i32
        %dma_start3A_2039 = tpu.memref_slice %arg6[%dma_start3A_2035, %dma_start3A_2037, %dma_start3A_2038] : memref<16x32x128xf32, #tpu.memory_space<vmem>> -> memref<1x32x128xf32, #tpu.memory_space<vmem>>
        %dma_start3A_2040 = tpu.memref_squeeze %dma_start3A_2039 : memref<1x32x128xf32, #tpu.memory_space<vmem>> -> memref<32x128xf32, #tpu.memory_space<vmem>>
        %dma_start3A_2041 = arith.constant 0 : i32
        %dma_start3A_2042 = tpu.memref_slice %arg2[%dma_start3A_2041, %multiple_of3A_2034] : memref<32x1000000xf32, #tpu.memory_space<hbm>> -> memref<32x128xf32, #tpu.memory_space<hbm>>
        %dma_start3A_2043 = tpu.memref_slice %arg8[%dma_start3A_2036] : memref<16x!tpu.dma_semaphore, #tpu.memory_space<semaphore_mem>> -> memref<1x!tpu.dma_semaphore, #tpu.memory_space<semaphore_mem>>
        %dma_start3A_2044 = tpu.memref_squeeze %dma_start3A_2043 : memref<1x!tpu.dma_semaphore, #tpu.memory_space<semaphore_mem>> -> memref<!tpu.dma_semaphore, #tpu.memory_space<semaphore_mem>>
        %dma_start3A_2045 = arith.constant 0 : i32
        %dma_start3A_2046 = arith.constant 0 : i32
        %dma_start3A_2047 = tpu.memref_slice %arg6[%dma_start3A_2035, %dma_start3A_2045, %dma_start3A_2046] : memref<16x32x128xf32, #tpu.memory_space<vmem>> -> memref<1x32x128xf32, #tpu.memory_space<vmem>>
        %dma_start3A_2048 = tpu.memref_squeeze %dma_start3A_2047 : memref<1x32x128xf32, #tpu.memory_space<vmem>> -> memref<32x128xf32, #tpu.memory_space<vmem>>
        %dma_start3A_2049 = arith.constant 0 : i32
        %dma_start3A_2050 = tpu.memref_slice %arg2[%dma_start3A_2049, %multiple_of3A_2034] : memref<32x1000000xf32, #tpu.memory_space<hbm>> -> memref<32x128xf32, #tpu.memory_space<hbm>>
        tpu.enqueue_dma source(%dma_start3A_2050 : memref<32x128xf32, #tpu.memory_space<hbm>>) target(%dma_start3A_2048 : memref<32x128xf32, #tpu.memory_space<vmem>>) target_semaphore(%dma_start3A_2044 : memref<!tpu.dma_semaphore, #tpu.memory_space<semaphore_mem>>)
        %eq3A_2051 = arith.constant 1 : i32
        %eq3A_2052 = vector.broadcast %eq3A_2051 : i32 to vector<16xi32>
        %eq3A_2053 = arith.cmpi eq, %iota3A, %eq3A_2052 : vector<16xi32>
        %jit3A_2054 = arith.constant 0 : i32
        %broadcast_in_dim3A_2055 = vector.broadcast %jit3A_2054 : i32 to vector<16xi32>
        %select_n3A_2056 = arith.select %eq3A_2053, %get3A_1997, %broadcast_in_dim3A_2055 : vector<16xi1>, vector<16xi32>
        %reduce_sum3A_2057 = arith.constant true
        %reduce_sum3A_2058 = vector.broadcast %reduce_sum3A_2057 : i1 to vector<16xi1>
        %reduce_sum3A_2059 = tpu.scan <sum>, %select_n3A_2056 masked %reduce_sum3A_2058 : vector<16xi32>, vector<16xi1> -> vector<16xi32>
        %reduce_sum3A_2060 = vector.extract %reduce_sum3A_2059[15] : i32 from vector<16xi32>
        %jit3A_2061 = arith.constant 128 : i32
        %div3A_2062 = arith.divsi %reduce_sum3A_2060, %jit3A_2061 : i32
        %sign3A_2063 = arith.constant 0 : i32
        %sign3A_2064 = arith.cmpi sgt, %reduce_sum3A_2060, %sign3A_2063 : i32
        %sign3A_2065 = arith.extui %sign3A_2064 : i1 to i32
        %sign3A_2066 = arith.constant 0 : i32
        %sign3A_2067 = arith.cmpi slt, %reduce_sum3A_2060, %sign3A_2066 : i32
        %sign3A_2068 = arith.extui %sign3A_2067 : i1 to i32
        %sign3A_2069 = arith.subi %sign3A_2065, %sign3A_2068 : i32
        %sign3A_2070 = arith.constant 0 : i32
        %sign3A_2071 = arith.cmpi sgt, %jit3A_2061, %sign3A_2070 : i32
        %sign3A_2072 = arith.extui %sign3A_2071 : i1 to i32
        %sign3A_2073 = arith.constant 0 : i32
        %sign3A_2074 = arith.cmpi slt, %jit3A_2061, %sign3A_2073 : i32
        %sign3A_2075 = arith.extui %sign3A_2074 : i1 to i32
        %sign3A_2076 = arith.subi %sign3A_2072, %sign3A_2075 : i32
        %ne3A_2077 = arith.cmpi ne, %sign3A_2069, %sign3A_2076 : i32
        %rem3A_2078 = arith.remsi %reduce_sum3A_2060, %jit3A_2061 : i32
        %ne3A_2079 = arith.constant 0 : i32
        %ne3A_2080 = arith.cmpi ne, %rem3A_2078, %ne3A_2079 : i32
        %and3A_2081 = arith.andi %ne3A_2077, %ne3A_2080 : i1
        %sub3A_2082 = arith.constant 1 : i32
        %sub3A_2083 = arith.subi %div3A_2062, %sub3A_2082 : i32
        %select_n3A_2084 = arith.select %and3A_2081, %sub3A_2083, %div3A_2062 : i32
        %mul3A_2085 = arith.constant 128 : i32
        %mul3A_2086 = arith.muli %select_n3A_2084, %mul3A_2085 : i32
        %multiple_of3A_2087 = tpu.assume_multiple %mul3A_2086, 128 : i32
        %dma_start3A_2088 = arith.constant 1 : i32
        %dma_start3A_2089 = arith.constant 1 : i32
        %dma_start3A_2090 = arith.constant 0 : i32
        %dma_start3A_2091 = arith.constant 0 : i32
        %dma_start3A_2092 = tpu.memref_slice %arg6[%dma_start3A_2088, %dma_start3A_2090, %dma_start3A_2091] : memref<16x32x128xf32, #tpu.memory_space<vmem>> -> memref<1x32x128xf32, #tpu.memory_space<vmem>>
        %dma_start3A_2093 = tpu.memref_squeeze %dma_start3A_2092 : memref<1x32x128xf32, #tpu.memory_space<vmem>> -> memref<32x128xf32, #tpu.memory_space<vmem>>
        %dma_start3A_2094 = arith.constant 0 : i32
        %dma_start3A_2095 = tpu.memref_slice %arg2[%dma_start3A_2094, %multiple_of3A_2087] : memref<32x1000000xf32, #tpu.memory_space<hbm>> -> memref<32x128xf32, #tpu.memory_space<hbm>>
        %dma_start3A_2096 = tpu.memref_slice %arg8[%dma_start3A_2089] : memref<16x!tpu.dma_semaphore, #tpu.memory_space<semaphore_mem>> -> memref<1x!tpu.dma_semaphore, #tpu.memory_space<semaphore_mem>>
        %dma_start3A_2097 = tpu.memref_squeeze %dma_start3A_2096 : memref<1x!tpu.dma_semaphore, #tpu.memory_space<semaphore_mem>> -> memref<!tpu.dma_semaphore, #tpu.memory_space<semaphore_mem>>
        %dma_start3A_2098 = arith.constant 0 : i32
        %dma_start3A_2099 = arith.constant 0 : i32
        %dma_start3A_2100 = tpu.memref_slice %arg6[%dma_start3A_2088, %dma_start3A_2098, %dma_start3A_2099] : memref<16x32x128xf32, #tpu.memory_space<vmem>> -> memref<1x32x128xf32, #tpu.memory_space<vmem>>
        %dma_start3A_2101 = tpu.memref_squeeze %dma_start3A_2100 : memref<1x32x128xf32, #tpu.memory_space<vmem>> -> memref<32x128xf32, #tpu.memory_space<vmem>>
        %dma_start3A_2102 = arith.constant 0 : i32
        %dma_start3A_2103 = tpu.memref_slice %arg2[%dma_start3A_2102, %multiple_of3A_2087] : memref<32x1000000xf32, #tpu.memory_space<hbm>> -> memref<32x128xf32, #tpu.memory_space<hbm>>
        tpu.enqueue_dma source(%dma_start3A_2103 : memref<32x128xf32, #tpu.memory_space<hbm>>) target(%dma_start3A_2101 : memref<32x128xf32, #tpu.memory_space<vmem>>) target_semaphore(%dma_start3A_2097 : memref<!tpu.dma_semaphore, #tpu.memory_space<semaphore_mem>>)
        %eq3A_2104 = arith.constant 2 : i32
        %eq3A_2105 = vector.broadcast %eq3A_2104 : i32 to vector<16xi32>
        %eq3A_2106 = arith.cmpi eq, %iota3A, %eq3A_2105 : vector<16xi32>
        %jit3A_2107 = arith.constant 0 : i32
        %broadcast_in_dim3A_2108 = vector.broadcast %jit3A_2107 : i32 to vector<16xi32>
        %select_n3A_2109 = arith.select %eq3A_2106, %get3A_1997, %broadcast_in_dim3A_2108 : vector<16xi1>, vector<16xi32>
        %reduce_sum3A_2110 = arith.constant true
        %reduce_sum3A_2111 = vector.broadcast %reduce_sum3A_2110 : i1 to vector<16xi1>
        %reduce_sum3A_2112 = tpu.scan <sum>, %select_n3A_2109 masked %reduce_sum3A_2111 : vector<16xi32>, vector<16xi1> -> vector<16xi32>
        %reduce_sum3A_2113 = vector.extract %reduce_sum3A_2112[15] : i32 from vector<16xi32>
        %jit3A_2114 = arith.constant 128 : i32
        %div3A_2115 = arith.divsi %reduce_sum3A_2113, %jit3A_2114 : i32
        %sign3A_2116 = arith.constant 0 : i32
        %sign3A_2117 = arith.cmpi sgt, %reduce_sum3A_2113, %sign3A_2116 : i32
        %sign3A_2118 = arith.extui %sign3A_2117 : i1 to i32
        %sign3A_2119 = arith.constant 0 : i32
        %sign3A_2120 = arith.cmpi slt, %reduce_sum3A_2113, %sign3A_2119 : i32
        %sign3A_2121 = arith.extui %sign3A_2120 : i1 to i32
        %sign3A_2122 = arith.subi %sign3A_2118, %sign3A_2121 : i32
        %sign3A_2123 = arith.constant 0 : i32
        %sign3A_2124 = arith.cmpi sgt, %jit3A_2114, %sign3A_2123 : i32
        %sign3A_2125 = arith.extui %sign3A_2124 : i1 to i32
        %sign3A_2126 = arith.constant 0 : i32
        %sign3A_2127 = arith.cmpi slt, %jit3A_2114, %sign3A_2126 : i32
        %sign3A_2128 = arith.extui %sign3A_2127 : i1 to i32
        %sign3A_2129 = arith.subi %sign3A_2125, %sign3A_2128 : i32
        %ne3A_2130 = arith.cmpi ne, %sign3A_2122, %sign3A_2129 : i32
        %rem3A_2131 = arith.remsi %reduce_sum3A_2113, %jit3A_2114 : i32
        %ne3A_2132 = arith.constant 0 : i32
        %ne3A_2133 = arith.cmpi ne, %rem3A_2131, %ne3A_2132 : i32
        %and3A_2134 = arith.andi %ne3A_2130, %ne3A_2133 : i1
        %sub3A_2135 = arith.constant 1 : i32
        %sub3A_2136 = arith.subi %div3A_2115, %sub3A_2135 : i32
        %select_n3A_2137 = arith.select %and3A_2134, %sub3A_2136, %div3A_2115 : i32
        %mul3A_2138 = arith.constant 128 : i32
        %mul3A_2139 = arith.muli %select_n3A_2137, %mul3A_2138 : i32
        %multiple_of3A_2140 = tpu.assume_multiple %mul3A_2139, 128 : i32
        %dma_start3A_2141 = arith.constant 2 : i32
        %dma_start3A_2142 = arith.constant 2 : i32
        %dma_start3A_2143 = arith.constant 0 : i32
        %dma_start3A_2144 = arith.constant 0 : i32
        %dma_start3A_2145 = tpu.memref_slice %arg6[%dma_start3A_2141, %dma_start3A_2143, %dma_start3A_2144] : memref<16x32x128xf32, #tpu.memory_space<vmem>> -> memref<1x32x128xf32, #tpu.memory_space<vmem>>
        %dma_start3A_2146 = tpu.memref_squeeze %dma_start3A_2145 : memref<1x32x128xf32, #tpu.memory_space<vmem>> -> memref<32x128xf32, #tpu.memory_space<vmem>>
        %dma_start3A_2147 = arith.constant 0 : i32
        %dma_start3A_2148 = tpu.memref_slice %arg2[%dma_start3A_2147, %multiple_of3A_2140] : memref<32x1000000xf32, #tpu.memory_space<hbm>> -> memref<32x128xf32, #tpu.memory_space<hbm>>
        %dma_start3A_2149 = tpu.memref_slice %arg8[%dma_start3A_2142] : memref<16x!tpu.dma_semaphore, #tpu.memory_space<semaphore_mem>> -> memref<1x!tpu.dma_semaphore, #tpu.memory_space<semaphore_mem>>
        %dma_start3A_2150 = tpu.memref_squeeze %dma_start3A_2149 : memref<1x!tpu.dma_semaphore, #tpu.memory_space<semaphore_mem>> -> memref<!tpu.dma_semaphore, #tpu.memory_space<semaphore_mem>>
        %dma_start3A_2151 = arith.constant 0 : i32
        %dma_start3A_2152 = arith.constant 0 : i32
        %dma_start3A_2153 = tpu.memref_slice %arg6[%dma_start3A_2141, %dma_start3A_2151, %dma_start3A_2152] : memref<16x32x128xf32, #tpu.memory_space<vmem>> -> memref<1x32x128xf32, #tpu.memory_space<vmem>>
        %dma_start3A_2154 = tpu.memref_squeeze %dma_start3A_2153 : memref<1x32x128xf32, #tpu.memory_space<vmem>> -> memref<32x128xf32, #tpu.memory_space<vmem>>
        %dma_start3A_2155 = arith.constant 0 : i32
        %dma_start3A_2156 = tpu.memref_slice %arg2[%dma_start3A_2155, %multiple_of3A_2140] : memref<32x1000000xf32, #tpu.memory_space<hbm>> -> memref<32x128xf32, #tpu.memory_space<hbm>>
        tpu.enqueue_dma source(%dma_start3A_2156 : memref<32x128xf32, #tpu.memory_space<hbm>>) target(%dma_start3A_2154 : memref<32x128xf32, #tpu.memory_space<vmem>>) target_semaphore(%dma_start3A_2150 : memref<!tpu.dma_semaphore, #tpu.memory_space<semaphore_mem>>)
        %eq3A_2157 = arith.constant 3 : i32
        %eq3A_2158 = vector.broadcast %eq3A_2157 : i32 to vector<16xi32>
        %eq3A_2159 = arith.cmpi eq, %iota3A, %eq3A_2158 : vector<16xi32>
        %jit3A_2160 = arith.constant 0 : i32
        %broadcast_in_dim3A_2161 = vector.broadcast %jit3A_2160 : i32 to vector<16xi32>
        %select_n3A_2162 = arith.select %eq3A_2159, %get3A_1997, %broadcast_in_dim3A_2161 : vector<16xi1>, vector<16xi32>
        %reduce_sum3A_2163 = arith.constant true
        %reduce_sum3A_2164 = vector.broadcast %reduce_sum3A_2163 : i1 to vector<16xi1>
        %reduce_sum3A_2165 = tpu.scan <sum>, %select_n3A_2162 masked %reduce_sum3A_2164 : vector<16xi32>, vector<16xi1> -> vector<16xi32>
        %reduce_sum3A_2166 = vector.extract %reduce_sum3A_2165[15] : i32 from vector<16xi32>
        %jit3A_2167 = arith.constant 128 : i32
        %div3A_2168 = arith.divsi %reduce_sum3A_2166, %jit3A_2167 : i32
        %sign3A_2169 = arith.constant 0 : i32
        %sign3A_2170 = arith.cmpi sgt, %reduce_sum3A_2166, %sign3A_2169 : i32
        %sign3A_2171 = arith.extui %sign3A_2170 : i1 to i32
        %sign3A_2172 = arith.constant 0 : i32
        %sign3A_2173 = arith.cmpi slt, %reduce_sum3A_2166, %sign3A_2172 : i32
        %sign3A_2174 = arith.extui %sign3A_2173 : i1 to i32
        %sign3A_2175 = arith.subi %sign3A_2171, %sign3A_2174 : i32
        %sign3A_2176 = arith.constant 0 : i32
        %sign3A_2177 = arith.cmpi sgt, %jit3A_2167, %sign3A_2176 : i32
        %sign3A_2178 = arith.extui %sign3A_2177 : i1 to i32
        %sign3A_2179 = arith.constant 0 : i32
        %sign3A_2180 = arith.cmpi slt, %jit3A_2167, %sign3A_2179 : i32
        %sign3A_2181 = arith.extui %sign3A_2180 : i1 to i32
        %sign3A_2182 = arith.subi %sign3A_2178, %sign3A_2181 : i32
        %ne3A_2183 = arith.cmpi ne, %sign3A_2175, %sign3A_2182 : i32
        %rem3A_2184 = arith.remsi %reduce_sum3A_2166, %jit3A_2167 : i32
        %ne3A_2185 = arith.constant 0 : i32
        %ne3A_2186 = arith.cmpi ne, %rem3A_2184, %ne3A_2185 : i32
        %and3A_2187 = arith.andi %ne3A_2183, %ne3A_2186 : i1
        %sub3A_2188 = arith.constant 1 : i32
        %sub3A_2189 = arith.subi %div3A_2168, %sub3A_2188 : i32
        %select_n3A_2190 = arith.select %and3A_2187, %sub3A_2189, %div3A_2168 : i32
        %mul3A_2191 = arith.constant 128 : i32
        %mul3A_2192 = arith.muli %select_n3A_2190, %mul3A_2191 : i32
        %multiple_of3A_2193 = tpu.assume_multiple %mul3A_2192, 128 : i32
        %dma_start3A_2194 = arith.constant 3 : i32
        %dma_start3A_2195 = arith.constant 3 : i32
        %dma_start3A_2196 = arith.constant 0 : i32
        %dma_start3A_2197 = arith.constant 0 : i32
        %dma_start3A_2198 = tpu.memref_slice %arg6[%dma_start3A_2194, %dma_start3A_2196, %dma_start3A_2197] : memref<16x32x128xf32, #tpu.memory_space<vmem>> -> memref<1x32x128xf32, #tpu.memory_space<vmem>>
        %dma_start3A_2199 = tpu.memref_squeeze %dma_start3A_2198 : memref<1x32x128xf32, #tpu.memory_space<vmem>> -> memref<32x128xf32, #tpu.memory_space<vmem>>
        %dma_start3A_2200 = arith.constant 0 : i32
        %dma_start3A_2201 = tpu.memref_slice %arg2[%dma_start3A_2200, %multiple_of3A_2193] : memref<32x1000000xf32, #tpu.memory_space<hbm>> -> memref<32x128xf32, #tpu.memory_space<hbm>>
        %dma_start3A_2202 = tpu.memref_slice %arg8[%dma_start3A_2195] : memref<16x!tpu.dma_semaphore, #tpu.memory_space<semaphore_mem>> -> memref<1x!tpu.dma_semaphore, #tpu.memory_space<semaphore_mem>>
        %dma_start3A_2203 = tpu.memref_squeeze %dma_start3A_2202 : memref<1x!tpu.dma_semaphore, #tpu.memory_space<semaphore_mem>> -> memref<!tpu.dma_semaphore, #tpu.memory_space<semaphore_mem>>
        %dma_start3A_2204 = arith.constant 0 : i32
        %dma_start3A_2205 = arith.constant 0 : i32
        %dma_start3A_2206 = tpu.memref_slice %arg6[%dma_start3A_2194, %dma_start3A_2204, %dma_start3A_2205] : memref<16x32x128xf32, #tpu.memory_space<vmem>> -> memref<1x32x128xf32, #tpu.memory_space<vmem>>
        %dma_start3A_2207 = tpu.memref_squeeze %dma_start3A_2206 : memref<1x32x128xf32, #tpu.memory_space<vmem>> -> memref<32x128xf32, #tpu.memory_space<vmem>>
        %dma_start3A_2208 = arith.constant 0 : i32
        %dma_start3A_2209 = tpu.memref_slice %arg2[%dma_start3A_2208, %multiple_of3A_2193] : memref<32x1000000xf32, #tpu.memory_space<hbm>> -> memref<32x128xf32, #tpu.memory_space<hbm>>
        tpu.enqueue_dma source(%dma_start3A_2209 : memref<32x128xf32, #tpu.memory_space<hbm>>) target(%dma_start3A_2207 : memref<32x128xf32, #tpu.memory_space<vmem>>) target_semaphore(%dma_start3A_2203 : memref<!tpu.dma_semaphore, #tpu.memory_space<semaphore_mem>>)
        %eq3A_2210 = arith.constant 4 : i32
        %eq3A_2211 = vector.broadcast %eq3A_2210 : i32 to vector<16xi32>
        %eq3A_2212 = arith.cmpi eq, %iota3A, %eq3A_2211 : vector<16xi32>
        %jit3A_2213 = arith.constant 0 : i32
        %broadcast_in_dim3A_2214 = vector.broadcast %jit3A_2213 : i32 to vector<16xi32>
        %select_n3A_2215 = arith.select %eq3A_2212, %get3A_1997, %broadcast_in_dim3A_2214 : vector<16xi1>, vector<16xi32>
        %reduce_sum3A_2216 = arith.constant true
        %reduce_sum3A_2217 = vector.broadcast %reduce_sum3A_2216 : i1 to vector<16xi1>
        %reduce_sum3A_2218 = tpu.scan <sum>, %select_n3A_2215 masked %reduce_sum3A_2217 : vector<16xi32>, vector<16xi1> -> vector<16xi32>
        %reduce_sum3A_2219 = vector.extract %reduce_sum3A_2218[15] : i32 from vector<16xi32>
        %jit3A_2220 = arith.constant 128 : i32
        %div3A_2221 = arith.divsi %reduce_sum3A_2219, %jit3A_2220 : i32
        %sign3A_2222 = arith.constant 0 : i32
        %sign3A_2223 = arith.cmpi sgt, %reduce_sum3A_2219, %sign3A_2222 : i32
        %sign3A_2224 = arith.extui %sign3A_2223 : i1 to i32
        %sign3A_2225 = arith.constant 0 : i32
        %sign3A_2226 = arith.cmpi slt, %reduce_sum3A_2219, %sign3A_2225 : i32
        %sign3A_2227 = arith.extui %sign3A_2226 : i1 to i32
        %sign3A_2228 = arith.subi %sign3A_2224, %sign3A_2227 : i32
        %sign3A_2229 = arith.constant 0 : i32
        %sign3A_2230 = arith.cmpi sgt, %jit3A_2220, %sign3A_2229 : i32
        %sign3A_2231 = arith.extui %sign3A_2230 : i1 to i32
        %sign3A_2232 = arith.constant 0 : i32
        %sign3A_2233 = arith.cmpi slt, %jit3A_2220, %sign3A_2232 : i32
        %sign3A_2234 = arith.extui %sign3A_2233 : i1 to i32
        %sign3A_2235 = arith.subi %sign3A_2231, %sign3A_2234 : i32
        %ne3A_2236 = arith.cmpi ne, %sign3A_2228, %sign3A_2235 : i32
        %rem3A_2237 = arith.remsi %reduce_sum3A_2219, %jit3A_2220 : i32
        %ne3A_2238 = arith.constant 0 : i32
        %ne3A_2239 = arith.cmpi ne, %rem3A_2237, %ne3A_2238 : i32
        %and3A_2240 = arith.andi %ne3A_2236, %ne3A_2239 : i1
        %sub3A_2241 = arith.constant 1 : i32
        %sub3A_2242 = arith.subi %div3A_2221, %sub3A_2241 : i32
        %select_n3A_2243 = arith.select %and3A_2240, %sub3A_2242, %div3A_2221 : i32
        %mul3A_2244 = arith.constant 128 : i32
        %mul3A_2245 = arith.muli %select_n3A_2243, %mul3A_2244 : i32
        %multiple_of3A_2246 = tpu.assume_multiple %mul3A_2245, 128 : i32
        %dma_start3A_2247 = arith.constant 4 : i32
        %dma_start3A_2248 = arith.constant 4 : i32
        %dma_start3A_2249 = arith.constant 0 : i32
        %dma_start3A_2250 = arith.constant 0 : i32
        %dma_start3A_2251 = tpu.memref_slice %arg6[%dma_start3A_2247, %dma_start3A_2249, %dma_start3A_2250] : memref<16x32x128xf32, #tpu.memory_space<vmem>> -> memref<1x32x128xf32, #tpu.memory_space<vmem>>
        %dma_start3A_2252 = tpu.memref_squeeze %dma_start3A_2251 : memref<1x32x128xf32, #tpu.memory_space<vmem>> -> memref<32x128xf32, #tpu.memory_space<vmem>>
        %dma_start3A_2253 = arith.constant 0 : i32
        %dma_start3A_2254 = tpu.memref_slice %arg2[%dma_start3A_2253, %multiple_of3A_2246] : memref<32x1000000xf32, #tpu.memory_space<hbm>> -> memref<32x128xf32, #tpu.memory_space<hbm>>
        %dma_start3A_2255 = tpu.memref_slice %arg8[%dma_start3A_2248] : memref<16x!tpu.dma_semaphore, #tpu.memory_space<semaphore_mem>> -> memref<1x!tpu.dma_semaphore, #tpu.memory_space<semaphore_mem>>
        %dma_start3A_2256 = tpu.memref_squeeze %dma_start3A_2255 : memref<1x!tpu.dma_semaphore, #tpu.memory_space<semaphore_mem>> -> memref<!tpu.dma_semaphore, #tpu.memory_space<semaphore_mem>>
        %dma_start3A_2257 = arith.constant 0 : i32
        %dma_start3A_2258 = arith.constant 0 : i32
        %dma_start3A_2259 = tpu.memref_slice %arg6[%dma_start3A_2247, %dma_start3A_2257, %dma_start3A_2258] : memref<16x32x128xf32, #tpu.memory_space<vmem>> -> memref<1x32x128xf32, #tpu.memory_space<vmem>>
        %dma_start3A_2260 = tpu.memref_squeeze %dma_start3A_2259 : memref<1x32x128xf32, #tpu.memory_space<vmem>> -> memref<32x128xf32, #tpu.memory_space<vmem>>
        %dma_start3A_2261 = arith.constant 0 : i32
        %dma_start3A_2262 = tpu.memref_slice %arg2[%dma_start3A_2261, %multiple_of3A_2246] : memref<32x1000000xf32, #tpu.memory_space<hbm>> -> memref<32x128xf32, #tpu.memory_space<hbm>>
        tpu.enqueue_dma source(%dma_start3A_2262 : memref<32x128xf32, #tpu.memory_space<hbm>>) target(%dma_start3A_2260 : memref<32x128xf32, #tpu.memory_space<vmem>>) target_semaphore(%dma_start3A_2256 : memref<!tpu.dma_semaphore, #tpu.memory_space<semaphore_mem>>)
        %eq3A_2263 = arith.constant 5 : i32
        %eq3A_2264 = vector.broadcast %eq3A_2263 : i32 to vector<16xi32>
        %eq3A_2265 = arith.cmpi eq, %iota3A, %eq3A_2264 : vector<16xi32>
        %jit3A_2266 = arith.constant 0 : i32
        %broadcast_in_dim3A_2267 = vector.broadcast %jit3A_2266 : i32 to vector<16xi32>
        %select_n3A_2268 = arith.select %eq3A_2265, %get3A_1997, %broadcast_in_dim3A_2267 : vector<16xi1>, vector<16xi32>
        %reduce_sum3A_2269 = arith.constant true
        %reduce_sum3A_2270 = vector.broadcast %reduce_sum3A_2269 : i1 to vector<16xi1>
        %reduce_sum3A_2271 = tpu.scan <sum>, %select_n3A_2268 masked %reduce_sum3A_2270 : vector<16xi32>, vector<16xi1> -> vector<16xi32>
        %reduce_sum3A_2272 = vector.extract %reduce_sum3A_2271[15] : i32 from vector<16xi32>
        %jit3A_2273 = arith.constant 128 : i32
        %div3A_2274 = arith.divsi %reduce_sum3A_2272, %jit3A_2273 : i32
        %sign3A_2275 = arith.constant 0 : i32
        %sign3A_2276 = arith.cmpi sgt, %reduce_sum3A_2272, %sign3A_2275 : i32
        %sign3A_2277 = arith.extui %sign3A_2276 : i1 to i32
        %sign3A_2278 = arith.constant 0 : i32
        %sign3A_2279 = arith.cmpi slt, %reduce_sum3A_2272, %sign3A_2278 : i32
        %sign3A_2280 = arith.extui %sign3A_2279 : i1 to i32
        %sign3A_2281 = arith.subi %sign3A_2277, %sign3A_2280 : i32
        %sign3A_2282 = arith.constant 0 : i32
        %sign3A_2283 = arith.cmpi sgt, %jit3A_2273, %sign3A_2282 : i32
        %sign3A_2284 = arith.extui %sign3A_2283 : i1 to i32
        %sign3A_2285 = arith.constant 0 : i32
        %sign3A_2286 = arith.cmpi slt, %jit3A_2273, %sign3A_2285 : i32
        %sign3A_2287 = arith.extui %sign3A_2286 : i1 to i32
        %sign3A_2288 = arith.subi %sign3A_2284, %sign3A_2287 : i32
        %ne3A_2289 = arith.cmpi ne, %sign3A_2281, %sign3A_2288 : i32
        %rem3A_2290 = arith.remsi %reduce_sum3A_2272, %jit3A_2273 : i32
        %ne3A_2291 = arith.constant 0 : i32
        %ne3A_2292 = arith.cmpi ne, %rem3A_2290, %ne3A_2291 : i32
        %and3A_2293 = arith.andi %ne3A_2289, %ne3A_2292 : i1
        %sub3A_2294 = arith.constant 1 : i32
        %sub3A_2295 = arith.subi %div3A_2274, %sub3A_2294 : i32
        %select_n3A_2296 = arith.select %and3A_2293, %sub3A_2295, %div3A_2274 : i32
        %mul3A_2297 = arith.constant 128 : i32
        %mul3A_2298 = arith.muli %select_n3A_2296, %mul3A_2297 : i32
        %multiple_of3A_2299 = tpu.assume_multiple %mul3A_2298, 128 : i32
        %dma_start3A_2300 = arith.constant 5 : i32
        %dma_start3A_2301 = arith.constant 5 : i32
        %dma_start3A_2302 = arith.constant 0 : i32
        %dma_start3A_2303 = arith.constant 0 : i32
        %dma_start3A_2304 = tpu.memref_slice %arg6[%dma_start3A_2300, %dma_start3A_2302, %dma_start3A_2303] : memref<16x32x128xf32, #tpu.memory_space<vmem>> -> memref<1x32x128xf32, #tpu.memory_space<vmem>>
        %dma_start3A_2305 = tpu.memref_squeeze %dma_start3A_2304 : memref<1x32x128xf32, #tpu.memory_space<vmem>> -> memref<32x128xf32, #tpu.memory_space<vmem>>
        %dma_start3A_2306 = arith.constant 0 : i32
        %dma_start3A_2307 = tpu.memref_slice %arg2[%dma_start3A_2306, %multiple_of3A_2299] : memref<32x1000000xf32, #tpu.memory_space<hbm>> -> memref<32x128xf32, #tpu.memory_space<hbm>>
        %dma_start3A_2308 = tpu.memref_slice %arg8[%dma_start3A_2301] : memref<16x!tpu.dma_semaphore, #tpu.memory_space<semaphore_mem>> -> memref<1x!tpu.dma_semaphore, #tpu.memory_space<semaphore_mem>>
        %dma_start3A_2309 = tpu.memref_squeeze %dma_start3A_2308 : memref<1x!tpu.dma_semaphore, #tpu.memory_space<semaphore_mem>> -> memref<!tpu.dma_semaphore, #tpu.memory_space<semaphore_mem>>
        %dma_start3A_2310 = arith.constant 0 : i32
        %dma_start3A_2311 = arith.constant 0 : i32
        %dma_start3A_2312 = tpu.memref_slice %arg6[%dma_start3A_2300, %dma_start3A_2310, %dma_start3A_2311] : memref<16x32x128xf32, #tpu.memory_space<vmem>> -> memref<1x32x128xf32, #tpu.memory_space<vmem>>
        %dma_start3A_2313 = tpu.memref_squeeze %dma_start3A_2312 : memref<1x32x128xf32, #tpu.memory_space<vmem>> -> memref<32x128xf32, #tpu.memory_space<vmem>>
        %dma_start3A_2314 = arith.constant 0 : i32
        %dma_start3A_2315 = tpu.memref_slice %arg2[%dma_start3A_2314, %multiple_of3A_2299] : memref<32x1000000xf32, #tpu.memory_space<hbm>> -> memref<32x128xf32, #tpu.memory_space<hbm>>
        tpu.enqueue_dma source(%dma_start3A_2315 : memref<32x128xf32, #tpu.memory_space<hbm>>) target(%dma_start3A_2313 : memref<32x128xf32, #tpu.memory_space<vmem>>) target_semaphore(%dma_start3A_2309 : memref<!tpu.dma_semaphore, #tpu.memory_space<semaphore_mem>>)
        %eq3A_2316 = arith.constant 6 : i32
        %eq3A_2317 = vector.broadcast %eq3A_2316 : i32 to vector<16xi32>
        %eq3A_2318 = arith.cmpi eq, %iota3A, %eq3A_2317 : vector<16xi32>
        %jit3A_2319 = arith.constant 0 : i32
        %broadcast_in_dim3A_2320 = vector.broadcast %jit3A_2319 : i32 to vector<16xi32>
        %select_n3A_2321 = arith.select %eq3A_2318, %get3A_1997, %broadcast_in_dim3A_2320 : vector<16xi1>, vector<16xi32>
        %reduce_sum3A_2322 = arith.constant true
        %reduce_sum3A_2323 = vector.broadcast %reduce_sum3A_2322 : i1 to vector<16xi1>
        %reduce_sum3A_2324 = tpu.scan <sum>, %select_n3A_2321 masked %reduce_sum3A_2323 : vector<16xi32>, vector<16xi1> -> vector<16xi32>
        %reduce_sum3A_2325 = vector.extract %reduce_sum3A_2324[15] : i32 from vector<16xi32>
        %jit3A_2326 = arith.constant 128 : i32
        %div3A_2327 = arith.divsi %reduce_sum3A_2325, %jit3A_2326 : i32
        %sign3A_2328 = arith.constant 0 : i32
        %sign3A_2329 = arith.cmpi sgt, %reduce_sum3A_2325, %sign3A_2328 : i32
        %sign3A_2330 = arith.extui %sign3A_2329 : i1 to i32
        %sign3A_2331 = arith.constant 0 : i32
        %sign3A_2332 = arith.cmpi slt, %reduce_sum3A_2325, %sign3A_2331 : i32
        %sign3A_2333 = arith.extui %sign3A_2332 : i1 to i32
        %sign3A_2334 = arith.subi %sign3A_2330, %sign3A_2333 : i32
        %sign3A_2335 = arith.constant 0 : i32
        %sign3A_2336 = arith.cmpi sgt, %jit3A_2326, %sign3A_2335 : i32
        %sign3A_2337 = arith.extui %sign3A_2336 : i1 to i32
        %sign3A_2338 = arith.constant 0 : i32
        %sign3A_2339 = arith.cmpi slt, %jit3A_2326, %sign3A_2338 : i32
        %sign3A_2340 = arith.extui %sign3A_2339 : i1 to i32
        %sign3A_2341 = arith.subi %sign3A_2337, %sign3A_2340 : i32
        %ne3A_2342 = arith.cmpi ne, %sign3A_2334, %sign3A_2341 : i32
        %rem3A_2343 = arith.remsi %reduce_sum3A_2325, %jit3A_2326 : i32
        %ne3A_2344 = arith.constant 0 : i32
        %ne3A_2345 = arith.cmpi ne, %rem3A_2343, %ne3A_2344 : i32
        %and3A_2346 = arith.andi %ne3A_2342, %ne3A_2345 : i1
        %sub3A_2347 = arith.constant 1 : i32
        %sub3A_2348 = arith.subi %div3A_2327, %sub3A_2347 : i32
        %select_n3A_2349 = arith.select %and3A_2346, %sub3A_2348, %div3A_2327 : i32
        %mul3A_2350 = arith.constant 128 : i32
        %mul3A_2351 = arith.muli %select_n3A_2349, %mul3A_2350 : i32
        %multiple_of3A_2352 = tpu.assume_multiple %mul3A_2351, 128 : i32
        %dma_start3A_2353 = arith.constant 6 : i32
        %dma_start3A_2354 = arith.constant 6 : i32
        %dma_start3A_2355 = arith.constant 0 : i32
        %dma_start3A_2356 = arith.constant 0 : i32
        %dma_start3A_2357 = tpu.memref_slice %arg6[%dma_start3A_2353, %dma_start3A_2355, %dma_start3A_2356] : memref<16x32x128xf32, #tpu.memory_space<vmem>> -> memref<1x32x128xf32, #tpu.memory_space<vmem>>
        %dma_start3A_2358 = tpu.memref_squeeze %dma_start3A_2357 : memref<1x32x128xf32, #tpu.memory_space<vmem>> -> memref<32x128xf32, #tpu.memory_space<vmem>>
        %dma_start3A_2359 = arith.constant 0 : i32
        %dma_start3A_2360 = tpu.memref_slice %arg2[%dma_start3A_2359, %multiple_of3A_2352] : memref<32x1000000xf32, #tpu.memory_space<hbm>> -> memref<32x128xf32, #tpu.memory_space<hbm>>
        %dma_start3A_2361 = tpu.memref_slice %arg8[%dma_start3A_2354] : memref<16x!tpu.dma_semaphore, #tpu.memory_space<semaphore_mem>> -> memref<1x!tpu.dma_semaphore, #tpu.memory_space<semaphore_mem>>
        %dma_start3A_2362 = tpu.memref_squeeze %dma_start3A_2361 : memref<1x!tpu.dma_semaphore, #tpu.memory_space<semaphore_mem>> -> memref<!tpu.dma_semaphore, #tpu.memory_space<semaphore_mem>>
        %dma_start3A_2363 = arith.constant 0 : i32
        %dma_start3A_2364 = arith.constant 0 : i32
        %dma_start3A_2365 = tpu.memref_slice %arg6[%dma_start3A_2353, %dma_start3A_2363, %dma_start3A_2364] : memref<16x32x128xf32, #tpu.memory_space<vmem>> -> memref<1x32x128xf32, #tpu.memory_space<vmem>>
        %dma_start3A_2366 = tpu.memref_squeeze %dma_start3A_2365 : memref<1x32x128xf32, #tpu.memory_space<vmem>> -> memref<32x128xf32, #tpu.memory_space<vmem>>
        %dma_start3A_2367 = arith.constant 0 : i32
        %dma_start3A_2368 = tpu.memref_slice %arg2[%dma_start3A_2367, %multiple_of3A_2352] : memref<32x1000000xf32, #tpu.memory_space<hbm>> -> memref<32x128xf32, #tpu.memory_space<hbm>>
        tpu.enqueue_dma source(%dma_start3A_2368 : memref<32x128xf32, #tpu.memory_space<hbm>>) target(%dma_start3A_2366 : memref<32x128xf32, #tpu.memory_space<vmem>>) target_semaphore(%dma_start3A_2362 : memref<!tpu.dma_semaphore, #tpu.memory_space<semaphore_mem>>)
        %eq3A_2369 = arith.constant 7 : i32
        %eq3A_2370 = vector.broadcast %eq3A_2369 : i32 to vector<16xi32>
        %eq3A_2371 = arith.cmpi eq, %iota3A, %eq3A_2370 : vector<16xi32>
        %jit3A_2372 = arith.constant 0 : i32
        %broadcast_in_dim3A_2373 = vector.broadcast %jit3A_2372 : i32 to vector<16xi32>
        %select_n3A_2374 = arith.select %eq3A_2371, %get3A_1997, %broadcast_in_dim3A_2373 : vector<16xi1>, vector<16xi32>
        %reduce_sum3A_2375 = arith.constant true
        %reduce_sum3A_2376 = vector.broadcast %reduce_sum3A_2375 : i1 to vector<16xi1>
        %reduce_sum3A_2377 = tpu.scan <sum>, %select_n3A_2374 masked %reduce_sum3A_2376 : vector<16xi32>, vector<16xi1> -> vector<16xi32>
        %reduce_sum3A_2378 = vector.extract %reduce_sum3A_2377[15] : i32 from vector<16xi32>
        %jit3A_2379 = arith.constant 128 : i32
        %div3A_2380 = arith.divsi %reduce_sum3A_2378, %jit3A_2379 : i32
        %sign3A_2381 = arith.constant 0 : i32
        %sign3A_2382 = arith.cmpi sgt, %reduce_sum3A_2378, %sign3A_2381 : i32
        %sign3A_2383 = arith.extui %sign3A_2382 : i1 to i32
        %sign3A_2384 = arith.constant 0 : i32
        %sign3A_2385 = arith.cmpi slt, %reduce_sum3A_2378, %sign3A_2384 : i32
        %sign3A_2386 = arith.extui %sign3A_2385 : i1 to i32
        %sign3A_2387 = arith.subi %sign3A_2383, %sign3A_2386 : i32
        %sign3A_2388 = arith.constant 0 : i32
        %sign3A_2389 = arith.cmpi sgt, %jit3A_2379, %sign3A_2388 : i32
        %sign3A_2390 = arith.extui %sign3A_2389 : i1 to i32
        %sign3A_2391 = arith.constant 0 : i32
        %sign3A_2392 = arith.cmpi slt, %jit3A_2379, %sign3A_2391 : i32
        %sign3A_2393 = arith.extui %sign3A_2392 : i1 to i32
        %sign3A_2394 = arith.subi %sign3A_2390, %sign3A_2393 : i32
        %ne3A_2395 = arith.cmpi ne, %sign3A_2387, %sign3A_2394 : i32
        %rem3A_2396 = arith.remsi %reduce_sum3A_2378, %jit3A_2379 : i32
        %ne3A_2397 = arith.constant 0 : i32
        %ne3A_2398 = arith.cmpi ne, %rem3A_2396, %ne3A_2397 : i32
        %and3A_2399 = arith.andi %ne3A_2395, %ne3A_2398 : i1
        %sub3A_2400 = arith.constant 1 : i32
        %sub3A_2401 = arith.subi %div3A_2380, %sub3A_2400 : i32
        %select_n3A_2402 = arith.select %and3A_2399, %sub3A_2401, %div3A_2380 : i32
        %mul3A_2403 = arith.constant 128 : i32
        %mul3A_2404 = arith.muli %select_n3A_2402, %mul3A_2403 : i32
        %multiple_of3A_2405 = tpu.assume_multiple %mul3A_2404, 128 : i32
        %dma_start3A_2406 = arith.constant 7 : i32
        %dma_start3A_2407 = arith.constant 7 : i32
        %dma_start3A_2408 = arith.constant 0 : i32
        %dma_start3A_2409 = arith.constant 0 : i32
        %dma_start3A_2410 = tpu.memref_slice %arg6[%dma_start3A_2406, %dma_start3A_2408, %dma_start3A_2409] : memref<16x32x128xf32, #tpu.memory_space<vmem>> -> memref<1x32x128xf32, #tpu.memory_space<vmem>>
        %dma_start3A_2411 = tpu.memref_squeeze %dma_start3A_2410 : memref<1x32x128xf32, #tpu.memory_space<vmem>> -> memref<32x128xf32, #tpu.memory_space<vmem>>
        %dma_start3A_2412 = arith.constant 0 : i32
        %dma_start3A_2413 = tpu.memref_slice %arg2[%dma_start3A_2412, %multiple_of3A_2405] : memref<32x1000000xf32, #tpu.memory_space<hbm>> -> memref<32x128xf32, #tpu.memory_space<hbm>>
        %dma_start3A_2414 = tpu.memref_slice %arg8[%dma_start3A_2407] : memref<16x!tpu.dma_semaphore, #tpu.memory_space<semaphore_mem>> -> memref<1x!tpu.dma_semaphore, #tpu.memory_space<semaphore_mem>>
        %dma_start3A_2415 = tpu.memref_squeeze %dma_start3A_2414 : memref<1x!tpu.dma_semaphore, #tpu.memory_space<semaphore_mem>> -> memref<!tpu.dma_semaphore, #tpu.memory_space<semaphore_mem>>
        %dma_start3A_2416 = arith.constant 0 : i32
        %dma_start3A_2417 = arith.constant 0 : i32
        %dma_start3A_2418 = tpu.memref_slice %arg6[%dma_start3A_2406, %dma_start3A_2416, %dma_start3A_2417] : memref<16x32x128xf32, #tpu.memory_space<vmem>> -> memref<1x32x128xf32, #tpu.memory_space<vmem>>
        %dma_start3A_2419 = tpu.memref_squeeze %dma_start3A_2418 : memref<1x32x128xf32, #tpu.memory_space<vmem>> -> memref<32x128xf32, #tpu.memory_space<vmem>>
        %dma_start3A_2420 = arith.constant 0 : i32
        %dma_start3A_2421 = tpu.memref_slice %arg2[%dma_start3A_2420, %multiple_of3A_2405] : memref<32x1000000xf32, #tpu.memory_space<hbm>> -> memref<32x128xf32, #tpu.memory_space<hbm>>
        tpu.enqueue_dma source(%dma_start3A_2421 : memref<32x128xf32, #tpu.memory_space<hbm>>) target(%dma_start3A_2419 : memref<32x128xf32, #tpu.memory_space<vmem>>) target_semaphore(%dma_start3A_2415 : memref<!tpu.dma_semaphore, #tpu.memory_space<semaphore_mem>>)
        %eq3A_2422 = arith.constant 8 : i32
        %eq3A_2423 = vector.broadcast %eq3A_2422 : i32 to vector<16xi32>
        %eq3A_2424 = arith.cmpi eq, %iota3A, %eq3A_2423 : vector<16xi32>
        %jit3A_2425 = arith.constant 0 : i32
        %broadcast_in_dim3A_2426 = vector.broadcast %jit3A_2425 : i32 to vector<16xi32>
        %select_n3A_2427 = arith.select %eq3A_2424, %get3A_1997, %broadcast_in_dim3A_2426 : vector<16xi1>, vector<16xi32>
        %reduce_sum3A_2428 = arith.constant true
        %reduce_sum3A_2429 = vector.broadcast %reduce_sum3A_2428 : i1 to vector<16xi1>
        %reduce_sum3A_2430 = tpu.scan <sum>, %select_n3A_2427 masked %reduce_sum3A_2429 : vector<16xi32>, vector<16xi1> -> vector<16xi32>
        %reduce_sum3A_2431 = vector.extract %reduce_sum3A_2430[15] : i32 from vector<16xi32>
        %jit3A_2432 = arith.constant 128 : i32
        %div3A_2433 = arith.divsi %reduce_sum3A_2431, %jit3A_2432 : i32
        %sign3A_2434 = arith.constant 0 : i32
        %sign3A_2435 = arith.cmpi sgt, %reduce_sum3A_2431, %sign3A_2434 : i32
        %sign3A_2436 = arith.extui %sign3A_2435 : i1 to i32
        %sign3A_2437 = arith.constant 0 : i32
        %sign3A_2438 = arith.cmpi slt, %reduce_sum3A_2431, %sign3A_2437 : i32
        %sign3A_2439 = arith.extui %sign3A_2438 : i1 to i32
        %sign3A_2440 = arith.subi %sign3A_2436, %sign3A_2439 : i32
        %sign3A_2441 = arith.constant 0 : i32
        %sign3A_2442 = arith.cmpi sgt, %jit3A_2432, %sign3A_2441 : i32
        %sign3A_2443 = arith.extui %sign3A_2442 : i1 to i32
        %sign3A_2444 = arith.constant 0 : i32
        %sign3A_2445 = arith.cmpi slt, %jit3A_2432, %sign3A_2444 : i32
        %sign3A_2446 = arith.extui %sign3A_2445 : i1 to i32
        %sign3A_2447 = arith.subi %sign3A_2443, %sign3A_2446 : i32
        %ne3A_2448 = arith.cmpi ne, %sign3A_2440, %sign3A_2447 : i32
        %rem3A_2449 = arith.remsi %reduce_sum3A_2431, %jit3A_2432 : i32
        %ne3A_2450 = arith.constant 0 : i32
        %ne3A_2451 = arith.cmpi ne, %rem3A_2449, %ne3A_2450 : i32
        %and3A_2452 = arith.andi %ne3A_2448, %ne3A_2451 : i1
        %sub3A_2453 = arith.constant 1 : i32
        %sub3A_2454 = arith.subi %div3A_2433, %sub3A_2453 : i32
        %select_n3A_2455 = arith.select %and3A_2452, %sub3A_2454, %div3A_2433 : i32
        %mul3A_2456 = arith.constant 128 : i32
        %mul3A_2457 = arith.muli %select_n3A_2455, %mul3A_2456 : i32
        %multiple_of3A_2458 = tpu.assume_multiple %mul3A_2457, 128 : i32
        %dma_start3A_2459 = arith.constant 8 : i32
        %dma_start3A_2460 = arith.constant 8 : i32
        %dma_start3A_2461 = arith.constant 0 : i32
        %dma_start3A_2462 = arith.constant 0 : i32
        %dma_start3A_2463 = tpu.memref_slice %arg6[%dma_start3A_2459, %dma_start3A_2461, %dma_start3A_2462] : memref<16x32x128xf32, #tpu.memory_space<vmem>> -> memref<1x32x128xf32, #tpu.memory_space<vmem>>
        %dma_start3A_2464 = tpu.memref_squeeze %dma_start3A_2463 : memref<1x32x128xf32, #tpu.memory_space<vmem>> -> memref<32x128xf32, #tpu.memory_space<vmem>>
        %dma_start3A_2465 = arith.constant 0 : i32
        %dma_start3A_2466 = tpu.memref_slice %arg2[%dma_start3A_2465, %multiple_of3A_2458] : memref<32x1000000xf32, #tpu.memory_space<hbm>> -> memref<32x128xf32, #tpu.memory_space<hbm>>
        %dma_start3A_2467 = tpu.memref_slice %arg8[%dma_start3A_2460] : memref<16x!tpu.dma_semaphore, #tpu.memory_space<semaphore_mem>> -> memref<1x!tpu.dma_semaphore, #tpu.memory_space<semaphore_mem>>
        %dma_start3A_2468 = tpu.memref_squeeze %dma_start3A_2467 : memref<1x!tpu.dma_semaphore, #tpu.memory_space<semaphore_mem>> -> memref<!tpu.dma_semaphore, #tpu.memory_space<semaphore_mem>>
        %dma_start3A_2469 = arith.constant 0 : i32
        %dma_start3A_2470 = arith.constant 0 : i32
        %dma_start3A_2471 = tpu.memref_slice %arg6[%dma_start3A_2459, %dma_start3A_2469, %dma_start3A_2470] : memref<16x32x128xf32, #tpu.memory_space<vmem>> -> memref<1x32x128xf32, #tpu.memory_space<vmem>>
        %dma_start3A_2472 = tpu.memref_squeeze %dma_start3A_2471 : memref<1x32x128xf32, #tpu.memory_space<vmem>> -> memref<32x128xf32, #tpu.memory_space<vmem>>
        %dma_start3A_2473 = arith.constant 0 : i32
        %dma_start3A_2474 = tpu.memref_slice %arg2[%dma_start3A_2473, %multiple_of3A_2458] : memref<32x1000000xf32, #tpu.memory_space<hbm>> -> memref<32x128xf32, #tpu.memory_space<hbm>>
        tpu.enqueue_dma source(%dma_start3A_2474 : memref<32x128xf32, #tpu.memory_space<hbm>>) target(%dma_start3A_2472 : memref<32x128xf32, #tpu.memory_space<vmem>>) target_semaphore(%dma_start3A_2468 : memref<!tpu.dma_semaphore, #tpu.memory_space<semaphore_mem>>)
        %eq3A_2475 = arith.constant 9 : i32
        %eq3A_2476 = vector.broadcast %eq3A_2475 : i32 to vector<16xi32>
        %eq3A_2477 = arith.cmpi eq, %iota3A, %eq3A_2476 : vector<16xi32>
        %jit3A_2478 = arith.constant 0 : i32
        %broadcast_in_dim3A_2479 = vector.broadcast %jit3A_2478 : i32 to vector<16xi32>
        %select_n3A_2480 = arith.select %eq3A_2477, %get3A_1997, %broadcast_in_dim3A_2479 : vector<16xi1>, vector<16xi32>
        %reduce_sum3A_2481 = arith.constant true
        %reduce_sum3A_2482 = vector.broadcast %reduce_sum3A_2481 : i1 to vector<16xi1>
        %reduce_sum3A_2483 = tpu.scan <sum>, %select_n3A_2480 masked %reduce_sum3A_2482 : vector<16xi32>, vector<16xi1> -> vector<16xi32>
        %reduce_sum3A_2484 = vector.extract %reduce_sum3A_2483[15] : i32 from vector<16xi32>
        %jit3A_2485 = arith.constant 128 : i32
        %div3A_2486 = arith.divsi %reduce_sum3A_2484, %jit3A_2485 : i32
        %sign3A_2487 = arith.constant 0 : i32
        %sign3A_2488 = arith.cmpi sgt, %reduce_sum3A_2484, %sign3A_2487 : i32
        %sign3A_2489 = arith.extui %sign3A_2488 : i1 to i32
        %sign3A_2490 = arith.constant 0 : i32
        %sign3A_2491 = arith.cmpi slt, %reduce_sum3A_2484, %sign3A_2490 : i32
        %sign3A_2492 = arith.extui %sign3A_2491 : i1 to i32
        %sign3A_2493 = arith.subi %sign3A_2489, %sign3A_2492 : i32
        %sign3A_2494 = arith.constant 0 : i32
        %sign3A_2495 = arith.cmpi sgt, %jit3A_2485, %sign3A_2494 : i32
        %sign3A_2496 = arith.extui %sign3A_2495 : i1 to i32
        %sign3A_2497 = arith.constant 0 : i32
        %sign3A_2498 = arith.cmpi slt, %jit3A_2485, %sign3A_2497 : i32
        %sign3A_2499 = arith.extui %sign3A_2498 : i1 to i32
        %sign3A_2500 = arith.subi %sign3A_2496, %sign3A_2499 : i32
        %ne3A_2501 = arith.cmpi ne, %sign3A_2493, %sign3A_2500 : i32
        %rem3A_2502 = arith.remsi %reduce_sum3A_2484, %jit3A_2485 : i32
        %ne3A_2503 = arith.constant 0 : i32
        %ne3A_2504 = arith.cmpi ne, %rem3A_2502, %ne3A_2503 : i32
        %and3A_2505 = arith.andi %ne3A_2501, %ne3A_2504 : i1
        %sub3A_2506 = arith.constant 1 : i32
        %sub3A_2507 = arith.subi %div3A_2486, %sub3A_2506 : i32
        %select_n3A_2508 = arith.select %and3A_2505, %sub3A_2507, %div3A_2486 : i32
        %mul3A_2509 = arith.constant 128 : i32
        %mul3A_2510 = arith.muli %select_n3A_2508, %mul3A_2509 : i32
        %multiple_of3A_2511 = tpu.assume_multiple %mul3A_2510, 128 : i32
        %dma_start3A_2512 = arith.constant 9 : i32
        %dma_start3A_2513 = arith.constant 9 : i32
        %dma_start3A_2514 = arith.constant 0 : i32
        %dma_start3A_2515 = arith.constant 0 : i32
        %dma_start3A_2516 = tpu.memref_slice %arg6[%dma_start3A_2512, %dma_start3A_2514, %dma_start3A_2515] : memref<16x32x128xf32, #tpu.memory_space<vmem>> -> memref<1x32x128xf32, #tpu.memory_space<vmem>>
        %dma_start3A_2517 = tpu.memref_squeeze %dma_start3A_2516 : memref<1x32x128xf32, #tpu.memory_space<vmem>> -> memref<32x128xf32, #tpu.memory_space<vmem>>
        %dma_start3A_2518 = arith.constant 0 : i32
        %dma_start3A_2519 = tpu.memref_slice %arg2[%dma_start3A_2518, %multiple_of3A_2511] : memref<32x1000000xf32, #tpu.memory_space<hbm>> -> memref<32x128xf32, #tpu.memory_space<hbm>>
        %dma_start3A_2520 = tpu.memref_slice %arg8[%dma_start3A_2513] : memref<16x!tpu.dma_semaphore, #tpu.memory_space<semaphore_mem>> -> memref<1x!tpu.dma_semaphore, #tpu.memory_space<semaphore_mem>>
        %dma_start3A_2521 = tpu.memref_squeeze %dma_start3A_2520 : memref<1x!tpu.dma_semaphore, #tpu.memory_space<semaphore_mem>> -> memref<!tpu.dma_semaphore, #tpu.memory_space<semaphore_mem>>
        %dma_start3A_2522 = arith.constant 0 : i32
        %dma_start3A_2523 = arith.constant 0 : i32
        %dma_start3A_2524 = tpu.memref_slice %arg6[%dma_start3A_2512, %dma_start3A_2522, %dma_start3A_2523] : memref<16x32x128xf32, #tpu.memory_space<vmem>> -> memref<1x32x128xf32, #tpu.memory_space<vmem>>
        %dma_start3A_2525 = tpu.memref_squeeze %dma_start3A_2524 : memref<1x32x128xf32, #tpu.memory_space<vmem>> -> memref<32x128xf32, #tpu.memory_space<vmem>>
        %dma_start3A_2526 = arith.constant 0 : i32
        %dma_start3A_2527 = tpu.memref_slice %arg2[%dma_start3A_2526, %multiple_of3A_2511] : memref<32x1000000xf32, #tpu.memory_space<hbm>> -> memref<32x128xf32, #tpu.memory_space<hbm>>
        tpu.enqueue_dma source(%dma_start3A_2527 : memref<32x128xf32, #tpu.memory_space<hbm>>) target(%dma_start3A_2525 : memref<32x128xf32, #tpu.memory_space<vmem>>) target_semaphore(%dma_start3A_2521 : memref<!tpu.dma_semaphore, #tpu.memory_space<semaphore_mem>>)
        %eq3A_2528 = arith.constant 10 : i32
        %eq3A_2529 = vector.broadcast %eq3A_2528 : i32 to vector<16xi32>
        %eq3A_2530 = arith.cmpi eq, %iota3A, %eq3A_2529 : vector<16xi32>
        %jit3A_2531 = arith.constant 0 : i32
        %broadcast_in_dim3A_2532 = vector.broadcast %jit3A_2531 : i32 to vector<16xi32>
        %select_n3A_2533 = arith.select %eq3A_2530, %get3A_1997, %broadcast_in_dim3A_2532 : vector<16xi1>, vector<16xi32>
        %reduce_sum3A_2534 = arith.constant true
        %reduce_sum3A_2535 = vector.broadcast %reduce_sum3A_2534 : i1 to vector<16xi1>
        %reduce_sum3A_2536 = tpu.scan <sum>, %select_n3A_2533 masked %reduce_sum3A_2535 : vector<16xi32>, vector<16xi1> -> vector<16xi32>
        %reduce_sum3A_2537 = vector.extract %reduce_sum3A_2536[15] : i32 from vector<16xi32>
        %jit3A_2538 = arith.constant 128 : i32
        %div3A_2539 = arith.divsi %reduce_sum3A_2537, %jit3A_2538 : i32
        %sign3A_2540 = arith.constant 0 : i32
        %sign3A_2541 = arith.cmpi sgt, %reduce_sum3A_2537, %sign3A_2540 : i32
        %sign3A_2542 = arith.extui %sign3A_2541 : i1 to i32
        %sign3A_2543 = arith.constant 0 : i32
        %sign3A_2544 = arith.cmpi slt, %reduce_sum3A_2537, %sign3A_2543 : i32
        %sign3A_2545 = arith.extui %sign3A_2544 : i1 to i32
        %sign3A_2546 = arith.subi %sign3A_2542, %sign3A_2545 : i32
        %sign3A_2547 = arith.constant 0 : i32
        %sign3A_2548 = arith.cmpi sgt, %jit3A_2538, %sign3A_2547 : i32
        %sign3A_2549 = arith.extui %sign3A_2548 : i1 to i32
        %sign3A_2550 = arith.constant 0 : i32
        %sign3A_2551 = arith.cmpi slt, %jit3A_2538, %sign3A_2550 : i32
        %sign3A_2552 = arith.extui %sign3A_2551 : i1 to i32
        %sign3A_2553 = arith.subi %sign3A_2549, %sign3A_2552 : i32
        %ne3A_2554 = arith.cmpi ne, %sign3A_2546, %sign3A_2553 : i32
        %rem3A_2555 = arith.remsi %reduce_sum3A_2537, %jit3A_2538 : i32
        %ne3A_2556 = arith.constant 0 : i32
        %ne3A_2557 = arith.cmpi ne, %rem3A_2555, %ne3A_2556 : i32
        %and3A_2558 = arith.andi %ne3A_2554, %ne3A_2557 : i1
        %sub3A_2559 = arith.constant 1 : i32
        %sub3A_2560 = arith.subi %div3A_2539, %sub3A_2559 : i32
        %select_n3A_2561 = arith.select %and3A_2558, %sub3A_2560, %div3A_2539 : i32
        %mul3A_2562 = arith.constant 128 : i32
        %mul3A_2563 = arith.muli %select_n3A_2561, %mul3A_2562 : i32
        %multiple_of3A_2564 = tpu.assume_multiple %mul3A_2563, 128 : i32
        %dma_start3A_2565 = arith.constant 10 : i32
        %dma_start3A_2566 = arith.constant 10 : i32
        %dma_start3A_2567 = arith.constant 0 : i32
        %dma_start3A_2568 = arith.constant 0 : i32
        %dma_start3A_2569 = tpu.memref_slice %arg6[%dma_start3A_2565, %dma_start3A_2567, %dma_start3A_2568] : memref<16x32x128xf32, #tpu.memory_space<vmem>> -> memref<1x32x128xf32, #tpu.memory_space<vmem>>
        %dma_start3A_2570 = tpu.memref_squeeze %dma_start3A_2569 : memref<1x32x128xf32, #tpu.memory_space<vmem>> -> memref<32x128xf32, #tpu.memory_space<vmem>>
        %dma_start3A_2571 = arith.constant 0 : i32
        %dma_start3A_2572 = tpu.memref_slice %arg2[%dma_start3A_2571, %multiple_of3A_2564] : memref<32x1000000xf32, #tpu.memory_space<hbm>> -> memref<32x128xf32, #tpu.memory_space<hbm>>
        %dma_start3A_2573 = tpu.memref_slice %arg8[%dma_start3A_2566] : memref<16x!tpu.dma_semaphore, #tpu.memory_space<semaphore_mem>> -> memref<1x!tpu.dma_semaphore, #tpu.memory_space<semaphore_mem>>
        %dma_start3A_2574 = tpu.memref_squeeze %dma_start3A_2573 : memref<1x!tpu.dma_semaphore, #tpu.memory_space<semaphore_mem>> -> memref<!tpu.dma_semaphore, #tpu.memory_space<semaphore_mem>>
        %dma_start3A_2575 = arith.constant 0 : i32
        %dma_start3A_2576 = arith.constant 0 : i32
        %dma_start3A_2577 = tpu.memref_slice %arg6[%dma_start3A_2565, %dma_start3A_2575, %dma_start3A_2576] : memref<16x32x128xf32, #tpu.memory_space<vmem>> -> memref<1x32x128xf32, #tpu.memory_space<vmem>>
        %dma_start3A_2578 = tpu.memref_squeeze %dma_start3A_2577 : memref<1x32x128xf32, #tpu.memory_space<vmem>> -> memref<32x128xf32, #tpu.memory_space<vmem>>
        %dma_start3A_2579 = arith.constant 0 : i32
        %dma_start3A_2580 = tpu.memref_slice %arg2[%dma_start3A_2579, %multiple_of3A_2564] : memref<32x1000000xf32, #tpu.memory_space<hbm>> -> memref<32x128xf32, #tpu.memory_space<hbm>>
        tpu.enqueue_dma source(%dma_start3A_2580 : memref<32x128xf32, #tpu.memory_space<hbm>>) target(%dma_start3A_2578 : memref<32x128xf32, #tpu.memory_space<vmem>>) target_semaphore(%dma_start3A_2574 : memref<!tpu.dma_semaphore, #tpu.memory_space<semaphore_mem>>)
        %eq3A_2581 = arith.constant 11 : i32
        %eq3A_2582 = vector.broadcast %eq3A_2581 : i32 to vector<16xi32>
        %eq3A_2583 = arith.cmpi eq, %iota3A, %eq3A_2582 : vector<16xi32>
        %jit3A_2584 = arith.constant 0 : i32
        %broadcast_in_dim3A_2585 = vector.broadcast %jit3A_2584 : i32 to vector<16xi32>
        %select_n3A_2586 = arith.select %eq3A_2583, %get3A_1997, %broadcast_in_dim3A_2585 : vector<16xi1>, vector<16xi32>
        %reduce_sum3A_2587 = arith.constant true
        %reduce_sum3A_2588 = vector.broadcast %reduce_sum3A_2587 : i1 to vector<16xi1>
        %reduce_sum3A_2589 = tpu.scan <sum>, %select_n3A_2586 masked %reduce_sum3A_2588 : vector<16xi32>, vector<16xi1> -> vector<16xi32>
        %reduce_sum3A_2590 = vector.extract %reduce_sum3A_2589[15] : i32 from vector<16xi32>
        %jit3A_2591 = arith.constant 128 : i32
        %div3A_2592 = arith.divsi %reduce_sum3A_2590, %jit3A_2591 : i32
        %sign3A_2593 = arith.constant 0 : i32
        %sign3A_2594 = arith.cmpi sgt, %reduce_sum3A_2590, %sign3A_2593 : i32
        %sign3A_2595 = arith.extui %sign3A_2594 : i1 to i32
        %sign3A_2596 = arith.constant 0 : i32
        %sign3A_2597 = arith.cmpi slt, %reduce_sum3A_2590, %sign3A_2596 : i32
        %sign3A_2598 = arith.extui %sign3A_2597 : i1 to i32
        %sign3A_2599 = arith.subi %sign3A_2595, %sign3A_2598 : i32
        %sign3A_2600 = arith.constant 0 : i32
        %sign3A_2601 = arith.cmpi sgt, %jit3A_2591, %sign3A_2600 : i32
        %sign3A_2602 = arith.extui %sign3A_2601 : i1 to i32
        %sign3A_2603 = arith.constant 0 : i32
        %sign3A_2604 = arith.cmpi slt, %jit3A_2591, %sign3A_2603 : i32
        %sign3A_2605 = arith.extui %sign3A_2604 : i1 to i32
        %sign3A_2606 = arith.subi %sign3A_2602, %sign3A_2605 : i32
        %ne3A_2607 = arith.cmpi ne, %sign3A_2599, %sign3A_2606 : i32
        %rem3A_2608 = arith.remsi %reduce_sum3A_2590, %jit3A_2591 : i32
        %ne3A_2609 = arith.constant 0 : i32
        %ne3A_2610 = arith.cmpi ne, %rem3A_2608, %ne3A_2609 : i32
        %and3A_2611 = arith.andi %ne3A_2607, %ne3A_2610 : i1
        %sub3A_2612 = arith.constant 1 : i32
        %sub3A_2613 = arith.subi %div3A_2592, %sub3A_2612 : i32
        %select_n3A_2614 = arith.select %and3A_2611, %sub3A_2613, %div3A_2592 : i32
        %mul3A_2615 = arith.constant 128 : i32
        %mul3A_2616 = arith.muli %select_n3A_2614, %mul3A_2615 : i32
        %multiple_of3A_2617 = tpu.assume_multiple %mul3A_2616, 128 : i32
        %dma_start3A_2618 = arith.constant 11 : i32
        %dma_start3A_2619 = arith.constant 11 : i32
        %dma_start3A_2620 = arith.constant 0 : i32
        %dma_start3A_2621 = arith.constant 0 : i32
        %dma_start3A_2622 = tpu.memref_slice %arg6[%dma_start3A_2618, %dma_start3A_2620, %dma_start3A_2621] : memref<16x32x128xf32, #tpu.memory_space<vmem>> -> memref<1x32x128xf32, #tpu.memory_space<vmem>>
        %dma_start3A_2623 = tpu.memref_squeeze %dma_start3A_2622 : memref<1x32x128xf32, #tpu.memory_space<vmem>> -> memref<32x128xf32, #tpu.memory_space<vmem>>
        %dma_start3A_2624 = arith.constant 0 : i32
        %dma_start3A_2625 = tpu.memref_slice %arg2[%dma_start3A_2624, %multiple_of3A_2617] : memref<32x1000000xf32, #tpu.memory_space<hbm>> -> memref<32x128xf32, #tpu.memory_space<hbm>>
        %dma_start3A_2626 = tpu.memref_slice %arg8[%dma_start3A_2619] : memref<16x!tpu.dma_semaphore, #tpu.memory_space<semaphore_mem>> -> memref<1x!tpu.dma_semaphore, #tpu.memory_space<semaphore_mem>>
        %dma_start3A_2627 = tpu.memref_squeeze %dma_start3A_2626 : memref<1x!tpu.dma_semaphore, #tpu.memory_space<semaphore_mem>> -> memref<!tpu.dma_semaphore, #tpu.memory_space<semaphore_mem>>
        %dma_start3A_2628 = arith.constant 0 : i32
        %dma_start3A_2629 = arith.constant 0 : i32
        %dma_start3A_2630 = tpu.memref_slice %arg6[%dma_start3A_2618, %dma_start3A_2628, %dma_start3A_2629] : memref<16x32x128xf32, #tpu.memory_space<vmem>> -> memref<1x32x128xf32, #tpu.memory_space<vmem>>
        %dma_start3A_2631 = tpu.memref_squeeze %dma_start3A_2630 : memref<1x32x128xf32, #tpu.memory_space<vmem>> -> memref<32x128xf32, #tpu.memory_space<vmem>>
        %dma_start3A_2632 = arith.constant 0 : i32
        %dma_start3A_2633 = tpu.memref_slice %arg2[%dma_start3A_2632, %multiple_of3A_2617] : memref<32x1000000xf32, #tpu.memory_space<hbm>> -> memref<32x128xf32, #tpu.memory_space<hbm>>
        tpu.enqueue_dma source(%dma_start3A_2633 : memref<32x128xf32, #tpu.memory_space<hbm>>) target(%dma_start3A_2631 : memref<32x128xf32, #tpu.memory_space<vmem>>) target_semaphore(%dma_start3A_2627 : memref<!tpu.dma_semaphore, #tpu.memory_space<semaphore_mem>>)
        %eq3A_2634 = arith.constant 12 : i32
        %eq3A_2635 = vector.broadcast %eq3A_2634 : i32 to vector<16xi32>
        %eq3A_2636 = arith.cmpi eq, %iota3A, %eq3A_2635 : vector<16xi32>
        %jit3A_2637 = arith.constant 0 : i32
        %broadcast_in_dim3A_2638 = vector.broadcast %jit3A_2637 : i32 to vector<16xi32>
        %select_n3A_2639 = arith.select %eq3A_2636, %get3A_1997, %broadcast_in_dim3A_2638 : vector<16xi1>, vector<16xi32>
        %reduce_sum3A_2640 = arith.constant true
        %reduce_sum3A_2641 = vector.broadcast %reduce_sum3A_2640 : i1 to vector<16xi1>
        %reduce_sum3A_2642 = tpu.scan <sum>, %select_n3A_2639 masked %reduce_sum3A_2641 : vector<16xi32>, vector<16xi1> -> vector<16xi32>
        %reduce_sum3A_2643 = vector.extract %reduce_sum3A_2642[15] : i32 from vector<16xi32>
        %jit3A_2644 = arith.constant 128 : i32
        %div3A_2645 = arith.divsi %reduce_sum3A_2643, %jit3A_2644 : i32
        %sign3A_2646 = arith.constant 0 : i32
        %sign3A_2647 = arith.cmpi sgt, %reduce_sum3A_2643, %sign3A_2646 : i32
        %sign3A_2648 = arith.extui %sign3A_2647 : i1 to i32
        %sign3A_2649 = arith.constant 0 : i32
        %sign3A_2650 = arith.cmpi slt, %reduce_sum3A_2643, %sign3A_2649 : i32
        %sign3A_2651 = arith.extui %sign3A_2650 : i1 to i32
        %sign3A_2652 = arith.subi %sign3A_2648, %sign3A_2651 : i32
        %sign3A_2653 = arith.constant 0 : i32
        %sign3A_2654 = arith.cmpi sgt, %jit3A_2644, %sign3A_2653 : i32
        %sign3A_2655 = arith.extui %sign3A_2654 : i1 to i32
        %sign3A_2656 = arith.constant 0 : i32
        %sign3A_2657 = arith.cmpi slt, %jit3A_2644, %sign3A_2656 : i32
        %sign3A_2658 = arith.extui %sign3A_2657 : i1 to i32
        %sign3A_2659 = arith.subi %sign3A_2655, %sign3A_2658 : i32
        %ne3A_2660 = arith.cmpi ne, %sign3A_2652, %sign3A_2659 : i32
        %rem3A_2661 = arith.remsi %reduce_sum3A_2643, %jit3A_2644 : i32
        %ne3A_2662 = arith.constant 0 : i32
        %ne3A_2663 = arith.cmpi ne, %rem3A_2661, %ne3A_2662 : i32
        %and3A_2664 = arith.andi %ne3A_2660, %ne3A_2663 : i1
        %sub3A_2665 = arith.constant 1 : i32
        %sub3A_2666 = arith.subi %div3A_2645, %sub3A_2665 : i32
        %select_n3A_2667 = arith.select %and3A_2664, %sub3A_2666, %div3A_2645 : i32
        %mul3A_2668 = arith.constant 128 : i32
        %mul3A_2669 = arith.muli %select_n3A_2667, %mul3A_2668 : i32
        %multiple_of3A_2670 = tpu.assume_multiple %mul3A_2669, 128 : i32
        %dma_start3A_2671 = arith.constant 12 : i32
        %dma_start3A_2672 = arith.constant 12 : i32
        %dma_start3A_2673 = arith.constant 0 : i32
        %dma_start3A_2674 = arith.constant 0 : i32
        %dma_start3A_2675 = tpu.memref_slice %arg6[%dma_start3A_2671, %dma_start3A_2673, %dma_start3A_2674] : memref<16x32x128xf32, #tpu.memory_space<vmem>> -> memref<1x32x128xf32, #tpu.memory_space<vmem>>
        %dma_start3A_2676 = tpu.memref_squeeze %dma_start3A_2675 : memref<1x32x128xf32, #tpu.memory_space<vmem>> -> memref<32x128xf32, #tpu.memory_space<vmem>>
        %dma_start3A_2677 = arith.constant 0 : i32
        %dma_start3A_2678 = tpu.memref_slice %arg2[%dma_start3A_2677, %multiple_of3A_2670] : memref<32x1000000xf32, #tpu.memory_space<hbm>> -> memref<32x128xf32, #tpu.memory_space<hbm>>
        %dma_start3A_2679 = tpu.memref_slice %arg8[%dma_start3A_2672] : memref<16x!tpu.dma_semaphore, #tpu.memory_space<semaphore_mem>> -> memref<1x!tpu.dma_semaphore, #tpu.memory_space<semaphore_mem>>
        %dma_start3A_2680 = tpu.memref_squeeze %dma_start3A_2679 : memref<1x!tpu.dma_semaphore, #tpu.memory_space<semaphore_mem>> -> memref<!tpu.dma_semaphore, #tpu.memory_space<semaphore_mem>>
        %dma_start3A_2681 = arith.constant 0 : i32
        %dma_start3A_2682 = arith.constant 0 : i32
        %dma_start3A_2683 = tpu.memref_slice %arg6[%dma_start3A_2671, %dma_start3A_2681, %dma_start3A_2682] : memref<16x32x128xf32, #tpu.memory_space<vmem>> -> memref<1x32x128xf32, #tpu.memory_space<vmem>>
        %dma_start3A_2684 = tpu.memref_squeeze %dma_start3A_2683 : memref<1x32x128xf32, #tpu.memory_space<vmem>> -> memref<32x128xf32, #tpu.memory_space<vmem>>
        %dma_start3A_2685 = arith.constant 0 : i32
        %dma_start3A_2686 = tpu.memref_slice %arg2[%dma_start3A_2685, %multiple_of3A_2670] : memref<32x1000000xf32, #tpu.memory_space<hbm>> -> memref<32x128xf32, #tpu.memory_space<hbm>>
        tpu.enqueue_dma source(%dma_start3A_2686 : memref<32x128xf32, #tpu.memory_space<hbm>>) target(%dma_start3A_2684 : memref<32x128xf32, #tpu.memory_space<vmem>>) target_semaphore(%dma_start3A_2680 : memref<!tpu.dma_semaphore, #tpu.memory_space<semaphore_mem>>)
        %eq3A_2687 = arith.constant 13 : i32
        %eq3A_2688 = vector.broadcast %eq3A_2687 : i32 to vector<16xi32>
        %eq3A_2689 = arith.cmpi eq, %iota3A, %eq3A_2688 : vector<16xi32>
        %jit3A_2690 = arith.constant 0 : i32
        %broadcast_in_dim3A_2691 = vector.broadcast %jit3A_2690 : i32 to vector<16xi32>
        %select_n3A_2692 = arith.select %eq3A_2689, %get3A_1997, %broadcast_in_dim3A_2691 : vector<16xi1>, vector<16xi32>
        %reduce_sum3A_2693 = arith.constant true
        %reduce_sum3A_2694 = vector.broadcast %reduce_sum3A_2693 : i1 to vector<16xi1>
        %reduce_sum3A_2695 = tpu.scan <sum>, %select_n3A_2692 masked %reduce_sum3A_2694 : vector<16xi32>, vector<16xi1> -> vector<16xi32>
        %reduce_sum3A_2696 = vector.extract %reduce_sum3A_2695[15] : i32 from vector<16xi32>
        %jit3A_2697 = arith.constant 128 : i32
        %div3A_2698 = arith.divsi %reduce_sum3A_2696, %jit3A_2697 : i32
        %sign3A_2699 = arith.constant 0 : i32
        %sign3A_2700 = arith.cmpi sgt, %reduce_sum3A_2696, %sign3A_2699 : i32
        %sign3A_2701 = arith.extui %sign3A_2700 : i1 to i32
        %sign3A_2702 = arith.constant 0 : i32
        %sign3A_2703 = arith.cmpi slt, %reduce_sum3A_2696, %sign3A_2702 : i32
        %sign3A_2704 = arith.extui %sign3A_2703 : i1 to i32
        %sign3A_2705 = arith.subi %sign3A_2701, %sign3A_2704 : i32
        %sign3A_2706 = arith.constant 0 : i32
        %sign3A_2707 = arith.cmpi sgt, %jit3A_2697, %sign3A_2706 : i32
        %sign3A_2708 = arith.extui %sign3A_2707 : i1 to i32
        %sign3A_2709 = arith.constant 0 : i32
        %sign3A_2710 = arith.cmpi slt, %jit3A_2697, %sign3A_2709 : i32
        %sign3A_2711 = arith.extui %sign3A_2710 : i1 to i32
        %sign3A_2712 = arith.subi %sign3A_2708, %sign3A_2711 : i32
        %ne3A_2713 = arith.cmpi ne, %sign3A_2705, %sign3A_2712 : i32
        %rem3A_2714 = arith.remsi %reduce_sum3A_2696, %jit3A_2697 : i32
        %ne3A_2715 = arith.constant 0 : i32
        %ne3A_2716 = arith.cmpi ne, %rem3A_2714, %ne3A_2715 : i32
        %and3A_2717 = arith.andi %ne3A_2713, %ne3A_2716 : i1
        %sub3A_2718 = arith.constant 1 : i32
        %sub3A_2719 = arith.subi %div3A_2698, %sub3A_2718 : i32
        %select_n3A_2720 = arith.select %and3A_2717, %sub3A_2719, %div3A_2698 : i32
        %mul3A_2721 = arith.constant 128 : i32
        %mul3A_2722 = arith.muli %select_n3A_2720, %mul3A_2721 : i32
        %multiple_of3A_2723 = tpu.assume_multiple %mul3A_2722, 128 : i32
        %dma_start3A_2724 = arith.constant 13 : i32
        %dma_start3A_2725 = arith.constant 13 : i32
        %dma_start3A_2726 = arith.constant 0 : i32
        %dma_start3A_2727 = arith.constant 0 : i32
        %dma_start3A_2728 = tpu.memref_slice %arg6[%dma_start3A_2724, %dma_start3A_2726, %dma_start3A_2727] : memref<16x32x128xf32, #tpu.memory_space<vmem>> -> memref<1x32x128xf32, #tpu.memory_space<vmem>>
        %dma_start3A_2729 = tpu.memref_squeeze %dma_start3A_2728 : memref<1x32x128xf32, #tpu.memory_space<vmem>> -> memref<32x128xf32, #tpu.memory_space<vmem>>
        %dma_start3A_2730 = arith.constant 0 : i32
        %dma_start3A_2731 = tpu.memref_slice %arg2[%dma_start3A_2730, %multiple_of3A_2723] : memref<32x1000000xf32, #tpu.memory_space<hbm>> -> memref<32x128xf32, #tpu.memory_space<hbm>>
        %dma_start3A_2732 = tpu.memref_slice %arg8[%dma_start3A_2725] : memref<16x!tpu.dma_semaphore, #tpu.memory_space<semaphore_mem>> -> memref<1x!tpu.dma_semaphore, #tpu.memory_space<semaphore_mem>>
        %dma_start3A_2733 = tpu.memref_squeeze %dma_start3A_2732 : memref<1x!tpu.dma_semaphore, #tpu.memory_space<semaphore_mem>> -> memref<!tpu.dma_semaphore, #tpu.memory_space<semaphore_mem>>
        %dma_start3A_2734 = arith.constant 0 : i32
        %dma_start3A_2735 = arith.constant 0 : i32
        %dma_start3A_2736 = tpu.memref_slice %arg6[%dma_start3A_2724, %dma_start3A_2734, %dma_start3A_2735] : memref<16x32x128xf32, #tpu.memory_space<vmem>> -> memref<1x32x128xf32, #tpu.memory_space<vmem>>
        %dma_start3A_2737 = tpu.memref_squeeze %dma_start3A_2736 : memref<1x32x128xf32, #tpu.memory_space<vmem>> -> memref<32x128xf32, #tpu.memory_space<vmem>>
        %dma_start3A_2738 = arith.constant 0 : i32
        %dma_start3A_2739 = tpu.memref_slice %arg2[%dma_start3A_2738, %multiple_of3A_2723] : memref<32x1000000xf32, #tpu.memory_space<hbm>> -> memref<32x128xf32, #tpu.memory_space<hbm>>
        tpu.enqueue_dma source(%dma_start3A_2739 : memref<32x128xf32, #tpu.memory_space<hbm>>) target(%dma_start3A_2737 : memref<32x128xf32, #tpu.memory_space<vmem>>) target_semaphore(%dma_start3A_2733 : memref<!tpu.dma_semaphore, #tpu.memory_space<semaphore_mem>>)
        %eq3A_2740 = arith.constant 14 : i32
        %eq3A_2741 = vector.broadcast %eq3A_2740 : i32 to vector<16xi32>
        %eq3A_2742 = arith.cmpi eq, %iota3A, %eq3A_2741 : vector<16xi32>
        %jit3A_2743 = arith.constant 0 : i32
        %broadcast_in_dim3A_2744 = vector.broadcast %jit3A_2743 : i32 to vector<16xi32>
        %select_n3A_2745 = arith.select %eq3A_2742, %get3A_1997, %broadcast_in_dim3A_2744 : vector<16xi1>, vector<16xi32>
        %reduce_sum3A_2746 = arith.constant true
        %reduce_sum3A_2747 = vector.broadcast %reduce_sum3A_2746 : i1 to vector<16xi1>
        %reduce_sum3A_2748 = tpu.scan <sum>, %select_n3A_2745 masked %reduce_sum3A_2747 : vector<16xi32>, vector<16xi1> -> vector<16xi32>
        %reduce_sum3A_2749 = vector.extract %reduce_sum3A_2748[15] : i32 from vector<16xi32>
        %jit3A_2750 = arith.constant 128 : i32
        %div3A_2751 = arith.divsi %reduce_sum3A_2749, %jit3A_2750 : i32
        %sign3A_2752 = arith.constant 0 : i32
        %sign3A_2753 = arith.cmpi sgt, %reduce_sum3A_2749, %sign3A_2752 : i32
        %sign3A_2754 = arith.extui %sign3A_2753 : i1 to i32
        %sign3A_2755 = arith.constant 0 : i32
        %sign3A_2756 = arith.cmpi slt, %reduce_sum3A_2749, %sign3A_2755 : i32
        %sign3A_2757 = arith.extui %sign3A_2756 : i1 to i32
        %sign3A_2758 = arith.subi %sign3A_2754, %sign3A_2757 : i32
        %sign3A_2759 = arith.constant 0 : i32
        %sign3A_2760 = arith.cmpi sgt, %jit3A_2750, %sign3A_2759 : i32
        %sign3A_2761 = arith.extui %sign3A_2760 : i1 to i32
        %sign3A_2762 = arith.constant 0 : i32
        %sign3A_2763 = arith.cmpi slt, %jit3A_2750, %sign3A_2762 : i32
        %sign3A_2764 = arith.extui %sign3A_2763 : i1 to i32
        %sign3A_2765 = arith.subi %sign3A_2761, %sign3A_2764 : i32
        %ne3A_2766 = arith.cmpi ne, %sign3A_2758, %sign3A_2765 : i32
        %rem3A_2767 = arith.remsi %reduce_sum3A_2749, %jit3A_2750 : i32
        %ne3A_2768 = arith.constant 0 : i32
        %ne3A_2769 = arith.cmpi ne, %rem3A_2767, %ne3A_2768 : i32
        %and3A_2770 = arith.andi %ne3A_2766, %ne3A_2769 : i1
        %sub3A_2771 = arith.constant 1 : i32
        %sub3A_2772 = arith.subi %div3A_2751, %sub3A_2771 : i32
        %select_n3A_2773 = arith.select %and3A_2770, %sub3A_2772, %div3A_2751 : i32
        %mul3A_2774 = arith.constant 128 : i32
        %mul3A_2775 = arith.muli %select_n3A_2773, %mul3A_2774 : i32
        %multiple_of3A_2776 = tpu.assume_multiple %mul3A_2775, 128 : i32
        %dma_start3A_2777 = arith.constant 14 : i32
        %dma_start3A_2778 = arith.constant 14 : i32
        %dma_start3A_2779 = arith.constant 0 : i32
        %dma_start3A_2780 = arith.constant 0 : i32
        %dma_start3A_2781 = tpu.memref_slice %arg6[%dma_start3A_2777, %dma_start3A_2779, %dma_start3A_2780] : memref<16x32x128xf32, #tpu.memory_space<vmem>> -> memref<1x32x128xf32, #tpu.memory_space<vmem>>
        %dma_start3A_2782 = tpu.memref_squeeze %dma_start3A_2781 : memref<1x32x128xf32, #tpu.memory_space<vmem>> -> memref<32x128xf32, #tpu.memory_space<vmem>>
        %dma_start3A_2783 = arith.constant 0 : i32
        %dma_start3A_2784 = tpu.memref_slice %arg2[%dma_start3A_2783, %multiple_of3A_2776] : memref<32x1000000xf32, #tpu.memory_space<hbm>> -> memref<32x128xf32, #tpu.memory_space<hbm>>
        %dma_start3A_2785 = tpu.memref_slice %arg8[%dma_start3A_2778] : memref<16x!tpu.dma_semaphore, #tpu.memory_space<semaphore_mem>> -> memref<1x!tpu.dma_semaphore, #tpu.memory_space<semaphore_mem>>
        %dma_start3A_2786 = tpu.memref_squeeze %dma_start3A_2785 : memref<1x!tpu.dma_semaphore, #tpu.memory_space<semaphore_mem>> -> memref<!tpu.dma_semaphore, #tpu.memory_space<semaphore_mem>>
        %dma_start3A_2787 = arith.constant 0 : i32
        %dma_start3A_2788 = arith.constant 0 : i32
        %dma_start3A_2789 = tpu.memref_slice %arg6[%dma_start3A_2777, %dma_start3A_2787, %dma_start3A_2788] : memref<16x32x128xf32, #tpu.memory_space<vmem>> -> memref<1x32x128xf32, #tpu.memory_space<vmem>>
        %dma_start3A_2790 = tpu.memref_squeeze %dma_start3A_2789 : memref<1x32x128xf32, #tpu.memory_space<vmem>> -> memref<32x128xf32, #tpu.memory_space<vmem>>
        %dma_start3A_2791 = arith.constant 0 : i32
        %dma_start3A_2792 = tpu.memref_slice %arg2[%dma_start3A_2791, %multiple_of3A_2776] : memref<32x1000000xf32, #tpu.memory_space<hbm>> -> memref<32x128xf32, #tpu.memory_space<hbm>>
        tpu.enqueue_dma source(%dma_start3A_2792 : memref<32x128xf32, #tpu.memory_space<hbm>>) target(%dma_start3A_2790 : memref<32x128xf32, #tpu.memory_space<vmem>>) target_semaphore(%dma_start3A_2786 : memref<!tpu.dma_semaphore, #tpu.memory_space<semaphore_mem>>)
        %eq3A_2793 = arith.constant 15 : i32
        %eq3A_2794 = vector.broadcast %eq3A_2793 : i32 to vector<16xi32>
        %eq3A_2795 = arith.cmpi eq, %iota3A, %eq3A_2794 : vector<16xi32>
        %jit3A_2796 = arith.constant 0 : i32
        %broadcast_in_dim3A_2797 = vector.broadcast %jit3A_2796 : i32 to vector<16xi32>
        %select_n3A_2798 = arith.select %eq3A_2795, %get3A_1997, %broadcast_in_dim3A_2797 : vector<16xi1>, vector<16xi32>
        %reduce_sum3A_2799 = arith.constant true
        %reduce_sum3A_2800 = vector.broadcast %reduce_sum3A_2799 : i1 to vector<16xi1>
        %reduce_sum3A_2801 = tpu.scan <sum>, %select_n3A_2798 masked %reduce_sum3A_2800 : vector<16xi32>, vector<16xi1> -> vector<16xi32>
        %reduce_sum3A_2802 = vector.extract %reduce_sum3A_2801[15] : i32 from vector<16xi32>
        %jit3A_2803 = arith.constant 128 : i32
        %div3A_2804 = arith.divsi %reduce_sum3A_2802, %jit3A_2803 : i32
        %sign3A_2805 = arith.constant 0 : i32
        %sign3A_2806 = arith.cmpi sgt, %reduce_sum3A_2802, %sign3A_2805 : i32
        %sign3A_2807 = arith.extui %sign3A_2806 : i1 to i32
        %sign3A_2808 = arith.constant 0 : i32
        %sign3A_2809 = arith.cmpi slt, %reduce_sum3A_2802, %sign3A_2808 : i32
        %sign3A_2810 = arith.extui %sign3A_2809 : i1 to i32
        %sign3A_2811 = arith.subi %sign3A_2807, %sign3A_2810 : i32
        %sign3A_2812 = arith.constant 0 : i32
        %sign3A_2813 = arith.cmpi sgt, %jit3A_2803, %sign3A_2812 : i32
        %sign3A_2814 = arith.extui %sign3A_2813 : i1 to i32
        %sign3A_2815 = arith.constant 0 : i32
        %sign3A_2816 = arith.cmpi slt, %jit3A_2803, %sign3A_2815 : i32
        %sign3A_2817 = arith.extui %sign3A_2816 : i1 to i32
        %sign3A_2818 = arith.subi %sign3A_2814, %sign3A_2817 : i32
        %ne3A_2819 = arith.cmpi ne, %sign3A_2811, %sign3A_2818 : i32
        %rem3A_2820 = arith.remsi %reduce_sum3A_2802, %jit3A_2803 : i32
        %ne3A_2821 = arith.constant 0 : i32
        %ne3A_2822 = arith.cmpi ne, %rem3A_2820, %ne3A_2821 : i32
        %and3A_2823 = arith.andi %ne3A_2819, %ne3A_2822 : i1
        %sub3A_2824 = arith.constant 1 : i32
        %sub3A_2825 = arith.subi %div3A_2804, %sub3A_2824 : i32
        %select_n3A_2826 = arith.select %and3A_2823, %sub3A_2825, %div3A_2804 : i32
        %mul3A_2827 = arith.constant 128 : i32
        %mul3A_2828 = arith.muli %select_n3A_2826, %mul3A_2827 : i32
        %multiple_of3A_2829 = tpu.assume_multiple %mul3A_2828, 128 : i32
        %dma_start3A_2830 = arith.constant 15 : i32
        %dma_start3A_2831 = arith.constant 15 : i32
        %dma_start3A_2832 = arith.constant 0 : i32
        %dma_start3A_2833 = arith.constant 0 : i32
        %dma_start3A_2834 = tpu.memref_slice %arg6[%dma_start3A_2830, %dma_start3A_2832, %dma_start3A_2833] : memref<16x32x128xf32, #tpu.memory_space<vmem>> -> memref<1x32x128xf32, #tpu.memory_space<vmem>>
        %dma_start3A_2835 = tpu.memref_squeeze %dma_start3A_2834 : memref<1x32x128xf32, #tpu.memory_space<vmem>> -> memref<32x128xf32, #tpu.memory_space<vmem>>
        %dma_start3A_2836 = arith.constant 0 : i32
        %dma_start3A_2837 = tpu.memref_slice %arg2[%dma_start3A_2836, %multiple_of3A_2829] : memref<32x1000000xf32, #tpu.memory_space<hbm>> -> memref<32x128xf32, #tpu.memory_space<hbm>>
        %dma_start3A_2838 = tpu.memref_slice %arg8[%dma_start3A_2831] : memref<16x!tpu.dma_semaphore, #tpu.memory_space<semaphore_mem>> -> memref<1x!tpu.dma_semaphore, #tpu.memory_space<semaphore_mem>>
        %dma_start3A_2839 = tpu.memref_squeeze %dma_start3A_2838 : memref<1x!tpu.dma_semaphore, #tpu.memory_space<semaphore_mem>> -> memref<!tpu.dma_semaphore, #tpu.memory_space<semaphore_mem>>
        %dma_start3A_2840 = arith.constant 0 : i32
        %dma_start3A_2841 = arith.constant 0 : i32
        %dma_start3A_2842 = tpu.memref_slice %arg6[%dma_start3A_2830, %dma_start3A_2840, %dma_start3A_2841] : memref<16x32x128xf32, #tpu.memory_space<vmem>> -> memref<1x32x128xf32, #tpu.memory_space<vmem>>
        %dma_start3A_2843 = tpu.memref_squeeze %dma_start3A_2842 : memref<1x32x128xf32, #tpu.memory_space<vmem>> -> memref<32x128xf32, #tpu.memory_space<vmem>>
        %dma_start3A_2844 = arith.constant 0 : i32
        %dma_start3A_2845 = tpu.memref_slice %arg2[%dma_start3A_2844, %multiple_of3A_2829] : memref<32x1000000xf32, #tpu.memory_space<hbm>> -> memref<32x128xf32, #tpu.memory_space<hbm>>
        tpu.enqueue_dma source(%dma_start3A_2845 : memref<32x128xf32, #tpu.memory_space<hbm>>) target(%dma_start3A_2843 : memref<32x128xf32, #tpu.memory_space<vmem>>) target_semaphore(%dma_start3A_2839 : memref<!tpu.dma_semaphore, #tpu.memory_space<semaphore_mem>>)
      } else {
      }
    }
    %scan3A_845 = arith.constant 32 : i32
    %multiple_of3A_846 = tpu.assume_multiple %mul3A_2, 128 : i32
    "tpu.region"() ({
      %run_scoped3A = tpu.sem_alloc : memref<!tpu.dma_semaphore, #tpu.memory_space<semaphore_mem>>
      %dma_start3A_847 = arith.constant 0 : i32
      %dma_start3A_848 = tpu.memref_slice %arg4[%dma_start3A_847, %multiple_of3A_846] : memref<32x16384xf32, #tpu.memory_space<hbm>> -> memref<32x512xf32, #tpu.memory_space<hbm>>
      %dma_start3A_849 = arith.constant 0 : i32
      %dma_start3A_850 = tpu.memref_slice %arg4[%dma_start3A_849, %multiple_of3A_846] : memref<32x16384xf32, #tpu.memory_space<hbm>> -> memref<32x512xf32, #tpu.memory_space<hbm>>
      tpu.enqueue_dma source(%arg7 : memref<32x512xf32, #tpu.memory_space<vmem>>) target(%dma_start3A_850 : memref<32x512xf32, #tpu.memory_space<hbm>>) target_semaphore(%run_scoped3A : memref<!tpu.dma_semaphore, #tpu.memory_space<semaphore_mem>>)
      %dma_wait3A = arith.constant 0 : i32
      %dma_wait3A_851 = tpu.memref_slice %arg4[%dma_wait3A, %multiple_of3A_846] : memref<32x16384xf32, #tpu.memory_space<hbm>> -> memref<32x512xf32, #tpu.memory_space<hbm>>
      %dma_wait3A_852 = arith.constant 0 : i32
      %dma_wait3A_853 = tpu.memref_slice %arg4[%dma_wait3A_852, %multiple_of3A_846] : memref<32x16384xf32, #tpu.memory_space<hbm>> -> memref<32x512xf32, #tpu.memory_space<hbm>>
      tpu.wait_dma2 semaphore(%run_scoped3A : memref<!tpu.dma_semaphore, #tpu.memory_space<semaphore_mem>>) src(%arg7 : memref<32x512xf32, #tpu.memory_space<vmem>>) dst(%dma_wait3A_853 : memref<32x512xf32, #tpu.memory_space<hbm>>)
      tpu.yield
    }) : () -> ()
    return
  }
}

#map = affine_map<(d0, d1) -> (0)>
#map1 = affine_map<(d0, d1) -> (0, 0)>
module attributes {stable_mosaic.version = 14 : i64} {
  func.func @it_kernel(%arg0: i32, %arg1: i32, %arg2: memref<16384xi32, #tpu.memory_space<hbm>>, %arg3: memref<16384xi32, #tpu.memory_space<hbm>>, %arg4: memref<100000x32xf32, #tpu.memory_space<hbm>>, %arg5: memref<1000x32xf32, #tpu.memory_space<hbm>>, %arg6: memref<32768x32xf32, #tpu.memory_space<hbm>>, %arg7: memref<512xi32, #tpu.memory_space<vmem>>, %arg8: memref<512xi32, #tpu.memory_space<vmem>>, %arg9: memref<2x4x128xi32, #tpu.memory_space<vmem>>, %arg10: memref<512x32xf32, #tpu.memory_space<vmem>>, %arg11: memref<512x32xf32, #tpu.memory_space<vmem>>, %arg12: memref<!tpu.dma_semaphore, #tpu.memory_space<semaphore_mem>>) attributes {dimension_semantics = [#tpu.dimension_semantics<core_parallel>, #tpu.dimension_semantics<subcore_parallel>], iteration_bounds = array<i64: 2, 16>, scalar_prefetch = 0 : i64, scratch_operands = 6 : i64, tpu.core_type = #tpu.core_type<sc_vector_subcore>, window_params = [{transform_indices = #map}, {transform_indices = #map}, {transform_indices = #map1}, {transform_indices = #map1}, {transform_indices = #map1}]} {
    %mul3A = arith.constant 2 : i32
    %mul3A_0 = arith.muli %arg1, %mul3A : i32
    %add3A = arith.addi %mul3A_0, %arg0 : i32
    %mul3A_1 = arith.constant 512 : i32
    %mul3A_2 = arith.muli %add3A, %mul3A_1 : i32
    "tpu.region"() ({
      %run_scoped3A = tpu.sem_alloc : memref<!tpu.dma_semaphore, #tpu.memory_space<semaphore_mem>>
      %dma_start3A_1648 = tpu.memref_slice %arg2[%mul3A_2] : memref<16384xi32, #tpu.memory_space<hbm>> -> memref<512xi32, #tpu.memory_space<hbm>>
      %dma_start3A_1649 = tpu.memref_slice %arg2[%mul3A_2] : memref<16384xi32, #tpu.memory_space<hbm>> -> memref<512xi32, #tpu.memory_space<hbm>>
      tpu.enqueue_dma source(%dma_start3A_1649 : memref<512xi32, #tpu.memory_space<hbm>>) target(%arg7 : memref<512xi32, #tpu.memory_space<vmem>>) target_semaphore(%run_scoped3A : memref<!tpu.dma_semaphore, #tpu.memory_space<semaphore_mem>>)
      %dma_wait3A_1650 = tpu.memref_slice %arg2[%mul3A_2] : memref<16384xi32, #tpu.memory_space<hbm>> -> memref<512xi32, #tpu.memory_space<hbm>>
      %dma_wait3A_1651 = tpu.memref_slice %arg2[%mul3A_2] : memref<16384xi32, #tpu.memory_space<hbm>> -> memref<512xi32, #tpu.memory_space<hbm>>
      tpu.wait_dma2 semaphore(%run_scoped3A : memref<!tpu.dma_semaphore, #tpu.memory_space<semaphore_mem>>) src(%dma_wait3A_1651 : memref<512xi32, #tpu.memory_space<hbm>>) dst(%arg7 : memref<512xi32, #tpu.memory_space<vmem>>)
      tpu.yield
    }) : () -> ()
    "tpu.region"() ({
      %run_scoped3A = tpu.sem_alloc : memref<!tpu.dma_semaphore, #tpu.memory_space<semaphore_mem>>
      %dma_start3A_1648 = tpu.memref_slice %arg3[%mul3A_2] : memref<16384xi32, #tpu.memory_space<hbm>> -> memref<512xi32, #tpu.memory_space<hbm>>
      %dma_start3A_1649 = tpu.memref_slice %arg3[%mul3A_2] : memref<16384xi32, #tpu.memory_space<hbm>> -> memref<512xi32, #tpu.memory_space<hbm>>
      tpu.enqueue_dma source(%dma_start3A_1649 : memref<512xi32, #tpu.memory_space<hbm>>) target(%arg8 : memref<512xi32, #tpu.memory_space<vmem>>) target_semaphore(%run_scoped3A : memref<!tpu.dma_semaphore, #tpu.memory_space<semaphore_mem>>)
      %dma_wait3A_1650 = tpu.memref_slice %arg3[%mul3A_2] : memref<16384xi32, #tpu.memory_space<hbm>> -> memref<512xi32, #tpu.memory_space<hbm>>
      %dma_wait3A_1651 = tpu.memref_slice %arg3[%mul3A_2] : memref<16384xi32, #tpu.memory_space<hbm>> -> memref<512xi32, #tpu.memory_space<hbm>>
      tpu.wait_dma2 semaphore(%run_scoped3A : memref<!tpu.dma_semaphore, #tpu.memory_space<semaphore_mem>>) src(%dma_wait3A_1651 : memref<512xi32, #tpu.memory_space<hbm>>) dst(%arg8 : memref<512xi32, #tpu.memory_space<vmem>>)
      tpu.yield
    }) : () -> ()
    %iota3A = tpu.iota {dimensions = array<i32: 0>} : vector<16xi32>
    %add3A_3 = arith.constant 0 : i32
    %add3A_4 = arith.addi %mul3A_2, %add3A_3 : i32
    %add3A_5 = arith.constant 0 : i32
    %add3A_6 = arith.addi %add3A_4, %add3A_5 : i32
    %mul3A_7 = arith.constant 2 : i32
    %mul3A_8 = arith.muli %add3A_6, %mul3A_7 : i32
    %add3A_9 = arith.constant 0 : i32
    %add3A_10 = arith.addi %mul3A_8, %add3A_9 : i32
    %mul3A_11 = arith.constant 2 : i32
    %mul3A_12 = vector.broadcast %mul3A_11 : i32 to vector<16xi32>
    %mul3A_13 = arith.muli %iota3A, %mul3A_12 : vector<16xi32>
    %add3A_14 = vector.broadcast %add3A_10 : i32 to vector<16xi32>
    %add3A_15 = arith.addi %mul3A_13, %add3A_14 : vector<16xi32>
    %swap3A = arith.constant 0 : i32
    %swap3A_16 = arith.constant 0 : i32
    %swap3A_17 = arith.index_cast %swap3A : i32 to index
    %swap3A_18 = arith.index_cast %swap3A_16 : i32 to index
    %swap3A_19 = arith.constant 0 : index
    %swap3A_20 = tpu.vector_load %arg9[%swap3A_17, %swap3A_18, %swap3A_19] {strides = array<i32>} : memref<2x4x128xi32, #tpu.memory_space<vmem>>, vector<1x1x16xi32>,
    %swap3A_21 = vector.shape_cast %swap3A_20 : vector<1x1x16xi32> to vector<16xi32>
    %swap3A_22 = vector.shape_cast %add3A_15 : vector<16xi32> to vector<1x1x16xi32>
    tpu.vector_store %arg9[%swap3A_17, %swap3A_18, %swap3A_19], %swap3A_22 {strides = array<i32>} : memref<2x4x128xi32, #tpu.memory_space<vmem>>, vector<1x1x16xi32>,
    %add3A_23 = arith.constant 0 : i32
    %add3A_24 = arith.addi %mul3A_2, %add3A_23 : i32
    %add3A_25 = arith.constant 16 : i32
    %add3A_26 = arith.addi %add3A_24, %add3A_25 : i32
    %mul3A_27 = arith.constant 2 : i32
    %mul3A_28 = arith.muli %add3A_26, %mul3A_27 : i32
    %add3A_29 = arith.constant 0 : i32
    %add3A_30 = arith.addi %mul3A_28, %add3A_29 : i32
    %mul3A_31 = arith.constant 2 : i32
    %mul3A_32 = vector.broadcast %mul3A_31 : i32 to vector<16xi32>
    %mul3A_33 = arith.muli %iota3A, %mul3A_32 : vector<16xi32>
    %add3A_34 = vector.broadcast %add3A_30 : i32 to vector<16xi32>
    %add3A_35 = arith.addi %mul3A_33, %add3A_34 : vector<16xi32>
    %swap3A_36 = arith.constant 0 : i32
    %swap3A_37 = arith.constant 0 : i32
    %swap3A_38 = arith.index_cast %swap3A_36 : i32 to index
    %swap3A_39 = arith.index_cast %swap3A_37 : i32 to index
    %swap3A_40 = arith.constant 16 : index
    %swap3A_41 = tpu.vector_load %arg9[%swap3A_38, %swap3A_39, %swap3A_40] {strides = array<i32>} : memref<2x4x128xi32, #tpu.memory_space<vmem>>, vector<1x1x16xi32>,
    %swap3A_42 = vector.shape_cast %swap3A_41 : vector<1x1x16xi32> to vector<16xi32>
    %swap3A_43 = vector.shape_cast %add3A_35 : vector<16xi32> to vector<1x1x16xi32>
    tpu.vector_store %arg9[%swap3A_38, %swap3A_39, %swap3A_40], %swap3A_43 {strides = array<i32>} : memref<2x4x128xi32, #tpu.memory_space<vmem>>, vector<1x1x16xi32>,
    %add3A_44 = arith.constant 0 : i32
    %add3A_45 = arith.addi %mul3A_2, %add3A_44 : i32
    %add3A_46 = arith.constant 32 : i32
    %add3A_47 = arith.addi %add3A_45, %add3A_46 : i32
    %mul3A_48 = arith.constant 2 : i32
    %mul3A_49 = arith.muli %add3A_47, %mul3A_48 : i32
    %add3A_50 = arith.constant 0 : i32
    %add3A_51 = arith.addi %mul3A_49, %add3A_50 : i32
    %mul3A_52 = arith.constant 2 : i32
    %mul3A_53 = vector.broadcast %mul3A_52 : i32 to vector<16xi32>
    %mul3A_54 = arith.muli %iota3A, %mul3A_53 : vector<16xi32>
    %add3A_55 = vector.broadcast %add3A_51 : i32 to vector<16xi32>
    %add3A_56 = arith.addi %mul3A_54, %add3A_55 : vector<16xi32>
    %swap3A_57 = arith.constant 0 : i32
    %swap3A_58 = arith.constant 0 : i32
    %swap3A_59 = arith.index_cast %swap3A_57 : i32 to index
    %swap3A_60 = arith.index_cast %swap3A_58 : i32 to index
    %swap3A_61 = arith.constant 32 : index
    %swap3A_62 = tpu.vector_load %arg9[%swap3A_59, %swap3A_60, %swap3A_61] {strides = array<i32>} : memref<2x4x128xi32, #tpu.memory_space<vmem>>, vector<1x1x16xi32>,
    %swap3A_63 = vector.shape_cast %swap3A_62 : vector<1x1x16xi32> to vector<16xi32>
    %swap3A_64 = vector.shape_cast %add3A_56 : vector<16xi32> to vector<1x1x16xi32>
    tpu.vector_store %arg9[%swap3A_59, %swap3A_60, %swap3A_61], %swap3A_64 {strides = array<i32>} : memref<2x4x128xi32, #tpu.memory_space<vmem>>, vector<1x1x16xi32>,
    %add3A_65 = arith.constant 0 : i32
    %add3A_66 = arith.addi %mul3A_2, %add3A_65 : i32
    %add3A_67 = arith.constant 48 : i32
    %add3A_68 = arith.addi %add3A_66, %add3A_67 : i32
    %mul3A_69 = arith.constant 2 : i32
    %mul3A_70 = arith.muli %add3A_68, %mul3A_69 : i32
    %add3A_71 = arith.constant 0 : i32
    %add3A_72 = arith.addi %mul3A_70, %add3A_71 : i32
    %mul3A_73 = arith.constant 2 : i32
    %mul3A_74 = vector.broadcast %mul3A_73 : i32 to vector<16xi32>
    %mul3A_75 = arith.muli %iota3A, %mul3A_74 : vector<16xi32>
    %add3A_76 = vector.broadcast %add3A_72 : i32 to vector<16xi32>
    %add3A_77 = arith.addi %mul3A_75, %add3A_76 : vector<16xi32>
    %swap3A_78 = arith.constant 0 : i32
    %swap3A_79 = arith.constant 0 : i32
    %swap3A_80 = arith.index_cast %swap3A_78 : i32 to index
    %swap3A_81 = arith.index_cast %swap3A_79 : i32 to index
    %swap3A_82 = arith.constant 48 : index
    %swap3A_83 = tpu.vector_load %arg9[%swap3A_80, %swap3A_81, %swap3A_82] {strides = array<i32>} : memref<2x4x128xi32, #tpu.memory_space<vmem>>, vector<1x1x16xi32>,
    %swap3A_84 = vector.shape_cast %swap3A_83 : vector<1x1x16xi32> to vector<16xi32>
    %swap3A_85 = vector.shape_cast %add3A_77 : vector<16xi32> to vector<1x1x16xi32>
    tpu.vector_store %arg9[%swap3A_80, %swap3A_81, %swap3A_82], %swap3A_85 {strides = array<i32>} : memref<2x4x128xi32, #tpu.memory_space<vmem>>, vector<1x1x16xi32>,
    %add3A_86 = arith.constant 0 : i32
    %add3A_87 = arith.addi %mul3A_2, %add3A_86 : i32
    %add3A_88 = arith.constant 64 : i32
    %add3A_89 = arith.addi %add3A_87, %add3A_88 : i32
    %mul3A_90 = arith.constant 2 : i32
    %mul3A_91 = arith.muli %add3A_89, %mul3A_90 : i32
    %add3A_92 = arith.constant 0 : i32
    %add3A_93 = arith.addi %mul3A_91, %add3A_92 : i32
    %mul3A_94 = arith.constant 2 : i32
    %mul3A_95 = vector.broadcast %mul3A_94 : i32 to vector<16xi32>
    %mul3A_96 = arith.muli %iota3A, %mul3A_95 : vector<16xi32>
    %add3A_97 = vector.broadcast %add3A_93 : i32 to vector<16xi32>
    %add3A_98 = arith.addi %mul3A_96, %add3A_97 : vector<16xi32>
    %swap3A_99 = arith.constant 0 : i32
    %swap3A_100 = arith.constant 0 : i32
    %swap3A_101 = arith.index_cast %swap3A_99 : i32 to index
    %swap3A_102 = arith.index_cast %swap3A_100 : i32 to index
    %swap3A_103 = arith.constant 64 : index
    %swap3A_104 = tpu.vector_load %arg9[%swap3A_101, %swap3A_102, %swap3A_103] {strides = array<i32>} : memref<2x4x128xi32, #tpu.memory_space<vmem>>, vector<1x1x16xi32>,
    %swap3A_105 = vector.shape_cast %swap3A_104 : vector<1x1x16xi32> to vector<16xi32>
    %swap3A_106 = vector.shape_cast %add3A_98 : vector<16xi32> to vector<1x1x16xi32>
    tpu.vector_store %arg9[%swap3A_101, %swap3A_102, %swap3A_103], %swap3A_106 {strides = array<i32>} : memref<2x4x128xi32, #tpu.memory_space<vmem>>, vector<1x1x16xi32>,
    %add3A_107 = arith.constant 0 : i32
    %add3A_108 = arith.addi %mul3A_2, %add3A_107 : i32
    %add3A_109 = arith.constant 80 : i32
    %add3A_110 = arith.addi %add3A_108, %add3A_109 : i32
    %mul3A_111 = arith.constant 2 : i32
    %mul3A_112 = arith.muli %add3A_110, %mul3A_111 : i32
    %add3A_113 = arith.constant 0 : i32
    %add3A_114 = arith.addi %mul3A_112, %add3A_113 : i32
    %mul3A_115 = arith.constant 2 : i32
    %mul3A_116 = vector.broadcast %mul3A_115 : i32 to vector<16xi32>
    %mul3A_117 = arith.muli %iota3A, %mul3A_116 : vector<16xi32>
    %add3A_118 = vector.broadcast %add3A_114 : i32 to vector<16xi32>
    %add3A_119 = arith.addi %mul3A_117, %add3A_118 : vector<16xi32>
    %swap3A_120 = arith.constant 0 : i32
    %swap3A_121 = arith.constant 0 : i32
    %swap3A_122 = arith.index_cast %swap3A_120 : i32 to index
    %swap3A_123 = arith.index_cast %swap3A_121 : i32 to index
    %swap3A_124 = arith.constant 80 : index
    %swap3A_125 = tpu.vector_load %arg9[%swap3A_122, %swap3A_123, %swap3A_124] {strides = array<i32>} : memref<2x4x128xi32, #tpu.memory_space<vmem>>, vector<1x1x16xi32>,
    %swap3A_126 = vector.shape_cast %swap3A_125 : vector<1x1x16xi32> to vector<16xi32>
    %swap3A_127 = vector.shape_cast %add3A_119 : vector<16xi32> to vector<1x1x16xi32>
    tpu.vector_store %arg9[%swap3A_122, %swap3A_123, %swap3A_124], %swap3A_127 {strides = array<i32>} : memref<2x4x128xi32, #tpu.memory_space<vmem>>, vector<1x1x16xi32>,
    %add3A_128 = arith.constant 0 : i32
    %add3A_129 = arith.addi %mul3A_2, %add3A_128 : i32
    %add3A_130 = arith.constant 96 : i32
    %add3A_131 = arith.addi %add3A_129, %add3A_130 : i32
    %mul3A_132 = arith.constant 2 : i32
    %mul3A_133 = arith.muli %add3A_131, %mul3A_132 : i32
    %add3A_134 = arith.constant 0 : i32
    %add3A_135 = arith.addi %mul3A_133, %add3A_134 : i32
    %mul3A_136 = arith.constant 2 : i32
    %mul3A_137 = vector.broadcast %mul3A_136 : i32 to vector<16xi32>
    %mul3A_138 = arith.muli %iota3A, %mul3A_137 : vector<16xi32>
    %add3A_139 = vector.broadcast %add3A_135 : i32 to vector<16xi32>
    %add3A_140 = arith.addi %mul3A_138, %add3A_139 : vector<16xi32>
    %swap3A_141 = arith.constant 0 : i32
    %swap3A_142 = arith.constant 0 : i32
    %swap3A_143 = arith.index_cast %swap3A_141 : i32 to index
    %swap3A_144 = arith.index_cast %swap3A_142 : i32 to index
    %swap3A_145 = arith.constant 96 : index
    %swap3A_146 = tpu.vector_load %arg9[%swap3A_143, %swap3A_144, %swap3A_145] {strides = array<i32>} : memref<2x4x128xi32, #tpu.memory_space<vmem>>, vector<1x1x16xi32>,
    %swap3A_147 = vector.shape_cast %swap3A_146 : vector<1x1x16xi32> to vector<16xi32>
    %swap3A_148 = vector.shape_cast %add3A_140 : vector<16xi32> to vector<1x1x16xi32>
    tpu.vector_store %arg9[%swap3A_143, %swap3A_144, %swap3A_145], %swap3A_148 {strides = array<i32>} : memref<2x4x128xi32, #tpu.memory_space<vmem>>, vector<1x1x16xi32>,
    %add3A_149 = arith.constant 0 : i32
    %add3A_150 = arith.addi %mul3A_2, %add3A_149 : i32
    %add3A_151 = arith.constant 112 : i32
    %add3A_152 = arith.addi %add3A_150, %add3A_151 : i32
    %mul3A_153 = arith.constant 2 : i32
    %mul3A_154 = arith.muli %add3A_152, %mul3A_153 : i32
    %add3A_155 = arith.constant 0 : i32
    %add3A_156 = arith.addi %mul3A_154, %add3A_155 : i32
    %mul3A_157 = arith.constant 2 : i32
    %mul3A_158 = vector.broadcast %mul3A_157 : i32 to vector<16xi32>
    %mul3A_159 = arith.muli %iota3A, %mul3A_158 : vector<16xi32>
    %add3A_160 = vector.broadcast %add3A_156 : i32 to vector<16xi32>
    %add3A_161 = arith.addi %mul3A_159, %add3A_160 : vector<16xi32>
    %swap3A_162 = arith.constant 0 : i32
    %swap3A_163 = arith.constant 0 : i32
    %swap3A_164 = arith.index_cast %swap3A_162 : i32 to index
    %swap3A_165 = arith.index_cast %swap3A_163 : i32 to index
    %swap3A_166 = arith.constant 112 : index
    %swap3A_167 = tpu.vector_load %arg9[%swap3A_164, %swap3A_165, %swap3A_166] {strides = array<i32>} : memref<2x4x128xi32, #tpu.memory_space<vmem>>, vector<1x1x16xi32>,
    %swap3A_168 = vector.shape_cast %swap3A_167 : vector<1x1x16xi32> to vector<16xi32>
    %swap3A_169 = vector.shape_cast %add3A_161 : vector<16xi32> to vector<1x1x16xi32>
    tpu.vector_store %arg9[%swap3A_164, %swap3A_165, %swap3A_166], %swap3A_169 {strides = array<i32>} : memref<2x4x128xi32, #tpu.memory_space<vmem>>, vector<1x1x16xi32>,
    %add3A_170 = arith.constant 128 : i32
    %add3A_171 = arith.addi %mul3A_2, %add3A_170 : i32
    %add3A_172 = arith.constant 0 : i32
    %add3A_173 = arith.addi %add3A_171, %add3A_172 : i32
    %mul3A_174 = arith.constant 2 : i32
    %mul3A_175 = arith.muli %add3A_173, %mul3A_174 : i32
    %add3A_176 = arith.constant 0 : i32
    %add3A_177 = arith.addi %mul3A_175, %add3A_176 : i32
    %mul3A_178 = arith.constant 2 : i32
    %mul3A_179 = vector.broadcast %mul3A_178 : i32 to vector<16xi32>
    %mul3A_180 = arith.muli %iota3A, %mul3A_179 : vector<16xi32>
    %add3A_181 = vector.broadcast %add3A_177 : i32 to vector<16xi32>
    %add3A_182 = arith.addi %mul3A_180, %add3A_181 : vector<16xi32>
    %swap3A_183 = arith.constant 0 : i32
    %swap3A_184 = arith.constant 1 : i32
    %swap3A_185 = arith.index_cast %swap3A_183 : i32 to index
    %swap3A_186 = arith.index_cast %swap3A_184 : i32 to index
    %swap3A_187 = arith.constant 0 : index
    %swap3A_188 = tpu.vector_load %arg9[%swap3A_185, %swap3A_186, %swap3A_187] {strides = array<i32>} : memref<2x4x128xi32, #tpu.memory_space<vmem>>, vector<1x1x16xi32>,
    %swap3A_189 = vector.shape_cast %swap3A_188 : vector<1x1x16xi32> to vector<16xi32>
    %swap3A_190 = vector.shape_cast %add3A_182 : vector<16xi32> to vector<1x1x16xi32>
    tpu.vector_store %arg9[%swap3A_185, %swap3A_186, %swap3A_187], %swap3A_190 {strides = array<i32>} : memref<2x4x128xi32, #tpu.memory_space<vmem>>, vector<1x1x16xi32>,
    %add3A_191 = arith.constant 128 : i32
    %add3A_192 = arith.addi %mul3A_2, %add3A_191 : i32
    %add3A_193 = arith.constant 16 : i32
    %add3A_194 = arith.addi %add3A_192, %add3A_193 : i32
    %mul3A_195 = arith.constant 2 : i32
    %mul3A_196 = arith.muli %add3A_194, %mul3A_195 : i32
    %add3A_197 = arith.constant 0 : i32
    %add3A_198 = arith.addi %mul3A_196, %add3A_197 : i32
    %mul3A_199 = arith.constant 2 : i32
    %mul3A_200 = vector.broadcast %mul3A_199 : i32 to vector<16xi32>
    %mul3A_201 = arith.muli %iota3A, %mul3A_200 : vector<16xi32>
    %add3A_202 = vector.broadcast %add3A_198 : i32 to vector<16xi32>
    %add3A_203 = arith.addi %mul3A_201, %add3A_202 : vector<16xi32>
    %swap3A_204 = arith.constant 0 : i32
    %swap3A_205 = arith.constant 1 : i32
    %swap3A_206 = arith.index_cast %swap3A_204 : i32 to index
    %swap3A_207 = arith.index_cast %swap3A_205 : i32 to index
    %swap3A_208 = arith.constant 16 : index
    %swap3A_209 = tpu.vector_load %arg9[%swap3A_206, %swap3A_207, %swap3A_208] {strides = array<i32>} : memref<2x4x128xi32, #tpu.memory_space<vmem>>, vector<1x1x16xi32>,
    %swap3A_210 = vector.shape_cast %swap3A_209 : vector<1x1x16xi32> to vector<16xi32>
    %swap3A_211 = vector.shape_cast %add3A_203 : vector<16xi32> to vector<1x1x16xi32>
    tpu.vector_store %arg9[%swap3A_206, %swap3A_207, %swap3A_208], %swap3A_211 {strides = array<i32>} : memref<2x4x128xi32, #tpu.memory_space<vmem>>, vector<1x1x16xi32>,
    %add3A_212 = arith.constant 128 : i32
    %add3A_213 = arith.addi %mul3A_2, %add3A_212 : i32
    %add3A_214 = arith.constant 32 : i32
    %add3A_215 = arith.addi %add3A_213, %add3A_214 : i32
    %mul3A_216 = arith.constant 2 : i32
    %mul3A_217 = arith.muli %add3A_215, %mul3A_216 : i32
    %add3A_218 = arith.constant 0 : i32
    %add3A_219 = arith.addi %mul3A_217, %add3A_218 : i32
    %mul3A_220 = arith.constant 2 : i32
    %mul3A_221 = vector.broadcast %mul3A_220 : i32 to vector<16xi32>
    %mul3A_222 = arith.muli %iota3A, %mul3A_221 : vector<16xi32>
    %add3A_223 = vector.broadcast %add3A_219 : i32 to vector<16xi32>
    %add3A_224 = arith.addi %mul3A_222, %add3A_223 : vector<16xi32>
    %swap3A_225 = arith.constant 0 : i32
    %swap3A_226 = arith.constant 1 : i32
    %swap3A_227 = arith.index_cast %swap3A_225 : i32 to index
    %swap3A_228 = arith.index_cast %swap3A_226 : i32 to index
    %swap3A_229 = arith.constant 32 : index
    %swap3A_230 = tpu.vector_load %arg9[%swap3A_227, %swap3A_228, %swap3A_229] {strides = array<i32>} : memref<2x4x128xi32, #tpu.memory_space<vmem>>, vector<1x1x16xi32>,
    %swap3A_231 = vector.shape_cast %swap3A_230 : vector<1x1x16xi32> to vector<16xi32>
    %swap3A_232 = vector.shape_cast %add3A_224 : vector<16xi32> to vector<1x1x16xi32>
    tpu.vector_store %arg9[%swap3A_227, %swap3A_228, %swap3A_229], %swap3A_232 {strides = array<i32>} : memref<2x4x128xi32, #tpu.memory_space<vmem>>, vector<1x1x16xi32>,
    %add3A_233 = arith.constant 128 : i32
    %add3A_234 = arith.addi %mul3A_2, %add3A_233 : i32
    %add3A_235 = arith.constant 48 : i32
    %add3A_236 = arith.addi %add3A_234, %add3A_235 : i32
    %mul3A_237 = arith.constant 2 : i32
    %mul3A_238 = arith.muli %add3A_236, %mul3A_237 : i32
    %add3A_239 = arith.constant 0 : i32
    %add3A_240 = arith.addi %mul3A_238, %add3A_239 : i32
    %mul3A_241 = arith.constant 2 : i32
    %mul3A_242 = vector.broadcast %mul3A_241 : i32 to vector<16xi32>
    %mul3A_243 = arith.muli %iota3A, %mul3A_242 : vector<16xi32>
    %add3A_244 = vector.broadcast %add3A_240 : i32 to vector<16xi32>
    %add3A_245 = arith.addi %mul3A_243, %add3A_244 : vector<16xi32>
    %swap3A_246 = arith.constant 0 : i32
    %swap3A_247 = arith.constant 1 : i32
    %swap3A_248 = arith.index_cast %swap3A_246 : i32 to index
    %swap3A_249 = arith.index_cast %swap3A_247 : i32 to index
    %swap3A_250 = arith.constant 48 : index
    %swap3A_251 = tpu.vector_load %arg9[%swap3A_248, %swap3A_249, %swap3A_250] {strides = array<i32>} : memref<2x4x128xi32, #tpu.memory_space<vmem>>, vector<1x1x16xi32>,
    %swap3A_252 = vector.shape_cast %swap3A_251 : vector<1x1x16xi32> to vector<16xi32>
    %swap3A_253 = vector.shape_cast %add3A_245 : vector<16xi32> to vector<1x1x16xi32>
    tpu.vector_store %arg9[%swap3A_248, %swap3A_249, %swap3A_250], %swap3A_253 {strides = array<i32>} : memref<2x4x128xi32, #tpu.memory_space<vmem>>, vector<1x1x16xi32>,
    %add3A_254 = arith.constant 128 : i32
    %add3A_255 = arith.addi %mul3A_2, %add3A_254 : i32
    %add3A_256 = arith.constant 64 : i32
    %add3A_257 = arith.addi %add3A_255, %add3A_256 : i32
    %mul3A_258 = arith.constant 2 : i32
    %mul3A_259 = arith.muli %add3A_257, %mul3A_258 : i32
    %add3A_260 = arith.constant 0 : i32
    %add3A_261 = arith.addi %mul3A_259, %add3A_260 : i32
    %mul3A_262 = arith.constant 2 : i32
    %mul3A_263 = vector.broadcast %mul3A_262 : i32 to vector<16xi32>
    %mul3A_264 = arith.muli %iota3A, %mul3A_263 : vector<16xi32>
    %add3A_265 = vector.broadcast %add3A_261 : i32 to vector<16xi32>
    %add3A_266 = arith.addi %mul3A_264, %add3A_265 : vector<16xi32>
    %swap3A_267 = arith.constant 0 : i32
    %swap3A_268 = arith.constant 1 : i32
    %swap3A_269 = arith.index_cast %swap3A_267 : i32 to index
    %swap3A_270 = arith.index_cast %swap3A_268 : i32 to index
    %swap3A_271 = arith.constant 64 : index
    %swap3A_272 = tpu.vector_load %arg9[%swap3A_269, %swap3A_270, %swap3A_271] {strides = array<i32>} : memref<2x4x128xi32, #tpu.memory_space<vmem>>, vector<1x1x16xi32>,
    %swap3A_273 = vector.shape_cast %swap3A_272 : vector<1x1x16xi32> to vector<16xi32>
    %swap3A_274 = vector.shape_cast %add3A_266 : vector<16xi32> to vector<1x1x16xi32>
    tpu.vector_store %arg9[%swap3A_269, %swap3A_270, %swap3A_271], %swap3A_274 {strides = array<i32>} : memref<2x4x128xi32, #tpu.memory_space<vmem>>, vector<1x1x16xi32>,
    %add3A_275 = arith.constant 128 : i32
    %add3A_276 = arith.addi %mul3A_2, %add3A_275 : i32
    %add3A_277 = arith.constant 80 : i32
    %add3A_278 = arith.addi %add3A_276, %add3A_277 : i32
    %mul3A_279 = arith.constant 2 : i32
    %mul3A_280 = arith.muli %add3A_278, %mul3A_279 : i32
    %add3A_281 = arith.constant 0 : i32
    %add3A_282 = arith.addi %mul3A_280, %add3A_281 : i32
    %mul3A_283 = arith.constant 2 : i32
    %mul3A_284 = vector.broadcast %mul3A_283 : i32 to vector<16xi32>
    %mul3A_285 = arith.muli %iota3A, %mul3A_284 : vector<16xi32>
    %add3A_286 = vector.broadcast %add3A_282 : i32 to vector<16xi32>
    %add3A_287 = arith.addi %mul3A_285, %add3A_286 : vector<16xi32>
    %swap3A_288 = arith.constant 0 : i32
    %swap3A_289 = arith.constant 1 : i32
    %swap3A_290 = arith.index_cast %swap3A_288 : i32 to index
    %swap3A_291 = arith.index_cast %swap3A_289 : i32 to index
    %swap3A_292 = arith.constant 80 : index
    %swap3A_293 = tpu.vector_load %arg9[%swap3A_290, %swap3A_291, %swap3A_292] {strides = array<i32>} : memref<2x4x128xi32, #tpu.memory_space<vmem>>, vector<1x1x16xi32>,
    %swap3A_294 = vector.shape_cast %swap3A_293 : vector<1x1x16xi32> to vector<16xi32>
    %swap3A_295 = vector.shape_cast %add3A_287 : vector<16xi32> to vector<1x1x16xi32>
    tpu.vector_store %arg9[%swap3A_290, %swap3A_291, %swap3A_292], %swap3A_295 {strides = array<i32>} : memref<2x4x128xi32, #tpu.memory_space<vmem>>, vector<1x1x16xi32>,
    %add3A_296 = arith.constant 128 : i32
    %add3A_297 = arith.addi %mul3A_2, %add3A_296 : i32
    %add3A_298 = arith.constant 96 : i32
    %add3A_299 = arith.addi %add3A_297, %add3A_298 : i32
    %mul3A_300 = arith.constant 2 : i32
    %mul3A_301 = arith.muli %add3A_299, %mul3A_300 : i32
    %add3A_302 = arith.constant 0 : i32
    %add3A_303 = arith.addi %mul3A_301, %add3A_302 : i32
    %mul3A_304 = arith.constant 2 : i32
    %mul3A_305 = vector.broadcast %mul3A_304 : i32 to vector<16xi32>
    %mul3A_306 = arith.muli %iota3A, %mul3A_305 : vector<16xi32>
    %add3A_307 = vector.broadcast %add3A_303 : i32 to vector<16xi32>
    %add3A_308 = arith.addi %mul3A_306, %add3A_307 : vector<16xi32>
    %swap3A_309 = arith.constant 0 : i32
    %swap3A_310 = arith.constant 1 : i32
    %swap3A_311 = arith.index_cast %swap3A_309 : i32 to index
    %swap3A_312 = arith.index_cast %swap3A_310 : i32 to index
    %swap3A_313 = arith.constant 96 : index
    %swap3A_314 = tpu.vector_load %arg9[%swap3A_311, %swap3A_312, %swap3A_313] {strides = array<i32>} : memref<2x4x128xi32, #tpu.memory_space<vmem>>, vector<1x1x16xi32>,
    %swap3A_315 = vector.shape_cast %swap3A_314 : vector<1x1x16xi32> to vector<16xi32>
    %swap3A_316 = vector.shape_cast %add3A_308 : vector<16xi32> to vector<1x1x16xi32>
    tpu.vector_store %arg9[%swap3A_311, %swap3A_312, %swap3A_313], %swap3A_316 {strides = array<i32>} : memref<2x4x128xi32, #tpu.memory_space<vmem>>, vector<1x1x16xi32>,
    %add3A_317 = arith.constant 128 : i32
    %add3A_318 = arith.addi %mul3A_2, %add3A_317 : i32
    %add3A_319 = arith.constant 112 : i32
    %add3A_320 = arith.addi %add3A_318, %add3A_319 : i32
    %mul3A_321 = arith.constant 2 : i32
    %mul3A_322 = arith.muli %add3A_320, %mul3A_321 : i32
    %add3A_323 = arith.constant 0 : i32
    %add3A_324 = arith.addi %mul3A_322, %add3A_323 : i32
    %mul3A_325 = arith.constant 2 : i32
    %mul3A_326 = vector.broadcast %mul3A_325 : i32 to vector<16xi32>
    %mul3A_327 = arith.muli %iota3A, %mul3A_326 : vector<16xi32>
    %add3A_328 = vector.broadcast %add3A_324 : i32 to vector<16xi32>
    %add3A_329 = arith.addi %mul3A_327, %add3A_328 : vector<16xi32>
    %swap3A_330 = arith.constant 0 : i32
    %swap3A_331 = arith.constant 1 : i32
    %swap3A_332 = arith.index_cast %swap3A_330 : i32 to index
    %swap3A_333 = arith.index_cast %swap3A_331 : i32 to index
    %swap3A_334 = arith.constant 112 : index
    %swap3A_335 = tpu.vector_load %arg9[%swap3A_332, %swap3A_333, %swap3A_334] {strides = array<i32>} : memref<2x4x128xi32, #tpu.memory_space<vmem>>, vector<1x1x16xi32>,
    %swap3A_336 = vector.shape_cast %swap3A_335 : vector<1x1x16xi32> to vector<16xi32>
    %swap3A_337 = vector.shape_cast %add3A_329 : vector<16xi32> to vector<1x1x16xi32>
    tpu.vector_store %arg9[%swap3A_332, %swap3A_333, %swap3A_334], %swap3A_337 {strides = array<i32>} : memref<2x4x128xi32, #tpu.memory_space<vmem>>, vector<1x1x16xi32>,
    %add3A_338 = arith.constant 256 : i32
    %add3A_339 = arith.addi %mul3A_2, %add3A_338 : i32
    %add3A_340 = arith.constant 0 : i32
    %add3A_341 = arith.addi %add3A_339, %add3A_340 : i32
    %mul3A_342 = arith.constant 2 : i32
    %mul3A_343 = arith.muli %add3A_341, %mul3A_342 : i32
    %add3A_344 = arith.constant 0 : i32
    %add3A_345 = arith.addi %mul3A_343, %add3A_344 : i32
    %mul3A_346 = arith.constant 2 : i32
    %mul3A_347 = vector.broadcast %mul3A_346 : i32 to vector<16xi32>
    %mul3A_348 = arith.muli %iota3A, %mul3A_347 : vector<16xi32>
    %add3A_349 = vector.broadcast %add3A_345 : i32 to vector<16xi32>
    %add3A_350 = arith.addi %mul3A_348, %add3A_349 : vector<16xi32>
    %swap3A_351 = arith.constant 0 : i32
    %swap3A_352 = arith.constant 2 : i32
    %swap3A_353 = arith.index_cast %swap3A_351 : i32 to index
    %swap3A_354 = arith.index_cast %swap3A_352 : i32 to index
    %swap3A_355 = arith.constant 0 : index
    %swap3A_356 = tpu.vector_load %arg9[%swap3A_353, %swap3A_354, %swap3A_355] {strides = array<i32>} : memref<2x4x128xi32, #tpu.memory_space<vmem>>, vector<1x1x16xi32>,
    %swap3A_357 = vector.shape_cast %swap3A_356 : vector<1x1x16xi32> to vector<16xi32>
    %swap3A_358 = vector.shape_cast %add3A_350 : vector<16xi32> to vector<1x1x16xi32>
    tpu.vector_store %arg9[%swap3A_353, %swap3A_354, %swap3A_355], %swap3A_358 {strides = array<i32>} : memref<2x4x128xi32, #tpu.memory_space<vmem>>, vector<1x1x16xi32>,
    %add3A_359 = arith.constant 256 : i32
    %add3A_360 = arith.addi %mul3A_2, %add3A_359 : i32
    %add3A_361 = arith.constant 16 : i32
    %add3A_362 = arith.addi %add3A_360, %add3A_361 : i32
    %mul3A_363 = arith.constant 2 : i32
    %mul3A_364 = arith.muli %add3A_362, %mul3A_363 : i32
    %add3A_365 = arith.constant 0 : i32
    %add3A_366 = arith.addi %mul3A_364, %add3A_365 : i32
    %mul3A_367 = arith.constant 2 : i32
    %mul3A_368 = vector.broadcast %mul3A_367 : i32 to vector<16xi32>
    %mul3A_369 = arith.muli %iota3A, %mul3A_368 : vector<16xi32>
    %add3A_370 = vector.broadcast %add3A_366 : i32 to vector<16xi32>
    %add3A_371 = arith.addi %mul3A_369, %add3A_370 : vector<16xi32>
    %swap3A_372 = arith.constant 0 : i32
    %swap3A_373 = arith.constant 2 : i32
    %swap3A_374 = arith.index_cast %swap3A_372 : i32 to index
    %swap3A_375 = arith.index_cast %swap3A_373 : i32 to index
    %swap3A_376 = arith.constant 16 : index
    %swap3A_377 = tpu.vector_load %arg9[%swap3A_374, %swap3A_375, %swap3A_376] {strides = array<i32>} : memref<2x4x128xi32, #tpu.memory_space<vmem>>, vector<1x1x16xi32>,
    %swap3A_378 = vector.shape_cast %swap3A_377 : vector<1x1x16xi32> to vector<16xi32>
    %swap3A_379 = vector.shape_cast %add3A_371 : vector<16xi32> to vector<1x1x16xi32>
    tpu.vector_store %arg9[%swap3A_374, %swap3A_375, %swap3A_376], %swap3A_379 {strides = array<i32>} : memref<2x4x128xi32, #tpu.memory_space<vmem>>, vector<1x1x16xi32>,
    %add3A_380 = arith.constant 256 : i32
    %add3A_381 = arith.addi %mul3A_2, %add3A_380 : i32
    %add3A_382 = arith.constant 32 : i32
    %add3A_383 = arith.addi %add3A_381, %add3A_382 : i32
    %mul3A_384 = arith.constant 2 : i32
    %mul3A_385 = arith.muli %add3A_383, %mul3A_384 : i32
    %add3A_386 = arith.constant 0 : i32
    %add3A_387 = arith.addi %mul3A_385, %add3A_386 : i32
    %mul3A_388 = arith.constant 2 : i32
    %mul3A_389 = vector.broadcast %mul3A_388 : i32 to vector<16xi32>
    %mul3A_390 = arith.muli %iota3A, %mul3A_389 : vector<16xi32>
    %add3A_391 = vector.broadcast %add3A_387 : i32 to vector<16xi32>
    %add3A_392 = arith.addi %mul3A_390, %add3A_391 : vector<16xi32>
    %swap3A_393 = arith.constant 0 : i32
    %swap3A_394 = arith.constant 2 : i32
    %swap3A_395 = arith.index_cast %swap3A_393 : i32 to index
    %swap3A_396 = arith.index_cast %swap3A_394 : i32 to index
    %swap3A_397 = arith.constant 32 : index
    %swap3A_398 = tpu.vector_load %arg9[%swap3A_395, %swap3A_396, %swap3A_397] {strides = array<i32>} : memref<2x4x128xi32, #tpu.memory_space<vmem>>, vector<1x1x16xi32>,
    %swap3A_399 = vector.shape_cast %swap3A_398 : vector<1x1x16xi32> to vector<16xi32>
    %swap3A_400 = vector.shape_cast %add3A_392 : vector<16xi32> to vector<1x1x16xi32>
    tpu.vector_store %arg9[%swap3A_395, %swap3A_396, %swap3A_397], %swap3A_400 {strides = array<i32>} : memref<2x4x128xi32, #tpu.memory_space<vmem>>, vector<1x1x16xi32>,
    %add3A_401 = arith.constant 256 : i32
    %add3A_402 = arith.addi %mul3A_2, %add3A_401 : i32
    %add3A_403 = arith.constant 48 : i32
    %add3A_404 = arith.addi %add3A_402, %add3A_403 : i32
    %mul3A_405 = arith.constant 2 : i32
    %mul3A_406 = arith.muli %add3A_404, %mul3A_405 : i32
    %add3A_407 = arith.constant 0 : i32
    %add3A_408 = arith.addi %mul3A_406, %add3A_407 : i32
    %mul3A_409 = arith.constant 2 : i32
    %mul3A_410 = vector.broadcast %mul3A_409 : i32 to vector<16xi32>
    %mul3A_411 = arith.muli %iota3A, %mul3A_410 : vector<16xi32>
    %add3A_412 = vector.broadcast %add3A_408 : i32 to vector<16xi32>
    %add3A_413 = arith.addi %mul3A_411, %add3A_412 : vector<16xi32>
    %swap3A_414 = arith.constant 0 : i32
    %swap3A_415 = arith.constant 2 : i32
    %swap3A_416 = arith.index_cast %swap3A_414 : i32 to index
    %swap3A_417 = arith.index_cast %swap3A_415 : i32 to index
    %swap3A_418 = arith.constant 48 : index
    %swap3A_419 = tpu.vector_load %arg9[%swap3A_416, %swap3A_417, %swap3A_418] {strides = array<i32>} : memref<2x4x128xi32, #tpu.memory_space<vmem>>, vector<1x1x16xi32>,
    %swap3A_420 = vector.shape_cast %swap3A_419 : vector<1x1x16xi32> to vector<16xi32>
    %swap3A_421 = vector.shape_cast %add3A_413 : vector<16xi32> to vector<1x1x16xi32>
    tpu.vector_store %arg9[%swap3A_416, %swap3A_417, %swap3A_418], %swap3A_421 {strides = array<i32>} : memref<2x4x128xi32, #tpu.memory_space<vmem>>, vector<1x1x16xi32>,
    %add3A_422 = arith.constant 256 : i32
    %add3A_423 = arith.addi %mul3A_2, %add3A_422 : i32
    %add3A_424 = arith.constant 64 : i32
    %add3A_425 = arith.addi %add3A_423, %add3A_424 : i32
    %mul3A_426 = arith.constant 2 : i32
    %mul3A_427 = arith.muli %add3A_425, %mul3A_426 : i32
    %add3A_428 = arith.constant 0 : i32
    %add3A_429 = arith.addi %mul3A_427, %add3A_428 : i32
    %mul3A_430 = arith.constant 2 : i32
    %mul3A_431 = vector.broadcast %mul3A_430 : i32 to vector<16xi32>
    %mul3A_432 = arith.muli %iota3A, %mul3A_431 : vector<16xi32>
    %add3A_433 = vector.broadcast %add3A_429 : i32 to vector<16xi32>
    %add3A_434 = arith.addi %mul3A_432, %add3A_433 : vector<16xi32>
    %swap3A_435 = arith.constant 0 : i32
    %swap3A_436 = arith.constant 2 : i32
    %swap3A_437 = arith.index_cast %swap3A_435 : i32 to index
    %swap3A_438 = arith.index_cast %swap3A_436 : i32 to index
    %swap3A_439 = arith.constant 64 : index
    %swap3A_440 = tpu.vector_load %arg9[%swap3A_437, %swap3A_438, %swap3A_439] {strides = array<i32>} : memref<2x4x128xi32, #tpu.memory_space<vmem>>, vector<1x1x16xi32>,
    %swap3A_441 = vector.shape_cast %swap3A_440 : vector<1x1x16xi32> to vector<16xi32>
    %swap3A_442 = vector.shape_cast %add3A_434 : vector<16xi32> to vector<1x1x16xi32>
    tpu.vector_store %arg9[%swap3A_437, %swap3A_438, %swap3A_439], %swap3A_442 {strides = array<i32>} : memref<2x4x128xi32, #tpu.memory_space<vmem>>, vector<1x1x16xi32>,
    %add3A_443 = arith.constant 256 : i32
    %add3A_444 = arith.addi %mul3A_2, %add3A_443 : i32
    %add3A_445 = arith.constant 80 : i32
    %add3A_446 = arith.addi %add3A_444, %add3A_445 : i32
    %mul3A_447 = arith.constant 2 : i32
    %mul3A_448 = arith.muli %add3A_446, %mul3A_447 : i32
    %add3A_449 = arith.constant 0 : i32
    %add3A_450 = arith.addi %mul3A_448, %add3A_449 : i32
    %mul3A_451 = arith.constant 2 : i32
    %mul3A_452 = vector.broadcast %mul3A_451 : i32 to vector<16xi32>
    %mul3A_453 = arith.muli %iota3A, %mul3A_452 : vector<16xi32>
    %add3A_454 = vector.broadcast %add3A_450 : i32 to vector<16xi32>
    %add3A_455 = arith.addi %mul3A_453, %add3A_454 : vector<16xi32>
    %swap3A_456 = arith.constant 0 : i32
    %swap3A_457 = arith.constant 2 : i32
    %swap3A_458 = arith.index_cast %swap3A_456 : i32 to index
    %swap3A_459 = arith.index_cast %swap3A_457 : i32 to index
    %swap3A_460 = arith.constant 80 : index
    %swap3A_461 = tpu.vector_load %arg9[%swap3A_458, %swap3A_459, %swap3A_460] {strides = array<i32>} : memref<2x4x128xi32, #tpu.memory_space<vmem>>, vector<1x1x16xi32>,
    %swap3A_462 = vector.shape_cast %swap3A_461 : vector<1x1x16xi32> to vector<16xi32>
    %swap3A_463 = vector.shape_cast %add3A_455 : vector<16xi32> to vector<1x1x16xi32>
    tpu.vector_store %arg9[%swap3A_458, %swap3A_459, %swap3A_460], %swap3A_463 {strides = array<i32>} : memref<2x4x128xi32, #tpu.memory_space<vmem>>, vector<1x1x16xi32>,
    %add3A_464 = arith.constant 256 : i32
    %add3A_465 = arith.addi %mul3A_2, %add3A_464 : i32
    %add3A_466 = arith.constant 96 : i32
    %add3A_467 = arith.addi %add3A_465, %add3A_466 : i32
    %mul3A_468 = arith.constant 2 : i32
    %mul3A_469 = arith.muli %add3A_467, %mul3A_468 : i32
    %add3A_470 = arith.constant 0 : i32
    %add3A_471 = arith.addi %mul3A_469, %add3A_470 : i32
    %mul3A_472 = arith.constant 2 : i32
    %mul3A_473 = vector.broadcast %mul3A_472 : i32 to vector<16xi32>
    %mul3A_474 = arith.muli %iota3A, %mul3A_473 : vector<16xi32>
    %add3A_475 = vector.broadcast %add3A_471 : i32 to vector<16xi32>
    %add3A_476 = arith.addi %mul3A_474, %add3A_475 : vector<16xi32>
    %swap3A_477 = arith.constant 0 : i32
    %swap3A_478 = arith.constant 2 : i32
    %swap3A_479 = arith.index_cast %swap3A_477 : i32 to index
    %swap3A_480 = arith.index_cast %swap3A_478 : i32 to index
    %swap3A_481 = arith.constant 96 : index
    %swap3A_482 = tpu.vector_load %arg9[%swap3A_479, %swap3A_480, %swap3A_481] {strides = array<i32>} : memref<2x4x128xi32, #tpu.memory_space<vmem>>, vector<1x1x16xi32>,
    %swap3A_483 = vector.shape_cast %swap3A_482 : vector<1x1x16xi32> to vector<16xi32>
    %swap3A_484 = vector.shape_cast %add3A_476 : vector<16xi32> to vector<1x1x16xi32>
    tpu.vector_store %arg9[%swap3A_479, %swap3A_480, %swap3A_481], %swap3A_484 {strides = array<i32>} : memref<2x4x128xi32, #tpu.memory_space<vmem>>, vector<1x1x16xi32>,
    %add3A_485 = arith.constant 256 : i32
    %add3A_486 = arith.addi %mul3A_2, %add3A_485 : i32
    %add3A_487 = arith.constant 112 : i32
    %add3A_488 = arith.addi %add3A_486, %add3A_487 : i32
    %mul3A_489 = arith.constant 2 : i32
    %mul3A_490 = arith.muli %add3A_488, %mul3A_489 : i32
    %add3A_491 = arith.constant 0 : i32
    %add3A_492 = arith.addi %mul3A_490, %add3A_491 : i32
    %mul3A_493 = arith.constant 2 : i32
    %mul3A_494 = vector.broadcast %mul3A_493 : i32 to vector<16xi32>
    %mul3A_495 = arith.muli %iota3A, %mul3A_494 : vector<16xi32>
    %add3A_496 = vector.broadcast %add3A_492 : i32 to vector<16xi32>
    %add3A_497 = arith.addi %mul3A_495, %add3A_496 : vector<16xi32>
    %swap3A_498 = arith.constant 0 : i32
    %swap3A_499 = arith.constant 2 : i32
    %swap3A_500 = arith.index_cast %swap3A_498 : i32 to index
    %swap3A_501 = arith.index_cast %swap3A_499 : i32 to index
    %swap3A_502 = arith.constant 112 : index
    %swap3A_503 = tpu.vector_load %arg9[%swap3A_500, %swap3A_501, %swap3A_502] {strides = array<i32>} : memref<2x4x128xi32, #tpu.memory_space<vmem>>, vector<1x1x16xi32>,
    %swap3A_504 = vector.shape_cast %swap3A_503 : vector<1x1x16xi32> to vector<16xi32>
    %swap3A_505 = vector.shape_cast %add3A_497 : vector<16xi32> to vector<1x1x16xi32>
    tpu.vector_store %arg9[%swap3A_500, %swap3A_501, %swap3A_502], %swap3A_505 {strides = array<i32>} : memref<2x4x128xi32, #tpu.memory_space<vmem>>, vector<1x1x16xi32>,
    %add3A_506 = arith.constant 384 : i32
    %add3A_507 = arith.addi %mul3A_2, %add3A_506 : i32
    %add3A_508 = arith.constant 0 : i32
    %add3A_509 = arith.addi %add3A_507, %add3A_508 : i32
    %mul3A_510 = arith.constant 2 : i32
    %mul3A_511 = arith.muli %add3A_509, %mul3A_510 : i32
    %add3A_512 = arith.constant 0 : i32
    %add3A_513 = arith.addi %mul3A_511, %add3A_512 : i32
    %mul3A_514 = arith.constant 2 : i32
    %mul3A_515 = vector.broadcast %mul3A_514 : i32 to vector<16xi32>
    %mul3A_516 = arith.muli %iota3A, %mul3A_515 : vector<16xi32>
    %add3A_517 = vector.broadcast %add3A_513 : i32 to vector<16xi32>
    %add3A_518 = arith.addi %mul3A_516, %add3A_517 : vector<16xi32>
    %swap3A_519 = arith.constant 0 : i32
    %swap3A_520 = arith.constant 3 : i32
    %swap3A_521 = arith.index_cast %swap3A_519 : i32 to index
    %swap3A_522 = arith.index_cast %swap3A_520 : i32 to index
    %swap3A_523 = arith.constant 0 : index
    %swap3A_524 = tpu.vector_load %arg9[%swap3A_521, %swap3A_522, %swap3A_523] {strides = array<i32>} : memref<2x4x128xi32, #tpu.memory_space<vmem>>, vector<1x1x16xi32>,
    %swap3A_525 = vector.shape_cast %swap3A_524 : vector<1x1x16xi32> to vector<16xi32>
    %swap3A_526 = vector.shape_cast %add3A_518 : vector<16xi32> to vector<1x1x16xi32>
    tpu.vector_store %arg9[%swap3A_521, %swap3A_522, %swap3A_523], %swap3A_526 {strides = array<i32>} : memref<2x4x128xi32, #tpu.memory_space<vmem>>, vector<1x1x16xi32>,
    %add3A_527 = arith.constant 384 : i32
    %add3A_528 = arith.addi %mul3A_2, %add3A_527 : i32
    %add3A_529 = arith.constant 16 : i32
    %add3A_530 = arith.addi %add3A_528, %add3A_529 : i32
    %mul3A_531 = arith.constant 2 : i32
    %mul3A_532 = arith.muli %add3A_530, %mul3A_531 : i32
    %add3A_533 = arith.constant 0 : i32
    %add3A_534 = arith.addi %mul3A_532, %add3A_533 : i32
    %mul3A_535 = arith.constant 2 : i32
    %mul3A_536 = vector.broadcast %mul3A_535 : i32 to vector<16xi32>
    %mul3A_537 = arith.muli %iota3A, %mul3A_536 : vector<16xi32>
    %add3A_538 = vector.broadcast %add3A_534 : i32 to vector<16xi32>
    %add3A_539 = arith.addi %mul3A_537, %add3A_538 : vector<16xi32>
    %swap3A_540 = arith.constant 0 : i32
    %swap3A_541 = arith.constant 3 : i32
    %swap3A_542 = arith.index_cast %swap3A_540 : i32 to index
    %swap3A_543 = arith.index_cast %swap3A_541 : i32 to index
    %swap3A_544 = arith.constant 16 : index
    %swap3A_545 = tpu.vector_load %arg9[%swap3A_542, %swap3A_543, %swap3A_544] {strides = array<i32>} : memref<2x4x128xi32, #tpu.memory_space<vmem>>, vector<1x1x16xi32>,
    %swap3A_546 = vector.shape_cast %swap3A_545 : vector<1x1x16xi32> to vector<16xi32>
    %swap3A_547 = vector.shape_cast %add3A_539 : vector<16xi32> to vector<1x1x16xi32>
    tpu.vector_store %arg9[%swap3A_542, %swap3A_543, %swap3A_544], %swap3A_547 {strides = array<i32>} : memref<2x4x128xi32, #tpu.memory_space<vmem>>, vector<1x1x16xi32>,
    %add3A_548 = arith.constant 384 : i32
    %add3A_549 = arith.addi %mul3A_2, %add3A_548 : i32
    %add3A_550 = arith.constant 32 : i32
    %add3A_551 = arith.addi %add3A_549, %add3A_550 : i32
    %mul3A_552 = arith.constant 2 : i32
    %mul3A_553 = arith.muli %add3A_551, %mul3A_552 : i32
    %add3A_554 = arith.constant 0 : i32
    %add3A_555 = arith.addi %mul3A_553, %add3A_554 : i32
    %mul3A_556 = arith.constant 2 : i32
    %mul3A_557 = vector.broadcast %mul3A_556 : i32 to vector<16xi32>
    %mul3A_558 = arith.muli %iota3A, %mul3A_557 : vector<16xi32>
    %add3A_559 = vector.broadcast %add3A_555 : i32 to vector<16xi32>
    %add3A_560 = arith.addi %mul3A_558, %add3A_559 : vector<16xi32>
    %swap3A_561 = arith.constant 0 : i32
    %swap3A_562 = arith.constant 3 : i32
    %swap3A_563 = arith.index_cast %swap3A_561 : i32 to index
    %swap3A_564 = arith.index_cast %swap3A_562 : i32 to index
    %swap3A_565 = arith.constant 32 : index
    %swap3A_566 = tpu.vector_load %arg9[%swap3A_563, %swap3A_564, %swap3A_565] {strides = array<i32>} : memref<2x4x128xi32, #tpu.memory_space<vmem>>, vector<1x1x16xi32>,
    %swap3A_567 = vector.shape_cast %swap3A_566 : vector<1x1x16xi32> to vector<16xi32>
    %swap3A_568 = vector.shape_cast %add3A_560 : vector<16xi32> to vector<1x1x16xi32>
    tpu.vector_store %arg9[%swap3A_563, %swap3A_564, %swap3A_565], %swap3A_568 {strides = array<i32>} : memref<2x4x128xi32, #tpu.memory_space<vmem>>, vector<1x1x16xi32>,
    %add3A_569 = arith.constant 384 : i32
    %add3A_570 = arith.addi %mul3A_2, %add3A_569 : i32
    %add3A_571 = arith.constant 48 : i32
    %add3A_572 = arith.addi %add3A_570, %add3A_571 : i32
    %mul3A_573 = arith.constant 2 : i32
    %mul3A_574 = arith.muli %add3A_572, %mul3A_573 : i32
    %add3A_575 = arith.constant 0 : i32
    %add3A_576 = arith.addi %mul3A_574, %add3A_575 : i32
    %mul3A_577 = arith.constant 2 : i32
    %mul3A_578 = vector.broadcast %mul3A_577 : i32 to vector<16xi32>
    %mul3A_579 = arith.muli %iota3A, %mul3A_578 : vector<16xi32>
    %add3A_580 = vector.broadcast %add3A_576 : i32 to vector<16xi32>
    %add3A_581 = arith.addi %mul3A_579, %add3A_580 : vector<16xi32>
    %swap3A_582 = arith.constant 0 : i32
    %swap3A_583 = arith.constant 3 : i32
    %swap3A_584 = arith.index_cast %swap3A_582 : i32 to index
    %swap3A_585 = arith.index_cast %swap3A_583 : i32 to index
    %swap3A_586 = arith.constant 48 : index
    %swap3A_587 = tpu.vector_load %arg9[%swap3A_584, %swap3A_585, %swap3A_586] {strides = array<i32>} : memref<2x4x128xi32, #tpu.memory_space<vmem>>, vector<1x1x16xi32>,
    %swap3A_588 = vector.shape_cast %swap3A_587 : vector<1x1x16xi32> to vector<16xi32>
    %swap3A_589 = vector.shape_cast %add3A_581 : vector<16xi32> to vector<1x1x16xi32>
    tpu.vector_store %arg9[%swap3A_584, %swap3A_585, %swap3A_586], %swap3A_589 {strides = array<i32>} : memref<2x4x128xi32, #tpu.memory_space<vmem>>, vector<1x1x16xi32>,
    %add3A_590 = arith.constant 384 : i32
    %add3A_591 = arith.addi %mul3A_2, %add3A_590 : i32
    %add3A_592 = arith.constant 64 : i32
    %add3A_593 = arith.addi %add3A_591, %add3A_592 : i32
    %mul3A_594 = arith.constant 2 : i32
    %mul3A_595 = arith.muli %add3A_593, %mul3A_594 : i32
    %add3A_596 = arith.constant 0 : i32
    %add3A_597 = arith.addi %mul3A_595, %add3A_596 : i32
    %mul3A_598 = arith.constant 2 : i32
    %mul3A_599 = vector.broadcast %mul3A_598 : i32 to vector<16xi32>
    %mul3A_600 = arith.muli %iota3A, %mul3A_599 : vector<16xi32>
    %add3A_601 = vector.broadcast %add3A_597 : i32 to vector<16xi32>
    %add3A_602 = arith.addi %mul3A_600, %add3A_601 : vector<16xi32>
    %swap3A_603 = arith.constant 0 : i32
    %swap3A_604 = arith.constant 3 : i32
    %swap3A_605 = arith.index_cast %swap3A_603 : i32 to index
    %swap3A_606 = arith.index_cast %swap3A_604 : i32 to index
    %swap3A_607 = arith.constant 64 : index
    %swap3A_608 = tpu.vector_load %arg9[%swap3A_605, %swap3A_606, %swap3A_607] {strides = array<i32>} : memref<2x4x128xi32, #tpu.memory_space<vmem>>, vector<1x1x16xi32>,
    %swap3A_609 = vector.shape_cast %swap3A_608 : vector<1x1x16xi32> to vector<16xi32>
    %swap3A_610 = vector.shape_cast %add3A_602 : vector<16xi32> to vector<1x1x16xi32>
    tpu.vector_store %arg9[%swap3A_605, %swap3A_606, %swap3A_607], %swap3A_610 {strides = array<i32>} : memref<2x4x128xi32, #tpu.memory_space<vmem>>, vector<1x1x16xi32>,
    %add3A_611 = arith.constant 384 : i32
    %add3A_612 = arith.addi %mul3A_2, %add3A_611 : i32
    %add3A_613 = arith.constant 80 : i32
    %add3A_614 = arith.addi %add3A_612, %add3A_613 : i32
    %mul3A_615 = arith.constant 2 : i32
    %mul3A_616 = arith.muli %add3A_614, %mul3A_615 : i32
    %add3A_617 = arith.constant 0 : i32
    %add3A_618 = arith.addi %mul3A_616, %add3A_617 : i32
    %mul3A_619 = arith.constant 2 : i32
    %mul3A_620 = vector.broadcast %mul3A_619 : i32 to vector<16xi32>
    %mul3A_621 = arith.muli %iota3A, %mul3A_620 : vector<16xi32>
    %add3A_622 = vector.broadcast %add3A_618 : i32 to vector<16xi32>
    %add3A_623 = arith.addi %mul3A_621, %add3A_622 : vector<16xi32>
    %swap3A_624 = arith.constant 0 : i32
    %swap3A_625 = arith.constant 3 : i32
    %swap3A_626 = arith.index_cast %swap3A_624 : i32 to index
    %swap3A_627 = arith.index_cast %swap3A_625 : i32 to index
    %swap3A_628 = arith.constant 80 : index
    %swap3A_629 = tpu.vector_load %arg9[%swap3A_626, %swap3A_627, %swap3A_628] {strides = array<i32>} : memref<2x4x128xi32, #tpu.memory_space<vmem>>, vector<1x1x16xi32>,
    %swap3A_630 = vector.shape_cast %swap3A_629 : vector<1x1x16xi32> to vector<16xi32>
    %swap3A_631 = vector.shape_cast %add3A_623 : vector<16xi32> to vector<1x1x16xi32>
    tpu.vector_store %arg9[%swap3A_626, %swap3A_627, %swap3A_628], %swap3A_631 {strides = array<i32>} : memref<2x4x128xi32, #tpu.memory_space<vmem>>, vector<1x1x16xi32>,
    %add3A_632 = arith.constant 384 : i32
    %add3A_633 = arith.addi %mul3A_2, %add3A_632 : i32
    %add3A_634 = arith.constant 96 : i32
    %add3A_635 = arith.addi %add3A_633, %add3A_634 : i32
    %mul3A_636 = arith.constant 2 : i32
    %mul3A_637 = arith.muli %add3A_635, %mul3A_636 : i32
    %add3A_638 = arith.constant 0 : i32
    %add3A_639 = arith.addi %mul3A_637, %add3A_638 : i32
    %mul3A_640 = arith.constant 2 : i32
    %mul3A_641 = vector.broadcast %mul3A_640 : i32 to vector<16xi32>
    %mul3A_642 = arith.muli %iota3A, %mul3A_641 : vector<16xi32>
    %add3A_643 = vector.broadcast %add3A_639 : i32 to vector<16xi32>
    %add3A_644 = arith.addi %mul3A_642, %add3A_643 : vector<16xi32>
    %swap3A_645 = arith.constant 0 : i32
    %swap3A_646 = arith.constant 3 : i32
    %swap3A_647 = arith.index_cast %swap3A_645 : i32 to index
    %swap3A_648 = arith.index_cast %swap3A_646 : i32 to index
    %swap3A_649 = arith.constant 96 : index
    %swap3A_650 = tpu.vector_load %arg9[%swap3A_647, %swap3A_648, %swap3A_649] {strides = array<i32>} : memref<2x4x128xi32, #tpu.memory_space<vmem>>, vector<1x1x16xi32>,
    %swap3A_651 = vector.shape_cast %swap3A_650 : vector<1x1x16xi32> to vector<16xi32>
    %swap3A_652 = vector.shape_cast %add3A_644 : vector<16xi32> to vector<1x1x16xi32>
    tpu.vector_store %arg9[%swap3A_647, %swap3A_648, %swap3A_649], %swap3A_652 {strides = array<i32>} : memref<2x4x128xi32, #tpu.memory_space<vmem>>, vector<1x1x16xi32>,
    %add3A_653 = arith.constant 384 : i32
    %add3A_654 = arith.addi %mul3A_2, %add3A_653 : i32
    %add3A_655 = arith.constant 112 : i32
    %add3A_656 = arith.addi %add3A_654, %add3A_655 : i32
    %mul3A_657 = arith.constant 2 : i32
    %mul3A_658 = arith.muli %add3A_656, %mul3A_657 : i32
    %add3A_659 = arith.constant 0 : i32
    %add3A_660 = arith.addi %mul3A_658, %add3A_659 : i32
    %mul3A_661 = arith.constant 2 : i32
    %mul3A_662 = vector.broadcast %mul3A_661 : i32 to vector<16xi32>
    %mul3A_663 = arith.muli %iota3A, %mul3A_662 : vector<16xi32>
    %add3A_664 = vector.broadcast %add3A_660 : i32 to vector<16xi32>
    %add3A_665 = arith.addi %mul3A_663, %add3A_664 : vector<16xi32>
    %swap3A_666 = arith.constant 0 : i32
    %swap3A_667 = arith.constant 3 : i32
    %swap3A_668 = arith.index_cast %swap3A_666 : i32 to index
    %swap3A_669 = arith.index_cast %swap3A_667 : i32 to index
    %swap3A_670 = arith.constant 112 : index
    %swap3A_671 = tpu.vector_load %arg9[%swap3A_668, %swap3A_669, %swap3A_670] {strides = array<i32>} : memref<2x4x128xi32, #tpu.memory_space<vmem>>, vector<1x1x16xi32>,
    %swap3A_672 = vector.shape_cast %swap3A_671 : vector<1x1x16xi32> to vector<16xi32>
    %swap3A_673 = vector.shape_cast %add3A_665 : vector<16xi32> to vector<1x1x16xi32>
    tpu.vector_store %arg9[%swap3A_668, %swap3A_669, %swap3A_670], %swap3A_673 {strides = array<i32>} : memref<2x4x128xi32, #tpu.memory_space<vmem>>, vector<1x1x16xi32>,
    %add3A_674 = arith.constant 0 : i32
    %add3A_675 = arith.addi %mul3A_2, %add3A_674 : i32
    %add3A_676 = arith.constant 0 : i32
    %add3A_677 = arith.addi %add3A_675, %add3A_676 : i32
    %mul3A_678 = arith.constant 2 : i32
    %mul3A_679 = arith.muli %add3A_677, %mul3A_678 : i32
    %add3A_680 = arith.constant 1 : i32
    %add3A_681 = arith.addi %mul3A_679, %add3A_680 : i32
    %mul3A_682 = arith.constant 2 : i32
    %mul3A_683 = vector.broadcast %mul3A_682 : i32 to vector<16xi32>
    %mul3A_684 = arith.muli %iota3A, %mul3A_683 : vector<16xi32>
    %add3A_685 = vector.broadcast %add3A_681 : i32 to vector<16xi32>
    %add3A_686 = arith.addi %mul3A_684, %add3A_685 : vector<16xi32>
    %swap3A_687 = arith.constant 1 : i32
    %swap3A_688 = arith.constant 0 : i32
    %swap3A_689 = arith.index_cast %swap3A_687 : i32 to index
    %swap3A_690 = arith.index_cast %swap3A_688 : i32 to index
    %swap3A_691 = arith.constant 0 : index
    %swap3A_692 = tpu.vector_load %arg9[%swap3A_689, %swap3A_690, %swap3A_691] {strides = array<i32>} : memref<2x4x128xi32, #tpu.memory_space<vmem>>, vector<1x1x16xi32>,
    %swap3A_693 = vector.shape_cast %swap3A_692 : vector<1x1x16xi32> to vector<16xi32>
    %swap3A_694 = vector.shape_cast %add3A_686 : vector<16xi32> to vector<1x1x16xi32>
    tpu.vector_store %arg9[%swap3A_689, %swap3A_690, %swap3A_691], %swap3A_694 {strides = array<i32>} : memref<2x4x128xi32, #tpu.memory_space<vmem>>, vector<1x1x16xi32>,
    %add3A_695 = arith.constant 0 : i32
    %add3A_696 = arith.addi %mul3A_2, %add3A_695 : i32
    %add3A_697 = arith.constant 16 : i32
    %add3A_698 = arith.addi %add3A_696, %add3A_697 : i32
    %mul3A_699 = arith.constant 2 : i32
    %mul3A_700 = arith.muli %add3A_698, %mul3A_699 : i32
    %add3A_701 = arith.constant 1 : i32
    %add3A_702 = arith.addi %mul3A_700, %add3A_701 : i32
    %mul3A_703 = arith.constant 2 : i32
    %mul3A_704 = vector.broadcast %mul3A_703 : i32 to vector<16xi32>
    %mul3A_705 = arith.muli %iota3A, %mul3A_704 : vector<16xi32>
    %add3A_706 = vector.broadcast %add3A_702 : i32 to vector<16xi32>
    %add3A_707 = arith.addi %mul3A_705, %add3A_706 : vector<16xi32>
    %swap3A_708 = arith.constant 1 : i32
    %swap3A_709 = arith.constant 0 : i32
    %swap3A_710 = arith.index_cast %swap3A_708 : i32 to index
    %swap3A_711 = arith.index_cast %swap3A_709 : i32 to index
    %swap3A_712 = arith.constant 16 : index
    %swap3A_713 = tpu.vector_load %arg9[%swap3A_710, %swap3A_711, %swap3A_712] {strides = array<i32>} : memref<2x4x128xi32, #tpu.memory_space<vmem>>, vector<1x1x16xi32>,
    %swap3A_714 = vector.shape_cast %swap3A_713 : vector<1x1x16xi32> to vector<16xi32>
    %swap3A_715 = vector.shape_cast %add3A_707 : vector<16xi32> to vector<1x1x16xi32>
    tpu.vector_store %arg9[%swap3A_710, %swap3A_711, %swap3A_712], %swap3A_715 {strides = array<i32>} : memref<2x4x128xi32, #tpu.memory_space<vmem>>, vector<1x1x16xi32>,
    %add3A_716 = arith.constant 0 : i32
    %add3A_717 = arith.addi %mul3A_2, %add3A_716 : i32
    %add3A_718 = arith.constant 32 : i32
    %add3A_719 = arith.addi %add3A_717, %add3A_718 : i32
    %mul3A_720 = arith.constant 2 : i32
    %mul3A_721 = arith.muli %add3A_719, %mul3A_720 : i32
    %add3A_722 = arith.constant 1 : i32
    %add3A_723 = arith.addi %mul3A_721, %add3A_722 : i32
    %mul3A_724 = arith.constant 2 : i32
    %mul3A_725 = vector.broadcast %mul3A_724 : i32 to vector<16xi32>
    %mul3A_726 = arith.muli %iota3A, %mul3A_725 : vector<16xi32>
    %add3A_727 = vector.broadcast %add3A_723 : i32 to vector<16xi32>
    %add3A_728 = arith.addi %mul3A_726, %add3A_727 : vector<16xi32>
    %swap3A_729 = arith.constant 1 : i32
    %swap3A_730 = arith.constant 0 : i32
    %swap3A_731 = arith.index_cast %swap3A_729 : i32 to index
    %swap3A_732 = arith.index_cast %swap3A_730 : i32 to index
    %swap3A_733 = arith.constant 32 : index
    %swap3A_734 = tpu.vector_load %arg9[%swap3A_731, %swap3A_732, %swap3A_733] {strides = array<i32>} : memref<2x4x128xi32, #tpu.memory_space<vmem>>, vector<1x1x16xi32>,
    %swap3A_735 = vector.shape_cast %swap3A_734 : vector<1x1x16xi32> to vector<16xi32>
    %swap3A_736 = vector.shape_cast %add3A_728 : vector<16xi32> to vector<1x1x16xi32>
    tpu.vector_store %arg9[%swap3A_731, %swap3A_732, %swap3A_733], %swap3A_736 {strides = array<i32>} : memref<2x4x128xi32, #tpu.memory_space<vmem>>, vector<1x1x16xi32>,
    %add3A_737 = arith.constant 0 : i32
    %add3A_738 = arith.addi %mul3A_2, %add3A_737 : i32
    %add3A_739 = arith.constant 48 : i32
    %add3A_740 = arith.addi %add3A_738, %add3A_739 : i32
    %mul3A_741 = arith.constant 2 : i32
    %mul3A_742 = arith.muli %add3A_740, %mul3A_741 : i32
    %add3A_743 = arith.constant 1 : i32
    %add3A_744 = arith.addi %mul3A_742, %add3A_743 : i32
    %mul3A_745 = arith.constant 2 : i32
    %mul3A_746 = vector.broadcast %mul3A_745 : i32 to vector<16xi32>
    %mul3A_747 = arith.muli %iota3A, %mul3A_746 : vector<16xi32>
    %add3A_748 = vector.broadcast %add3A_744 : i32 to vector<16xi32>
    %add3A_749 = arith.addi %mul3A_747, %add3A_748 : vector<16xi32>
    %swap3A_750 = arith.constant 1 : i32
    %swap3A_751 = arith.constant 0 : i32
    %swap3A_752 = arith.index_cast %swap3A_750 : i32 to index
    %swap3A_753 = arith.index_cast %swap3A_751 : i32 to index
    %swap3A_754 = arith.constant 48 : index
    %swap3A_755 = tpu.vector_load %arg9[%swap3A_752, %swap3A_753, %swap3A_754] {strides = array<i32>} : memref<2x4x128xi32, #tpu.memory_space<vmem>>, vector<1x1x16xi32>,
    %swap3A_756 = vector.shape_cast %swap3A_755 : vector<1x1x16xi32> to vector<16xi32>
    %swap3A_757 = vector.shape_cast %add3A_749 : vector<16xi32> to vector<1x1x16xi32>
    tpu.vector_store %arg9[%swap3A_752, %swap3A_753, %swap3A_754], %swap3A_757 {strides = array<i32>} : memref<2x4x128xi32, #tpu.memory_space<vmem>>, vector<1x1x16xi32>,
    %add3A_758 = arith.constant 0 : i32
    %add3A_759 = arith.addi %mul3A_2, %add3A_758 : i32
    %add3A_760 = arith.constant 64 : i32
    %add3A_761 = arith.addi %add3A_759, %add3A_760 : i32
    %mul3A_762 = arith.constant 2 : i32
    %mul3A_763 = arith.muli %add3A_761, %mul3A_762 : i32
    %add3A_764 = arith.constant 1 : i32
    %add3A_765 = arith.addi %mul3A_763, %add3A_764 : i32
    %mul3A_766 = arith.constant 2 : i32
    %mul3A_767 = vector.broadcast %mul3A_766 : i32 to vector<16xi32>
    %mul3A_768 = arith.muli %iota3A, %mul3A_767 : vector<16xi32>
    %add3A_769 = vector.broadcast %add3A_765 : i32 to vector<16xi32>
    %add3A_770 = arith.addi %mul3A_768, %add3A_769 : vector<16xi32>
    %swap3A_771 = arith.constant 1 : i32
    %swap3A_772 = arith.constant 0 : i32
    %swap3A_773 = arith.index_cast %swap3A_771 : i32 to index
    %swap3A_774 = arith.index_cast %swap3A_772 : i32 to index
    %swap3A_775 = arith.constant 64 : index
    %swap3A_776 = tpu.vector_load %arg9[%swap3A_773, %swap3A_774, %swap3A_775] {strides = array<i32>} : memref<2x4x128xi32, #tpu.memory_space<vmem>>, vector<1x1x16xi32>,
    %swap3A_777 = vector.shape_cast %swap3A_776 : vector<1x1x16xi32> to vector<16xi32>
    %swap3A_778 = vector.shape_cast %add3A_770 : vector<16xi32> to vector<1x1x16xi32>
    tpu.vector_store %arg9[%swap3A_773, %swap3A_774, %swap3A_775], %swap3A_778 {strides = array<i32>} : memref<2x4x128xi32, #tpu.memory_space<vmem>>, vector<1x1x16xi32>,
    %add3A_779 = arith.constant 0 : i32
    %add3A_780 = arith.addi %mul3A_2, %add3A_779 : i32
    %add3A_781 = arith.constant 80 : i32
    %add3A_782 = arith.addi %add3A_780, %add3A_781 : i32
    %mul3A_783 = arith.constant 2 : i32
    %mul3A_784 = arith.muli %add3A_782, %mul3A_783 : i32
    %add3A_785 = arith.constant 1 : i32
    %add3A_786 = arith.addi %mul3A_784, %add3A_785 : i32
    %mul3A_787 = arith.constant 2 : i32
    %mul3A_788 = vector.broadcast %mul3A_787 : i32 to vector<16xi32>
    %mul3A_789 = arith.muli %iota3A, %mul3A_788 : vector<16xi32>
    %add3A_790 = vector.broadcast %add3A_786 : i32 to vector<16xi32>
    %add3A_791 = arith.addi %mul3A_789, %add3A_790 : vector<16xi32>
    %swap3A_792 = arith.constant 1 : i32
    %swap3A_793 = arith.constant 0 : i32
    %swap3A_794 = arith.index_cast %swap3A_792 : i32 to index
    %swap3A_795 = arith.index_cast %swap3A_793 : i32 to index
    %swap3A_796 = arith.constant 80 : index
    %swap3A_797 = tpu.vector_load %arg9[%swap3A_794, %swap3A_795, %swap3A_796] {strides = array<i32>} : memref<2x4x128xi32, #tpu.memory_space<vmem>>, vector<1x1x16xi32>,
    %swap3A_798 = vector.shape_cast %swap3A_797 : vector<1x1x16xi32> to vector<16xi32>
    %swap3A_799 = vector.shape_cast %add3A_791 : vector<16xi32> to vector<1x1x16xi32>
    tpu.vector_store %arg9[%swap3A_794, %swap3A_795, %swap3A_796], %swap3A_799 {strides = array<i32>} : memref<2x4x128xi32, #tpu.memory_space<vmem>>, vector<1x1x16xi32>,
    %add3A_800 = arith.constant 0 : i32
    %add3A_801 = arith.addi %mul3A_2, %add3A_800 : i32
    %add3A_802 = arith.constant 96 : i32
    %add3A_803 = arith.addi %add3A_801, %add3A_802 : i32
    %mul3A_804 = arith.constant 2 : i32
    %mul3A_805 = arith.muli %add3A_803, %mul3A_804 : i32
    %add3A_806 = arith.constant 1 : i32
    %add3A_807 = arith.addi %mul3A_805, %add3A_806 : i32
    %mul3A_808 = arith.constant 2 : i32
    %mul3A_809 = vector.broadcast %mul3A_808 : i32 to vector<16xi32>
    %mul3A_810 = arith.muli %iota3A, %mul3A_809 : vector<16xi32>
    %add3A_811 = vector.broadcast %add3A_807 : i32 to vector<16xi32>
    %add3A_812 = arith.addi %mul3A_810, %add3A_811 : vector<16xi32>
    %swap3A_813 = arith.constant 1 : i32
    %swap3A_814 = arith.constant 0 : i32
    %swap3A_815 = arith.index_cast %swap3A_813 : i32 to index
    %swap3A_816 = arith.index_cast %swap3A_814 : i32 to index
    %swap3A_817 = arith.constant 96 : index
    %swap3A_818 = tpu.vector_load %arg9[%swap3A_815, %swap3A_816, %swap3A_817] {strides = array<i32>} : memref<2x4x128xi32, #tpu.memory_space<vmem>>, vector<1x1x16xi32>,
    %swap3A_819 = vector.shape_cast %swap3A_818 : vector<1x1x16xi32> to vector<16xi32>
    %swap3A_820 = vector.shape_cast %add3A_812 : vector<16xi32> to vector<1x1x16xi32>
    tpu.vector_store %arg9[%swap3A_815, %swap3A_816, %swap3A_817], %swap3A_820 {strides = array<i32>} : memref<2x4x128xi32, #tpu.memory_space<vmem>>, vector<1x1x16xi32>,
    %add3A_821 = arith.constant 0 : i32
    %add3A_822 = arith.addi %mul3A_2, %add3A_821 : i32
    %add3A_823 = arith.constant 112 : i32
    %add3A_824 = arith.addi %add3A_822, %add3A_823 : i32
    %mul3A_825 = arith.constant 2 : i32
    %mul3A_826 = arith.muli %add3A_824, %mul3A_825 : i32
    %add3A_827 = arith.constant 1 : i32
    %add3A_828 = arith.addi %mul3A_826, %add3A_827 : i32
    %mul3A_829 = arith.constant 2 : i32
    %mul3A_830 = vector.broadcast %mul3A_829 : i32 to vector<16xi32>
    %mul3A_831 = arith.muli %iota3A, %mul3A_830 : vector<16xi32>
    %add3A_832 = vector.broadcast %add3A_828 : i32 to vector<16xi32>
    %add3A_833 = arith.addi %mul3A_831, %add3A_832 : vector<16xi32>
    %swap3A_834 = arith.constant 1 : i32
    %swap3A_835 = arith.constant 0 : i32
    %swap3A_836 = arith.index_cast %swap3A_834 : i32 to index
    %swap3A_837 = arith.index_cast %swap3A_835 : i32 to index
    %swap3A_838 = arith.constant 112 : index
    %swap3A_839 = tpu.vector_load %arg9[%swap3A_836, %swap3A_837, %swap3A_838] {strides = array<i32>} : memref<2x4x128xi32, #tpu.memory_space<vmem>>, vector<1x1x16xi32>,
    %swap3A_840 = vector.shape_cast %swap3A_839 : vector<1x1x16xi32> to vector<16xi32>
    %swap3A_841 = vector.shape_cast %add3A_833 : vector<16xi32> to vector<1x1x16xi32>
    tpu.vector_store %arg9[%swap3A_836, %swap3A_837, %swap3A_838], %swap3A_841 {strides = array<i32>} : memref<2x4x128xi32, #tpu.memory_space<vmem>>, vector<1x1x16xi32>,
    %add3A_842 = arith.constant 128 : i32
    %add3A_843 = arith.addi %mul3A_2, %add3A_842 : i32
    %add3A_844 = arith.constant 0 : i32
    %add3A_845 = arith.addi %add3A_843, %add3A_844 : i32
    %mul3A_846 = arith.constant 2 : i32
    %mul3A_847 = arith.muli %add3A_845, %mul3A_846 : i32
    %add3A_848 = arith.constant 1 : i32
    %add3A_849 = arith.addi %mul3A_847, %add3A_848 : i32
    %mul3A_850 = arith.constant 2 : i32
    %mul3A_851 = vector.broadcast %mul3A_850 : i32 to vector<16xi32>
    %mul3A_852 = arith.muli %iota3A, %mul3A_851 : vector<16xi32>
    %add3A_853 = vector.broadcast %add3A_849 : i32 to vector<16xi32>
    %add3A_854 = arith.addi %mul3A_852, %add3A_853 : vector<16xi32>
    %swap3A_855 = arith.constant 1 : i32
    %swap3A_856 = arith.constant 1 : i32
    %swap3A_857 = arith.index_cast %swap3A_855 : i32 to index
    %swap3A_858 = arith.index_cast %swap3A_856 : i32 to index
    %swap3A_859 = arith.constant 0 : index
    %swap3A_860 = tpu.vector_load %arg9[%swap3A_857, %swap3A_858, %swap3A_859] {strides = array<i32>} : memref<2x4x128xi32, #tpu.memory_space<vmem>>, vector<1x1x16xi32>,
    %swap3A_861 = vector.shape_cast %swap3A_860 : vector<1x1x16xi32> to vector<16xi32>
    %swap3A_862 = vector.shape_cast %add3A_854 : vector<16xi32> to vector<1x1x16xi32>
    tpu.vector_store %arg9[%swap3A_857, %swap3A_858, %swap3A_859], %swap3A_862 {strides = array<i32>} : memref<2x4x128xi32, #tpu.memory_space<vmem>>, vector<1x1x16xi32>,
    %add3A_863 = arith.constant 128 : i32
    %add3A_864 = arith.addi %mul3A_2, %add3A_863 : i32
    %add3A_865 = arith.constant 16 : i32
    %add3A_866 = arith.addi %add3A_864, %add3A_865 : i32
    %mul3A_867 = arith.constant 2 : i32
    %mul3A_868 = arith.muli %add3A_866, %mul3A_867 : i32
    %add3A_869 = arith.constant 1 : i32
    %add3A_870 = arith.addi %mul3A_868, %add3A_869 : i32
    %mul3A_871 = arith.constant 2 : i32
    %mul3A_872 = vector.broadcast %mul3A_871 : i32 to vector<16xi32>
    %mul3A_873 = arith.muli %iota3A, %mul3A_872 : vector<16xi32>
    %add3A_874 = vector.broadcast %add3A_870 : i32 to vector<16xi32>
    %add3A_875 = arith.addi %mul3A_873, %add3A_874 : vector<16xi32>
    %swap3A_876 = arith.constant 1 : i32
    %swap3A_877 = arith.constant 1 : i32
    %swap3A_878 = arith.index_cast %swap3A_876 : i32 to index
    %swap3A_879 = arith.index_cast %swap3A_877 : i32 to index
    %swap3A_880 = arith.constant 16 : index
    %swap3A_881 = tpu.vector_load %arg9[%swap3A_878, %swap3A_879, %swap3A_880] {strides = array<i32>} : memref<2x4x128xi32, #tpu.memory_space<vmem>>, vector<1x1x16xi32>,
    %swap3A_882 = vector.shape_cast %swap3A_881 : vector<1x1x16xi32> to vector<16xi32>
    %swap3A_883 = vector.shape_cast %add3A_875 : vector<16xi32> to vector<1x1x16xi32>
    tpu.vector_store %arg9[%swap3A_878, %swap3A_879, %swap3A_880], %swap3A_883 {strides = array<i32>} : memref<2x4x128xi32, #tpu.memory_space<vmem>>, vector<1x1x16xi32>,
    %add3A_884 = arith.constant 128 : i32
    %add3A_885 = arith.addi %mul3A_2, %add3A_884 : i32
    %add3A_886 = arith.constant 32 : i32
    %add3A_887 = arith.addi %add3A_885, %add3A_886 : i32
    %mul3A_888 = arith.constant 2 : i32
    %mul3A_889 = arith.muli %add3A_887, %mul3A_888 : i32
    %add3A_890 = arith.constant 1 : i32
    %add3A_891 = arith.addi %mul3A_889, %add3A_890 : i32
    %mul3A_892 = arith.constant 2 : i32
    %mul3A_893 = vector.broadcast %mul3A_892 : i32 to vector<16xi32>
    %mul3A_894 = arith.muli %iota3A, %mul3A_893 : vector<16xi32>
    %add3A_895 = vector.broadcast %add3A_891 : i32 to vector<16xi32>
    %add3A_896 = arith.addi %mul3A_894, %add3A_895 : vector<16xi32>
    %swap3A_897 = arith.constant 1 : i32
    %swap3A_898 = arith.constant 1 : i32
    %swap3A_899 = arith.index_cast %swap3A_897 : i32 to index
    %swap3A_900 = arith.index_cast %swap3A_898 : i32 to index
    %swap3A_901 = arith.constant 32 : index
    %swap3A_902 = tpu.vector_load %arg9[%swap3A_899, %swap3A_900, %swap3A_901] {strides = array<i32>} : memref<2x4x128xi32, #tpu.memory_space<vmem>>, vector<1x1x16xi32>,
    %swap3A_903 = vector.shape_cast %swap3A_902 : vector<1x1x16xi32> to vector<16xi32>
    %swap3A_904 = vector.shape_cast %add3A_896 : vector<16xi32> to vector<1x1x16xi32>
    tpu.vector_store %arg9[%swap3A_899, %swap3A_900, %swap3A_901], %swap3A_904 {strides = array<i32>} : memref<2x4x128xi32, #tpu.memory_space<vmem>>, vector<1x1x16xi32>,
    %add3A_905 = arith.constant 128 : i32
    %add3A_906 = arith.addi %mul3A_2, %add3A_905 : i32
    %add3A_907 = arith.constant 48 : i32
    %add3A_908 = arith.addi %add3A_906, %add3A_907 : i32
    %mul3A_909 = arith.constant 2 : i32
    %mul3A_910 = arith.muli %add3A_908, %mul3A_909 : i32
    %add3A_911 = arith.constant 1 : i32
    %add3A_912 = arith.addi %mul3A_910, %add3A_911 : i32
    %mul3A_913 = arith.constant 2 : i32
    %mul3A_914 = vector.broadcast %mul3A_913 : i32 to vector<16xi32>
    %mul3A_915 = arith.muli %iota3A, %mul3A_914 : vector<16xi32>
    %add3A_916 = vector.broadcast %add3A_912 : i32 to vector<16xi32>
    %add3A_917 = arith.addi %mul3A_915, %add3A_916 : vector<16xi32>
    %swap3A_918 = arith.constant 1 : i32
    %swap3A_919 = arith.constant 1 : i32
    %swap3A_920 = arith.index_cast %swap3A_918 : i32 to index
    %swap3A_921 = arith.index_cast %swap3A_919 : i32 to index
    %swap3A_922 = arith.constant 48 : index
    %swap3A_923 = tpu.vector_load %arg9[%swap3A_920, %swap3A_921, %swap3A_922] {strides = array<i32>} : memref<2x4x128xi32, #tpu.memory_space<vmem>>, vector<1x1x16xi32>,
    %swap3A_924 = vector.shape_cast %swap3A_923 : vector<1x1x16xi32> to vector<16xi32>
    %swap3A_925 = vector.shape_cast %add3A_917 : vector<16xi32> to vector<1x1x16xi32>
    tpu.vector_store %arg9[%swap3A_920, %swap3A_921, %swap3A_922], %swap3A_925 {strides = array<i32>} : memref<2x4x128xi32, #tpu.memory_space<vmem>>, vector<1x1x16xi32>,
    %add3A_926 = arith.constant 128 : i32
    %add3A_927 = arith.addi %mul3A_2, %add3A_926 : i32
    %add3A_928 = arith.constant 64 : i32
    %add3A_929 = arith.addi %add3A_927, %add3A_928 : i32
    %mul3A_930 = arith.constant 2 : i32
    %mul3A_931 = arith.muli %add3A_929, %mul3A_930 : i32
    %add3A_932 = arith.constant 1 : i32
    %add3A_933 = arith.addi %mul3A_931, %add3A_932 : i32
    %mul3A_934 = arith.constant 2 : i32
    %mul3A_935 = vector.broadcast %mul3A_934 : i32 to vector<16xi32>
    %mul3A_936 = arith.muli %iota3A, %mul3A_935 : vector<16xi32>
    %add3A_937 = vector.broadcast %add3A_933 : i32 to vector<16xi32>
    %add3A_938 = arith.addi %mul3A_936, %add3A_937 : vector<16xi32>
    %swap3A_939 = arith.constant 1 : i32
    %swap3A_940 = arith.constant 1 : i32
    %swap3A_941 = arith.index_cast %swap3A_939 : i32 to index
    %swap3A_942 = arith.index_cast %swap3A_940 : i32 to index
    %swap3A_943 = arith.constant 64 : index
    %swap3A_944 = tpu.vector_load %arg9[%swap3A_941, %swap3A_942, %swap3A_943] {strides = array<i32>} : memref<2x4x128xi32, #tpu.memory_space<vmem>>, vector<1x1x16xi32>,
    %swap3A_945 = vector.shape_cast %swap3A_944 : vector<1x1x16xi32> to vector<16xi32>
    %swap3A_946 = vector.shape_cast %add3A_938 : vector<16xi32> to vector<1x1x16xi32>
    tpu.vector_store %arg9[%swap3A_941, %swap3A_942, %swap3A_943], %swap3A_946 {strides = array<i32>} : memref<2x4x128xi32, #tpu.memory_space<vmem>>, vector<1x1x16xi32>,
    %add3A_947 = arith.constant 128 : i32
    %add3A_948 = arith.addi %mul3A_2, %add3A_947 : i32
    %add3A_949 = arith.constant 80 : i32
    %add3A_950 = arith.addi %add3A_948, %add3A_949 : i32
    %mul3A_951 = arith.constant 2 : i32
    %mul3A_952 = arith.muli %add3A_950, %mul3A_951 : i32
    %add3A_953 = arith.constant 1 : i32
    %add3A_954 = arith.addi %mul3A_952, %add3A_953 : i32
    %mul3A_955 = arith.constant 2 : i32
    %mul3A_956 = vector.broadcast %mul3A_955 : i32 to vector<16xi32>
    %mul3A_957 = arith.muli %iota3A, %mul3A_956 : vector<16xi32>
    %add3A_958 = vector.broadcast %add3A_954 : i32 to vector<16xi32>
    %add3A_959 = arith.addi %mul3A_957, %add3A_958 : vector<16xi32>
    %swap3A_960 = arith.constant 1 : i32
    %swap3A_961 = arith.constant 1 : i32
    %swap3A_962 = arith.index_cast %swap3A_960 : i32 to index
    %swap3A_963 = arith.index_cast %swap3A_961 : i32 to index
    %swap3A_964 = arith.constant 80 : index
    %swap3A_965 = tpu.vector_load %arg9[%swap3A_962, %swap3A_963, %swap3A_964] {strides = array<i32>} : memref<2x4x128xi32, #tpu.memory_space<vmem>>, vector<1x1x16xi32>,
    %swap3A_966 = vector.shape_cast %swap3A_965 : vector<1x1x16xi32> to vector<16xi32>
    %swap3A_967 = vector.shape_cast %add3A_959 : vector<16xi32> to vector<1x1x16xi32>
    tpu.vector_store %arg9[%swap3A_962, %swap3A_963, %swap3A_964], %swap3A_967 {strides = array<i32>} : memref<2x4x128xi32, #tpu.memory_space<vmem>>, vector<1x1x16xi32>,
    %add3A_968 = arith.constant 128 : i32
    %add3A_969 = arith.addi %mul3A_2, %add3A_968 : i32
    %add3A_970 = arith.constant 96 : i32
    %add3A_971 = arith.addi %add3A_969, %add3A_970 : i32
    %mul3A_972 = arith.constant 2 : i32
    %mul3A_973 = arith.muli %add3A_971, %mul3A_972 : i32
    %add3A_974 = arith.constant 1 : i32
    %add3A_975 = arith.addi %mul3A_973, %add3A_974 : i32
    %mul3A_976 = arith.constant 2 : i32
    %mul3A_977 = vector.broadcast %mul3A_976 : i32 to vector<16xi32>
    %mul3A_978 = arith.muli %iota3A, %mul3A_977 : vector<16xi32>
    %add3A_979 = vector.broadcast %add3A_975 : i32 to vector<16xi32>
    %add3A_980 = arith.addi %mul3A_978, %add3A_979 : vector<16xi32>
    %swap3A_981 = arith.constant 1 : i32
    %swap3A_982 = arith.constant 1 : i32
    %swap3A_983 = arith.index_cast %swap3A_981 : i32 to index
    %swap3A_984 = arith.index_cast %swap3A_982 : i32 to index
    %swap3A_985 = arith.constant 96 : index
    %swap3A_986 = tpu.vector_load %arg9[%swap3A_983, %swap3A_984, %swap3A_985] {strides = array<i32>} : memref<2x4x128xi32, #tpu.memory_space<vmem>>, vector<1x1x16xi32>,
    %swap3A_987 = vector.shape_cast %swap3A_986 : vector<1x1x16xi32> to vector<16xi32>
    %swap3A_988 = vector.shape_cast %add3A_980 : vector<16xi32> to vector<1x1x16xi32>
    tpu.vector_store %arg9[%swap3A_983, %swap3A_984, %swap3A_985], %swap3A_988 {strides = array<i32>} : memref<2x4x128xi32, #tpu.memory_space<vmem>>, vector<1x1x16xi32>,
    %add3A_989 = arith.constant 128 : i32
    %add3A_990 = arith.addi %mul3A_2, %add3A_989 : i32
    %add3A_991 = arith.constant 112 : i32
    %add3A_992 = arith.addi %add3A_990, %add3A_991 : i32
    %mul3A_993 = arith.constant 2 : i32
    %mul3A_994 = arith.muli %add3A_992, %mul3A_993 : i32
    %add3A_995 = arith.constant 1 : i32
    %add3A_996 = arith.addi %mul3A_994, %add3A_995 : i32
    %mul3A_997 = arith.constant 2 : i32
    %mul3A_998 = vector.broadcast %mul3A_997 : i32 to vector<16xi32>
    %mul3A_999 = arith.muli %iota3A, %mul3A_998 : vector<16xi32>
    %add3A_1000 = vector.broadcast %add3A_996 : i32 to vector<16xi32>
    %add3A_1001 = arith.addi %mul3A_999, %add3A_1000 : vector<16xi32>
    %swap3A_1002 = arith.constant 1 : i32
    %swap3A_1003 = arith.constant 1 : i32
    %swap3A_1004 = arith.index_cast %swap3A_1002 : i32 to index
    %swap3A_1005 = arith.index_cast %swap3A_1003 : i32 to index
    %swap3A_1006 = arith.constant 112 : index
    %swap3A_1007 = tpu.vector_load %arg9[%swap3A_1004, %swap3A_1005, %swap3A_1006] {strides = array<i32>} : memref<2x4x128xi32, #tpu.memory_space<vmem>>, vector<1x1x16xi32>,
    %swap3A_1008 = vector.shape_cast %swap3A_1007 : vector<1x1x16xi32> to vector<16xi32>
    %swap3A_1009 = vector.shape_cast %add3A_1001 : vector<16xi32> to vector<1x1x16xi32>
    tpu.vector_store %arg9[%swap3A_1004, %swap3A_1005, %swap3A_1006], %swap3A_1009 {strides = array<i32>} : memref<2x4x128xi32, #tpu.memory_space<vmem>>, vector<1x1x16xi32>,
    %add3A_1010 = arith.constant 256 : i32
    %add3A_1011 = arith.addi %mul3A_2, %add3A_1010 : i32
    %add3A_1012 = arith.constant 0 : i32
    %add3A_1013 = arith.addi %add3A_1011, %add3A_1012 : i32
    %mul3A_1014 = arith.constant 2 : i32
    %mul3A_1015 = arith.muli %add3A_1013, %mul3A_1014 : i32
    %add3A_1016 = arith.constant 1 : i32
    %add3A_1017 = arith.addi %mul3A_1015, %add3A_1016 : i32
    %mul3A_1018 = arith.constant 2 : i32
    %mul3A_1019 = vector.broadcast %mul3A_1018 : i32 to vector<16xi32>
    %mul3A_1020 = arith.muli %iota3A, %mul3A_1019 : vector<16xi32>
    %add3A_1021 = vector.broadcast %add3A_1017 : i32 to vector<16xi32>
    %add3A_1022 = arith.addi %mul3A_1020, %add3A_1021 : vector<16xi32>
    %swap3A_1023 = arith.constant 1 : i32
    %swap3A_1024 = arith.constant 2 : i32
    %swap3A_1025 = arith.index_cast %swap3A_1023 : i32 to index
    %swap3A_1026 = arith.index_cast %swap3A_1024 : i32 to index
    %swap3A_1027 = arith.constant 0 : index
    %swap3A_1028 = tpu.vector_load %arg9[%swap3A_1025, %swap3A_1026, %swap3A_1027] {strides = array<i32>} : memref<2x4x128xi32, #tpu.memory_space<vmem>>, vector<1x1x16xi32>,
    %swap3A_1029 = vector.shape_cast %swap3A_1028 : vector<1x1x16xi32> to vector<16xi32>
    %swap3A_1030 = vector.shape_cast %add3A_1022 : vector<16xi32> to vector<1x1x16xi32>
    tpu.vector_store %arg9[%swap3A_1025, %swap3A_1026, %swap3A_1027], %swap3A_1030 {strides = array<i32>} : memref<2x4x128xi32, #tpu.memory_space<vmem>>, vector<1x1x16xi32>,
    %add3A_1031 = arith.constant 256 : i32
    %add3A_1032 = arith.addi %mul3A_2, %add3A_1031 : i32
    %add3A_1033 = arith.constant 16 : i32
    %add3A_1034 = arith.addi %add3A_1032, %add3A_1033 : i32
    %mul3A_1035 = arith.constant 2 : i32
    %mul3A_1036 = arith.muli %add3A_1034, %mul3A_1035 : i32
    %add3A_1037 = arith.constant 1 : i32
    %add3A_1038 = arith.addi %mul3A_1036, %add3A_1037 : i32
    %mul3A_1039 = arith.constant 2 : i32
    %mul3A_1040 = vector.broadcast %mul3A_1039 : i32 to vector<16xi32>
    %mul3A_1041 = arith.muli %iota3A, %mul3A_1040 : vector<16xi32>
    %add3A_1042 = vector.broadcast %add3A_1038 : i32 to vector<16xi32>
    %add3A_1043 = arith.addi %mul3A_1041, %add3A_1042 : vector<16xi32>
    %swap3A_1044 = arith.constant 1 : i32
    %swap3A_1045 = arith.constant 2 : i32
    %swap3A_1046 = arith.index_cast %swap3A_1044 : i32 to index
    %swap3A_1047 = arith.index_cast %swap3A_1045 : i32 to index
    %swap3A_1048 = arith.constant 16 : index
    %swap3A_1049 = tpu.vector_load %arg9[%swap3A_1046, %swap3A_1047, %swap3A_1048] {strides = array<i32>} : memref<2x4x128xi32, #tpu.memory_space<vmem>>, vector<1x1x16xi32>,
    %swap3A_1050 = vector.shape_cast %swap3A_1049 : vector<1x1x16xi32> to vector<16xi32>
    %swap3A_1051 = vector.shape_cast %add3A_1043 : vector<16xi32> to vector<1x1x16xi32>
    tpu.vector_store %arg9[%swap3A_1046, %swap3A_1047, %swap3A_1048], %swap3A_1051 {strides = array<i32>} : memref<2x4x128xi32, #tpu.memory_space<vmem>>, vector<1x1x16xi32>,
    %add3A_1052 = arith.constant 256 : i32
    %add3A_1053 = arith.addi %mul3A_2, %add3A_1052 : i32
    %add3A_1054 = arith.constant 32 : i32
    %add3A_1055 = arith.addi %add3A_1053, %add3A_1054 : i32
    %mul3A_1056 = arith.constant 2 : i32
    %mul3A_1057 = arith.muli %add3A_1055, %mul3A_1056 : i32
    %add3A_1058 = arith.constant 1 : i32
    %add3A_1059 = arith.addi %mul3A_1057, %add3A_1058 : i32
    %mul3A_1060 = arith.constant 2 : i32
    %mul3A_1061 = vector.broadcast %mul3A_1060 : i32 to vector<16xi32>
    %mul3A_1062 = arith.muli %iota3A, %mul3A_1061 : vector<16xi32>
    %add3A_1063 = vector.broadcast %add3A_1059 : i32 to vector<16xi32>
    %add3A_1064 = arith.addi %mul3A_1062, %add3A_1063 : vector<16xi32>
    %swap3A_1065 = arith.constant 1 : i32
    %swap3A_1066 = arith.constant 2 : i32
    %swap3A_1067 = arith.index_cast %swap3A_1065 : i32 to index
    %swap3A_1068 = arith.index_cast %swap3A_1066 : i32 to index
    %swap3A_1069 = arith.constant 32 : index
    %swap3A_1070 = tpu.vector_load %arg9[%swap3A_1067, %swap3A_1068, %swap3A_1069] {strides = array<i32>} : memref<2x4x128xi32, #tpu.memory_space<vmem>>, vector<1x1x16xi32>,
    %swap3A_1071 = vector.shape_cast %swap3A_1070 : vector<1x1x16xi32> to vector<16xi32>
    %swap3A_1072 = vector.shape_cast %add3A_1064 : vector<16xi32> to vector<1x1x16xi32>
    tpu.vector_store %arg9[%swap3A_1067, %swap3A_1068, %swap3A_1069], %swap3A_1072 {strides = array<i32>} : memref<2x4x128xi32, #tpu.memory_space<vmem>>, vector<1x1x16xi32>,
    %add3A_1073 = arith.constant 256 : i32
    %add3A_1074 = arith.addi %mul3A_2, %add3A_1073 : i32
    %add3A_1075 = arith.constant 48 : i32
    %add3A_1076 = arith.addi %add3A_1074, %add3A_1075 : i32
    %mul3A_1077 = arith.constant 2 : i32
    %mul3A_1078 = arith.muli %add3A_1076, %mul3A_1077 : i32
    %add3A_1079 = arith.constant 1 : i32
    %add3A_1080 = arith.addi %mul3A_1078, %add3A_1079 : i32
    %mul3A_1081 = arith.constant 2 : i32
    %mul3A_1082 = vector.broadcast %mul3A_1081 : i32 to vector<16xi32>
    %mul3A_1083 = arith.muli %iota3A, %mul3A_1082 : vector<16xi32>
    %add3A_1084 = vector.broadcast %add3A_1080 : i32 to vector<16xi32>
    %add3A_1085 = arith.addi %mul3A_1083, %add3A_1084 : vector<16xi32>
    %swap3A_1086 = arith.constant 1 : i32
    %swap3A_1087 = arith.constant 2 : i32
    %swap3A_1088 = arith.index_cast %swap3A_1086 : i32 to index
    %swap3A_1089 = arith.index_cast %swap3A_1087 : i32 to index
    %swap3A_1090 = arith.constant 48 : index
    %swap3A_1091 = tpu.vector_load %arg9[%swap3A_1088, %swap3A_1089, %swap3A_1090] {strides = array<i32>} : memref<2x4x128xi32, #tpu.memory_space<vmem>>, vector<1x1x16xi32>,
    %swap3A_1092 = vector.shape_cast %swap3A_1091 : vector<1x1x16xi32> to vector<16xi32>
    %swap3A_1093 = vector.shape_cast %add3A_1085 : vector<16xi32> to vector<1x1x16xi32>
    tpu.vector_store %arg9[%swap3A_1088, %swap3A_1089, %swap3A_1090], %swap3A_1093 {strides = array<i32>} : memref<2x4x128xi32, #tpu.memory_space<vmem>>, vector<1x1x16xi32>,
    %add3A_1094 = arith.constant 256 : i32
    %add3A_1095 = arith.addi %mul3A_2, %add3A_1094 : i32
    %add3A_1096 = arith.constant 64 : i32
    %add3A_1097 = arith.addi %add3A_1095, %add3A_1096 : i32
    %mul3A_1098 = arith.constant 2 : i32
    %mul3A_1099 = arith.muli %add3A_1097, %mul3A_1098 : i32
    %add3A_1100 = arith.constant 1 : i32
    %add3A_1101 = arith.addi %mul3A_1099, %add3A_1100 : i32
    %mul3A_1102 = arith.constant 2 : i32
    %mul3A_1103 = vector.broadcast %mul3A_1102 : i32 to vector<16xi32>
    %mul3A_1104 = arith.muli %iota3A, %mul3A_1103 : vector<16xi32>
    %add3A_1105 = vector.broadcast %add3A_1101 : i32 to vector<16xi32>
    %add3A_1106 = arith.addi %mul3A_1104, %add3A_1105 : vector<16xi32>
    %swap3A_1107 = arith.constant 1 : i32
    %swap3A_1108 = arith.constant 2 : i32
    %swap3A_1109 = arith.index_cast %swap3A_1107 : i32 to index
    %swap3A_1110 = arith.index_cast %swap3A_1108 : i32 to index
    %swap3A_1111 = arith.constant 64 : index
    %swap3A_1112 = tpu.vector_load %arg9[%swap3A_1109, %swap3A_1110, %swap3A_1111] {strides = array<i32>} : memref<2x4x128xi32, #tpu.memory_space<vmem>>, vector<1x1x16xi32>,
    %swap3A_1113 = vector.shape_cast %swap3A_1112 : vector<1x1x16xi32> to vector<16xi32>
    %swap3A_1114 = vector.shape_cast %add3A_1106 : vector<16xi32> to vector<1x1x16xi32>
    tpu.vector_store %arg9[%swap3A_1109, %swap3A_1110, %swap3A_1111], %swap3A_1114 {strides = array<i32>} : memref<2x4x128xi32, #tpu.memory_space<vmem>>, vector<1x1x16xi32>,
    %add3A_1115 = arith.constant 256 : i32
    %add3A_1116 = arith.addi %mul3A_2, %add3A_1115 : i32
    %add3A_1117 = arith.constant 80 : i32
    %add3A_1118 = arith.addi %add3A_1116, %add3A_1117 : i32
    %mul3A_1119 = arith.constant 2 : i32
    %mul3A_1120 = arith.muli %add3A_1118, %mul3A_1119 : i32
    %add3A_1121 = arith.constant 1 : i32
    %add3A_1122 = arith.addi %mul3A_1120, %add3A_1121 : i32
    %mul3A_1123 = arith.constant 2 : i32
    %mul3A_1124 = vector.broadcast %mul3A_1123 : i32 to vector<16xi32>
    %mul3A_1125 = arith.muli %iota3A, %mul3A_1124 : vector<16xi32>
    %add3A_1126 = vector.broadcast %add3A_1122 : i32 to vector<16xi32>
    %add3A_1127 = arith.addi %mul3A_1125, %add3A_1126 : vector<16xi32>
    %swap3A_1128 = arith.constant 1 : i32
    %swap3A_1129 = arith.constant 2 : i32
    %swap3A_1130 = arith.index_cast %swap3A_1128 : i32 to index
    %swap3A_1131 = arith.index_cast %swap3A_1129 : i32 to index
    %swap3A_1132 = arith.constant 80 : index
    %swap3A_1133 = tpu.vector_load %arg9[%swap3A_1130, %swap3A_1131, %swap3A_1132] {strides = array<i32>} : memref<2x4x128xi32, #tpu.memory_space<vmem>>, vector<1x1x16xi32>,
    %swap3A_1134 = vector.shape_cast %swap3A_1133 : vector<1x1x16xi32> to vector<16xi32>
    %swap3A_1135 = vector.shape_cast %add3A_1127 : vector<16xi32> to vector<1x1x16xi32>
    tpu.vector_store %arg9[%swap3A_1130, %swap3A_1131, %swap3A_1132], %swap3A_1135 {strides = array<i32>} : memref<2x4x128xi32, #tpu.memory_space<vmem>>, vector<1x1x16xi32>,
    %add3A_1136 = arith.constant 256 : i32
    %add3A_1137 = arith.addi %mul3A_2, %add3A_1136 : i32
    %add3A_1138 = arith.constant 96 : i32
    %add3A_1139 = arith.addi %add3A_1137, %add3A_1138 : i32
    %mul3A_1140 = arith.constant 2 : i32
    %mul3A_1141 = arith.muli %add3A_1139, %mul3A_1140 : i32
    %add3A_1142 = arith.constant 1 : i32
    %add3A_1143 = arith.addi %mul3A_1141, %add3A_1142 : i32
    %mul3A_1144 = arith.constant 2 : i32
    %mul3A_1145 = vector.broadcast %mul3A_1144 : i32 to vector<16xi32>
    %mul3A_1146 = arith.muli %iota3A, %mul3A_1145 : vector<16xi32>
    %add3A_1147 = vector.broadcast %add3A_1143 : i32 to vector<16xi32>
    %add3A_1148 = arith.addi %mul3A_1146, %add3A_1147 : vector<16xi32>
    %swap3A_1149 = arith.constant 1 : i32
    %swap3A_1150 = arith.constant 2 : i32
    %swap3A_1151 = arith.index_cast %swap3A_1149 : i32 to index
    %swap3A_1152 = arith.index_cast %swap3A_1150 : i32 to index
    %swap3A_1153 = arith.constant 96 : index
    %swap3A_1154 = tpu.vector_load %arg9[%swap3A_1151, %swap3A_1152, %swap3A_1153] {strides = array<i32>} : memref<2x4x128xi32, #tpu.memory_space<vmem>>, vector<1x1x16xi32>,
    %swap3A_1155 = vector.shape_cast %swap3A_1154 : vector<1x1x16xi32> to vector<16xi32>
    %swap3A_1156 = vector.shape_cast %add3A_1148 : vector<16xi32> to vector<1x1x16xi32>
    tpu.vector_store %arg9[%swap3A_1151, %swap3A_1152, %swap3A_1153], %swap3A_1156 {strides = array<i32>} : memref<2x4x128xi32, #tpu.memory_space<vmem>>, vector<1x1x16xi32>,
    %add3A_1157 = arith.constant 256 : i32
    %add3A_1158 = arith.addi %mul3A_2, %add3A_1157 : i32
    %add3A_1159 = arith.constant 112 : i32
    %add3A_1160 = arith.addi %add3A_1158, %add3A_1159 : i32
    %mul3A_1161 = arith.constant 2 : i32
    %mul3A_1162 = arith.muli %add3A_1160, %mul3A_1161 : i32
    %add3A_1163 = arith.constant 1 : i32
    %add3A_1164 = arith.addi %mul3A_1162, %add3A_1163 : i32
    %mul3A_1165 = arith.constant 2 : i32
    %mul3A_1166 = vector.broadcast %mul3A_1165 : i32 to vector<16xi32>
    %mul3A_1167 = arith.muli %iota3A, %mul3A_1166 : vector<16xi32>
    %add3A_1168 = vector.broadcast %add3A_1164 : i32 to vector<16xi32>
    %add3A_1169 = arith.addi %mul3A_1167, %add3A_1168 : vector<16xi32>
    %swap3A_1170 = arith.constant 1 : i32
    %swap3A_1171 = arith.constant 2 : i32
    %swap3A_1172 = arith.index_cast %swap3A_1170 : i32 to index
    %swap3A_1173 = arith.index_cast %swap3A_1171 : i32 to index
    %swap3A_1174 = arith.constant 112 : index
    %swap3A_1175 = tpu.vector_load %arg9[%swap3A_1172, %swap3A_1173, %swap3A_1174] {strides = array<i32>} : memref<2x4x128xi32, #tpu.memory_space<vmem>>, vector<1x1x16xi32>,
    %swap3A_1176 = vector.shape_cast %swap3A_1175 : vector<1x1x16xi32> to vector<16xi32>
    %swap3A_1177 = vector.shape_cast %add3A_1169 : vector<16xi32> to vector<1x1x16xi32>
    tpu.vector_store %arg9[%swap3A_1172, %swap3A_1173, %swap3A_1174], %swap3A_1177 {strides = array<i32>} : memref<2x4x128xi32, #tpu.memory_space<vmem>>, vector<1x1x16xi32>,
    %add3A_1178 = arith.constant 384 : i32
    %add3A_1179 = arith.addi %mul3A_2, %add3A_1178 : i32
    %add3A_1180 = arith.constant 0 : i32
    %add3A_1181 = arith.addi %add3A_1179, %add3A_1180 : i32
    %mul3A_1182 = arith.constant 2 : i32
    %mul3A_1183 = arith.muli %add3A_1181, %mul3A_1182 : i32
    %add3A_1184 = arith.constant 1 : i32
    %add3A_1185 = arith.addi %mul3A_1183, %add3A_1184 : i32
    %mul3A_1186 = arith.constant 2 : i32
    %mul3A_1187 = vector.broadcast %mul3A_1186 : i32 to vector<16xi32>
    %mul3A_1188 = arith.muli %iota3A, %mul3A_1187 : vector<16xi32>
    %add3A_1189 = vector.broadcast %add3A_1185 : i32 to vector<16xi32>
    %add3A_1190 = arith.addi %mul3A_1188, %add3A_1189 : vector<16xi32>
    %swap3A_1191 = arith.constant 1 : i32
    %swap3A_1192 = arith.constant 3 : i32
    %swap3A_1193 = arith.index_cast %swap3A_1191 : i32 to index
    %swap3A_1194 = arith.index_cast %swap3A_1192 : i32 to index
    %swap3A_1195 = arith.constant 0 : index
    %swap3A_1196 = tpu.vector_load %arg9[%swap3A_1193, %swap3A_1194, %swap3A_1195] {strides = array<i32>} : memref<2x4x128xi32, #tpu.memory_space<vmem>>, vector<1x1x16xi32>,
    %swap3A_1197 = vector.shape_cast %swap3A_1196 : vector<1x1x16xi32> to vector<16xi32>
    %swap3A_1198 = vector.shape_cast %add3A_1190 : vector<16xi32> to vector<1x1x16xi32>
    tpu.vector_store %arg9[%swap3A_1193, %swap3A_1194, %swap3A_1195], %swap3A_1198 {strides = array<i32>} : memref<2x4x128xi32, #tpu.memory_space<vmem>>, vector<1x1x16xi32>,
    %add3A_1199 = arith.constant 384 : i32
    %add3A_1200 = arith.addi %mul3A_2, %add3A_1199 : i32
    %add3A_1201 = arith.constant 16 : i32
    %add3A_1202 = arith.addi %add3A_1200, %add3A_1201 : i32
    %mul3A_1203 = arith.constant 2 : i32
    %mul3A_1204 = arith.muli %add3A_1202, %mul3A_1203 : i32
    %add3A_1205 = arith.constant 1 : i32
    %add3A_1206 = arith.addi %mul3A_1204, %add3A_1205 : i32
    %mul3A_1207 = arith.constant 2 : i32
    %mul3A_1208 = vector.broadcast %mul3A_1207 : i32 to vector<16xi32>
    %mul3A_1209 = arith.muli %iota3A, %mul3A_1208 : vector<16xi32>
    %add3A_1210 = vector.broadcast %add3A_1206 : i32 to vector<16xi32>
    %add3A_1211 = arith.addi %mul3A_1209, %add3A_1210 : vector<16xi32>
    %swap3A_1212 = arith.constant 1 : i32
    %swap3A_1213 = arith.constant 3 : i32
    %swap3A_1214 = arith.index_cast %swap3A_1212 : i32 to index
    %swap3A_1215 = arith.index_cast %swap3A_1213 : i32 to index
    %swap3A_1216 = arith.constant 16 : index
    %swap3A_1217 = tpu.vector_load %arg9[%swap3A_1214, %swap3A_1215, %swap3A_1216] {strides = array<i32>} : memref<2x4x128xi32, #tpu.memory_space<vmem>>, vector<1x1x16xi32>,
    %swap3A_1218 = vector.shape_cast %swap3A_1217 : vector<1x1x16xi32> to vector<16xi32>
    %swap3A_1219 = vector.shape_cast %add3A_1211 : vector<16xi32> to vector<1x1x16xi32>
    tpu.vector_store %arg9[%swap3A_1214, %swap3A_1215, %swap3A_1216], %swap3A_1219 {strides = array<i32>} : memref<2x4x128xi32, #tpu.memory_space<vmem>>, vector<1x1x16xi32>,
    %add3A_1220 = arith.constant 384 : i32
    %add3A_1221 = arith.addi %mul3A_2, %add3A_1220 : i32
    %add3A_1222 = arith.constant 32 : i32
    %add3A_1223 = arith.addi %add3A_1221, %add3A_1222 : i32
    %mul3A_1224 = arith.constant 2 : i32
    %mul3A_1225 = arith.muli %add3A_1223, %mul3A_1224 : i32
    %add3A_1226 = arith.constant 1 : i32
    %add3A_1227 = arith.addi %mul3A_1225, %add3A_1226 : i32
    %mul3A_1228 = arith.constant 2 : i32
    %mul3A_1229 = vector.broadcast %mul3A_1228 : i32 to vector<16xi32>
    %mul3A_1230 = arith.muli %iota3A, %mul3A_1229 : vector<16xi32>
    %add3A_1231 = vector.broadcast %add3A_1227 : i32 to vector<16xi32>
    %add3A_1232 = arith.addi %mul3A_1230, %add3A_1231 : vector<16xi32>
    %swap3A_1233 = arith.constant 1 : i32
    %swap3A_1234 = arith.constant 3 : i32
    %swap3A_1235 = arith.index_cast %swap3A_1233 : i32 to index
    %swap3A_1236 = arith.index_cast %swap3A_1234 : i32 to index
    %swap3A_1237 = arith.constant 32 : index
    %swap3A_1238 = tpu.vector_load %arg9[%swap3A_1235, %swap3A_1236, %swap3A_1237] {strides = array<i32>} : memref<2x4x128xi32, #tpu.memory_space<vmem>>, vector<1x1x16xi32>,
    %swap3A_1239 = vector.shape_cast %swap3A_1238 : vector<1x1x16xi32> to vector<16xi32>
    %swap3A_1240 = vector.shape_cast %add3A_1232 : vector<16xi32> to vector<1x1x16xi32>
    tpu.vector_store %arg9[%swap3A_1235, %swap3A_1236, %swap3A_1237], %swap3A_1240 {strides = array<i32>} : memref<2x4x128xi32, #tpu.memory_space<vmem>>, vector<1x1x16xi32>,
    %add3A_1241 = arith.constant 384 : i32
    %add3A_1242 = arith.addi %mul3A_2, %add3A_1241 : i32
    %add3A_1243 = arith.constant 48 : i32
    %add3A_1244 = arith.addi %add3A_1242, %add3A_1243 : i32
    %mul3A_1245 = arith.constant 2 : i32
    %mul3A_1246 = arith.muli %add3A_1244, %mul3A_1245 : i32
    %add3A_1247 = arith.constant 1 : i32
    %add3A_1248 = arith.addi %mul3A_1246, %add3A_1247 : i32
    %mul3A_1249 = arith.constant 2 : i32
    %mul3A_1250 = vector.broadcast %mul3A_1249 : i32 to vector<16xi32>
    %mul3A_1251 = arith.muli %iota3A, %mul3A_1250 : vector<16xi32>
    %add3A_1252 = vector.broadcast %add3A_1248 : i32 to vector<16xi32>
    %add3A_1253 = arith.addi %mul3A_1251, %add3A_1252 : vector<16xi32>
    %swap3A_1254 = arith.constant 1 : i32
    %swap3A_1255 = arith.constant 3 : i32
    %swap3A_1256 = arith.index_cast %swap3A_1254 : i32 to index
    %swap3A_1257 = arith.index_cast %swap3A_1255 : i32 to index
    %swap3A_1258 = arith.constant 48 : index
    %swap3A_1259 = tpu.vector_load %arg9[%swap3A_1256, %swap3A_1257, %swap3A_1258] {strides = array<i32>} : memref<2x4x128xi32, #tpu.memory_space<vmem>>, vector<1x1x16xi32>,
    %swap3A_1260 = vector.shape_cast %swap3A_1259 : vector<1x1x16xi32> to vector<16xi32>
    %swap3A_1261 = vector.shape_cast %add3A_1253 : vector<16xi32> to vector<1x1x16xi32>
    tpu.vector_store %arg9[%swap3A_1256, %swap3A_1257, %swap3A_1258], %swap3A_1261 {strides = array<i32>} : memref<2x4x128xi32, #tpu.memory_space<vmem>>, vector<1x1x16xi32>,
    %add3A_1262 = arith.constant 384 : i32
    %add3A_1263 = arith.addi %mul3A_2, %add3A_1262 : i32
    %add3A_1264 = arith.constant 64 : i32
    %add3A_1265 = arith.addi %add3A_1263, %add3A_1264 : i32
    %mul3A_1266 = arith.constant 2 : i32
    %mul3A_1267 = arith.muli %add3A_1265, %mul3A_1266 : i32
    %add3A_1268 = arith.constant 1 : i32
    %add3A_1269 = arith.addi %mul3A_1267, %add3A_1268 : i32
    %mul3A_1270 = arith.constant 2 : i32
    %mul3A_1271 = vector.broadcast %mul3A_1270 : i32 to vector<16xi32>
    %mul3A_1272 = arith.muli %iota3A, %mul3A_1271 : vector<16xi32>
    %add3A_1273 = vector.broadcast %add3A_1269 : i32 to vector<16xi32>
    %add3A_1274 = arith.addi %mul3A_1272, %add3A_1273 : vector<16xi32>
    %swap3A_1275 = arith.constant 1 : i32
    %swap3A_1276 = arith.constant 3 : i32
    %swap3A_1277 = arith.index_cast %swap3A_1275 : i32 to index
    %swap3A_1278 = arith.index_cast %swap3A_1276 : i32 to index
    %swap3A_1279 = arith.constant 64 : index
    %swap3A_1280 = tpu.vector_load %arg9[%swap3A_1277, %swap3A_1278, %swap3A_1279] {strides = array<i32>} : memref<2x4x128xi32, #tpu.memory_space<vmem>>, vector<1x1x16xi32>,
    %swap3A_1281 = vector.shape_cast %swap3A_1280 : vector<1x1x16xi32> to vector<16xi32>
    %swap3A_1282 = vector.shape_cast %add3A_1274 : vector<16xi32> to vector<1x1x16xi32>
    tpu.vector_store %arg9[%swap3A_1277, %swap3A_1278, %swap3A_1279], %swap3A_1282 {strides = array<i32>} : memref<2x4x128xi32, #tpu.memory_space<vmem>>, vector<1x1x16xi32>,
    %add3A_1283 = arith.constant 384 : i32
    %add3A_1284 = arith.addi %mul3A_2, %add3A_1283 : i32
    %add3A_1285 = arith.constant 80 : i32
    %add3A_1286 = arith.addi %add3A_1284, %add3A_1285 : i32
    %mul3A_1287 = arith.constant 2 : i32
    %mul3A_1288 = arith.muli %add3A_1286, %mul3A_1287 : i32
    %add3A_1289 = arith.constant 1 : i32
    %add3A_1290 = arith.addi %mul3A_1288, %add3A_1289 : i32
    %mul3A_1291 = arith.constant 2 : i32
    %mul3A_1292 = vector.broadcast %mul3A_1291 : i32 to vector<16xi32>
    %mul3A_1293 = arith.muli %iota3A, %mul3A_1292 : vector<16xi32>
    %add3A_1294 = vector.broadcast %add3A_1290 : i32 to vector<16xi32>
    %add3A_1295 = arith.addi %mul3A_1293, %add3A_1294 : vector<16xi32>
    %swap3A_1296 = arith.constant 1 : i32
    %swap3A_1297 = arith.constant 3 : i32
    %swap3A_1298 = arith.index_cast %swap3A_1296 : i32 to index
    %swap3A_1299 = arith.index_cast %swap3A_1297 : i32 to index
    %swap3A_1300 = arith.constant 80 : index
    %swap3A_1301 = tpu.vector_load %arg9[%swap3A_1298, %swap3A_1299, %swap3A_1300] {strides = array<i32>} : memref<2x4x128xi32, #tpu.memory_space<vmem>>, vector<1x1x16xi32>,
    %swap3A_1302 = vector.shape_cast %swap3A_1301 : vector<1x1x16xi32> to vector<16xi32>
    %swap3A_1303 = vector.shape_cast %add3A_1295 : vector<16xi32> to vector<1x1x16xi32>
    tpu.vector_store %arg9[%swap3A_1298, %swap3A_1299, %swap3A_1300], %swap3A_1303 {strides = array<i32>} : memref<2x4x128xi32, #tpu.memory_space<vmem>>, vector<1x1x16xi32>,
    %add3A_1304 = arith.constant 384 : i32
    %add3A_1305 = arith.addi %mul3A_2, %add3A_1304 : i32
    %add3A_1306 = arith.constant 96 : i32
    %add3A_1307 = arith.addi %add3A_1305, %add3A_1306 : i32
    %mul3A_1308 = arith.constant 2 : i32
    %mul3A_1309 = arith.muli %add3A_1307, %mul3A_1308 : i32
    %add3A_1310 = arith.constant 1 : i32
    %add3A_1311 = arith.addi %mul3A_1309, %add3A_1310 : i32
    %mul3A_1312 = arith.constant 2 : i32
    %mul3A_1313 = vector.broadcast %mul3A_1312 : i32 to vector<16xi32>
    %mul3A_1314 = arith.muli %iota3A, %mul3A_1313 : vector<16xi32>
    %add3A_1315 = vector.broadcast %add3A_1311 : i32 to vector<16xi32>
    %add3A_1316 = arith.addi %mul3A_1314, %add3A_1315 : vector<16xi32>
    %swap3A_1317 = arith.constant 1 : i32
    %swap3A_1318 = arith.constant 3 : i32
    %swap3A_1319 = arith.index_cast %swap3A_1317 : i32 to index
    %swap3A_1320 = arith.index_cast %swap3A_1318 : i32 to index
    %swap3A_1321 = arith.constant 96 : index
    %swap3A_1322 = tpu.vector_load %arg9[%swap3A_1319, %swap3A_1320, %swap3A_1321] {strides = array<i32>} : memref<2x4x128xi32, #tpu.memory_space<vmem>>, vector<1x1x16xi32>,
    %swap3A_1323 = vector.shape_cast %swap3A_1322 : vector<1x1x16xi32> to vector<16xi32>
    %swap3A_1324 = vector.shape_cast %add3A_1316 : vector<16xi32> to vector<1x1x16xi32>
    tpu.vector_store %arg9[%swap3A_1319, %swap3A_1320, %swap3A_1321], %swap3A_1324 {strides = array<i32>} : memref<2x4x128xi32, #tpu.memory_space<vmem>>, vector<1x1x16xi32>,
    %add3A_1325 = arith.constant 384 : i32
    %add3A_1326 = arith.addi %mul3A_2, %add3A_1325 : i32
    %add3A_1327 = arith.constant 112 : i32
    %add3A_1328 = arith.addi %add3A_1326, %add3A_1327 : i32
    %mul3A_1329 = arith.constant 2 : i32
    %mul3A_1330 = arith.muli %add3A_1328, %mul3A_1329 : i32
    %add3A_1331 = arith.constant 1 : i32
    %add3A_1332 = arith.addi %mul3A_1330, %add3A_1331 : i32
    %mul3A_1333 = arith.constant 2 : i32
    %mul3A_1334 = vector.broadcast %mul3A_1333 : i32 to vector<16xi32>
    %mul3A_1335 = arith.muli %iota3A, %mul3A_1334 : vector<16xi32>
    %add3A_1336 = vector.broadcast %add3A_1332 : i32 to vector<16xi32>
    %add3A_1337 = arith.addi %mul3A_1335, %add3A_1336 : vector<16xi32>
    %swap3A_1338 = arith.constant 1 : i32
    %swap3A_1339 = arith.constant 3 : i32
    %swap3A_1340 = arith.index_cast %swap3A_1338 : i32 to index
    %swap3A_1341 = arith.index_cast %swap3A_1339 : i32 to index
    %swap3A_1342 = arith.constant 112 : index
    %swap3A_1343 = tpu.vector_load %arg9[%swap3A_1340, %swap3A_1341, %swap3A_1342] {strides = array<i32>} : memref<2x4x128xi32, #tpu.memory_space<vmem>>, vector<1x1x16xi32>,
    %swap3A_1344 = vector.shape_cast %swap3A_1343 : vector<1x1x16xi32> to vector<16xi32>
    %swap3A_1345 = vector.shape_cast %add3A_1337 : vector<16xi32> to vector<1x1x16xi32>
    tpu.vector_store %arg9[%swap3A_1340, %swap3A_1341, %swap3A_1342], %swap3A_1345 {strides = array<i32>} : memref<2x4x128xi32, #tpu.memory_space<vmem>>, vector<1x1x16xi32>,
    %dma_start3A = arith.constant 0 : i32
    %dma_start3A_1346 = arith.constant 0 : i32
    %dma_start3A_1347 = tpu.memref_slice %arg10[%dma_start3A, %dma_start3A_1346] : memref<512x32xf32, #tpu.memory_space<vmem>> -> memref<128x32xf32, #tpu.memory_space<vmem>>
    %dma_start3A_1348 = arith.constant 0 : i32
    %dma_start3A_1349 = tpu.memref_slice %arg7[%dma_start3A_1348] : memref<512xi32, #tpu.memory_space<vmem>> -> memref<128xi32, #tpu.memory_space<vmem>>
    %dma_start3A_1350 = arith.constant 0 : i32
    %dma_start3A_1351 = arith.constant 0 : i32
    %dma_start3A_1352 = tpu.memref_slice %arg4[%dma_start3A_1350, %dma_start3A_1351] : memref<100000x32xf32, #tpu.memory_space<hbm>> -> memref<100000x32xf32, #tpu.memory_space<hbm>>
    tpu.enqueue_indirect_dma source(%dma_start3A_1352 : memref<100000x32xf32, #tpu.memory_space<hbm>>) target(%dma_start3A_1347 : memref<128x32xf32, #tpu.memory_space<vmem>>) offsets(%dma_start3A_1349 : memref<128xi32, #tpu.memory_space<vmem>>) semaphore(%arg12 : memref<!tpu.dma_semaphore, #tpu.memory_space<semaphore_mem>>)
    %dma_start3A_1353 = arith.constant 0 : i32
    %dma_start3A_1354 = arith.constant 0 : i32
    %dma_start3A_1355 = tpu.memref_slice %arg11[%dma_start3A_1353, %dma_start3A_1354] : memref<512x32xf32, #tpu.memory_space<vmem>> -> memref<128x32xf32, #tpu.memory_space<vmem>>
    %dma_start3A_1356 = arith.constant 0 : i32
    %dma_start3A_1357 = tpu.memref_slice %arg8[%dma_start3A_1356] : memref<512xi32, #tpu.memory_space<vmem>> -> memref<128xi32, #tpu.memory_space<vmem>>
    %dma_start3A_1358 = arith.constant 0 : i32
    %dma_start3A_1359 = arith.constant 0 : i32
    %dma_start3A_1360 = tpu.memref_slice %arg5[%dma_start3A_1358, %dma_start3A_1359] : memref<1000x32xf32, #tpu.memory_space<hbm>> -> memref<1000x32xf32, #tpu.memory_space<hbm>>
    tpu.enqueue_indirect_dma source(%dma_start3A_1360 : memref<1000x32xf32, #tpu.memory_space<hbm>>) target(%dma_start3A_1355 : memref<128x32xf32, #tpu.memory_space<vmem>>) offsets(%dma_start3A_1357 : memref<128xi32, #tpu.memory_space<vmem>>) semaphore(%arg12 : memref<!tpu.dma_semaphore, #tpu.memory_space<semaphore_mem>>)
    %dma_start3A_1361 = arith.constant 128 : i32
    %dma_start3A_1362 = arith.constant 0 : i32
    %dma_start3A_1363 = tpu.memref_slice %arg10[%dma_start3A_1361, %dma_start3A_1362] : memref<512x32xf32, #tpu.memory_space<vmem>> -> memref<128x32xf32, #tpu.memory_space<vmem>>
    %dma_start3A_1364 = arith.constant 128 : i32
    %dma_start3A_1365 = tpu.memref_slice %arg7[%dma_start3A_1364] : memref<512xi32, #tpu.memory_space<vmem>> -> memref<128xi32, #tpu.memory_space<vmem>>
    %dma_start3A_1366 = arith.constant 0 : i32
    %dma_start3A_1367 = arith.constant 0 : i32
    %dma_start3A_1368 = tpu.memref_slice %arg4[%dma_start3A_1366, %dma_start3A_1367] : memref<100000x32xf32, #tpu.memory_space<hbm>> -> memref<100000x32xf32, #tpu.memory_space<hbm>>
    tpu.enqueue_indirect_dma source(%dma_start3A_1368 : memref<100000x32xf32, #tpu.memory_space<hbm>>) target(%dma_start3A_1363 : memref<128x32xf32, #tpu.memory_space<vmem>>) offsets(%dma_start3A_1365 : memref<128xi32, #tpu.memory_space<vmem>>) semaphore(%arg12 : memref<!tpu.dma_semaphore, #tpu.memory_space<semaphore_mem>>)
    %dma_start3A_1369 = arith.constant 128 : i32
    %dma_start3A_1370 = arith.constant 0 : i32
    %dma_start3A_1371 = tpu.memref_slice %arg11[%dma_start3A_1369, %dma_start3A_1370] : memref<512x32xf32, #tpu.memory_space<vmem>> -> memref<128x32xf32, #tpu.memory_space<vmem>>
    %dma_start3A_1372 = arith.constant 128 : i32
    %dma_start3A_1373 = tpu.memref_slice %arg8[%dma_start3A_1372] : memref<512xi32, #tpu.memory_space<vmem>> -> memref<128xi32, #tpu.memory_space<vmem>>
    %dma_start3A_1374 = arith.constant 0 : i32
    %dma_start3A_1375 = arith.constant 0 : i32
    %dma_start3A_1376 = tpu.memref_slice %arg5[%dma_start3A_1374, %dma_start3A_1375] : memref<1000x32xf32, #tpu.memory_space<hbm>> -> memref<1000x32xf32, #tpu.memory_space<hbm>>
    tpu.enqueue_indirect_dma source(%dma_start3A_1376 : memref<1000x32xf32, #tpu.memory_space<hbm>>) target(%dma_start3A_1371 : memref<128x32xf32, #tpu.memory_space<vmem>>) offsets(%dma_start3A_1373 : memref<128xi32, #tpu.memory_space<vmem>>) semaphore(%arg12 : memref<!tpu.dma_semaphore, #tpu.memory_space<semaphore_mem>>)
    %dma_start3A_1377 = arith.constant 256 : i32
    %dma_start3A_1378 = arith.constant 0 : i32
    %dma_start3A_1379 = tpu.memref_slice %arg10[%dma_start3A_1377, %dma_start3A_1378] : memref<512x32xf32, #tpu.memory_space<vmem>> -> memref<128x32xf32, #tpu.memory_space<vmem>>
    %dma_start3A_1380 = arith.constant 256 : i32
    %dma_start3A_1381 = tpu.memref_slice %arg7[%dma_start3A_1380] : memref<512xi32, #tpu.memory_space<vmem>> -> memref<128xi32, #tpu.memory_space<vmem>>
    %dma_start3A_1382 = arith.constant 0 : i32
    %dma_start3A_1383 = arith.constant 0 : i32
    %dma_start3A_1384 = tpu.memref_slice %arg4[%dma_start3A_1382, %dma_start3A_1383] : memref<100000x32xf32, #tpu.memory_space<hbm>> -> memref<100000x32xf32, #tpu.memory_space<hbm>>
    tpu.enqueue_indirect_dma source(%dma_start3A_1384 : memref<100000x32xf32, #tpu.memory_space<hbm>>) target(%dma_start3A_1379 : memref<128x32xf32, #tpu.memory_space<vmem>>) offsets(%dma_start3A_1381 : memref<128xi32, #tpu.memory_space<vmem>>) semaphore(%arg12 : memref<!tpu.dma_semaphore, #tpu.memory_space<semaphore_mem>>)
    %dma_start3A_1385 = arith.constant 256 : i32
    %dma_start3A_1386 = arith.constant 0 : i32
    %dma_start3A_1387 = tpu.memref_slice %arg11[%dma_start3A_1385, %dma_start3A_1386] : memref<512x32xf32, #tpu.memory_space<vmem>> -> memref<128x32xf32, #tpu.memory_space<vmem>>
    %dma_start3A_1388 = arith.constant 256 : i32
    %dma_start3A_1389 = tpu.memref_slice %arg8[%dma_start3A_1388] : memref<512xi32, #tpu.memory_space<vmem>> -> memref<128xi32, #tpu.memory_space<vmem>>
    %dma_start3A_1390 = arith.constant 0 : i32
    %dma_start3A_1391 = arith.constant 0 : i32
    %dma_start3A_1392 = tpu.memref_slice %arg5[%dma_start3A_1390, %dma_start3A_1391] : memref<1000x32xf32, #tpu.memory_space<hbm>> -> memref<1000x32xf32, #tpu.memory_space<hbm>>
    tpu.enqueue_indirect_dma source(%dma_start3A_1392 : memref<1000x32xf32, #tpu.memory_space<hbm>>) target(%dma_start3A_1387 : memref<128x32xf32, #tpu.memory_space<vmem>>) offsets(%dma_start3A_1389 : memref<128xi32, #tpu.memory_space<vmem>>) semaphore(%arg12 : memref<!tpu.dma_semaphore, #tpu.memory_space<semaphore_mem>>)
    %dma_start3A_1393 = arith.constant 384 : i32
    %dma_start3A_1394 = arith.constant 0 : i32
    %dma_start3A_1395 = tpu.memref_slice %arg10[%dma_start3A_1393, %dma_start3A_1394] : memref<512x32xf32, #tpu.memory_space<vmem>> -> memref<128x32xf32, #tpu.memory_space<vmem>>
    %dma_start3A_1396 = arith.constant 384 : i32
    %dma_start3A_1397 = tpu.memref_slice %arg7[%dma_start3A_1396] : memref<512xi32, #tpu.memory_space<vmem>> -> memref<128xi32, #tpu.memory_space<vmem>>
    %dma_start3A_1398 = arith.constant 0 : i32
    %dma_start3A_1399 = arith.constant 0 : i32
    %dma_start3A_1400 = tpu.memref_slice %arg4[%dma_start3A_1398, %dma_start3A_1399] : memref<100000x32xf32, #tpu.memory_space<hbm>> -> memref<100000x32xf32, #tpu.memory_space<hbm>>
    tpu.enqueue_indirect_dma source(%dma_start3A_1400 : memref<100000x32xf32, #tpu.memory_space<hbm>>) target(%dma_start3A_1395 : memref<128x32xf32, #tpu.memory_space<vmem>>) offsets(%dma_start3A_1397 : memref<128xi32, #tpu.memory_space<vmem>>) semaphore(%arg12 : memref<!tpu.dma_semaphore, #tpu.memory_space<semaphore_mem>>)
    %dma_start3A_1401 = arith.constant 384 : i32
    %dma_start3A_1402 = arith.constant 0 : i32
    %dma_start3A_1403 = tpu.memref_slice %arg11[%dma_start3A_1401, %dma_start3A_1402] : memref<512x32xf32, #tpu.memory_space<vmem>> -> memref<128x32xf32, #tpu.memory_space<vmem>>
    %dma_start3A_1404 = arith.constant 384 : i32
    %dma_start3A_1405 = tpu.memref_slice %arg8[%dma_start3A_1404] : memref<512xi32, #tpu.memory_space<vmem>> -> memref<128xi32, #tpu.memory_space<vmem>>
    %dma_start3A_1406 = arith.constant 0 : i32
    %dma_start3A_1407 = arith.constant 0 : i32
    %dma_start3A_1408 = tpu.memref_slice %arg5[%dma_start3A_1406, %dma_start3A_1407] : memref<1000x32xf32, #tpu.memory_space<hbm>> -> memref<1000x32xf32, #tpu.memory_space<hbm>>
    tpu.enqueue_indirect_dma source(%dma_start3A_1408 : memref<1000x32xf32, #tpu.memory_space<hbm>>) target(%dma_start3A_1403 : memref<128x32xf32, #tpu.memory_space<vmem>>) offsets(%dma_start3A_1405 : memref<128xi32, #tpu.memory_space<vmem>>) semaphore(%arg12 : memref<!tpu.dma_semaphore, #tpu.memory_space<semaphore_mem>>)
    %dma_wait3A = arith.constant 0 : i32
    %dma_wait3A_1409 = arith.constant 0 : i32
    %dma_wait3A_1410 = tpu.memref_slice %arg10[%dma_wait3A, %dma_wait3A_1409] : memref<512x32xf32, #tpu.memory_space<vmem>> -> memref<128x32xf32, #tpu.memory_space<vmem>>
    %dma_wait3A_1411 = arith.constant 0 : i32
    %dma_wait3A_1412 = tpu.memref_slice %arg7[%dma_wait3A_1411] : memref<512xi32, #tpu.memory_space<vmem>> -> memref<128xi32, #tpu.memory_space<vmem>>
    %dma_wait3A_1413 = arith.constant 0 : i32
    %dma_wait3A_1414 = arith.constant 0 : i32
    %dma_wait3A_1415 = tpu.memref_slice %arg4[%dma_wait3A_1413, %dma_wait3A_1414] : memref<100000x32xf32, #tpu.memory_space<hbm>> -> memref<100000x32xf32, #tpu.memory_space<hbm>>
    tpu.wait_indirect_dma semaphore(%arg12 : memref<!tpu.dma_semaphore, #tpu.memory_space<semaphore_mem>>) src(%dma_wait3A_1415 : memref<100000x32xf32, #tpu.memory_space<hbm>>) dst(%dma_wait3A_1410 : memref<128x32xf32, #tpu.memory_space<vmem>>)
    %dma_wait3A_1416 = arith.constant 0 : i32
    %dma_wait3A_1417 = arith.constant 0 : i32
    %dma_wait3A_1418 = tpu.memref_slice %arg11[%dma_wait3A_1416, %dma_wait3A_1417] : memref<512x32xf32, #tpu.memory_space<vmem>> -> memref<128x32xf32, #tpu.memory_space<vmem>>
    %dma_wait3A_1419 = arith.constant 0 : i32
    %dma_wait3A_1420 = tpu.memref_slice %arg8[%dma_wait3A_1419] : memref<512xi32, #tpu.memory_space<vmem>> -> memref<128xi32, #tpu.memory_space<vmem>>
    %dma_wait3A_1421 = arith.constant 0 : i32
    %dma_wait3A_1422 = arith.constant 0 : i32
    %dma_wait3A_1423 = tpu.memref_slice %arg5[%dma_wait3A_1421, %dma_wait3A_1422] : memref<1000x32xf32, #tpu.memory_space<hbm>> -> memref<1000x32xf32, #tpu.memory_space<hbm>>
    tpu.wait_indirect_dma semaphore(%arg12 : memref<!tpu.dma_semaphore, #tpu.memory_space<semaphore_mem>>) src(%dma_wait3A_1423 : memref<1000x32xf32, #tpu.memory_space<hbm>>) dst(%dma_wait3A_1418 : memref<128x32xf32, #tpu.memory_space<vmem>>)
    %dma_wait3A_1424 = arith.constant 128 : i32
    %dma_wait3A_1425 = arith.constant 0 : i32
    %dma_wait3A_1426 = tpu.memref_slice %arg10[%dma_wait3A_1424, %dma_wait3A_1425] : memref<512x32xf32, #tpu.memory_space<vmem>> -> memref<128x32xf32, #tpu.memory_space<vmem>>
    %dma_wait3A_1427 = arith.constant 128 : i32
    %dma_wait3A_1428 = tpu.memref_slice %arg7[%dma_wait3A_1427] : memref<512xi32, #tpu.memory_space<vmem>> -> memref<128xi32, #tpu.memory_space<vmem>>
    %dma_wait3A_1429 = arith.constant 0 : i32
    %dma_wait3A_1430 = arith.constant 0 : i32
    %dma_wait3A_1431 = tpu.memref_slice %arg4[%dma_wait3A_1429, %dma_wait3A_1430] : memref<100000x32xf32, #tpu.memory_space<hbm>> -> memref<100000x32xf32, #tpu.memory_space<hbm>>
    tpu.wait_indirect_dma semaphore(%arg12 : memref<!tpu.dma_semaphore, #tpu.memory_space<semaphore_mem>>) src(%dma_wait3A_1431 : memref<100000x32xf32, #tpu.memory_space<hbm>>) dst(%dma_wait3A_1426 : memref<128x32xf32, #tpu.memory_space<vmem>>)
    %dma_wait3A_1432 = arith.constant 128 : i32
    %dma_wait3A_1433 = arith.constant 0 : i32
    %dma_wait3A_1434 = tpu.memref_slice %arg11[%dma_wait3A_1432, %dma_wait3A_1433] : memref<512x32xf32, #tpu.memory_space<vmem>> -> memref<128x32xf32, #tpu.memory_space<vmem>>
    %dma_wait3A_1435 = arith.constant 128 : i32
    %dma_wait3A_1436 = tpu.memref_slice %arg8[%dma_wait3A_1435] : memref<512xi32, #tpu.memory_space<vmem>> -> memref<128xi32, #tpu.memory_space<vmem>>
    %dma_wait3A_1437 = arith.constant 0 : i32
    %dma_wait3A_1438 = arith.constant 0 : i32
    %dma_wait3A_1439 = tpu.memref_slice %arg5[%dma_wait3A_1437, %dma_wait3A_1438] : memref<1000x32xf32, #tpu.memory_space<hbm>> -> memref<1000x32xf32, #tpu.memory_space<hbm>>
    tpu.wait_indirect_dma semaphore(%arg12 : memref<!tpu.dma_semaphore, #tpu.memory_space<semaphore_mem>>) src(%dma_wait3A_1439 : memref<1000x32xf32, #tpu.memory_space<hbm>>) dst(%dma_wait3A_1434 : memref<128x32xf32, #tpu.memory_space<vmem>>)
    %dma_wait3A_1440 = arith.constant 256 : i32
    %dma_wait3A_1441 = arith.constant 0 : i32
    %dma_wait3A_1442 = tpu.memref_slice %arg10[%dma_wait3A_1440, %dma_wait3A_1441] : memref<512x32xf32, #tpu.memory_space<vmem>> -> memref<128x32xf32, #tpu.memory_space<vmem>>
    %dma_wait3A_1443 = arith.constant 256 : i32
    %dma_wait3A_1444 = tpu.memref_slice %arg7[%dma_wait3A_1443] : memref<512xi32, #tpu.memory_space<vmem>> -> memref<128xi32, #tpu.memory_space<vmem>>
    %dma_wait3A_1445 = arith.constant 0 : i32
    %dma_wait3A_1446 = arith.constant 0 : i32
    %dma_wait3A_1447 = tpu.memref_slice %arg4[%dma_wait3A_1445, %dma_wait3A_1446] : memref<100000x32xf32, #tpu.memory_space<hbm>> -> memref<100000x32xf32, #tpu.memory_space<hbm>>
    tpu.wait_indirect_dma semaphore(%arg12 : memref<!tpu.dma_semaphore, #tpu.memory_space<semaphore_mem>>) src(%dma_wait3A_1447 : memref<100000x32xf32, #tpu.memory_space<hbm>>) dst(%dma_wait3A_1442 : memref<128x32xf32, #tpu.memory_space<vmem>>)
    %dma_wait3A_1448 = arith.constant 256 : i32
    %dma_wait3A_1449 = arith.constant 0 : i32
    %dma_wait3A_1450 = tpu.memref_slice %arg11[%dma_wait3A_1448, %dma_wait3A_1449] : memref<512x32xf32, #tpu.memory_space<vmem>> -> memref<128x32xf32, #tpu.memory_space<vmem>>
    %dma_wait3A_1451 = arith.constant 256 : i32
    %dma_wait3A_1452 = tpu.memref_slice %arg8[%dma_wait3A_1451] : memref<512xi32, #tpu.memory_space<vmem>> -> memref<128xi32, #tpu.memory_space<vmem>>
    %dma_wait3A_1453 = arith.constant 0 : i32
    %dma_wait3A_1454 = arith.constant 0 : i32
    %dma_wait3A_1455 = tpu.memref_slice %arg5[%dma_wait3A_1453, %dma_wait3A_1454] : memref<1000x32xf32, #tpu.memory_space<hbm>> -> memref<1000x32xf32, #tpu.memory_space<hbm>>
    tpu.wait_indirect_dma semaphore(%arg12 : memref<!tpu.dma_semaphore, #tpu.memory_space<semaphore_mem>>) src(%dma_wait3A_1455 : memref<1000x32xf32, #tpu.memory_space<hbm>>) dst(%dma_wait3A_1450 : memref<128x32xf32, #tpu.memory_space<vmem>>)
    %dma_wait3A_1456 = arith.constant 384 : i32
    %dma_wait3A_1457 = arith.constant 0 : i32
    %dma_wait3A_1458 = tpu.memref_slice %arg10[%dma_wait3A_1456, %dma_wait3A_1457] : memref<512x32xf32, #tpu.memory_space<vmem>> -> memref<128x32xf32, #tpu.memory_space<vmem>>
    %dma_wait3A_1459 = arith.constant 384 : i32
    %dma_wait3A_1460 = tpu.memref_slice %arg7[%dma_wait3A_1459] : memref<512xi32, #tpu.memory_space<vmem>> -> memref<128xi32, #tpu.memory_space<vmem>>
    %dma_wait3A_1461 = arith.constant 0 : i32
    %dma_wait3A_1462 = arith.constant 0 : i32
    %dma_wait3A_1463 = tpu.memref_slice %arg4[%dma_wait3A_1461, %dma_wait3A_1462] : memref<100000x32xf32, #tpu.memory_space<hbm>> -> memref<100000x32xf32, #tpu.memory_space<hbm>>
    tpu.wait_indirect_dma semaphore(%arg12 : memref<!tpu.dma_semaphore, #tpu.memory_space<semaphore_mem>>) src(%dma_wait3A_1463 : memref<100000x32xf32, #tpu.memory_space<hbm>>) dst(%dma_wait3A_1458 : memref<128x32xf32, #tpu.memory_space<vmem>>)
    %dma_wait3A_1464 = arith.constant 384 : i32
    %dma_wait3A_1465 = arith.constant 0 : i32
    %dma_wait3A_1466 = tpu.memref_slice %arg11[%dma_wait3A_1464, %dma_wait3A_1465] : memref<512x32xf32, #tpu.memory_space<vmem>> -> memref<128x32xf32, #tpu.memory_space<vmem>>
    %dma_wait3A_1467 = arith.constant 384 : i32
    %dma_wait3A_1468 = tpu.memref_slice %arg8[%dma_wait3A_1467] : memref<512xi32, #tpu.memory_space<vmem>> -> memref<128xi32, #tpu.memory_space<vmem>>
    %dma_wait3A_1469 = arith.constant 0 : i32
    %dma_wait3A_1470 = arith.constant 0 : i32
    %dma_wait3A_1471 = tpu.memref_slice %arg5[%dma_wait3A_1469, %dma_wait3A_1470] : memref<1000x32xf32, #tpu.memory_space<hbm>> -> memref<1000x32xf32, #tpu.memory_space<hbm>>
    tpu.wait_indirect_dma semaphore(%arg12 : memref<!tpu.dma_semaphore, #tpu.memory_space<semaphore_mem>>) src(%dma_wait3A_1471 : memref<1000x32xf32, #tpu.memory_space<hbm>>) dst(%dma_wait3A_1466 : memref<128x32xf32, #tpu.memory_space<vmem>>)
    %dma_start3A_1472 = arith.constant 0 : i32
    %dma_start3A_1473 = arith.constant 0 : i32
    %dma_start3A_1474 = arith.constant 0 : i32
    %dma_start3A_1475 = arith.constant 0 : i32
    %dma_start3A_1476 = tpu.memref_slice %arg10[%dma_start3A_1474, %dma_start3A_1475] : memref<512x32xf32, #tpu.memory_space<vmem>> -> memref<128x32xf32, #tpu.memory_space<vmem>>
    %dma_start3A_1477 = arith.constant 0 : i32
    %dma_start3A_1478 = tpu.memref_slice %arg9[%dma_start3A_1472, %dma_start3A_1473, %dma_start3A_1477] : memref<2x4x128xi32, #tpu.memory_space<vmem>> -> memref<1x1x128xi32, #tpu.memory_space<vmem>>
    %dma_start3A_1479 = tpu.memref_squeeze %dma_start3A_1478 : memref<1x1x128xi32, #tpu.memory_space<vmem>> -> memref<128xi32, #tpu.memory_space<vmem>>
    %dma_start3A_1480 = arith.constant 0 : i32
    %dma_start3A_1481 = arith.constant 0 : i32
    %dma_start3A_1482 = tpu.memref_slice %arg6[%dma_start3A_1480, %dma_start3A_1481] : memref<32768x32xf32, #tpu.memory_space<hbm>> -> memref<32768x32xf32, #tpu.memory_space<hbm>>
    tpu.enqueue_indirect_dma source(%dma_start3A_1476 : memref<128x32xf32, #tpu.memory_space<vmem>>) target(%dma_start3A_1482 : memref<32768x32xf32, #tpu.memory_space<hbm>>) offsets(%dma_start3A_1479 : memref<128xi32, #tpu.memory_space<vmem>>) semaphore(%arg12 : memref<!tpu.dma_semaphore, #tpu.memory_space<semaphore_mem>>)
    %dma_start3A_1483 = arith.constant 1 : i32
    %dma_start3A_1484 = arith.constant 0 : i32
    %dma_start3A_1485 = arith.constant 0 : i32
    %dma_start3A_1486 = arith.constant 0 : i32
    %dma_start3A_1487 = tpu.memref_slice %arg11[%dma_start3A_1485, %dma_start3A_1486] : memref<512x32xf32, #tpu.memory_space<vmem>> -> memref<128x32xf32, #tpu.memory_space<vmem>>
    %dma_start3A_1488 = arith.constant 0 : i32
    %dma_start3A_1489 = tpu.memref_slice %arg9[%dma_start3A_1483, %dma_start3A_1484, %dma_start3A_1488] : memref<2x4x128xi32, #tpu.memory_space<vmem>> -> memref<1x1x128xi32, #tpu.memory_space<vmem>>
    %dma_start3A_1490 = tpu.memref_squeeze %dma_start3A_1489 : memref<1x1x128xi32, #tpu.memory_space<vmem>> -> memref<128xi32, #tpu.memory_space<vmem>>
    %dma_start3A_1491 = arith.constant 0 : i32
    %dma_start3A_1492 = arith.constant 0 : i32
    %dma_start3A_1493 = tpu.memref_slice %arg6[%dma_start3A_1491, %dma_start3A_1492] : memref<32768x32xf32, #tpu.memory_space<hbm>> -> memref<32768x32xf32, #tpu.memory_space<hbm>>
    tpu.enqueue_indirect_dma source(%dma_start3A_1487 : memref<128x32xf32, #tpu.memory_space<vmem>>) target(%dma_start3A_1493 : memref<32768x32xf32, #tpu.memory_space<hbm>>) offsets(%dma_start3A_1490 : memref<128xi32, #tpu.memory_space<vmem>>) semaphore(%arg12 : memref<!tpu.dma_semaphore, #tpu.memory_space<semaphore_mem>>)
    %dma_start3A_1494 = arith.constant 0 : i32
    %dma_start3A_1495 = arith.constant 1 : i32
    %dma_start3A_1496 = arith.constant 128 : i32
    %dma_start3A_1497 = arith.constant 0 : i32
    %dma_start3A_1498 = tpu.memref_slice %arg10[%dma_start3A_1496, %dma_start3A_1497] : memref<512x32xf32, #tpu.memory_space<vmem>> -> memref<128x32xf32, #tpu.memory_space<vmem>>
    %dma_start3A_1499 = arith.constant 0 : i32
    %dma_start3A_1500 = tpu.memref_slice %arg9[%dma_start3A_1494, %dma_start3A_1495, %dma_start3A_1499] : memref<2x4x128xi32, #tpu.memory_space<vmem>> -> memref<1x1x128xi32, #tpu.memory_space<vmem>>
    %dma_start3A_1501 = tpu.memref_squeeze %dma_start3A_1500 : memref<1x1x128xi32, #tpu.memory_space<vmem>> -> memref<128xi32, #tpu.memory_space<vmem>>
    %dma_start3A_1502 = arith.constant 0 : i32
    %dma_start3A_1503 = arith.constant 0 : i32
    %dma_start3A_1504 = tpu.memref_slice %arg6[%dma_start3A_1502, %dma_start3A_1503] : memref<32768x32xf32, #tpu.memory_space<hbm>> -> memref<32768x32xf32, #tpu.memory_space<hbm>>
    tpu.enqueue_indirect_dma source(%dma_start3A_1498 : memref<128x32xf32, #tpu.memory_space<vmem>>) target(%dma_start3A_1504 : memref<32768x32xf32, #tpu.memory_space<hbm>>) offsets(%dma_start3A_1501 : memref<128xi32, #tpu.memory_space<vmem>>) semaphore(%arg12 : memref<!tpu.dma_semaphore, #tpu.memory_space<semaphore_mem>>)
    %dma_start3A_1505 = arith.constant 1 : i32
    %dma_start3A_1506 = arith.constant 1 : i32
    %dma_start3A_1507 = arith.constant 128 : i32
    %dma_start3A_1508 = arith.constant 0 : i32
    %dma_start3A_1509 = tpu.memref_slice %arg11[%dma_start3A_1507, %dma_start3A_1508] : memref<512x32xf32, #tpu.memory_space<vmem>> -> memref<128x32xf32, #tpu.memory_space<vmem>>
    %dma_start3A_1510 = arith.constant 0 : i32
    %dma_start3A_1511 = tpu.memref_slice %arg9[%dma_start3A_1505, %dma_start3A_1506, %dma_start3A_1510] : memref<2x4x128xi32, #tpu.memory_space<vmem>> -> memref<1x1x128xi32, #tpu.memory_space<vmem>>
    %dma_start3A_1512 = tpu.memref_squeeze %dma_start3A_1511 : memref<1x1x128xi32, #tpu.memory_space<vmem>> -> memref<128xi32, #tpu.memory_space<vmem>>
    %dma_start3A_1513 = arith.constant 0 : i32
    %dma_start3A_1514 = arith.constant 0 : i32
    %dma_start3A_1515 = tpu.memref_slice %arg6[%dma_start3A_1513, %dma_start3A_1514] : memref<32768x32xf32, #tpu.memory_space<hbm>> -> memref<32768x32xf32, #tpu.memory_space<hbm>>
    tpu.enqueue_indirect_dma source(%dma_start3A_1509 : memref<128x32xf32, #tpu.memory_space<vmem>>) target(%dma_start3A_1515 : memref<32768x32xf32, #tpu.memory_space<hbm>>) offsets(%dma_start3A_1512 : memref<128xi32, #tpu.memory_space<vmem>>) semaphore(%arg12 : memref<!tpu.dma_semaphore, #tpu.memory_space<semaphore_mem>>)
    %dma_start3A_1516 = arith.constant 0 : i32
    %dma_start3A_1517 = arith.constant 2 : i32
    %dma_start3A_1518 = arith.constant 256 : i32
    %dma_start3A_1519 = arith.constant 0 : i32
    %dma_start3A_1520 = tpu.memref_slice %arg10[%dma_start3A_1518, %dma_start3A_1519] : memref<512x32xf32, #tpu.memory_space<vmem>> -> memref<128x32xf32, #tpu.memory_space<vmem>>
    %dma_start3A_1521 = arith.constant 0 : i32
    %dma_start3A_1522 = tpu.memref_slice %arg9[%dma_start3A_1516, %dma_start3A_1517, %dma_start3A_1521] : memref<2x4x128xi32, #tpu.memory_space<vmem>> -> memref<1x1x128xi32, #tpu.memory_space<vmem>>
    %dma_start3A_1523 = tpu.memref_squeeze %dma_start3A_1522 : memref<1x1x128xi32, #tpu.memory_space<vmem>> -> memref<128xi32, #tpu.memory_space<vmem>>
    %dma_start3A_1524 = arith.constant 0 : i32
    %dma_start3A_1525 = arith.constant 0 : i32
    %dma_start3A_1526 = tpu.memref_slice %arg6[%dma_start3A_1524, %dma_start3A_1525] : memref<32768x32xf32, #tpu.memory_space<hbm>> -> memref<32768x32xf32, #tpu.memory_space<hbm>>
    tpu.enqueue_indirect_dma source(%dma_start3A_1520 : memref<128x32xf32, #tpu.memory_space<vmem>>) target(%dma_start3A_1526 : memref<32768x32xf32, #tpu.memory_space<hbm>>) offsets(%dma_start3A_1523 : memref<128xi32, #tpu.memory_space<vmem>>) semaphore(%arg12 : memref<!tpu.dma_semaphore, #tpu.memory_space<semaphore_mem>>)
    %dma_start3A_1527 = arith.constant 1 : i32
    %dma_start3A_1528 = arith.constant 2 : i32
    %dma_start3A_1529 = arith.constant 256 : i32
    %dma_start3A_1530 = arith.constant 0 : i32
    %dma_start3A_1531 = tpu.memref_slice %arg11[%dma_start3A_1529, %dma_start3A_1530] : memref<512x32xf32, #tpu.memory_space<vmem>> -> memref<128x32xf32, #tpu.memory_space<vmem>>
    %dma_start3A_1532 = arith.constant 0 : i32
    %dma_start3A_1533 = tpu.memref_slice %arg9[%dma_start3A_1527, %dma_start3A_1528, %dma_start3A_1532] : memref<2x4x128xi32, #tpu.memory_space<vmem>> -> memref<1x1x128xi32, #tpu.memory_space<vmem>>
    %dma_start3A_1534 = tpu.memref_squeeze %dma_start3A_1533 : memref<1x1x128xi32, #tpu.memory_space<vmem>> -> memref<128xi32, #tpu.memory_space<vmem>>
    %dma_start3A_1535 = arith.constant 0 : i32
    %dma_start3A_1536 = arith.constant 0 : i32
    %dma_start3A_1537 = tpu.memref_slice %arg6[%dma_start3A_1535, %dma_start3A_1536] : memref<32768x32xf32, #tpu.memory_space<hbm>> -> memref<32768x32xf32, #tpu.memory_space<hbm>>
    tpu.enqueue_indirect_dma source(%dma_start3A_1531 : memref<128x32xf32, #tpu.memory_space<vmem>>) target(%dma_start3A_1537 : memref<32768x32xf32, #tpu.memory_space<hbm>>) offsets(%dma_start3A_1534 : memref<128xi32, #tpu.memory_space<vmem>>) semaphore(%arg12 : memref<!tpu.dma_semaphore, #tpu.memory_space<semaphore_mem>>)
    %dma_start3A_1538 = arith.constant 0 : i32
    %dma_start3A_1539 = arith.constant 3 : i32
    %dma_start3A_1540 = arith.constant 384 : i32
    %dma_start3A_1541 = arith.constant 0 : i32
    %dma_start3A_1542 = tpu.memref_slice %arg10[%dma_start3A_1540, %dma_start3A_1541] : memref<512x32xf32, #tpu.memory_space<vmem>> -> memref<128x32xf32, #tpu.memory_space<vmem>>
    %dma_start3A_1543 = arith.constant 0 : i32
    %dma_start3A_1544 = tpu.memref_slice %arg9[%dma_start3A_1538, %dma_start3A_1539, %dma_start3A_1543] : memref<2x4x128xi32, #tpu.memory_space<vmem>> -> memref<1x1x128xi32, #tpu.memory_space<vmem>>
    %dma_start3A_1545 = tpu.memref_squeeze %dma_start3A_1544 : memref<1x1x128xi32, #tpu.memory_space<vmem>> -> memref<128xi32, #tpu.memory_space<vmem>>
    %dma_start3A_1546 = arith.constant 0 : i32
    %dma_start3A_1547 = arith.constant 0 : i32
    %dma_start3A_1548 = tpu.memref_slice %arg6[%dma_start3A_1546, %dma_start3A_1547] : memref<32768x32xf32, #tpu.memory_space<hbm>> -> memref<32768x32xf32, #tpu.memory_space<hbm>>
    tpu.enqueue_indirect_dma source(%dma_start3A_1542 : memref<128x32xf32, #tpu.memory_space<vmem>>) target(%dma_start3A_1548 : memref<32768x32xf32, #tpu.memory_space<hbm>>) offsets(%dma_start3A_1545 : memref<128xi32, #tpu.memory_space<vmem>>) semaphore(%arg12 : memref<!tpu.dma_semaphore, #tpu.memory_space<semaphore_mem>>)
    %dma_start3A_1549 = arith.constant 1 : i32
    %dma_start3A_1550 = arith.constant 3 : i32
    %dma_start3A_1551 = arith.constant 384 : i32
    %dma_start3A_1552 = arith.constant 0 : i32
    %dma_start3A_1553 = tpu.memref_slice %arg11[%dma_start3A_1551, %dma_start3A_1552] : memref<512x32xf32, #tpu.memory_space<vmem>> -> memref<128x32xf32, #tpu.memory_space<vmem>>
    %dma_start3A_1554 = arith.constant 0 : i32
    %dma_start3A_1555 = tpu.memref_slice %arg9[%dma_start3A_1549, %dma_start3A_1550, %dma_start3A_1554] : memref<2x4x128xi32, #tpu.memory_space<vmem>> -> memref<1x1x128xi32, #tpu.memory_space<vmem>>
    %dma_start3A_1556 = tpu.memref_squeeze %dma_start3A_1555 : memref<1x1x128xi32, #tpu.memory_space<vmem>> -> memref<128xi32, #tpu.memory_space<vmem>>
    %dma_start3A_1557 = arith.constant 0 : i32
    %dma_start3A_1558 = arith.constant 0 : i32
    %dma_start3A_1559 = tpu.memref_slice %arg6[%dma_start3A_1557, %dma_start3A_1558] : memref<32768x32xf32, #tpu.memory_space<hbm>> -> memref<32768x32xf32, #tpu.memory_space<hbm>>
    tpu.enqueue_indirect_dma source(%dma_start3A_1553 : memref<128x32xf32, #tpu.memory_space<vmem>>) target(%dma_start3A_1559 : memref<32768x32xf32, #tpu.memory_space<hbm>>) offsets(%dma_start3A_1556 : memref<128xi32, #tpu.memory_space<vmem>>) semaphore(%arg12 : memref<!tpu.dma_semaphore, #tpu.memory_space<semaphore_mem>>)
    %dma_wait3A_1560 = arith.constant 0 : i32
    %dma_wait3A_1561 = arith.constant 0 : i32
    %dma_wait3A_1562 = arith.constant 0 : i32
    %dma_wait3A_1563 = arith.constant 0 : i32
    %dma_wait3A_1564 = tpu.memref_slice %arg10[%dma_wait3A_1562, %dma_wait3A_1563] : memref<512x32xf32, #tpu.memory_space<vmem>> -> memref<128x32xf32, #tpu.memory_space<vmem>>
    %dma_wait3A_1565 = arith.constant 0 : i32
    %dma_wait3A_1566 = tpu.memref_slice %arg9[%dma_wait3A_1560, %dma_wait3A_1561, %dma_wait3A_1565] : memref<2x4x128xi32, #tpu.memory_space<vmem>> -> memref<1x1x128xi32, #tpu.memory_space<vmem>>
    %dma_wait3A_1567 = tpu.memref_squeeze %dma_wait3A_1566 : memref<1x1x128xi32, #tpu.memory_space<vmem>> -> memref<128xi32, #tpu.memory_space<vmem>>
    %dma_wait3A_1568 = arith.constant 0 : i32
    %dma_wait3A_1569 = arith.constant 0 : i32
    %dma_wait3A_1570 = tpu.memref_slice %arg6[%dma_wait3A_1568, %dma_wait3A_1569] : memref<32768x32xf32, #tpu.memory_space<hbm>> -> memref<32768x32xf32, #tpu.memory_space<hbm>>
    tpu.wait_indirect_dma semaphore(%arg12 : memref<!tpu.dma_semaphore, #tpu.memory_space<semaphore_mem>>) src(%dma_wait3A_1564 : memref<128x32xf32, #tpu.memory_space<vmem>>) dst(%dma_wait3A_1570 : memref<32768x32xf32, #tpu.memory_space<hbm>>)
    %dma_wait3A_1571 = arith.constant 1 : i32
    %dma_wait3A_1572 = arith.constant 0 : i32
    %dma_wait3A_1573 = arith.constant 0 : i32
    %dma_wait3A_1574 = arith.constant 0 : i32
    %dma_wait3A_1575 = tpu.memref_slice %arg11[%dma_wait3A_1573, %dma_wait3A_1574] : memref<512x32xf32, #tpu.memory_space<vmem>> -> memref<128x32xf32, #tpu.memory_space<vmem>>
    %dma_wait3A_1576 = arith.constant 0 : i32
    %dma_wait3A_1577 = tpu.memref_slice %arg9[%dma_wait3A_1571, %dma_wait3A_1572, %dma_wait3A_1576] : memref<2x4x128xi32, #tpu.memory_space<vmem>> -> memref<1x1x128xi32, #tpu.memory_space<vmem>>
    %dma_wait3A_1578 = tpu.memref_squeeze %dma_wait3A_1577 : memref<1x1x128xi32, #tpu.memory_space<vmem>> -> memref<128xi32, #tpu.memory_space<vmem>>
    %dma_wait3A_1579 = arith.constant 0 : i32
    %dma_wait3A_1580 = arith.constant 0 : i32
    %dma_wait3A_1581 = tpu.memref_slice %arg6[%dma_wait3A_1579, %dma_wait3A_1580] : memref<32768x32xf32, #tpu.memory_space<hbm>> -> memref<32768x32xf32, #tpu.memory_space<hbm>>
    tpu.wait_indirect_dma semaphore(%arg12 : memref<!tpu.dma_semaphore, #tpu.memory_space<semaphore_mem>>) src(%dma_wait3A_1575 : memref<128x32xf32, #tpu.memory_space<vmem>>) dst(%dma_wait3A_1581 : memref<32768x32xf32, #tpu.memory_space<hbm>>)
    %dma_wait3A_1582 = arith.constant 0 : i32
    %dma_wait3A_1583 = arith.constant 1 : i32
    %dma_wait3A_1584 = arith.constant 128 : i32
    %dma_wait3A_1585 = arith.constant 0 : i32
    %dma_wait3A_1586 = tpu.memref_slice %arg10[%dma_wait3A_1584, %dma_wait3A_1585] : memref<512x32xf32, #tpu.memory_space<vmem>> -> memref<128x32xf32, #tpu.memory_space<vmem>>
    %dma_wait3A_1587 = arith.constant 0 : i32
    %dma_wait3A_1588 = tpu.memref_slice %arg9[%dma_wait3A_1582, %dma_wait3A_1583, %dma_wait3A_1587] : memref<2x4x128xi32, #tpu.memory_space<vmem>> -> memref<1x1x128xi32, #tpu.memory_space<vmem>>
    %dma_wait3A_1589 = tpu.memref_squeeze %dma_wait3A_1588 : memref<1x1x128xi32, #tpu.memory_space<vmem>> -> memref<128xi32, #tpu.memory_space<vmem>>
    %dma_wait3A_1590 = arith.constant 0 : i32
    %dma_wait3A_1591 = arith.constant 0 : i32
    %dma_wait3A_1592 = tpu.memref_slice %arg6[%dma_wait3A_1590, %dma_wait3A_1591] : memref<32768x32xf32, #tpu.memory_space<hbm>> -> memref<32768x32xf32, #tpu.memory_space<hbm>>
    tpu.wait_indirect_dma semaphore(%arg12 : memref<!tpu.dma_semaphore, #tpu.memory_space<semaphore_mem>>) src(%dma_wait3A_1586 : memref<128x32xf32, #tpu.memory_space<vmem>>) dst(%dma_wait3A_1592 : memref<32768x32xf32, #tpu.memory_space<hbm>>)
    %dma_wait3A_1593 = arith.constant 1 : i32
    %dma_wait3A_1594 = arith.constant 1 : i32
    %dma_wait3A_1595 = arith.constant 128 : i32
    %dma_wait3A_1596 = arith.constant 0 : i32
    %dma_wait3A_1597 = tpu.memref_slice %arg11[%dma_wait3A_1595, %dma_wait3A_1596] : memref<512x32xf32, #tpu.memory_space<vmem>> -> memref<128x32xf32, #tpu.memory_space<vmem>>
    %dma_wait3A_1598 = arith.constant 0 : i32
    %dma_wait3A_1599 = tpu.memref_slice %arg9[%dma_wait3A_1593, %dma_wait3A_1594, %dma_wait3A_1598] : memref<2x4x128xi32, #tpu.memory_space<vmem>> -> memref<1x1x128xi32, #tpu.memory_space<vmem>>
    %dma_wait3A_1600 = tpu.memref_squeeze %dma_wait3A_1599 : memref<1x1x128xi32, #tpu.memory_space<vmem>> -> memref<128xi32, #tpu.memory_space<vmem>>
    %dma_wait3A_1601 = arith.constant 0 : i32
    %dma_wait3A_1602 = arith.constant 0 : i32
    %dma_wait3A_1603 = tpu.memref_slice %arg6[%dma_wait3A_1601, %dma_wait3A_1602] : memref<32768x32xf32, #tpu.memory_space<hbm>> -> memref<32768x32xf32, #tpu.memory_space<hbm>>
    tpu.wait_indirect_dma semaphore(%arg12 : memref<!tpu.dma_semaphore, #tpu.memory_space<semaphore_mem>>) src(%dma_wait3A_1597 : memref<128x32xf32, #tpu.memory_space<vmem>>) dst(%dma_wait3A_1603 : memref<32768x32xf32, #tpu.memory_space<hbm>>)
    %dma_wait3A_1604 = arith.constant 0 : i32
    %dma_wait3A_1605 = arith.constant 2 : i32
    %dma_wait3A_1606 = arith.constant 256 : i32
    %dma_wait3A_1607 = arith.constant 0 : i32
    %dma_wait3A_1608 = tpu.memref_slice %arg10[%dma_wait3A_1606, %dma_wait3A_1607] : memref<512x32xf32, #tpu.memory_space<vmem>> -> memref<128x32xf32, #tpu.memory_space<vmem>>
    %dma_wait3A_1609 = arith.constant 0 : i32
    %dma_wait3A_1610 = tpu.memref_slice %arg9[%dma_wait3A_1604, %dma_wait3A_1605, %dma_wait3A_1609] : memref<2x4x128xi32, #tpu.memory_space<vmem>> -> memref<1x1x128xi32, #tpu.memory_space<vmem>>
    %dma_wait3A_1611 = tpu.memref_squeeze %dma_wait3A_1610 : memref<1x1x128xi32, #tpu.memory_space<vmem>> -> memref<128xi32, #tpu.memory_space<vmem>>
    %dma_wait3A_1612 = arith.constant 0 : i32
    %dma_wait3A_1613 = arith.constant 0 : i32
    %dma_wait3A_1614 = tpu.memref_slice %arg6[%dma_wait3A_1612, %dma_wait3A_1613] : memref<32768x32xf32, #tpu.memory_space<hbm>> -> memref<32768x32xf32, #tpu.memory_space<hbm>>
    tpu.wait_indirect_dma semaphore(%arg12 : memref<!tpu.dma_semaphore, #tpu.memory_space<semaphore_mem>>) src(%dma_wait3A_1608 : memref<128x32xf32, #tpu.memory_space<vmem>>) dst(%dma_wait3A_1614 : memref<32768x32xf32, #tpu.memory_space<hbm>>)
    %dma_wait3A_1615 = arith.constant 1 : i32
    %dma_wait3A_1616 = arith.constant 2 : i32
    %dma_wait3A_1617 = arith.constant 256 : i32
    %dma_wait3A_1618 = arith.constant 0 : i32
    %dma_wait3A_1619 = tpu.memref_slice %arg11[%dma_wait3A_1617, %dma_wait3A_1618] : memref<512x32xf32, #tpu.memory_space<vmem>> -> memref<128x32xf32, #tpu.memory_space<vmem>>
    %dma_wait3A_1620 = arith.constant 0 : i32
    %dma_wait3A_1621 = tpu.memref_slice %arg9[%dma_wait3A_1615, %dma_wait3A_1616, %dma_wait3A_1620] : memref<2x4x128xi32, #tpu.memory_space<vmem>> -> memref<1x1x128xi32, #tpu.memory_space<vmem>>
    %dma_wait3A_1622 = tpu.memref_squeeze %dma_wait3A_1621 : memref<1x1x128xi32, #tpu.memory_space<vmem>> -> memref<128xi32, #tpu.memory_space<vmem>>
    %dma_wait3A_1623 = arith.constant 0 : i32
    %dma_wait3A_1624 = arith.constant 0 : i32
    %dma_wait3A_1625 = tpu.memref_slice %arg6[%dma_wait3A_1623, %dma_wait3A_1624] : memref<32768x32xf32, #tpu.memory_space<hbm>> -> memref<32768x32xf32, #tpu.memory_space<hbm>>
    tpu.wait_indirect_dma semaphore(%arg12 : memref<!tpu.dma_semaphore, #tpu.memory_space<semaphore_mem>>) src(%dma_wait3A_1619 : memref<128x32xf32, #tpu.memory_space<vmem>>) dst(%dma_wait3A_1625 : memref<32768x32xf32, #tpu.memory_space<hbm>>)
    %dma_wait3A_1626 = arith.constant 0 : i32
    %dma_wait3A_1627 = arith.constant 3 : i32
    %dma_wait3A_1628 = arith.constant 384 : i32
    %dma_wait3A_1629 = arith.constant 0 : i32
    %dma_wait3A_1630 = tpu.memref_slice %arg10[%dma_wait3A_1628, %dma_wait3A_1629] : memref<512x32xf32, #tpu.memory_space<vmem>> -> memref<128x32xf32, #tpu.memory_space<vmem>>
    %dma_wait3A_1631 = arith.constant 0 : i32
    %dma_wait3A_1632 = tpu.memref_slice %arg9[%dma_wait3A_1626, %dma_wait3A_1627, %dma_wait3A_1631] : memref<2x4x128xi32, #tpu.memory_space<vmem>> -> memref<1x1x128xi32, #tpu.memory_space<vmem>>
    %dma_wait3A_1633 = tpu.memref_squeeze %dma_wait3A_1632 : memref<1x1x128xi32, #tpu.memory_space<vmem>> -> memref<128xi32, #tpu.memory_space<vmem>>
    %dma_wait3A_1634 = arith.constant 0 : i32
    %dma_wait3A_1635 = arith.constant 0 : i32
    %dma_wait3A_1636 = tpu.memref_slice %arg6[%dma_wait3A_1634, %dma_wait3A_1635] : memref<32768x32xf32, #tpu.memory_space<hbm>> -> memref<32768x32xf32, #tpu.memory_space<hbm>>
    tpu.wait_indirect_dma semaphore(%arg12 : memref<!tpu.dma_semaphore, #tpu.memory_space<semaphore_mem>>) src(%dma_wait3A_1630 : memref<128x32xf32, #tpu.memory_space<vmem>>) dst(%dma_wait3A_1636 : memref<32768x32xf32, #tpu.memory_space<hbm>>)
    %dma_wait3A_1637 = arith.constant 1 : i32
    %dma_wait3A_1638 = arith.constant 3 : i32
    %dma_wait3A_1639 = arith.constant 384 : i32
    %dma_wait3A_1640 = arith.constant 0 : i32
    %dma_wait3A_1641 = tpu.memref_slice %arg11[%dma_wait3A_1639, %dma_wait3A_1640] : memref<512x32xf32, #tpu.memory_space<vmem>> -> memref<128x32xf32, #tpu.memory_space<vmem>>
    %dma_wait3A_1642 = arith.constant 0 : i32
    %dma_wait3A_1643 = tpu.memref_slice %arg9[%dma_wait3A_1637, %dma_wait3A_1638, %dma_wait3A_1642] : memref<2x4x128xi32, #tpu.memory_space<vmem>> -> memref<1x1x128xi32, #tpu.memory_space<vmem>>
    %dma_wait3A_1644 = tpu.memref_squeeze %dma_wait3A_1643 : memref<1x1x128xi32, #tpu.memory_space<vmem>> -> memref<128xi32, #tpu.memory_space<vmem>>
    %dma_wait3A_1645 = arith.constant 0 : i32
    %dma_wait3A_1646 = arith.constant 0 : i32
    %dma_wait3A_1647 = tpu.memref_slice %arg6[%dma_wait3A_1645, %dma_wait3A_1646] : memref<32768x32xf32, #tpu.memory_space<hbm>> -> memref<32768x32xf32, #tpu.memory_space<hbm>>
    tpu.wait_indirect_dma semaphore(%arg12 : memref<!tpu.dma_semaphore, #tpu.memory_space<semaphore_mem>>) src(%dma_wait3A_1641 : memref<128x32xf32, #tpu.memory_space<vmem>>) dst(%dma_wait3A_1647 : memref<32768x32xf32, #tpu.memory_space<hbm>>)
    return
  }
}

</mosaic_0001>

<sc_bundles>
// kernel: kernel.4.cloned.1.call-start
scs
__scs_entry_jumppad:
0x0: {  	(pc) =	sbr.rel $0x88, $3  }
0x1: {  	(tag) =	ssettag $0x0;
	lr =	simm.s32 $0x1  }
0x2: {  	[smem:$0x3F9B] =	sst lr;
	_ =	strace $0xD0000000  }
0x3: {  	_ = 	snop  }
0x4: {  	_ = 	snop  }
0x5: {  	_ = 	snop  }
0x6: {  	_ = 	snop  }
0x7: {  	_ = 	snop  }
__scs_overlays_trampoline_lowered:
0x8: {  	[smem:$0x3FAA] =	sst s0  }
0x9: {  	[smem:$0x3FAB] =	sst s1  }
0xa: {  	[smem:$0x3FAC] =	sst s2  }
0xb: {  	[smem:$0x3FAD] =	sst s3  }
0xc: {  	[smem:$0x3FAE] =	sst s4  }
0xd: {  	[smem:$0x3FAF] =	sst s5  }
0xe: {  	[smem:$0x3FB0] =	sst s6  }
0xf: {  	[smem:$0x3FB1] =	sst s7  }
0x10: {  	[smem:$0x3FB2] =	sst s8  }
0x11: {  	[smem:$0x3FB3] =	sst s9;
	s0 =	simm.s32 @!p0 $0x0  }
0x12: {  	s1 =	sld [smem:$0x3F99];
	s0 =	simm.s32 @p0 $0x1  }
0x13: {  	[smem:$0x3FB4] =	sst s0;
	s0 =	simm.s32 @!p1 $0x0  }
0x14: {  	s2 =	sld [smem:$0x3F98];
	s0 =	simm.s32 @p1 $0x1  }
0x15: {  	[smem:$0x3FB5] =	sst s0;
	s0 =	simm.s32 @!p2 $0x0  }
0x16: {  	s3 =	sld [smem:$0x3FDB];
	s0 =	simm.s32 @p2 $0x1  }
0x17: {  	s4 =	simm.s32 $0x1BF5;
	[smem:$0x3FB7] =	sst s0  }
0x18: {  	s0 =	sld [smem:$0x3F9A];
	_ =	swait.ge [sflag:s4], $0x0  }
0x19: {  	s7 =	sld [smem:$0x3F9B]  }
0x1a: {  	s8 =	sadd.s32 $0xFFFFE003, lr  }
0x1b: {  	s9 =	sadd.s32 $0xFFFFFEF7, lr;
	s5 =	simm.s32 $0xFFFFFFFF;
	p2 =	slt.u32 s8, $0xFFFFF086  }
0x1c: {  	p1 =	slt.u32 s9, $0xF7A;
	s5 =	simm.s32 @!p2 $0x0  }
0x1d: {  	s5 =	simm.s32 @p1 $0x1;
	p0 =	seq.s32 s7, s2  }
0x1e: {  	s7 =	smul.u32 @!p0 $0xF7A, s2;
	p2 =	seq.s32 @!p0 s5, $0x0  }
0x1f: {  	s9 =	smul.u32 $0xF7A, s1;
	s8 =	simm.s32 @!p0 $0x1BF5;
	p2 =	por !p2, p0  }
0x20: {  	[sflag:s8] =	ssyncset.s32 @!p0 $0xFFFFF086;
	s6 =	sadd.s32 @!p0 s3, s7;
	s7 =	simm.s32 @!p0 $0x108  }
0x21: {  	s3 =	sadd.s32 s3, s9;
	s6 =	sadd.s32 @!p0 $0x88, s6;
	s7 =	simm.s32 @p2 $0x1082  }
0x22: {  	[simem:s7], [sflag:s8] =	dma.local @!p0 [hbm:s6], $0xF7A  }
0x23: {  	s9 =	sor.u32 $0xD0000000, s2;
	s6 =	simm.s32 $0x108;
	_ =	swait.ge @!p0 [sflag:s8], $0x0  }
0x24: {  	s3 =	sadd.s32 $0x88, s3;
	s6 =	simm.s32 @!p1 $0x1082;
	[sflag:s4] =	ssyncset.s32 $0xFFFFF086  }
0x25: {  	[simem:s6], [sflag:s4] =	dma.local [hbm:s3], $0xF7A  }
0x26: {  	[smem:$0x3F9B] =	sst s1;
	(tag) =	ssettag s2;
	_ =	strace s9  }
0x27: {  	s1 =	sld [smem:$0x3FAB]  }
0x28: {  	s2 =	sld [smem:$0x3FAC]  }
0x29: {  	s4 =	sld [smem:$0x3FAE]  }
0x2a: {  	p0 =	seq.s32 s5, $0x0;
	s5 =	sld [smem:$0x3FAF]  }
0x2b: {  	s6 =	sld [smem:$0x3FB0]  }
0x2c: {  	s7 =	sld [smem:$0x3FB1]  }
0x2d: {  	s3 =	simm.s32 $0x108;
	s8 =	sld [smem:$0x3FB2]  }
0x2e: {  	s3 =	simm.s32 @!p0 $0x1082;
	s9 =	sld [smem:$0x3FB3]  }
0x2f: {  	lr =	sadd.s32 s0, s3;
	s0 =	sld [smem:$0x3FAA]  }
0x30: {  	s3 =	sld [smem:$0x3FAD]  }
0x31: {  	[smem:$0x3FB6] =	sst s10  }
0x32: {  	s10 =	sld [smem:$0x3FB4];
	_ =	sdelay $0x3  }
0x33: {  	p0 =	seq.s32 s10, $0x1;
	s10 =	sld [smem:$0x3FB6];
	_ =	sdelay $0x3  }
0x34: {  	[smem:$0x3FB6] =	sst s10  }
0x35: {  	s10 =	sld [smem:$0x3FB5];
	_ =	sdelay $0x3  }
0x36: {  	p1 =	seq.s32 s10, $0x1;
	s10 =	sld [smem:$0x3FB6];
	_ =	sdelay $0x3  }
0x37: {  	[smem:$0x3FB6] =	sst s10  }
0x38: {  	s10 =	sld [smem:$0x3FB7]  }
0x39: {  	_ = 	snop;
	(pc) =	sbr.ind lr, $3  }
0x3a: {  	_ = 	snop  }
0x3b: {  	_ = 	snop  }
0x3c: {  	p2 =	seq.s32 s10, $0x1;
	s10 =	sld [smem:$0x3FB6]  }
0x3d: {  	_ =	shalt  }
0x3e: {  	_ =	shalt  }
0x3f: {  	_ =	shalt  }
0x40: {  	_ =	shalt  }
0x41: {  	_ =	shalt  }
0x42: {  	_ =	shalt  }
0x43: {  	_ =	shalt  }
0x44: {  	_ =	shalt  }
0x45: {  	_ =	shalt  }
0x46: {  	_ =	shalt  }
0x47: {  	_ =	shalt  }
0x48: {  	_ =	shalt  }
0x49: {  	_ =	shalt  }
0x4a: {  	_ =	shalt  }
0x4b: {  	_ =	shalt  }
0x4c: {  	_ =	shalt  }
0x4d: {  	_ =	shalt  }
0x4e: {  	_ =	shalt  }
0x4f: {  	_ =	shalt  }
0x50: {  	_ =	shalt  }
0x51: {  	_ =	shalt  }
0x52: {  	_ =	shalt  }
0x53: {  	_ =	shalt  }
0x54: {  	_ =	shalt  }
0x55: {  	_ =	shalt  }
0x56: {  	_ =	shalt  }
0x57: {  	_ =	shalt  }
0x58: {  	_ =	shalt  }
0x59: {  	_ =	shalt  }
0x5a: {  	_ =	shalt  }
0x5b: {  	_ =	shalt  }
0x5c: {  	_ =	shalt  }
0x5d: {  	_ =	shalt  }
0x5e: {  	_ =	shalt  }
0x5f: {  	_ =	shalt  }
0x60: {  	_ =	shalt  }
0x61: {  	_ =	shalt  }
0x62: {  	_ =	shalt  }
0x63: {  	_ =	shalt  }
0x64: {  	_ =	shalt  }
0x65: {  	_ =	shalt  }
0x66: {  	_ =	shalt  }
0x67: {  	_ =	shalt  }
0x68: {  	_ =	shalt  }
0x69: {  	_ =	shalt  }
0x6a: {  	_ =	shalt  }
0x6b: {  	_ =	shalt  }
0x6c: {  	_ =	shalt  }
0x6d: {  	_ =	shalt  }
0x6e: {  	_ =	shalt  }
0x6f: {  	_ =	shalt  }
0x70: {  	_ =	shalt  }
0x71: {  	_ =	shalt  }
0x72: {  	_ =	shalt  }
0x73: {  	_ =	shalt  }
0x74: {  	_ =	shalt  }
0x75: {  	_ =	shalt  }
0x76: {  	_ =	shalt  }
0x77: {  	_ =	shalt  }
0x78: {  	_ =	shalt  }
0x79: {  	_ =	shalt  }
0x7a: {  	_ =	shalt  }
0x7b: {  	_ =	shalt  }
0x7c: {  	_ =	shalt  }
0x7d: {  	_ =	shalt  }
0x7e: {  	_ =	shalt  }
0x7f: {  	_ =	shalt  }
0x80: {  	_ =	shalt  }
0x81: {  	_ =	shalt  }
0x82: {  	_ =	shalt  }
0x83: {  	_ =	shalt  }
0x84: {  	_ =	shalt  }
0x85: {  	_ =	shalt  }
0x86: {  	_ =	shalt  }
0x87: {  	_ =	shalt  }
.Lfunc_end0:
.L_simem_size_0:
called_computation_lowered:
.L_overlay_start_0:
0x88: {  	s2 =	sld [smem:$0x3FD9]  }
0x89: {  	s3 =	sld [smem:$0x3FFE];
	_ =	sdelay $0x1  }
0x8a: {  	s1 =	srdreg.scid  }
0x8b: {  	s0 =	sand.u32 $0x1, s1  }
0x8c: {  	s17 =	sshll.u32 s0, $0xA;
	s2 =	sadd.s32 s3, s2  }
0x8d: {  	s2 =	sadd.s32 s2, s17  }
0x8e: {  	[smem:$0x3FC2] =	sst s2  }
0x8f: {  	_ = 	snop  }
0x90: {  	s18 =	sld [smem:$0x3FC9]  }
0x91: {  	s4 =	sld [smem:$0x3FC6];
	(tm) =	ssettm $0x1  }
0x92: {  	s19 =	sld [smem:$0x3FFB];
	_ =	sdelay $0x3  }
0x93: {  	_ =	strace s19  }
0x94: {  	s2 =	sld [smem:$0x3FFC];
	_ =	sdelay $0x3  }
0x95: {  	_ =	strace s2  }
0x96: {  	s2 =	sld [smem:$0x3FFD];
	_ =	sdelay $0x3  }
0x97: {  	_ =	strace s2  }
0x98: {  	_ =	strace $0x8FFFFFFF  }
0x99: {  	s20 =	sld [smem:$0x3FDB];
	_ =	sdelay $0x1  }
0x9a: {  	s5 =	simm.s32 $_scs_section_size  }
0x9b: {  	s6 =	simm.s32 $_size__tile_overlayer_lowered;
	s7 =	simm.s32 $_tile_overlayer_lowered  }
0x9c: {  	s8 =	simm.s32 $0x1BFF;
	s21 =	sshll.u32 s7, $0x1;
	s5 =	sadd.s32 s5, s20  }
0x9d: {  	s22 =	simm.s32 $0x0;
	s6 =	sshll.u32 s6, $0x1;
	s7 =	sadd.s32 s21, s5  }
0x9e: {  	[timem:s22], [sflag:s8] =	dma.local [hbm:s7], s6  }
0x9f: {  	_ =	swait.ge [sflag:s8], s6  }
0xa0: {  	s6 =	ssub.s32 $0x0, s6;
	[sflag:s8] =	ssyncset.done $0x0  }
0xa1: {  	[sflag:s8] =	ssyncadd.s32 s6;
	_ =	sdelay $0x1  }
0xa2: {  	s23 =	simm.s32 $0x1B8B  }
0xa3: {  	_ =	swait.ge [sflag:s23], $0x1  }
0xa4: {  	[sflag:s23] =	ssyncset.done $0x0  }
0xa5: {  	[sflag:s23] =	ssyncadd.s32 $0xFFFFFFFF  }
0xa6: {  	s6 =	sld [smem:$0x0]  }
0xa7: {  	s7 =	sand.u32 $0xFFFFFFFE, s1  }
0xa8: {  	p0 =	sne.s32 s1, s7  }
0xa9: {  	s7 =	sshll.u32 @p0 s7, $0xE  }
0xaa: {  	s7 =	sadd.s32 @p0 $0x11B8D, s7;
	s8 =	sshll.u32 @p0 s6, $0x11  }
0xab: {  	s7 =	sor.u32 @p0 s8, s7  }
0xac: {  	[sflag:s7] =	ssyncadd.remote.s32 @p0 $0x1;
	_ =	sdelay $0x1  }
0xad: {  	s7 =	simm.s32 @p0 $0x1B8D  }
0xae: {  	_ =	swait.eq @p0 [sflag:s7], $0x1  }
0xaf: {  	[sflag:s7] =	ssyncadd.s32 @p0 $0xFFFFFFFF  }
0xb0: {  	s8 =	sshll.u32 @!p0 s1, $0xE  }
0xb1: {  	s8 =	sor.u32 @!p0 $0x4000, s8;
	s7 =	simm.s32 @!p0 $0x1B8D  }
0xb2: {  	s6 =	sshll.u32 @!p0 s6, $0x11;
	s8 =	sadd.s32 @!p0 $0x11B8D, s8;
	_ =	swait.eq @!p0 [sflag:s7], $0x1  }
0xb3: {  	s6 =	sor.u32 @!p0 s6, s8;
	[sflag:s7] =	ssyncadd.s32 @!p0 $0xFFFFFFFF  }
0xb4: {  	s25 =	simm.s32 $0x1B8E;
	s24 =	sld [smem:$0x3FFE];
	[sflag:s6] =	ssyncadd.remote.s32 @!p0 $0x1  }
0xb5: {  	s26 =	simm.s32 $execute0_lowered;
	[smem:$0x3FD2] =	sst s25  }
0xb6: {  	s7 =	sshll.u32 s26, $0x1;
	_ =	strace $0x80000049;
	[dreg:$0x1] =	wrdreg $0xFFFFFFFF  }
0xb7: {  	s28 =	simm.s32 $_size_execute0_lowered;
	s5 =	sadd.s32 s5, s7;
	[dreg:$0x0] =	wrdreg $0x0  }
0xb8: {  	s7 =	sshll.u32 s28, $0x1;
	[dreg:$0x2] =	wrdreg s5  }
0xb9: {  	[dreg:$0x3] =	wrdreg s7  }
0xba: {  	[dreg:$0x4] =	wrdreg $0xC0  }
0xbb: {  	_ =	task [dreg:s22], $0x5FFFF  }
0xbc: {  	[dreg:$0x1] =	wrdreg $0xFFFFFFFF  }
0xbd: {  	[dreg:$0x0] =	wrdreg $0x60  }
0xbe: {  	[dreg:$0x2] =	wrdreg s4  }
0xbf: {  	[dreg:$0x3] =	wrdreg s18  }
0xc0: {  	[dreg:$0x4] =	wrdreg s24  }
0xc1: {  	[dreg:$0x5] =	wrdreg $0x9  }
0xc2: {  	_ =	task.clear_ibuf [dreg:s22], $0x6FFFF;
	_ =	strace $0x90000049  }
0xc3: {  	s29 =	simm.s32 $0x9;
	_ =	strace $0x8000004B  }
0xc4: {  	_ =	swait.ge [sflag:s29], $0x1  }
0xc5: {  	[sflag:s29] =	ssyncadd.s32 $0xFFFFFFFF  }
0xc6: {  	_ =	strace $0x9000004B  }
0xc7: {  	_ =	sfence  }
0xc8: {  	s30 =	sld [smem:$0x0];
	_ =	sdelay $0x2  }
0xc9: {  	s31 =	sshll.u32 s1, $0xD;
	s1 =	sshrl.u32 s1, $0x2  }
0xca: {  	s4 =	sand.u32 $0x4000, s31;
	s1 =	sadd.s32 s1, s30  }
0xcb: {  	s0 =	sor.u32 s4, s0;
	s1 =	sshll.u32 s1, $0x11  }
0xcc: {  	s0 =	sor.u32 s1, s0  }
0xcd: {  	s0 =	sadd.s32 $0x8F2B, s0  }
0xce: {  	[sflag:s0] =	ssyncadd.remote.s32 $0x1  }
0xcf: {  	_ =	sfence.sel $0xFFFF  }
0xd0: {  	[dreg:$0x0] =	wrdreg $0xFFFFFFFF;
	(pc) =	sbr.abs _section_cstart, $3  }
0xd1: {  	[dreg:$0x1] =	wrdreg $0xFFFFFFFF  }
0xd2: {  	_ =	task.clear_ibuf [dreg:s22], $0x2FFFF;
	_ =	strace $0x9FFFFFFF  }
0xd3: {  	(tm) =	ssettm $0x7FFFFFFF  }
tec
execute0_lowered:
.L_overlay_start_1:
0x0: {  	(tag) =	ssettag $0x1  }
0x1: {  	vm0 =	vmmov $0x1;
	vm1 =	vcmask $0x308;
	vm2 =	vcmask $0x70C  }
0x2: {  	vm3 =	vcmask $0xB10;
	vm4 =	vcmask $0xF14;
	vm5 =	vcmask $0x1318  }
0x3: {  	vm6 =	vcmask $0x171C;
	vm7 =	vcmask $0x1B20;
	vm8 =	vcmask $0x1F24  }
0x4: {  	vm9 =	vcmask $0x2328;
	vm10 =	vcmask $0x272C;
	vm11 =	vcmask $0x2B30  }
0x5: {  	vm12 =	vcmask $0x2F34;
	vm13 =	vcmask $0x3338;
	v0 =	vlaneseq.u32  }
0x6: {  	v1 =	vimm.s32 $0x1380;
	vm14 =	vcmask $0x300;
	vm15 =	vcmask $0x704  }
0x7: {  	v2 =	vimm.s32 $0x3380;
	v34 =	vimm.s32 $0x0;
	v0 =	vmul.u32 $0x80, v0  }
0x8: {  	v1 =	vsel vm14, $0x0, v1;
	v2 =	vsel vm14, $0x2000, v2;
	vm14 =	vcmask $0xB08  }
0x9: {  	v1 =	vsel vm15, $0x80, v1;
	v2 =	vsel vm15, $0x2080, v2;
	vm15 =	vcmask $0xF0C  }
0xa: {  	v1 =	vsel vm14, $0x100, v1;
	v2 =	vsel vm14, $0x2100, v2;
	vm14 =	vcmask $0x1310  }
0xb: {  	v3 =	vor.u32 $0x800, v0;
	v4 =	vor.u32 $0x1000, v0;
	v5 =	vor.u32 $0x1800, v0  }
0xc: {  	v6 =	vor.u32 $0x2000, v0;
	v7 =	vor.u32 $0x2800, v0;
	v8 =	vor.u32 $0x3000, v0  }
0xd: {  	v9 =	vor.u32 $0x3800, v0;
	v10 =	vor.u32 $0x4000, v0;
	v11 =	vor.u32 $0x4800, v0  }
0xe: {  	v12 =	vor.u32 $0x5000, v0;
	v13 =	vor.u32 $0x5800, v0;
	v14 =	vor.u32 $0x6000, v0  }
0xf: {  	v15 =	vor.u32 $0x6800, v0;
	v16 =	vor.u32 $0x7000, v0;
	v17 =	vor.u32 $0x7800, v0  }
0x10: {  	v18 =	vor.u32 $0x8000, v0;
	v19 =	vor.u32 $0x8800, v0;
	v20 =	vor.u32 $0x9000, v0  }
0x11: {  	v21 =	vor.u32 $0x9800, v0;
	v22 =	vor.u32 $0xA000, v0;
	v23 =	vor.u32 $0xA800, v0  }
0x12: {  	s0 =	rddreg [dreg:$0x0];
	v24 =	vor.u32 $0xB000, v0;
	v25 =	vor.u32 $0xB800, v0;
	v26 =	vor.u32 $0xC000, v0  }
0x13: {  	s1 =	rddreg [dreg:$0x1];
	v27 =	vor.u32 $0xC800, v0;
	v28 =	vor.u32 $0xD000, v0;
	v29 =	vor.u32 $0xD800, v0  }
0x14: {  	s2 =	rddreg [dreg:$0x2];
	s4 =	simm.s32 $0x0;
	s3 =	srdreg.scid;
	v1 =	vsel vm15, $0x180, v1;
	v2 =	vsel vm15, $0x2180, v2;
	vm15 =	vcmask $0x1714  }
0x15: {  	s24 =	stileid.u32;
	s7 =	simm.s32 $0x11;
	s9 =	simm.s32 $0x7A1400;
	v1 =	vsel vm14, $0x200, v1;
	v2 =	vsel vm14, $0x2200, v2;
	vm14 =	vcmask $0x1B18  }
0x16: {  	s8 =	simm.s32 $0x1;
	s10 =	simm.s32 $0x400;
	s11 =	simm.s32 $0x200;
	v1 =	vsel vm15, $0x280, v1;
	v2 =	vsel vm15, $0x2280, v2;
	vm15 =	vcmask $0x1F1C  }
0x17: {  	s28 =	simm.s32 $0x10200;
	s29 =	simm.s32 $0x2;
	s30 =	simm.s32 $0x3;
	v1 =	vsel vm14, $0x300, v1;
	v2 =	vsel vm14, $0x2300, v2;
	vm14 =	vcmask $0x2320  }
0x18: {  	s31 =	simm.s32 $0x4;
	s12 =	simm.s32 $0x8;
	s13 =	simm.s32 $0x9;
	v1 =	vsel vm15, $0x380, v1;
	v2 =	vsel vm15, $0x2380, v2;
	vm15 =	vcmask $0x2724  }
0x19: {  	s14 =	simm.s32 $0xA;
	s15 =	simm.s32 $0xB;
	s16 =	simm.s32 $0xC;
	v1 =	vsel vm14, $0x1000, v1;
	v2 =	vsel vm14, $0x3000, v2;
	vm14 =	vcmask $0x2B28  }
0x1a: {  	s17 =	simm.s32 $0xD;
	s18 =	simm.s32 $0xE;
	s19 =	simm.s32 $0xF;
	v1 =	vsel vm15, $0x1080, v1;
	v2 =	vsel vm15, $0x3080, v2;
	vm15 =	vcmask $0x2F2C  }
0x1b: {  	s20 =	simm.s32 $0x10;
	s23 =	simm.s32 $0x0;
	s3 =	sand.u32 $0x1, s3;
	v1 =	vsel vm14, $0x1100, v1;
	v2 =	vsel vm14, $0x3100, v2;
	vm14 =	vcmask $0x3330  }
0x1c: {  	[smem:$0x7FF] =	sst s4;
	s4 =	sshll.u32 s24, $0xA;
	s5 =	sshll.u32 s3, $0x9;
	v1 =	vsel vm15, $0x1180, v1;
	v2 =	vsel vm15, $0x3180, v2;
	vm15 =	vcmask $0x3330  }
0x1d: {  	s3 =	ssub.s32 $0x2, s3;
	_ =	strace $0x8000004A;
	s4 =	sor.u32 s5, s4;
	v1 =	vsel vm14, $0x1200, v1;
	vm14 =	vcmask $0x3734;
	v2 =	vsel vm15, $0x3200, v2  }
0x1e: {  	s25 =	sshrl.u32 s3, $0x1;
	s2 =	sadd.s32 s4, s2;
	s4 =	sshrl.u32 s4, $0x3;
	vm15 =	vcmask $0x3B38;
	v1 =	vsel vm14, $0x1280, v1;
	v2 =	vsel vm14, $0x3280, v2  }
0x1f: {  	s3 =	ssub.s32 s3, s25;
	s1 =	sadd.s32 s1, s4;
	s26 =	sadd.s32 $0x1A00, s2;
	v1 =	vsel vm15, $0x1300, v1;
	v2 =	vsel vm15, $0x3300, v2;
	vm15 =	vmmov $0x7fff  }
0x20: {  	v30 =	vor.u32 $0xE000, v0;
	v31 =	vor.u32 $0xE800, v0;
	s6 =	smax.u32 s3, $0x1;
	s3 =	simm.s32 $0x6;
	[dreg:$0x4] =	wrdreg s1;
	v34 =	vsel vm15, $0xFFFFFFFF, v34  }
0x21: {  	v32 =	vor.u32 $0xF000, v0;
	v33 =	vor.u32 $0xF800, v0;
	s2 =	simm.s32 $0x7;
	[dreg:$0x5] =	wrdreg s26;
	s1 =	simm.s32 $0x5;
	vm14 =	vcmask $0x373C;
	[tilespmem:$0x1FFF0] =	vst v34  }
.LBB2_1:
0x22: {  	s4 =	simm.s32 $0x0;
	s5 =	rddreg [dreg:$0x4]  }
0x23: {  	[tilespmem:s4], [sflag:$0x11] =	stream.linear.gather [hbm4b:s5+s4], $0x200, $0x38;
	[tilespmem:$0x14200] =	vst v63  }
0x24: {  	_ =	swait.ge [sflag:s7], $0x200  }
0x25: {  	[sflag:s7] =	ssyncset.done $0x0  }
0x26: {  	[sflag:s7] =	ssyncadd.s32 $0xFFFFFE00  }
0x27: {  	v34 =	vld [tilespmem:$0x0];
	_ =	sdelay $0x4  }
0x28: {  	v35 =	vnsel vm0, $0x0, v34  }
0x29: {  	(xrf0) =	vadd.scan.msk.s32 $0xffff, v35;
	_ =	sdelay $0x4  }
0x2a: {  	v50 =	vsel vm1, $0x0, v34  }
0x2b: {  	v35, _, _ =	vpop (xrf0);
	(xrf0) =	vadd.scan.msk.s32 $0xffff, v50  }
0x2c: {  	(v2sf) =	vpush v35, $0xF;
	_ =	sdelay $0x4  }
0x2d: {  	v35, _, _ =	vpop (xrf0)  }
0x2e: {  	(v2sf) =	vpush v35, $0xF;
	_ =	sdelay $0x1  }
0x2f: {  	v51 =	vsel vm2, $0x0, v34  }
0x30: {  	(xrf0) =	vadd.scan.msk.s32 $0xffff, v51;
	_ =	sdelay $0x5  }
0x31: {  	v52 =	vsel vm3, $0x0, v34;
	v35, _, _ =	vpop (xrf0);
	s21 =	spop (v2sf)  }
0x32: {  	(xrf0) =	vadd.scan.msk.s32 $0xffff, v52;
	(v2sf) =	vpush v35, $0xF;
	s24 =	sand.u32 $0x7F, s21  }
0x33: {  	s4 =	sshra.s32 s21, $0x1F;
	p1 =	slt.s32 s21, $0x1;
	p0 =	sne.s32 s24, $0x0  }
0x34: {  	s24 =	sshrl.u32 s4, $0x19;
	p0 =	por !p1, !p0  }
0x35: {  	s21 =	sadd.s32 s24, s21;
	s24 =	simm.s32 $0x1;
	p0 =	por !p0, !p0  }
0x36: {  	s21 =	sshrl.u32 s21, $0x7;
	s24 =	simm.s32 @!p0 $0x0  }
0x37: {  	s21 =	ssub.s32 s21, s24;
	s5 =	spop (v2sf)  }
0x38: {  	v35, _, _ =	vpop (xrf0);
	s21 =	sshll.u32 s21, $0x7;
	s22 =	sand.u32 $0x7F, s5;
	s25 =	sshra.s32 s5, $0x1F  }
0x39: {  	(v2sf) =	vpush v35, $0xF;
	p2 =	slt.s32 s5, $0x1;
	s21 =	sand.u32 $0x1FFFFF80, s21;
	p1 =	sne.s32 s22, $0x0  }
0x3a: {  	s24 =	sshrl.u32 s25, $0x19;
	s21 =	sadd.s32 s0, s21;
	p0 =	por !p2, !p1  }
0x3b: {  	v53 =	vsel vm4, $0x0, v34;
	[tilespmem:s11], [sflag:$0x1] =	stream.strided.gather [hbm4b:s21+s10], $0x1000, s9, s10, $0x38;
	[tilespmem:$0x14200] =	vst v63  }
0x3c: {  	(xrf0) =	vadd.scan.msk.s32 $0xffff, v53;
	s21 =	sadd.s32 s24, s5;
	p0 =	por !p0, !p0;
	s24 =	simm.s32 $0x1  }
0x3d: {  	s21 =	sshrl.u32 s21, $0x7;
	s24 =	simm.s32 @!p0 $0x0  }
0x3e: {  	s21 =	ssub.s32 s21, s24  }
0x3f: {  	s21 =	sshll.u32 s21, $0x7  }
0x40: {  	s21 =	sand.u32 $0x1FFFFF80, s21  }
0x41: {  	s26 =	simm.s32 $0x1200;
	s21 =	sadd.s32 s0, s21;
	s5 =	spop (v2sf)  }
0x42: {  	v54 =	vsel vm5, $0x0, v34;
	v35, _, _ =	vpop (xrf0);
	[tilespmem:s26], [sflag:$0x2] =	stream.strided.gather [hbm4b:s21+s10], $0x1000, s9, s10, $0x38;
	[tilespmem:$0x14200] =	vst v63  }
0x43: {  	(xrf0) =	vadd.scan.msk.s32 $0xffff, v54;
	(v2sf) =	vpush v35, $0xF;
	s22 =	sand.u32 $0x7F, s5  }
0x44: {  	s25 =	sshra.s32 s5, $0x1F;
	p4 =	slt.s32 s5, $0x1;
	p3 =	sne.s32 s22, $0x0  }
0x45: {  	s24 =	sshrl.u32 s25, $0x19;
	p0 =	por !p4, !p3  }
0x46: {  	s21 =	sadd.s32 s24, s5;
	s24 =	simm.s32 $0x1;
	p0 =	por !p0, !p0  }
0x47: {  	s21 =	sshrl.u32 s21, $0x7;
	s24 =	simm.s32 @!p0 $0x0  }
0x48: {  	s26 =	simm.s32 $0x2200;
	s21 =	ssub.s32 s21, s24;
	s5 =	spop (v2sf)  }
0x49: {  	v35, _, _ =	vpop (xrf0);
	s21 =	sshll.u32 s21, $0x7;
	s22 =	sand.u32 $0x7F, s5;
	s25 =	sshra.s32 s5, $0x1F  }
0x4a: {  	(v2sf) =	vpush v35, $0xF;
	p6 =	slt.s32 s5, $0x1;
	s21 =	sand.u32 $0x1FFFFF80, s21;
	p5 =	sne.s32 s22, $0x0  }
0x4b: {  	s24 =	sshrl.u32 s25, $0x19;
	s21 =	sadd.s32 s0, s21;
	p0 =	por !p6, !p5  }
0x4c: {  	v55 =	vsel vm6, $0x0, v34;
	[tilespmem:s26], [sflag:$0x3] =	stream.strided.gather [hbm4b:s21+s10], $0x1000, s9, s10, $0x38;
	[tilespmem:$0x14200] =	vst v63  }
0x4d: {  	(xrf0) =	vadd.scan.msk.s32 $0xffff, v55;
	s21 =	sadd.s32 s24, s5;
	p0 =	por !p0, !p0;
	s24 =	simm.s32 $0x1  }
0x4e: {  	s21 =	sshrl.u32 s21, $0x7;
	s24 =	simm.s32 @!p0 $0x0  }
0x4f: {  	s21 =	ssub.s32 s21, s24  }
0x50: {  	s21 =	sshll.u32 s21, $0x7  }
0x51: {  	s21 =	sand.u32 $0x1FFFFF80, s21  }
0x52: {  	s26 =	simm.s32 $0x3200;
	s21 =	sadd.s32 s0, s21;
	s5 =	spop (v2sf)  }
0x53: {  	v56 =	vsel vm7, $0x0, v34;
	v35, _, _ =	vpop (xrf0);
	[tilespmem:s26], [sflag:$0x4] =	stream.strided.gather [hbm4b:s21+s10], $0x1000, s9, s10, $0x38;
	[tilespmem:$0x14200] =	vst v63  }
0x54: {  	(xrf0) =	vadd.scan.msk.s32 $0xffff, v56;
	(v2sf) =	vpush v35, $0xF;
	s22 =	sand.u32 $0x7F, s5  }
0x55: {  	s25 =	sshra.s32 s5, $0x1F;
	p2 =	slt.s32 s5, $0x1;
	p1 =	sne.s32 s22, $0x0  }
0x56: {  	s24 =	sshrl.u32 s25, $0x19;
	p0 =	por !p2, !p1  }
0x57: {  	s21 =	sadd.s32 s24, s5;
	s24 =	simm.s32 $0x1;
	p0 =	por !p0, !p0  }
0x58: {  	s21 =	sshrl.u32 s21, $0x7;
	s24 =	simm.s32 @!p0 $0x0  }
0x59: {  	s26 =	simm.s32 $0x4200;
	s21 =	ssub.s32 s21, s24;
	s5 =	spop (v2sf)  }
0x5a: {  	v35, _, _ =	vpop (xrf0);
	s21 =	sshll.u32 s21, $0x7;
	s22 =	sand.u32 $0x7F, s5;
	s25 =	sshra.s32 s5, $0x1F  }
0x5b: {  	(v2sf) =	vpush v35, $0xF;
	p4 =	slt.s32 s5, $0x1;
	s21 =	sand.u32 $0x1FFFFF80, s21;
	p3 =	sne.s32 s22, $0x0  }
0x5c: {  	s24 =	sshrl.u32 s25, $0x19;
	s21 =	sadd.s32 s0, s21;
	p0 =	por !p4, !p3  }
0x5d: {  	v57 =	vsel vm8, $0x0, v34;
	[tilespmem:s26], [sflag:$0x5] =	stream.strided.gather [hbm4b:s21+s10], $0x1000, s9, s10, $0x38;
	[tilespmem:$0x14200] =	vst v63  }
0x5e: {  	(xrf0) =	vadd.scan.msk.s32 $0xffff, v57;
	s21 =	sadd.s32 s24, s5;
	p0 =	por !p0, !p0;
	s24 =	simm.s32 $0x1  }
0x5f: {  	s21 =	sshrl.u32 s21, $0x7;
	s24 =	simm.s32 @!p0 $0x0  }
0x60: {  	s21 =	ssub.s32 s21, s24  }
0x61: {  	s21 =	sshll.u32 s21, $0x7  }
0x62: {  	s21 =	sand.u32 $0x1FFFFF80, s21  }
0x63: {  	s26 =	simm.s32 $0x5200;
	s21 =	sadd.s32 s0, s21;
	s5 =	spop (v2sf)  }
0x64: {  	v58 =	vsel vm9, $0x0, v34;
	v35, _, _ =	vpop (xrf0);
	[tilespmem:s26], [sflag:$0x6] =	stream.strided.gather [hbm4b:s21+s10], $0x1000, s9, s10, $0x38;
	[tilespmem:$0x14200] =	vst v63  }
0x65: {  	(xrf0) =	vadd.scan.msk.s32 $0xffff, v58;
	(v2sf) =	vpush v35, $0xF;
	s22 =	sand.u32 $0x7F, s5  }
0x66: {  	s25 =	sshra.s32 s5, $0x1F;
	p6 =	slt.s32 s5, $0x1;
	p5 =	sne.s32 s22, $0x0  }
0x67: {  	s24 =	sshrl.u32 s25, $0x19;
	p0 =	por !p6, !p5  }
0x68: {  	s21 =	sadd.s32 s24, s5;
	s24 =	simm.s32 $0x1;
	p0 =	por !p0, !p0  }
0x69: {  	s21 =	sshrl.u32 s21, $0x7;
	s24 =	simm.s32 @!p0 $0x0  }
0x6a: {  	s26 =	simm.s32 $0x6200;
	s21 =	ssub.s32 s21, s24;
	s5 =	spop (v2sf)  }
0x6b: {  	v35, _, _ =	vpop (xrf0);
	s21 =	sshll.u32 s21, $0x7;
	s22 =	sand.u32 $0x7F, s5;
	s25 =	sshra.s32 s5, $0x1F  }
0x6c: {  	(v2sf) =	vpush v35, $0xF;
	p2 =	slt.s32 s5, $0x1;
	s21 =	sand.u32 $0x1FFFFF80, s21;
	p1 =	sne.s32 s22, $0x0  }
0x6d: {  	s24 =	sshrl.u32 s25, $0x19;
	s21 =	sadd.s32 s0, s21;
	p0 =	por !p2, !p1  }
0x6e: {  	v59 =	vsel vm10, $0x0, v34;
	[tilespmem:s26], [sflag:$0x7] =	stream.strided.gather [hbm4b:s21+s10], $0x1000, s9, s10, $0x38;
	[tilespmem:$0x14200] =	vst v63  }
0x6f: {  	(xrf0) =	vadd.scan.msk.s32 $0xffff, v59;
	s21 =	sadd.s32 s24, s5;
	p0 =	por !p0, !p0;
	s24 =	simm.s32 $0x1  }
0x70: {  	s21 =	sshrl.u32 s21, $0x7;
	s24 =	simm.s32 @!p0 $0x0  }
0x71: {  	s21 =	ssub.s32 s21, s24  }
0x72: {  	s21 =	sshll.u32 s21, $0x7  }
0x73: {  	s21 =	sand.u32 $0x1FFFFF80, s21  }
0x74: {  	s26 =	simm.s32 $0x7200;
	s21 =	sadd.s32 s0, s21;
	s5 =	spop (v2sf)  }
0x75: {  	v60 =	vsel vm11, $0x0, v34;
	v35, _, _ =	vpop (xrf0);
	[tilespmem:s26], [sflag:$0x8] =	stream.strided.gather [hbm4b:s21+s10], $0x1000, s9, s10, $0x38;
	[tilespmem:$0x14200] =	vst v63  }
0x76: {  	(xrf0) =	vadd.scan.msk.s32 $0xffff, v60;
	(v2sf) =	vpush v35, $0xF;
	s22 =	sand.u32 $0x7F, s5  }
0x77: {  	s25 =	sshra.s32 s5, $0x1F;
	p4 =	slt.s32 s5, $0x1;
	p3 =	sne.s32 s22, $0x0  }
0x78: {  	s24 =	sshrl.u32 s25, $0x19;
	p0 =	por !p4, !p3  }
0x79: {  	s21 =	sadd.s32 s24, s5;
	s24 =	simm.s32 $0x1;
	p0 =	por !p0, !p0  }
0x7a: {  	s21 =	sshrl.u32 s21, $0x7;
	s24 =	simm.s32 @!p0 $0x0  }
0x7b: {  	s26 =	simm.s32 $0x8200;
	s21 =	ssub.s32 s21, s24;
	s5 =	spop (v2sf)  }
0x7c: {  	v35, _, _ =	vpop (xrf0);
	s21 =	sshll.u32 s21, $0x7;
	s22 =	sand.u32 $0x7F, s5;
	s25 =	sshra.s32 s5, $0x1F  }
0x7d: {  	(v2sf) =	vpush v35, $0xF;
	p6 =	slt.s32 s5, $0x1;
	s21 =	sand.u32 $0x1FFFFF80, s21;
	p5 =	sne.s32 s22, $0x0  }
0x7e: {  	s24 =	sshrl.u32 s25, $0x19;
	s21 =	sadd.s32 s0, s21;
	p0 =	por !p6, !p5  }
0x7f: {  	v61 =	vsel vm12, $0x0, v34;
	[tilespmem:s26], [sflag:$0x9] =	stream.strided.gather [hbm4b:s21+s10], $0x1000, s9, s10, $0x38;
	[tilespmem:$0x14200] =	vst v63  }
0x80: {  	(xrf0) =	vadd.scan.msk.s32 $0xffff, v61;
	s21 =	sadd.s32 s24, s5;
	p0 =	por !p0, !p0;
	s24 =	simm.s32 $0x1  }
0x81: {  	s21 =	sshrl.u32 s21, $0x7;
	s24 =	simm.s32 @!p0 $0x0  }
0x82: {  	s21 =	ssub.s32 s21, s24  }
0x83: {  	s21 =	sshll.u32 s21, $0x7  }
0x84: {  	s21 =	sand.u32 $0x1FFFFF80, s21  }
0x85: {  	s26 =	simm.s32 $0x9200;
	s21 =	sadd.s32 s0, s21;
	s5 =	spop (v2sf)  }
0x86: {  	v62 =	vsel vm13, $0x0, v34;
	v35, _, _ =	vpop (xrf0);
	[tilespmem:s26], [sflag:$0xA] =	stream.strided.gather [hbm4b:s21+s10], $0x1000, s9, s10, $0x38;
	[tilespmem:$0x14200] =	vst v63  }
0x87: {  	(xrf0) =	vadd.scan.msk.s32 $0xffff, v62;
	(v2sf) =	vpush v35, $0xF;
	s22 =	sand.u32 $0x7F, s5  }
0x88: {  	s25 =	sshra.s32 s5, $0x1F;
	p2 =	slt.s32 s5, $0x1;
	p1 =	sne.s32 s22, $0x0  }
0x89: {  	s24 =	sshrl.u32 s25, $0x19;
	p0 =	por !p2, !p1  }
0x8a: {  	s21 =	sadd.s32 s24, s5;
	s24 =	simm.s32 $0x1;
	p0 =	por !p0, !p0  }
0x8b: {  	s21 =	sshrl.u32 s21, $0x7;
	s24 =	simm.s32 @!p0 $0x0  }
0x8c: {  	s26 =	simm.s32 $0xA200;
	s21 =	ssub.s32 s21, s24;
	s5 =	spop (v2sf)  }
0x8d: {  	v35, _, _ =	vpop (xrf0);
	s21 =	sshll.u32 s21, $0x7;
	s22 =	sand.u32 $0x7F, s5;
	s25 =	sshra.s32 s5, $0x1F  }
0x8e: {  	(v2sf) =	vpush v35, $0xF;
	p4 =	slt.s32 s5, $0x1;
	s21 =	sand.u32 $0x1FFFFF80, s21;
	p3 =	sne.s32 s22, $0x0  }
0x8f: {  	s24 =	sshrl.u32 s25, $0x19;
	s21 =	sadd.s32 s0, s21;
	p0 =	por !p4, !p3  }
0x90: {  	v63 =	vsel vm14, $0x0, v34;
	[tilespmem:s26], [sflag:$0xB] =	stream.strided.gather [hbm4b:s21+s10], $0x1000, s9, s10, $0x38;
	[tilespmem:$0x14200] =	vst v63  }
0x91: {  	(xrf0) =	vadd.scan.msk.s32 $0xffff, v63;
	s21 =	sadd.s32 s24, s5;
	p0 =	por !p0, !p0;
	s24 =	simm.s32 $0x1  }
0x92: {  	s21 =	sshrl.u32 s21, $0x7;
	s24 =	simm.s32 @!p0 $0x0  }
0x93: {  	s21 =	ssub.s32 s21, s24  }
0x94: {  	s21 =	sshll.u32 s21, $0x7  }
0x95: {  	s21 =	sand.u32 $0x1FFFFF80, s21  }
0x96: {  	s26 =	simm.s32 $0xB200;
	s21 =	sadd.s32 s0, s21;
	s5 =	spop (v2sf)  }
0x97: {  	v34 =	vsel vm15, $0x0, v34;
	v35, _, _ =	vpop (xrf0);
	[tilespmem:s26], [sflag:$0xC] =	stream.strided.gather [hbm4b:s21+s10], $0x1000, s9, s10, $0x38;
	[tilespmem:$0x14200] =	vst v63  }
0x98: {  	(xrf0) =	vadd.scan.msk.s32 $0xffff, v34;
	(v2sf) =	vpush v35, $0xF;
	s22 =	sand.u32 $0x7F, s5  }
0x99: {  	s25 =	sshra.s32 s5, $0x1F;
	p6 =	slt.s32 s5, $0x1;
	p5 =	sne.s32 s22, $0x0  }
0x9a: {  	s24 =	sshrl.u32 s25, $0x19;
	p0 =	por !p6, !p5  }
0x9b: {  	s21 =	sadd.s32 s24, s5;
	s24 =	simm.s32 $0x1;
	p0 =	por !p0, !p0  }
0x9c: {  	s21 =	sshrl.u32 s21, $0x7;
	s24 =	simm.s32 @!p0 $0x0  }
0x9d: {  	s26 =	simm.s32 $0xC200;
	s21 =	ssub.s32 s21, s24;
	s5 =	spop (v2sf)  }
0x9e: {  	v34, _, _ =	vpop (xrf0);
	s21 =	sshll.u32 s21, $0x7;
	s22 =	sand.u32 $0x7F, s5;
	s25 =	sshra.s32 s5, $0x1F  }
0x9f: {  	(v2sf) =	vpush v34, $0xF;
	p2 =	slt.s32 s5, $0x1;
	s21 =	sand.u32 $0x1FFFFF80, s21;
	p1 =	sne.s32 s22, $0x0  }
0xa0: {  	s24 =	sshrl.u32 s25, $0x19;
	s21 =	sadd.s32 s0, s21;
	p0 =	por !p2, !p1  }
0xa1: {  	[tilespmem:s26], [sflag:$0xD] =	stream.strided.gather [hbm4b:s21+s10], $0x1000, s9, s10, $0x38;
	[tilespmem:$0x14200] =	vst v63  }
0xa2: {  	s21 =	sadd.s32 s24, s5;
	p0 =	por !p0, !p0;
	s24 =	simm.s32 $0x1  }
0xa3: {  	s21 =	sshrl.u32 s21, $0x7;
	s24 =	simm.s32 @!p0 $0x0  }
0xa4: {  	s21 =	ssub.s32 s21, s24  }
0xa5: {  	s21 =	sshll.u32 s21, $0x7  }
0xa6: {  	s21 =	sand.u32 $0x1FFFFF80, s21  }
0xa7: {  	s5 =	simm.s32 $0xD200;
	s26 =	spop (v2sf);
	s21 =	sadd.s32 s0, s21  }
0xa8: {  	[tilespmem:s5], [sflag:$0xE] =	stream.strided.gather [hbm4b:s21+s10], $0x1000, s9, s10, $0x38;
	[tilespmem:$0x14200] =	vst v63  }
0xa9: {  	s22 =	sand.u32 $0x7F, s26  }
0xaa: {  	s25 =	sshra.s32 s26, $0x1F;
	p4 =	slt.s32 s26, $0x1;
	p3 =	sne.s32 s22, $0x0  }
0xab: {  	s21 =	sshrl.u32 s25, $0x19;
	p0 =	por !p4, !p3  }
0xac: {  	s24 =	simm.s32 $0x1;
	s21 =	sadd.s32 s21, s26;
	p0 =	por !p0, !p0  }
0xad: {  	s21 =	sshrl.u32 s21, $0x7;
	s24 =	simm.s32 @!p0 $0x0  }
0xae: {  	s26 =	simm.s32 $0xE200;
	s21 =	ssub.s32 s21, s24;
	s5 =	spop (v2sf)  }
0xaf: {  	s21 =	sshll.u32 s21, $0x7;
	s22 =	sand.u32 $0x7F, s5;
	s25 =	sshra.s32 s5, $0x1F  }
0xb0: {  	p6 =	slt.s32 s5, $0x1;
	s21 =	sand.u32 $0x1FFFFF80, s21;
	p5 =	sne.s32 s22, $0x0  }
0xb1: {  	s24 =	sshrl.u32 s25, $0x19;
	s21 =	sadd.s32 s0, s21;
	p0 =	por !p6, !p5  }
0xb2: {  	[tilespmem:s26], [sflag:$0xF] =	stream.strided.gather [hbm4b:s21+s10], $0x1000, s9, s10, $0x38;
	[tilespmem:$0x14200] =	vst v63  }
0xb3: {  	s21 =	sadd.s32 s24, s5;
	p0 =	por !p0, !p0;
	s24 =	simm.s32 $0x1  }
0xb4: {  	s21 =	sshrl.u32 s21, $0x7;
	s24 =	simm.s32 @!p0 $0x0  }
0xb5: {  	s21 =	ssub.s32 s21, s24  }
0xb6: {  	s21 =	sshll.u32 s21, $0x7  }
0xb7: {  	s25 =	simm.s32 $0xF;
	s21 =	sand.u32 $0x1FFFFF80, s21  }
0xb8: {  	s26 =	simm.s32 $0xF200;
	s24 =	simm.s32 $0x10;
	s21 =	sadd.s32 s0, s21  }
0xb9: {  	[tilespmem:s26], [sflag:$0x10] =	stream.strided.gather [hbm4b:s21+s10], $0x1000, s9, s10, $0x38;
	[tilespmem:$0x14200] =	vst v63  }
.LBB2_2:
0xba: {  	v34 =	vld [tilespmem:s24+$0xFFFFFFF0];
	_ =	sdelay $0x4  }
0xbb: {  	_ =	swait.ge [sflag:s8], $0x1000;
	v35 =	vnsel vm0, $0x0, v34  }
0xbc: {  	(xrf0) =	vadd.scan.msk.s32 $0xffff, v35;
	_ =	sdelay $0x5  }
0xbd: {  	v35, _, _ =	vpop (xrf0)  }
0xbe: {  	(v2sf) =	vpush v35, $0xF;
	_ =	sdelay $0xe  }
0xbf: {  	s21 =	spop (v2sf)  }
0xc0: {  	s26 =	sand.u32 $0x7F, s21  }
0xc1: {  	s22 =	sshra.s32 s21, $0x1F;
	p0 =	slt.s32 s21, $0x1;
	p1 =	sne.s32 s26, $0x0  }
0xc2: {  	s22 =	sshrl.u32 s22, $0x19;
	p0 =	por !p0, !p1  }
0xc3: {  	s26 =	simm.s32 $0x1;
	s22 =	sadd.s32 s22, s21;
	p0 =	por !p0, !p0  }
0xc4: {  	s22 =	sshrl.u32 s22, $0x7;
	s26 =	simm.s32 @!p0 $0x0  }
0xc5: {  	s22 =	ssub.s32 s26, s22  }
0xc6: {  	s22 =	sshll.u32 s22, $0x7  }
0xc7: {  	s21 =	sadd.s32 s21, s22  }
0xc8: {  	s26 =	sadd.s32 $0xFFFFFFF1, s25;
	v63 =	vadd.s32 s21, v0  }
0xc9: {  	v37 =	vmov s26;
	v36 =	vadd.s32 s21, v3  }
0xca: {  	v38 =	vshll.u32 v37, $0x3  }
0xcb: {  	[sflag:s8] =	ssyncset.done $0x0;
	v37 =	vand.u32 $0x70, v37;
	v38 =	vand.u32 $0xC00, v38  }
0xcc: {  	[sflag:s8] =	ssyncadd.s32 $0xFFFFF000;
	v37 =	vor.u32 v37, v38  }
0xcd: {  	v38 =	vor.u32 v1, v37;
	v35 =	vld.idx.msk [tilespmem:v63+s11+$0x0], $0xffff  }
0xce: {  	v37 =	vor.u32 v2, v37;
	v36 =	vld.idx.msk [tilespmem:v36+s11+$0x0], $0xffff;
	_ =	sdelay $0x3  }
0xcf: {  	[tilespmem:v38+s28+$0x0] =	vst.idx.msk $0xffff, v35  }
0xd0: {  	[tilespmem:v37+s28+$0x0] =	vst.idx.msk $0xffff, v36  }
0xd1: {  	v39 =	vsel vm1, $0x0, v34;
	_ =	swait.ge [sflag:s29], $0x1000  }
0xd2: {  	(xrf0) =	vadd.scan.msk.s32 $0xffff, v39;
	_ =	sdelay $0x5  }
0xd3: {  	v35, _, _ =	vpop (xrf0)  }
0xd4: {  	(v2sf) =	vpush v35, $0xF;
	_ =	sdelay $0xe  }
0xd5: {  	s21 =	spop (v2sf)  }
0xd6: {  	s4 =	sand.u32 $0x7F, s21  }
0xd7: {  	s5 =	sshra.s32 s21, $0x1F;
	p1 =	slt.s32 s21, $0x1;
	p2 =	sne.s32 s4, $0x0  }
0xd8: {  	s4 =	sshrl.u32 s5, $0x19;
	p0 =	por !p1, !p2  }
0xd9: {  	s26 =	simm.s32 $0x1;
	s22 =	sadd.s32 s4, s21;
	p0 =	por !p0, !p0  }
0xda: {  	s22 =	sshrl.u32 s22, $0x7;
	s26 =	simm.s32 @!p0 $0x0  }
0xdb: {  	s22 =	ssub.s32 s26, s22  }
0xdc: {  	s22 =	sshll.u32 s22, $0x7  }
0xdd: {  	s21 =	sadd.s32 s21, s22  }
0xde: {  	s5 =	sadd.s32 $0xFFFFFFF2, s25;
	v40 =	vadd.s32 s21, v4  }
0xdf: {  	v42 =	vmov s5;
	v41 =	vadd.s32 s21, v5  }
0xe0: {  	v43 =	vshll.u32 v42, $0x3  }
0xe1: {  	[sflag:s29] =	ssyncset.done $0x0;
	v37 =	vand.u32 $0x71, v42;
	v38 =	vand.u32 $0xC00, v43  }
0xe2: {  	[sflag:s29] =	ssyncadd.s32 $0xFFFFF000;
	v37 =	vor.u32 v37, v38  }
0xe3: {  	v38 =	vor.u32 v1, v37;
	v35 =	vld.idx.msk [tilespmem:v40+s11+$0x0], $0xffff  }
0xe4: {  	v37 =	vor.u32 v2, v37;
	v36 =	vld.idx.msk [tilespmem:v41+s11+$0x0], $0xffff;
	_ =	sdelay $0x3  }
0xe5: {  	[tilespmem:v38+s28+$0x0] =	vst.idx.msk $0xffff, v35  }
0xe6: {  	[tilespmem:v37+s28+$0x0] =	vst.idx.msk $0xffff, v36  }
0xe7: {  	v44 =	vsel vm2, $0x0, v34;
	_ =	swait.ge [sflag:s30], $0x1000  }
0xe8: {  	(xrf0) =	vadd.scan.msk.s32 $0xffff, v44;
	_ =	sdelay $0x5  }
0xe9: {  	v35, _, _ =	vpop (xrf0)  }
0xea: {  	(v2sf) =	vpush v35, $0xF;
	_ =	sdelay $0xe  }
0xeb: {  	s21 =	spop (v2sf)  }
0xec: {  	s26 =	sand.u32 $0x7F, s21  }
0xed: {  	s4 =	sshra.s32 s21, $0x1F;
	p3 =	slt.s32 s21, $0x1;
	p4 =	sne.s32 s26, $0x0  }
0xee: {  	s5 =	sshrl.u32 s4, $0x19;
	p0 =	por !p3, !p4  }
0xef: {  	s26 =	simm.s32 $0x1;
	s22 =	sadd.s32 s5, s21;
	p0 =	por !p0, !p0  }
0xf0: {  	s22 =	sshrl.u32 s22, $0x7;
	s26 =	simm.s32 @!p0 $0x0  }
0xf1: {  	s22 =	ssub.s32 s26, s22  }
0xf2: {  	s22 =	sshll.u32 s22, $0x7  }
0xf3: {  	s21 =	sadd.s32 s21, s22  }
0xf4: {  	s26 =	sadd.s32 $0xFFFFFFF3, s25;
	v45 =	vadd.s32 s21, v6  }
0xf5: {  	v47 =	vmov s26;
	v46 =	vadd.s32 s21, v7  }
0xf6: {  	v48 =	vshll.u32 v47, $0x3  }
0xf7: {  	[sflag:s30] =	ssyncset.done $0x0;
	v37 =	vand.u32 $0x72, v47;
	v38 =	vand.u32 $0xC00, v48  }
0xf8: {  	[sflag:s30] =	ssyncadd.s32 $0xFFFFF000;
	v37 =	vor.u32 v37, v38  }
0xf9: {  	v38 =	vor.u32 v1, v37;
	v35 =	vld.idx.msk [tilespmem:v45+s11+$0x0], $0xffff  }
0xfa: {  	v37 =	vor.u32 v2, v37;
	v36 =	vld.idx.msk [tilespmem:v46+s11+$0x0], $0xffff;
	_ =	sdelay $0x3  }
0xfb: {  	[tilespmem:v38+s28+$0x0] =	vst.idx.msk $0xffff, v35  }
0xfc: {  	[tilespmem:v37+s28+$0x0] =	vst.idx.msk $0xffff, v36  }
0xfd: {  	v49 =	vsel vm3, $0x0, v34;
	_ =	swait.ge [sflag:s31], $0x1000  }
0xfe: {  	(xrf0) =	vadd.scan.msk.s32 $0xffff, v49;
	_ =	sdelay $0x5  }
0xff: {  	v35, _, _ =	vpop (xrf0)  }
0x100: {  	(v2sf) =	vpush v35, $0xF;
	_ =	sdelay $0xe  }
0x101: {  	s21 =	spop (v2sf)  }
0x102: {  	s4 =	sand.u32 $0x7F, s21  }
0x103: {  	s5 =	sshra.s32 s21, $0x1F;
	p5 =	slt.s32 s21, $0x1;
	p6 =	sne.s32 s4, $0x0  }
0x104: {  	s4 =	sshrl.u32 s5, $0x19;
	p0 =	por !p5, !p6  }
0x105: {  	s26 =	simm.s32 $0x1;
	s22 =	sadd.s32 s4, s21;
	p0 =	por !p0, !p0  }
0x106: {  	s22 =	sshrl.u32 s22, $0x7;
	s26 =	simm.s32 @!p0 $0x0  }
0x107: {  	s22 =	ssub.s32 s26, s22  }
0x108: {  	s22 =	sshll.u32 s22, $0x7  }
0x109: {  	s21 =	sadd.s32 s21, s22  }
0x10a: {  	s5 =	sadd.s32 $0xFFFFFFF4, s25;
	v50 =	vadd.s32 s21, v8  }
0x10b: {  	v52 =	vmov s5;
	v51 =	vadd.s32 s21, v9  }
0x10c: {  	v53 =	vshll.u32 v52, $0x3  }
0x10d: {  	[sflag:s31] =	ssyncset.done $0x0;
	v37 =	vand.u32 $0x73, v52;
	v38 =	vand.u32 $0xC00, v53  }
0x10e: {  	[sflag:s31] =	ssyncadd.s32 $0xFFFFF000;
	v37 =	vor.u32 v37, v38  }
0x10f: {  	v38 =	vor.u32 v1, v37;
	v35 =	vld.idx.msk [tilespmem:v50+s11+$0x0], $0xffff  }
0x110: {  	v37 =	vor.u32 v2, v37;
	v36 =	vld.idx.msk [tilespmem:v51+s11+$0x0], $0xffff;
	_ =	sdelay $0x3  }
0x111: {  	[tilespmem:v38+s28+$0x0] =	vst.idx.msk $0xffff, v35  }
0x112: {  	[tilespmem:v37+s28+$0x0] =	vst.idx.msk $0xffff, v36  }
0x113: {  	v54 =	vsel vm4, $0x0, v34;
	_ =	swait.ge [sflag:s1], $0x1000  }
0x114: {  	(xrf0) =	vadd.scan.msk.s32 $0xffff, v54;
	_ =	sdelay $0x5  }
0x115: {  	v35, _, _ =	vpop (xrf0)  }
0x116: {  	(v2sf) =	vpush v35, $0xF;
	_ =	sdelay $0xe  }
0x117: {  	s21 =	spop (v2sf)  }
0x118: {  	s26 =	sand.u32 $0x7F, s21  }
0x119: {  	s4 =	sshra.s32 s21, $0x1F;
	p1 =	slt.s32 s21, $0x1;
	p2 =	sne.s32 s26, $0x0  }
0x11a: {  	s5 =	sshrl.u32 s4, $0x19;
	p0 =	por !p1, !p2  }
0x11b: {  	s26 =	simm.s32 $0x1;
	s22 =	sadd.s32 s5, s21;
	p0 =	por !p0, !p0  }
0x11c: {  	s22 =	sshrl.u32 s22, $0x7;
	s26 =	simm.s32 @!p0 $0x0  }
0x11d: {  	s22 =	ssub.s32 s26, s22  }
0x11e: {  	s22 =	sshll.u32 s22, $0x7  }
0x11f: {  	s21 =	sadd.s32 s21, s22  }
0x120: {  	s26 =	sadd.s32 $0xFFFFFFF5, s25;
	v55 =	vadd.s32 s21, v10  }
0x121: {  	v57 =	vmov s26;
	v56 =	vadd.s32 s21, v11  }
0x122: {  	v58 =	vshll.u32 v57, $0x3  }
0x123: {  	[sflag:s1] =	ssyncset.done $0x0;
	v37 =	vand.u32 $0x74, v57;
	v38 =	vand.u32 $0xC00, v58  }
0x124: {  	[sflag:s1] =	ssyncadd.s32 $0xFFFFF000;
	v37 =	vor.u32 v37, v38  }
0x125: {  	v38 =	vor.u32 v1, v37;
	v35 =	vld.idx.msk [tilespmem:v55+s11+$0x0], $0xffff  }
0x126: {  	v37 =	vor.u32 v2, v37;
	v36 =	vld.idx.msk [tilespmem:v56+s11+$0x0], $0xffff;
	_ =	sdelay $0x3  }
0x127: {  	[tilespmem:v38+s28+$0x0] =	vst.idx.msk $0xffff, v35  }
0x128: {  	[tilespmem:v37+s28+$0x0] =	vst.idx.msk $0xffff, v36  }
0x129: {  	v59 =	vsel vm5, $0x0, v34;
	_ =	swait.ge [sflag:s3], $0x1000  }
0x12a: {  	(xrf0) =	vadd.scan.msk.s32 $0xffff, v59;
	_ =	sdelay $0x5  }
0x12b: {  	v35, _, _ =	vpop (xrf0)  }
0x12c: {  	(v2sf) =	vpush v35, $0xF;
	_ =	sdelay $0xe  }
0x12d: {  	s21 =	spop (v2sf)  }
0x12e: {  	s4 =	sand.u32 $0x7F, s21  }
0x12f: {  	s5 =	sshra.s32 s21, $0x1F;
	p3 =	slt.s32 s21, $0x1;
	p4 =	sne.s32 s4, $0x0  }
0x130: {  	s4 =	sshrl.u32 s5, $0x19;
	p0 =	por !p3, !p4  }
0x131: {  	s26 =	simm.s32 $0x1;
	s22 =	sadd.s32 s4, s21;
	p0 =	por !p0, !p0  }
0x132: {  	s22 =	sshrl.u32 s22, $0x7;
	s26 =	simm.s32 @!p0 $0x0  }
0x133: {  	s22 =	ssub.s32 s26, s22  }
0x134: {  	s22 =	sshll.u32 s22, $0x7  }
0x135: {  	s21 =	sadd.s32 s21, s22  }
0x136: {  	s5 =	sadd.s32 $0xFFFFFFF6, s25;
	v60 =	vadd.s32 s21, v12  }
0x137: {  	v62 =	vmov s5;
	v61 =	vadd.s32 s21, v13  }
0x138: {  	v63 =	vshll.u32 v62, $0x3  }
0x139: {  	[sflag:s3] =	ssyncset.done $0x0;
	v37 =	vand.u32 $0x75, v62;
	v38 =	vand.u32 $0xC00, v63  }
0x13a: {  	[sflag:s3] =	ssyncadd.s32 $0xFFFFF000;
	v37 =	vor.u32 v37, v38  }
0x13b: {  	v38 =	vor.u32 v1, v37;
	v35 =	vld.idx.msk [tilespmem:v60+s11+$0x0], $0xffff  }
0x13c: {  	v37 =	vor.u32 v2, v37;
	v36 =	vld.idx.msk [tilespmem:v61+s11+$0x0], $0xffff;
	_ =	sdelay $0x3  }
0x13d: {  	[tilespmem:v38+s28+$0x0] =	vst.idx.msk $0xffff, v35  }
0x13e: {  	[tilespmem:v37+s28+$0x0] =	vst.idx.msk $0xffff, v36  }
0x13f: {  	v39 =	vsel vm6, $0x0, v34;
	_ =	swait.ge [sflag:s2], $0x1000  }
0x140: {  	(xrf0) =	vadd.scan.msk.s32 $0xffff, v39;
	_ =	sdelay $0x5  }
0x141: {  	v35, _, _ =	vpop (xrf0)  }
0x142: {  	(v2sf) =	vpush v35, $0xF;
	_ =	sdelay $0xe  }
0x143: {  	s21 =	spop (v2sf)  }
0x144: {  	s26 =	sand.u32 $0x7F, s21  }
0x145: {  	s4 =	sshra.s32 s21, $0x1F;
	p5 =	slt.s32 s21, $0x1;
	p6 =	sne.s32 s26, $0x0  }
0x146: {  	s5 =	sshrl.u32 s4, $0x19;
	p0 =	por !p5, !p6  }
0x147: {  	s26 =	simm.s32 $0x1;
	s22 =	sadd.s32 s5, s21;
	p0 =	por !p0, !p0  }
0x148: {  	s22 =	sshrl.u32 s22, $0x7;
	s26 =	simm.s32 @!p0 $0x0  }
0x149: {  	s22 =	ssub.s32 s26, s22  }
0x14a: {  	s22 =	sshll.u32 s22, $0x7  }
0x14b: {  	s21 =	sadd.s32 s21, s22  }
0x14c: {  	s26 =	sadd.s32 $0xFFFFFFF7, s25;
	v40 =	vadd.s32 s21, v14  }
0x14d: {  	v42 =	vmov s26;
	v41 =	vadd.s32 s21, v15  }
0x14e: {  	v43 =	vshll.u32 v42, $0x3  }
0x14f: {  	[sflag:s2] =	ssyncset.done $0x0;
	v37 =	vand.u32 $0x76, v42;
	v38 =	vand.u32 $0xC00, v43  }
0x150: {  	[sflag:s2] =	ssyncadd.s32 $0xFFFFF000;
	v37 =	vor.u32 v37, v38  }
0x151: {  	v38 =	vor.u32 v1, v37;
	v35 =	vld.idx.msk [tilespmem:v40+s11+$0x0], $0xffff  }
0x152: {  	v37 =	vor.u32 v2, v37;
	v36 =	vld.idx.msk [tilespmem:v41+s11+$0x0], $0xffff;
	_ =	sdelay $0x3  }
0x153: {  	[tilespmem:v38+s28+$0x0] =	vst.idx.msk $0xffff, v35  }
0x154: {  	[tilespmem:v37+s28+$0x0] =	vst.idx.msk $0xffff, v36  }
0x155: {  	v44 =	vsel vm7, $0x0, v34;
	_ =	swait.ge [sflag:s12], $0x1000  }
0x156: {  	(xrf0) =	vadd.scan.msk.s32 $0xffff, v44;
	_ =	sdelay $0x5  }
0x157: {  	v35, _, _ =	vpop (xrf0)  }
0x158: {  	(v2sf) =	vpush v35, $0xF;
	_ =	sdelay $0xe  }
0x159: {  	s21 =	spop (v2sf)  }
0x15a: {  	s4 =	sand.u32 $0x7F, s21  }
0x15b: {  	s5 =	sshra.s32 s21, $0x1F;
	p1 =	slt.s32 s21, $0x1;
	p2 =	sne.s32 s4, $0x0  }
0x15c: {  	s4 =	sshrl.u32 s5, $0x19;
	p0 =	por !p1, !p2  }
0x15d: {  	s26 =	simm.s32 $0x1;
	s22 =	sadd.s32 s4, s21;
	p0 =	por !p0, !p0  }
0x15e: {  	s22 =	sshrl.u32 s22, $0x7;
	s26 =	simm.s32 @!p0 $0x0  }
0x15f: {  	s22 =	ssub.s32 s26, s22  }
0x160: {  	s22 =	sshll.u32 s22, $0x7  }
0x161: {  	s21 =	sadd.s32 s21, s22  }
0x162: {  	s5 =	sadd.s32 $0xFFFFFFF8, s25;
	v45 =	vadd.s32 s21, v16  }
0x163: {  	v47 =	vmov s5;
	v46 =	vadd.s32 s21, v17  }
0x164: {  	v48 =	vshll.u32 v47, $0x3  }
0x165: {  	[sflag:s12] =	ssyncset.done $0x0;
	v37 =	vand.u32 $0x77, v47;
	v38 =	vand.u32 $0xC00, v48  }
0x166: {  	[sflag:s12] =	ssyncadd.s32 $0xFFFFF000;
	v37 =	vor.u32 v37, v38  }
0x167: {  	v38 =	vor.u32 v1, v37;
	v35 =	vld.idx.msk [tilespmem:v45+s11+$0x0], $0xffff  }
0x168: {  	v37 =	vor.u32 v2, v37;
	v36 =	vld.idx.msk [tilespmem:v46+s11+$0x0], $0xffff;
	_ =	sdelay $0x3  }
0x169: {  	[tilespmem:v38+s28+$0x0] =	vst.idx.msk $0xffff, v35  }
0x16a: {  	[tilespmem:v37+s28+$0x0] =	vst.idx.msk $0xffff, v36  }
0x16b: {  	v49 =	vsel vm8, $0x0, v34;
	_ =	swait.ge [sflag:s13], $0x1000  }
0x16c: {  	(xrf0) =	vadd.scan.msk.s32 $0xffff, v49;
	_ =	sdelay $0x5  }
0x16d: {  	v35, _, _ =	vpop (xrf0)  }
0x16e: {  	(v2sf) =	vpush v35, $0xF;
	_ =	sdelay $0xe  }
0x16f: {  	s21 =	spop (v2sf)  }
0x170: {  	s26 =	sand.u32 $0x7F, s21  }
0x171: {  	s4 =	sshra.s32 s21, $0x1F;
	p3 =	slt.s32 s21, $0x1;
	p4 =	sne.s32 s26, $0x0  }
0x172: {  	s5 =	sshrl.u32 s4, $0x19;
	p0 =	por !p3, !p4  }
0x173: {  	s26 =	simm.s32 $0x1;
	s22 =	sadd.s32 s5, s21;
	p0 =	por !p0, !p0  }
0x174: {  	s22 =	sshrl.u32 s22, $0x7;
	s26 =	simm.s32 @!p0 $0x0  }
0x175: {  	s22 =	ssub.s32 s26, s22  }
0x176: {  	s22 =	sshll.u32 s22, $0x7  }
0x177: {  	s21 =	sadd.s32 s21, s22  }
0x178: {  	s26 =	sadd.s32 $0xFFFFFFF9, s25;
	v50 =	vadd.s32 s21, v18  }
0x179: {  	v52 =	vmov s26;
	v51 =	vadd.s32 s21, v19  }
0x17a: {  	v53 =	vshll.u32 v52, $0x3  }
0x17b: {  	[sflag:s13] =	ssyncset.done $0x0;
	v37 =	vand.u32 $0x78, v52;
	v38 =	vand.u32 $0xC00, v53  }
0x17c: {  	[sflag:s13] =	ssyncadd.s32 $0xFFFFF000;
	v37 =	vor.u32 v37, v38  }
0x17d: {  	v38 =	vor.u32 v1, v37;
	v35 =	vld.idx.msk [tilespmem:v50+s11+$0x0], $0xffff  }
0x17e: {  	v37 =	vor.u32 v2, v37;
	v36 =	vld.idx.msk [tilespmem:v51+s11+$0x0], $0xffff;
	_ =	sdelay $0x3  }
0x17f: {  	[tilespmem:v38+s28+$0x0] =	vst.idx.msk $0xffff, v35  }
0x180: {  	[tilespmem:v37+s28+$0x0] =	vst.idx.msk $0xffff, v36  }
0x181: {  	v54 =	vsel vm9, $0x0, v34;
	_ =	swait.ge [sflag:s14], $0x1000  }
0x182: {  	(xrf0) =	vadd.scan.msk.s32 $0xffff, v54;
	_ =	sdelay $0x5  }
0x183: {  	v35, _, _ =	vpop (xrf0)  }
0x184: {  	(v2sf) =	vpush v35, $0xF;
	_ =	sdelay $0xe  }
0x185: {  	s21 =	spop (v2sf)  }
0x186: {  	s4 =	sand.u32 $0x7F, s21  }
0x187: {  	s5 =	sshra.s32 s21, $0x1F;
	p5 =	slt.s32 s21, $0x1;
	p6 =	sne.s32 s4, $0x0  }
0x188: {  	s4 =	sshrl.u32 s5, $0x19;
	p0 =	por !p5, !p6  }
0x189: {  	s26 =	simm.s32 $0x1;
	s22 =	sadd.s32 s4, s21;
	p0 =	por !p0, !p0  }
0x18a: {  	s22 =	sshrl.u32 s22, $0x7;
	s26 =	simm.s32 @!p0 $0x0  }
0x18b: {  	s22 =	ssub.s32 s26, s22  }
0x18c: {  	s22 =	sshll.u32 s22, $0x7  }
0x18d: {  	s21 =	sadd.s32 s21, s22  }
0x18e: {  	s5 =	sadd.s32 $0xFFFFFFFA, s25;
	v55 =	vadd.s32 s21, v20  }
0x18f: {  	v57 =	vmov s5;
	v56 =	vadd.s32 s21, v21  }
0x190: {  	v58 =	vshll.u32 v57, $0x3  }
0x191: {  	[sflag:s14] =	ssyncset.done $0x0;
	v37 =	vand.u32 $0x79, v57;
	v38 =	vand.u32 $0xC00, v58  }
0x192: {  	[sflag:s14] =	ssyncadd.s32 $0xFFFFF000;
	v37 =	vor.u32 v37, v38  }
0x193: {  	v38 =	vor.u32 v1, v37;
	v35 =	vld.idx.msk [tilespmem:v55+s11+$0x0], $0xffff  }
0x194: {  	v37 =	vor.u32 v2, v37;
	v36 =	vld.idx.msk [tilespmem:v56+s11+$0x0], $0xffff;
	_ =	sdelay $0x3  }
0x195: {  	[tilespmem:v38+s28+$0x0] =	vst.idx.msk $0xffff, v35  }
0x196: {  	[tilespmem:v37+s28+$0x0] =	vst.idx.msk $0xffff, v36  }
0x197: {  	v59 =	vsel vm10, $0x0, v34;
	_ =	swait.ge [sflag:s15], $0x1000  }
0x198: {  	(xrf0) =	vadd.scan.msk.s32 $0xffff, v59;
	_ =	sdelay $0x5  }
0x199: {  	v35, _, _ =	vpop (xrf0)  }
0x19a: {  	(v2sf) =	vpush v35, $0xF;
	_ =	sdelay $0xe  }
0x19b: {  	s21 =	spop (v2sf)  }
0x19c: {  	s26 =	sand.u32 $0x7F, s21  }
0x19d: {  	s4 =	sshra.s32 s21, $0x1F;
	p1 =	slt.s32 s21, $0x1;
	p2 =	sne.s32 s26, $0x0  }
0x19e: {  	s5 =	sshrl.u32 s4, $0x19;
	p0 =	por !p1, !p2  }
0x19f: {  	s26 =	simm.s32 $0x1;
	s22 =	sadd.s32 s5, s21;
	p0 =	por !p0, !p0  }
0x1a0: {  	s22 =	sshrl.u32 s22, $0x7;
	s26 =	simm.s32 @!p0 $0x0  }
0x1a1: {  	s22 =	ssub.s32 s26, s22  }
0x1a2: {  	s22 =	sshll.u32 s22, $0x7  }
0x1a3: {  	s21 =	sadd.s32 s21, s22  }
0x1a4: {  	s26 =	sadd.s32 $0xFFFFFFFB, s25;
	v60 =	vadd.s32 s21, v22  }
0x1a5: {  	v62 =	vmov s26;
	v61 =	vadd.s32 s21, v23  }
0x1a6: {  	v63 =	vshll.u32 v62, $0x3  }
0x1a7: {  	[sflag:s15] =	ssyncset.done $0x0;
	v37 =	vand.u32 $0x7A, v62;
	v38 =	vand.u32 $0xC00, v63  }
0x1a8: {  	[sflag:s15] =	ssyncadd.s32 $0xFFFFF000;
	v37 =	vor.u32 v37, v38  }
0x1a9: {  	v38 =	vor.u32 v1, v37;
	v35 =	vld.idx.msk [tilespmem:v60+s11+$0x0], $0xffff  }
0x1aa: {  	v37 =	vor.u32 v2, v37;
	v36 =	vld.idx.msk [tilespmem:v61+s11+$0x0], $0xffff;
	_ =	sdelay $0x3  }
0x1ab: {  	[tilespmem:v38+s28+$0x0] =	vst.idx.msk $0xffff, v35  }
0x1ac: {  	[tilespmem:v37+s28+$0x0] =	vst.idx.msk $0xffff, v36  }
0x1ad: {  	v39 =	vsel vm11, $0x0, v34;
	_ =	swait.ge [sflag:s16], $0x1000  }
0x1ae: {  	(xrf0) =	vadd.scan.msk.s32 $0xffff, v39;
	_ =	sdelay $0x5  }
0x1af: {  	v35, _, _ =	vpop (xrf0)  }
0x1b0: {  	(v2sf) =	vpush v35, $0xF;
	_ =	sdelay $0xe  }
0x1b1: {  	s21 =	spop (v2sf)  }
0x1b2: {  	s4 =	sand.u32 $0x7F, s21  }
0x1b3: {  	s5 =	sshra.s32 s21, $0x1F;
	p3 =	slt.s32 s21, $0x1;
	p4 =	sne.s32 s4, $0x0  }
0x1b4: {  	s4 =	sshrl.u32 s5, $0x19;
	p0 =	por !p3, !p4  }
0x1b5: {  	s26 =	simm.s32 $0x1;
	s22 =	sadd.s32 s4, s21;
	p0 =	por !p0, !p0  }
0x1b6: {  	s22 =	sshrl.u32 s22, $0x7;
	s26 =	simm.s32 @!p0 $0x0  }
0x1b7: {  	s22 =	ssub.s32 s26, s22  }
0x1b8: {  	s22 =	sshll.u32 s22, $0x7  }
0x1b9: {  	s21 =	sadd.s32 s21, s22  }
0x1ba: {  	s5 =	sadd.s32 $0xFFFFFFFC, s25;
	v40 =	vadd.s32 s21, v24  }
0x1bb: {  	v42 =	vmov s5;
	v41 =	vadd.s32 s21, v25  }
0x1bc: {  	v43 =	vshll.u32 v42, $0x3  }
0x1bd: {  	[sflag:s16] =	ssyncset.done $0x0;
	v37 =	vand.u32 $0x7B, v42;
	v38 =	vand.u32 $0xC00, v43  }
0x1be: {  	[sflag:s16] =	ssyncadd.s32 $0xFFFFF000;
	v37 =	vor.u32 v37, v38  }
0x1bf: {  	v38 =	vor.u32 v1, v37;
	v35 =	vld.idx.msk [tilespmem:v40+s11+$0x0], $0xffff  }
0x1c0: {  	v37 =	vor.u32 v2, v37;
	v36 =	vld.idx.msk [tilespmem:v41+s11+$0x0], $0xffff;
	_ =	sdelay $0x3  }
0x1c1: {  	[tilespmem:v38+s28+$0x0] =	vst.idx.msk $0xffff, v35  }
0x1c2: {  	[tilespmem:v37+s28+$0x0] =	vst.idx.msk $0xffff, v36  }
0x1c3: {  	v44 =	vsel vm12, $0x0, v34;
	_ =	swait.ge [sflag:s17], $0x1000  }
0x1c4: {  	(xrf0) =	vadd.scan.msk.s32 $0xffff, v44;
	_ =	sdelay $0x5  }
0x1c5: {  	v35, _, _ =	vpop (xrf0)  }
0x1c6: {  	(v2sf) =	vpush v35, $0xF;
	_ =	sdelay $0xe  }
0x1c7: {  	s21 =	spop (v2sf)  }
0x1c8: {  	s26 =	sand.u32 $0x7F, s21  }
0x1c9: {  	s4 =	sshra.s32 s21, $0x1F;
	p5 =	slt.s32 s21, $0x1;
	p6 =	sne.s32 s26, $0x0  }
0x1ca: {  	s5 =	sshrl.u32 s4, $0x19;
	p0 =	por !p5, !p6  }
0x1cb: {  	s26 =	simm.s32 $0x1;
	s22 =	sadd.s32 s5, s21;
	p0 =	por !p0, !p0  }
0x1cc: {  	s22 =	sshrl.u32 s22, $0x7;
	s26 =	simm.s32 @!p0 $0x0  }
0x1cd: {  	s22 =	ssub.s32 s26, s22  }
0x1ce: {  	s22 =	sshll.u32 s22, $0x7  }
0x1cf: {  	s21 =	sadd.s32 s21, s22  }
0x1d0: {  	s26 =	sadd.s32 $0xFFFFFFFD, s25;
	v45 =	vadd.s32 s21, v26  }
0x1d1: {  	v47 =	vmov s26;
	v46 =	vadd.s32 s21, v27  }
0x1d2: {  	v48 =	vshll.u32 v47, $0x3  }
0x1d3: {  	[sflag:s17] =	ssyncset.done $0x0;
	v37 =	vand.u32 $0x7C, v47;
	v38 =	vand.u32 $0xC00, v48  }
0x1d4: {  	[sflag:s17] =	ssyncadd.s32 $0xFFFFF000;
	v37 =	vor.u32 v37, v38  }
0x1d5: {  	v38 =	vor.u32 v1, v37;
	v35 =	vld.idx.msk [tilespmem:v45+s11+$0x0], $0xffff  }
0x1d6: {  	v37 =	vor.u32 v2, v37;
	v36 =	vld.idx.msk [tilespmem:v46+s11+$0x0], $0xffff;
	_ =	sdelay $0x3  }
0x1d7: {  	[tilespmem:v38+s28+$0x0] =	vst.idx.msk $0xffff, v35  }
0x1d8: {  	[tilespmem:v37+s28+$0x0] =	vst.idx.msk $0xffff, v36  }
0x1d9: {  	v49 =	vsel vm13, $0x0, v34;
	_ =	swait.ge [sflag:s18], $0x1000  }
0x1da: {  	(xrf0) =	vadd.scan.msk.s32 $0xffff, v49;
	_ =	sdelay $0x5  }
0x1db: {  	v35, _, _ =	vpop (xrf0)  }
0x1dc: {  	(v2sf) =	vpush v35, $0xF;
	_ =	sdelay $0xe  }
0x1dd: {  	s21 =	spop (v2sf)  }
0x1de: {  	s4 =	sand.u32 $0x7F, s21  }
0x1df: {  	s5 =	sshra.s32 s21, $0x1F;
	p1 =	slt.s32 s21, $0x1;
	p2 =	sne.s32 s4, $0x0  }
0x1e0: {  	s4 =	sshrl.u32 s5, $0x19;
	p0 =	por !p1, !p2  }
0x1e1: {  	s26 =	simm.s32 $0x1;
	s22 =	sadd.s32 s4, s21;
	p0 =	por !p0, !p0  }
0x1e2: {  	s22 =	sshrl.u32 s22, $0x7;
	s26 =	simm.s32 @!p0 $0x0  }
0x1e3: {  	s22 =	ssub.s32 s26, s22  }
0x1e4: {  	s22 =	sshll.u32 s22, $0x7  }
0x1e5: {  	s21 =	sadd.s32 s21, s22  }
0x1e6: {  	s5 =	sadd.s32 $0xFFFFFFFE, s25;
	v50 =	vadd.s32 s21, v28  }
0x1e7: {  	v52 =	vmov s5;
	v51 =	vadd.s32 s21, v29  }
0x1e8: {  	v53 =	vshll.u32 v52, $0x3  }
0x1e9: {  	[sflag:s18] =	ssyncset.done $0x0;
	v37 =	vand.u32 $0x7D, v52;
	v38 =	vand.u32 $0xC00, v53  }
0x1ea: {  	[sflag:s18] =	ssyncadd.s32 $0xFFFFF000;
	v37 =	vor.u32 v37, v38  }
0x1eb: {  	v38 =	vor.u32 v1, v37;
	v35 =	vld.idx.msk [tilespmem:v50+s11+$0x0], $0xffff  }
0x1ec: {  	v37 =	vor.u32 v2, v37;
	v36 =	vld.idx.msk [tilespmem:v51+s11+$0x0], $0xffff;
	_ =	sdelay $0x3  }
0x1ed: {  	[tilespmem:v38+s28+$0x0] =	vst.idx.msk $0xffff, v35  }
0x1ee: {  	[tilespmem:v37+s28+$0x0] =	vst.idx.msk $0xffff, v36  }
0x1ef: {  	v54 =	vsel vm14, $0x0, v34;
	_ =	swait.ge [sflag:s19], $0x1000  }
0x1f0: {  	(xrf0) =	vadd.scan.msk.s32 $0xffff, v54;
	_ =	sdelay $0x5  }
0x1f1: {  	v35, _, _ =	vpop (xrf0)  }
0x1f2: {  	(v2sf) =	vpush v35, $0xF;
	_ =	sdelay $0xe  }
0x1f3: {  	s21 =	spop (v2sf)  }
0x1f4: {  	s26 =	sand.u32 $0x7F, s21  }
0x1f5: {  	s4 =	sshra.s32 s21, $0x1F;
	p3 =	slt.s32 s21, $0x1;
	p4 =	sne.s32 s26, $0x0  }
0x1f6: {  	s5 =	sshrl.u32 s4, $0x19;
	p0 =	por !p3, !p4  }
0x1f7: {  	s26 =	simm.s32 $0x1;
	s22 =	sadd.s32 s5, s21;
	p0 =	por !p0, !p0  }
0x1f8: {  	s22 =	sshrl.u32 s22, $0x7;
	s26 =	simm.s32 @!p0 $0x0  }
0x1f9: {  	s22 =	ssub.s32 s26, s22  }
0x1fa: {  	s22 =	sshll.u32 s22, $0x7  }
0x1fb: {  	s21 =	sadd.s32 s21, s22  }
0x1fc: {  	s26 =	sadd.s32 $0xFFFFFFFF, s25;
	v55 =	vadd.s32 s21, v30  }
0x1fd: {  	v57 =	vmov s26;
	v56 =	vadd.s32 s21, v31  }
0x1fe: {  	v58 =	vshll.u32 v57, $0x3  }
0x1ff: {  	[sflag:s19] =	ssyncset.done $0x0;
	v37 =	vand.u32 $0x7E, v57;
	v38 =	vand.u32 $0xC00, v58  }
0x200: {  	[sflag:s19] =	ssyncadd.s32 $0xFFFFF000;
	v37 =	vor.u32 v37, v38  }
0x201: {  	v38 =	vor.u32 v1, v37;
	v35 =	vld.idx.msk [tilespmem:v55+s11+$0x0], $0xffff  }
0x202: {  	v37 =	vor.u32 v2, v37;
	v36 =	vld.idx.msk [tilespmem:v56+s11+$0x0], $0xffff;
	_ =	sdelay $0x3  }
0x203: {  	[tilespmem:v38+s28+$0x0] =	vst.idx.msk $0xffff, v35  }
0x204: {  	[tilespmem:v37+s28+$0x0] =	vst.idx.msk $0xffff, v36  }
0x205: {  	v34 =	vsel vm15, $0x0, v34;
	_ =	swait.ge [sflag:s20], $0x1000  }
0x206: {  	(xrf0) =	vadd.scan.msk.s32 $0xffff, v34;
	_ =	sdelay $0x5  }
0x207: {  	v34, _, _ =	vpop (xrf0)  }
0x208: {  	(v2sf) =	vpush v34, $0xF;
	_ =	sdelay $0xe  }
0x209: {  	s21 =	spop (v2sf)  }
0x20a: {  	s4 =	sand.u32 $0x7F, s21  }
0x20b: {  	s5 =	sshra.s32 s21, $0x1F;
	p5 =	slt.s32 s21, $0x1;
	p6 =	sne.s32 s4, $0x0  }
0x20c: {  	s26 =	sshrl.u32 s5, $0x19;
	p0 =	por !p5, !p6  }
0x20d: {  	s22 =	sadd.s32 s26, s21;
	s26 =	simm.s32 $0x1;
	p0 =	por !p0, !p0  }
0x20e: {  	s22 =	sshrl.u32 s22, $0x7;
	s26 =	simm.s32 @!p0 $0x0  }
0x20f: {  	s22 =	ssub.s32 s26, s22  }
0x210: {  	s22 =	sshll.u32 s22, $0x7  }
0x211: {  	s21 =	sadd.s32 s21, s22  }
0x212: {  	v59 =	vadd.s32 s21, v32  }
0x213: {  	v61 =	vmov s25;
	v60 =	vadd.s32 s21, v33  }
0x214: {  	v62 =	vshll.u32 v61, $0x3  }
0x215: {  	v36 =	vand.u32 $0x7F, v61;
	v37 =	vand.u32 $0xC00, v62;
	[sflag:s20] =	ssyncset.done $0x0  }
0x216: {  	v36 =	vor.u32 v36, v37;
	[sflag:s20] =	ssyncadd.s32 $0xFFFFF000  }
0x217: {  	v37 =	vor.u32 v1, v36;
	v34 =	vld.idx.msk [tilespmem:v59+s11+$0x0], $0xffff  }
0x218: {  	v36 =	vor.u32 v2, v36;
	v35 =	vld.idx.msk [tilespmem:v60+s11+$0x0], $0xffff;
	_ =	sdelay $0x3  }
0x219: {  	[tilespmem:v37+s28+$0x0] =	vst.idx.msk $0xffff, v34  }
0x21a: {  	vm15 =	vmmov vm0;
	p0 =	seq.s32 s25, $0x1FF;
	[tilespmem:v36+s28+$0x0] =	vst.idx.msk $0xffff, v35  }
0x21b: {  	vm0 =	vmmov vm14;
	vm14 =	vmmov vm13;
	vm13 =	vmmov vm12;
	v34 =	vld @!p0 [tilespmem:s24+$0x0]  }
0x21c: {  	vm12 =	vmmov vm11;
	vm11 =	vmmov vm10;
	vm10 =	vmmov vm9  }
0x21d: {  	vm9 =	vmmov vm8;
	vm8 =	vmmov vm7;
	vm7 =	vmmov vm6  }
0x21e: {  	vm6 =	vmmov vm5;
	vm5 =	vmmov vm4;
	vm4 =	vmmov vm3  }
0x21f: {  	vm3 =	vmmov vm2;
	vm2 =	vmmov vm1;
	vm1 =	vmmov @!p0 $0x1  }
0x220: {  	v35 =	vnsel @!p0 vm1, $0x0, v34  }
0x221: {  	(xrf0) =	vadd.scan.msk.s32 @!p0 $0xffff, v35;
	_ =	sdelay $0x5  }
0x222: {  	v35, _, _ =	vpop @!p0 (xrf0)  }
0x223: {  	(v2sf) =	vpush @!p0 v35, $0xF;
	_ =	sdelay $0x2  }
0x224: {  	vm1 =	vcmask @!p0 $0x308  }
0x225: {  	v35 =	vsel @!p0 vm1, $0x0, v34  }
0x226: {  	(xrf0) =	vadd.scan.msk.s32 @!p0 $0xffff, v35;
	_ =	sdelay $0x5  }
0x227: {  	v35, _, _ =	vpop @!p0 (xrf0)  }
0x228: {  	(v2sf) =	vpush @!p0 v35, $0xF;
	_ =	sdelay $0x2  }
0x229: {  	vm1 =	vcmask @!p0 $0x70C;
	s21 =	spop @!p0 (v2sf)  }
0x22a: {  	v35 =	vsel @!p0 vm1, $0x0, v34;
	s22 =	sand.u32 @!p0 $0x7F, s21  }
0x22b: {  	(xrf0) =	vadd.scan.msk.s32 @!p0 $0xffff, v35;
	p1 =	slt.s32 @!p0 s21, $0x1;
	p2 =	sne.s32 @!p0 s22, $0x0  }
0x22c: {  	s22 =	sshra.s32 @!p0 s21, $0x1F;
	p1 =	por @!p0 !p1, !p2  }
0x22d: {  	s22 =	sshrl.u32 @!p0 s22, $0x19;
	p1 =	por @!p0 !p1, !p1  }
0x22e: {  	s21 =	sadd.s32 @!p0 s22, s21;
	s22 =	simm.s32 @!p0 $0x1;
	p1 =	por !p1, p0  }
0x22f: {  	s21 =	sshrl.u32 @!p0 s21, $0x7;
	s22 =	simm.s32 @p1 $0x0  }
0x230: {  	s21 =	ssub.s32 @!p0 s21, s22  }
0x231: {  	v35, _, _ =	vpop @!p0 (xrf0);
	s21 =	sshll.u32 @!p0 s21, $0x7  }
0x232: {  	s26 =	simm.s32 @!p0 $0x400;
	(v2sf) =	vpush @!p0 v35, $0xF;
	s21 =	sand.u32 @!p0 $0x1FFFFF80, s21  }
0x233: {  	s4 =	simm.s32 @!p0 $0x200;
	s22 =	sadd.s32 @!p0 s0, s21;
	s21 =	simm.s32 @!p0 $0x7A1400  }
0x234: {  	[tilespmem:s4], [sflag:$0x1] =	stream.strided.gather @!p0 [hbm4b:s22+s26], $0x1000, s21, s26, $0x38;
	[tilespmem:$0x14200] =	vst v63  }
0x235: {  	vm1 =	vcmask @!p0 $0xB10;
	s4 =	spop @!p0 (v2sf)  }
0x236: {  	v35 =	vsel @!p0 vm1, $0x0, v34;
	s22 =	sand.u32 @!p0 $0x7F, s4  }
0x237: {  	(xrf0) =	vadd.scan.msk.s32 @!p0 $0xffff, v35;
	p1 =	slt.s32 @!p0 s4, $0x1;
	p2 =	sne.s32 @!p0 s22, $0x0  }
0x238: {  	s22 =	sshra.s32 @!p0 s4, $0x1F;
	p1 =	por @!p0 !p1, !p2  }
0x239: {  	s22 =	sshrl.u32 @!p0 s22, $0x19;
	p1 =	por @!p0 !p1, !p1  }
0x23a: {  	s4 =	sadd.s32 @!p0 s22, s4;
	s22 =	simm.s32 @!p0 $0x1;
	p1 =	por !p1, p0  }
0x23b: {  	s4 =	sshrl.u32 @!p0 s4, $0x7;
	s22 =	simm.s32 @p1 $0x0  }
0x23c: {  	s4 =	ssub.s32 @!p0 s4, s22  }
0x23d: {  	v35, _, _ =	vpop @!p0 (xrf0);
	s4 =	sshll.u32 @!p0 s4, $0x7  }
0x23e: {  	(v2sf) =	vpush @!p0 v35, $0xF;
	s4 =	sand.u32 @!p0 $0x1FFFFF80, s4  }
0x23f: {  	s22 =	simm.s32 @!p0 $0x1200;
	s4 =	sadd.s32 @!p0 s0, s4  }
0x240: {  	[tilespmem:s22], [sflag:$0x2] =	stream.strided.gather @!p0 [hbm4b:s4+s26], $0x1000, s21, s26, $0x38;
	[tilespmem:$0x14200] =	vst v63  }
0x241: {  	vm1 =	vcmask @!p0 $0xF14;
	s4 =	spop @!p0 (v2sf)  }
0x242: {  	v35 =	vsel @!p0 vm1, $0x0, v34;
	s22 =	sand.u32 @!p0 $0x7F, s4  }
0x243: {  	(xrf0) =	vadd.scan.msk.s32 @!p0 $0xffff, v35;
	p1 =	slt.s32 @!p0 s4, $0x1;
	p2 =	sne.s32 @!p0 s22, $0x0  }
0x244: {  	s22 =	sshra.s32 @!p0 s4, $0x1F;
	p1 =	por @!p0 !p1, !p2  }
0x245: {  	s22 =	sshrl.u32 @!p0 s22, $0x19;
	p1 =	por @!p0 !p1, !p1  }
0x246: {  	s4 =	sadd.s32 @!p0 s22, s4;
	s22 =	simm.s32 @!p0 $0x1;
	p1 =	por !p1, p0  }
0x247: {  	s4 =	sshrl.u32 @!p0 s4, $0x7;
	s22 =	simm.s32 @p1 $0x0  }
0x248: {  	s4 =	ssub.s32 @!p0 s4, s22  }
0x249: {  	v35, _, _ =	vpop @!p0 (xrf0);
	s4 =	sshll.u32 @!p0 s4, $0x7  }
0x24a: {  	(v2sf) =	vpush @!p0 v35, $0xF;
	s4 =	sand.u32 @!p0 $0x1FFFFF80, s4  }
0x24b: {  	s22 =	simm.s32 @!p0 $0x2200;
	s4 =	sadd.s32 @!p0 s0, s4  }
0x24c: {  	[tilespmem:s22], [sflag:$0x3] =	stream.strided.gather @!p0 [hbm4b:s4+s26], $0x1000, s21, s26, $0x38;
	[tilespmem:$0x14200] =	vst v63  }
0x24d: {  	vm1 =	vcmask @!p0 $0x1318;
	s4 =	spop @!p0 (v2sf)  }
0x24e: {  	v35 =	vsel @!p0 vm1, $0x0, v34;
	s22 =	sand.u32 @!p0 $0x7F, s4  }
0x24f: {  	(xrf0) =	vadd.scan.msk.s32 @!p0 $0xffff, v35;
	p1 =	slt.s32 @!p0 s4, $0x1;
	p2 =	sne.s32 @!p0 s22, $0x0  }
0x250: {  	s22 =	sshra.s32 @!p0 s4, $0x1F;
	p1 =	por @!p0 !p1, !p2  }
0x251: {  	s22 =	sshrl.u32 @!p0 s22, $0x19;
	p1 =	por @!p0 !p1, !p1  }
0x252: {  	s4 =	sadd.s32 @!p0 s22, s4;
	s22 =	simm.s32 @!p0 $0x1;
	p1 =	por !p1, p0  }
0x253: {  	s4 =	sshrl.u32 @!p0 s4, $0x7;
	s22 =	simm.s32 @p1 $0x0  }
0x254: {  	s4 =	ssub.s32 @!p0 s4, s22  }
0x255: {  	v35, _, _ =	vpop @!p0 (xrf0);
	s4 =	sshll.u32 @!p0 s4, $0x7  }
0x256: {  	(v2sf) =	vpush @!p0 v35, $0xF;
	s4 =	sand.u32 @!p0 $0x1FFFFF80, s4  }
0x257: {  	s22 =	simm.s32 @!p0 $0x3200;
	s4 =	sadd.s32 @!p0 s0, s4  }
0x258: {  	[tilespmem:s22], [sflag:$0x4] =	stream.strided.gather @!p0 [hbm4b:s4+s26], $0x1000, s21, s26, $0x38;
	[tilespmem:$0x14200] =	vst v63  }
0x259: {  	vm1 =	vcmask @!p0 $0x171C;
	s4 =	spop @!p0 (v2sf)  }
0x25a: {  	v35 =	vsel @!p0 vm1, $0x0, v34;
	s22 =	sand.u32 @!p0 $0x7F, s4  }
0x25b: {  	(xrf0) =	vadd.scan.msk.s32 @!p0 $0xffff, v35;
	p1 =	slt.s32 @!p0 s4, $0x1;
	p2 =	sne.s32 @!p0 s22, $0x0  }
0x25c: {  	s22 =	sshra.s32 @!p0 s4, $0x1F;
	p1 =	por @!p0 !p1, !p2  }
0x25d: {  	s22 =	sshrl.u32 @!p0 s22, $0x19;
	p1 =	por @!p0 !p1, !p1  }
0x25e: {  	s4 =	sadd.s32 @!p0 s22, s4;
	s22 =	simm.s32 @!p0 $0x1;
	p1 =	por !p1, p0  }
0x25f: {  	s4 =	sshrl.u32 @!p0 s4, $0x7;
	s22 =	simm.s32 @p1 $0x0  }
0x260: {  	s4 =	ssub.s32 @!p0 s4, s22  }
0x261: {  	v35, _, _ =	vpop @!p0 (xrf0);
	s4 =	sshll.u32 @!p0 s4, $0x7  }
0x262: {  	(v2sf) =	vpush @!p0 v35, $0xF;
	s4 =	sand.u32 @!p0 $0x1FFFFF80, s4  }
0x263: {  	s22 =	simm.s32 @!p0 $0x4200;
	s4 =	sadd.s32 @!p0 s0, s4  }
0x264: {  	[tilespmem:s22], [sflag:$0x5] =	stream.strided.gather @!p0 [hbm4b:s4+s26], $0x1000, s21, s26, $0x38;
	[tilespmem:$0x14200] =	vst v63  }
0x265: {  	vm1 =	vcmask @!p0 $0x1B20;
	s4 =	spop @!p0 (v2sf)  }
0x266: {  	v35 =	vsel @!p0 vm1, $0x0, v34;
	s22 =	sand.u32 @!p0 $0x7F, s4  }
0x267: {  	(xrf0) =	vadd.scan.msk.s32 @!p0 $0xffff, v35;
	p1 =	slt.s32 @!p0 s4, $0x1;
	p2 =	sne.s32 @!p0 s22, $0x0  }
0x268: {  	s22 =	sshra.s32 @!p0 s4, $0x1F;
	p1 =	por @!p0 !p1, !p2  }
0x269: {  	s22 =	sshrl.u32 @!p0 s22, $0x19;
	p1 =	por @!p0 !p1, !p1  }
0x26a: {  	s4 =	sadd.s32 @!p0 s22, s4;
	s22 =	simm.s32 @!p0 $0x1;
	p1 =	por !p1, p0  }
0x26b: {  	s4 =	sshrl.u32 @!p0 s4, $0x7;
	s22 =	simm.s32 @p1 $0x0  }
0x26c: {  	s4 =	ssub.s32 @!p0 s4, s22  }
0x26d: {  	v35, _, _ =	vpop @!p0 (xrf0);
	s4 =	sshll.u32 @!p0 s4, $0x7  }
0x26e: {  	(v2sf) =	vpush @!p0 v35, $0xF;
	s4 =	sand.u32 @!p0 $0x1FFFFF80, s4  }
0x26f: {  	s22 =	simm.s32 @!p0 $0x5200;
	s4 =	sadd.s32 @!p0 s0, s4  }
0x270: {  	[tilespmem:s22], [sflag:$0x6] =	stream.strided.gather @!p0 [hbm4b:s4+s26], $0x1000, s21, s26, $0x38;
	[tilespmem:$0x14200] =	vst v63  }
0x271: {  	vm1 =	vcmask @!p0 $0x1F24;
	s4 =	spop @!p0 (v2sf)  }
0x272: {  	v35 =	vsel @!p0 vm1, $0x0, v34;
	s22 =	sand.u32 @!p0 $0x7F, s4  }
0x273: {  	(xrf0) =	vadd.scan.msk.s32 @!p0 $0xffff, v35;
	p1 =	slt.s32 @!p0 s4, $0x1;
	p2 =	sne.s32 @!p0 s22, $0x0  }
0x274: {  	s22 =	sshra.s32 @!p0 s4, $0x1F;
	p1 =	por @!p0 !p1, !p2  }
0x275: {  	s22 =	sshrl.u32 @!p0 s22, $0x19;
	p1 =	por @!p0 !p1, !p1  }
0x276: {  	s4 =	sadd.s32 @!p0 s22, s4;
	s22 =	simm.s32 @!p0 $0x1;
	p1 =	por !p1, p0  }
0x277: {  	s4 =	sshrl.u32 @!p0 s4, $0x7;
	s22 =	simm.s32 @p1 $0x0  }
0x278: {  	s4 =	ssub.s32 @!p0 s4, s22  }
0x279: {  	v35, _, _ =	vpop @!p0 (xrf0);
	s4 =	sshll.u32 @!p0 s4, $0x7  }
0x27a: {  	(v2sf) =	vpush @!p0 v35, $0xF;
	s4 =	sand.u32 @!p0 $0x1FFFFF80, s4  }
0x27b: {  	s22 =	simm.s32 @!p0 $0x6200;
	s4 =	sadd.s32 @!p0 s0, s4  }
0x27c: {  	[tilespmem:s22], [sflag:$0x7] =	stream.strided.gather @!p0 [hbm4b:s4+s26], $0x1000, s21, s26, $0x38;
	[tilespmem:$0x14200] =	vst v63  }
0x27d: {  	vm1 =	vcmask @!p0 $0x2328;
	s4 =	spop @!p0 (v2sf)  }
0x27e: {  	v35 =	vsel @!p0 vm1, $0x0, v34;
	s22 =	sand.u32 @!p0 $0x7F, s4  }
0x27f: {  	(xrf0) =	vadd.scan.msk.s32 @!p0 $0xffff, v35;
	p1 =	slt.s32 @!p0 s4, $0x1;
	p2 =	sne.s32 @!p0 s22, $0x0  }
0x280: {  	s22 =	sshra.s32 @!p0 s4, $0x1F;
	p1 =	por @!p0 !p1, !p2  }
0x281: {  	s22 =	sshrl.u32 @!p0 s22, $0x19;
	p1 =	por @!p0 !p1, !p1  }
0x282: {  	s4 =	sadd.s32 @!p0 s22, s4;
	s22 =	simm.s32 @!p0 $0x1;
	p1 =	por !p1, p0  }
0x283: {  	s4 =	sshrl.u32 @!p0 s4, $0x7;
	s22 =	simm.s32 @p1 $0x0  }
0x284: {  	s4 =	ssub.s32 @!p0 s4, s22  }
0x285: {  	v35, _, _ =	vpop @!p0 (xrf0);
	s4 =	sshll.u32 @!p0 s4, $0x7  }
0x286: {  	(v2sf) =	vpush @!p0 v35, $0xF;
	s4 =	sand.u32 @!p0 $0x1FFFFF80, s4  }
0x287: {  	s22 =	simm.s32 @!p0 $0x7200;
	s4 =	sadd.s32 @!p0 s0, s4  }
0x288: {  	[tilespmem:s22], [sflag:$0x8] =	stream.strided.gather @!p0 [hbm4b:s4+s26], $0x1000, s21, s26, $0x38;
	[tilespmem:$0x14200] =	vst v63  }
0x289: {  	vm1 =	vcmask @!p0 $0x272C;
	s4 =	spop @!p0 (v2sf)  }
0x28a: {  	v35 =	vsel @!p0 vm1, $0x0, v34;
	s22 =	sand.u32 @!p0 $0x7F, s4  }
0x28b: {  	(xrf0) =	vadd.scan.msk.s32 @!p0 $0xffff, v35;
	p1 =	slt.s32 @!p0 s4, $0x1;
	p2 =	sne.s32 @!p0 s22, $0x0  }
0x28c: {  	s22 =	sshra.s32 @!p0 s4, $0x1F;
	p1 =	por @!p0 !p1, !p2  }
0x28d: {  	s22 =	sshrl.u32 @!p0 s22, $0x19;
	p1 =	por @!p0 !p1, !p1  }
0x28e: {  	s4 =	sadd.s32 @!p0 s22, s4;
	s22 =	simm.s32 @!p0 $0x1;
	p1 =	por !p1, p0  }
0x28f: {  	s4 =	sshrl.u32 @!p0 s4, $0x7;
	s22 =	simm.s32 @p1 $0x0  }
0x290: {  	s4 =	ssub.s32 @!p0 s4, s22  }
0x291: {  	v35, _, _ =	vpop @!p0 (xrf0);
	s4 =	sshll.u32 @!p0 s4, $0x7  }
0x292: {  	(v2sf) =	vpush @!p0 v35, $0xF;
	s4 =	sand.u32 @!p0 $0x1FFFFF80, s4  }
0x293: {  	s22 =	simm.s32 @!p0 $0x8200;
	s4 =	sadd.s32 @!p0 s0, s4  }
0x294: {  	[tilespmem:s22], [sflag:$0x9] =	stream.strided.gather @!p0 [hbm4b:s4+s26], $0x1000, s21, s26, $0x38;
	[tilespmem:$0x14200] =	vst v63  }
0x295: {  	vm1 =	vcmask @!p0 $0x2B30;
	s4 =	spop @!p0 (v2sf)  }
0x296: {  	v35 =	vsel @!p0 vm1, $0x0, v34;
	s22 =	sand.u32 @!p0 $0x7F, s4  }
0x297: {  	(xrf0) =	vadd.scan.msk.s32 @!p0 $0xffff, v35;
	p1 =	slt.s32 @!p0 s4, $0x1;
	p2 =	sne.s32 @!p0 s22, $0x0  }
0x298: {  	s22 =	sshra.s32 @!p0 s4, $0x1F;
	p1 =	por @!p0 !p1, !p2  }
0x299: {  	s22 =	sshrl.u32 @!p0 s22, $0x19;
	p1 =	por @!p0 !p1, !p1  }
0x29a: {  	s4 =	sadd.s32 @!p0 s22, s4;
	s22 =	simm.s32 @!p0 $0x1;
	p1 =	por !p1, p0  }
0x29b: {  	s4 =	sshrl.u32 @!p0 s4, $0x7;
	s22 =	simm.s32 @p1 $0x0  }
0x29c: {  	s4 =	ssub.s32 @!p0 s4, s22  }
0x29d: {  	v35, _, _ =	vpop @!p0 (xrf0);
	s4 =	sshll.u32 @!p0 s4, $0x7  }
0x29e: {  	(v2sf) =	vpush @!p0 v35, $0xF;
	s4 =	sand.u32 @!p0 $0x1FFFFF80, s4  }
0x29f: {  	s22 =	simm.s32 @!p0 $0x9200;
	s4 =	sadd.s32 @!p0 s0, s4  }
0x2a0: {  	[tilespmem:s22], [sflag:$0xA] =	stream.strided.gather @!p0 [hbm4b:s4+s26], $0x1000, s21, s26, $0x38;
	[tilespmem:$0x14200] =	vst v63  }
0x2a1: {  	vm1 =	vcmask @!p0 $0x2F34;
	s4 =	spop @!p0 (v2sf)  }
0x2a2: {  	v35 =	vsel @!p0 vm1, $0x0, v34;
	s22 =	sand.u32 @!p0 $0x7F, s4  }
0x2a3: {  	(xrf0) =	vadd.scan.msk.s32 @!p0 $0xffff, v35;
	p1 =	slt.s32 @!p0 s4, $0x1;
	p2 =	sne.s32 @!p0 s22, $0x0  }
0x2a4: {  	s22 =	sshra.s32 @!p0 s4, $0x1F;
	p1 =	por @!p0 !p1, !p2  }
0x2a5: {  	s22 =	sshrl.u32 @!p0 s22, $0x19;
	p1 =	por @!p0 !p1, !p1  }
0x2a6: {  	s4 =	sadd.s32 @!p0 s22, s4;
	s22 =	simm.s32 @!p0 $0x1;
	p1 =	por !p1, p0  }
0x2a7: {  	s4 =	sshrl.u32 @!p0 s4, $0x7;
	s22 =	simm.s32 @p1 $0x0  }
0x2a8: {  	s4 =	ssub.s32 @!p0 s4, s22  }
0x2a9: {  	v35, _, _ =	vpop @!p0 (xrf0);
	s4 =	sshll.u32 @!p0 s4, $0x7  }
0x2aa: {  	(v2sf) =	vpush @!p0 v35, $0xF;
	s4 =	sand.u32 @!p0 $0x1FFFFF80, s4  }
0x2ab: {  	s22 =	simm.s32 @!p0 $0xA200;
	s4 =	sadd.s32 @!p0 s0, s4  }
0x2ac: {  	[tilespmem:s22], [sflag:$0xB] =	stream.strided.gather @!p0 [hbm4b:s4+s26], $0x1000, s21, s26, $0x38;
	[tilespmem:$0x14200] =	vst v63  }
0x2ad: {  	vm1 =	vcmask @!p0 $0x3338;
	s4 =	spop @!p0 (v2sf)  }
0x2ae: {  	v35 =	vsel @!p0 vm1, $0x0, v34;
	s22 =	sand.u32 @!p0 $0x7F, s4  }
0x2af: {  	(xrf0) =	vadd.scan.msk.s32 @!p0 $0xffff, v35;
	p1 =	slt.s32 @!p0 s4, $0x1;
	p2 =	sne.s32 @!p0 s22, $0x0  }
0x2b0: {  	s22 =	sshra.s32 @!p0 s4, $0x1F;
	p1 =	por @!p0 !p1, !p2  }
0x2b1: {  	s22 =	sshrl.u32 @!p0 s22, $0x19;
	p1 =	por @!p0 !p1, !p1  }
0x2b2: {  	s4 =	sadd.s32 @!p0 s22, s4;
	s22 =	simm.s32 @!p0 $0x1;
	p1 =	por !p1, p0  }
0x2b3: {  	s4 =	sshrl.u32 @!p0 s4, $0x7;
	s22 =	simm.s32 @p1 $0x0  }
0x2b4: {  	s4 =	ssub.s32 @!p0 s4, s22  }
0x2b5: {  	v35, _, _ =	vpop @!p0 (xrf0);
	s4 =	sshll.u32 @!p0 s4, $0x7  }
0x2b6: {  	(v2sf) =	vpush @!p0 v35, $0xF;
	s4 =	sand.u32 @!p0 $0x1FFFFF80, s4  }
0x2b7: {  	vm1 =	vcmask @!p0 $0x373C;
	s22 =	simm.s32 @!p0 $0xB200;
	s4 =	sadd.s32 @!p0 s0, s4  }
0x2b8: {  	v35 =	vsel @!p0 vm1, $0x0, v34;
	[tilespmem:s22], [sflag:$0xC] =	stream.strided.gather @!p0 [hbm4b:s4+s26], $0x1000, s21, s26, $0x38;
	[tilespmem:$0x14200] =	vst v63  }
0x2b9: {  	(xrf0) =	vadd.scan.msk.s32 @!p0 $0xffff, v35;
	s4 =	spop @!p0 (v2sf)  }
0x2ba: {  	s22 =	sand.u32 @!p0 $0x7F, s4  }
0x2bb: {  	p1 =	slt.s32 @!p0 s4, $0x1;
	p2 =	sne.s32 @!p0 s22, $0x0  }
0x2bc: {  	s22 =	sshra.s32 @!p0 s4, $0x1F;
	p1 =	por @!p0 !p1, !p2  }
0x2bd: {  	s22 =	sshrl.u32 @!p0 s22, $0x19;
	p1 =	por @!p0 !p1, !p1  }
0x2be: {  	s4 =	sadd.s32 @!p0 s22, s4;
	s22 =	simm.s32 @!p0 $0x1;
	p1 =	por !p1, p0  }
0x2bf: {  	v35, _, _ =	vpop @!p0 (xrf0);
	s4 =	sshrl.u32 @!p0 s4, $0x7;
	s22 =	simm.s32 @p1 $0x0  }
0x2c0: {  	(v2sf) =	vpush @!p0 v35, $0xF;
	s4 =	ssub.s32 @!p0 s4, s22  }
0x2c1: {  	s4 =	sshll.u32 @!p0 s4, $0x7  }
0x2c2: {  	s4 =	sand.u32 @!p0 $0x1FFFFF80, s4  }
0x2c3: {  	s22 =	simm.s32 @!p0 $0xC200;
	s4 =	sadd.s32 @!p0 s0, s4  }
0x2c4: {  	vm1 =	vmmov @!p0 $0x7fff;
	[tilespmem:s22], [sflag:$0xD] =	stream.strided.gather @!p0 [hbm4b:s4+s26], $0x1000, s21, s26, $0x38;
	[tilespmem:$0x14200] =	vst v63  }
0x2c5: {  	v34 =	vsel @!p0 vm1, $0x0, v34;
	s4 =	spop @!p0 (v2sf)  }
0x2c6: {  	(xrf0) =	vadd.scan.msk.s32 @!p0 $0xffff, v34;
	s22 =	sand.u32 @!p0 $0x7F, s4  }
0x2c7: {  	p1 =	slt.s32 @!p0 s4, $0x1;
	p2 =	sne.s32 @!p0 s22, $0x0  }
0x2c8: {  	s22 =	sshra.s32 @!p0 s4, $0x1F;
	p1 =	por @!p0 !p1, !p2  }
0x2c9: {  	s22 =	sshrl.u32 @!p0 s22, $0x19;
	p1 =	por @!p0 !p1, !p1  }
0x2ca: {  	s4 =	sadd.s32 @!p0 s22, s4;
	s22 =	simm.s32 @!p0 $0x1;
	p1 =	por !p1, p0  }
0x2cb: {  	s4 =	sshrl.u32 @!p0 s4, $0x7;
	s22 =	simm.s32 @p1 $0x0  }
0x2cc: {  	v34, _, _ =	vpop @!p0 (xrf0);
	s4 =	ssub.s32 @!p0 s4, s22  }
0x2cd: {  	(v2sf) =	vpush @!p0 v34, $0xF;
	s4 =	sshll.u32 @!p0 s4, $0x7  }
0x2ce: {  	s4 =	sand.u32 @!p0 $0x1FFFFF80, s4  }
0x2cf: {  	s5 =	simm.s32 @!p0 $0xD200;
	s22 =	spop @!p0 (v2sf);
	s4 =	sadd.s32 @!p0 s0, s4  }
0x2d0: {  	[tilespmem:s5], [sflag:$0xE] =	stream.strided.gather @!p0 [hbm4b:s4+s26], $0x1000, s21, s26, $0x38;
	[tilespmem:$0x14200] =	vst v63  }
0x2d1: {  	s4 =	sand.u32 @!p0 $0x7F, s22  }
0x2d2: {  	p1 =	slt.s32 @!p0 s22, $0x1;
	p2 =	sne.s32 @!p0 s4, $0x0  }
0x2d3: {  	s4 =	sshra.s32 @!p0 s22, $0x1F;
	p1 =	por @!p0 !p1, !p2  }
0x2d4: {  	s4 =	sshrl.u32 @!p0 s4, $0x19;
	p1 =	por @!p0 !p1, !p1  }
0x2d5: {  	s5 =	simm.s32 @!p0 $0x1;
	s4 =	sadd.s32 @!p0 s4, s22;
	p1 =	por !p1, p0  }
0x2d6: {  	s4 =	sshrl.u32 @!p0 s4, $0x7;
	s5 =	simm.s32 @p1 $0x0  }
0x2d7: {  	s4 =	ssub.s32 @!p0 s4, s5  }
0x2d8: {  	s4 =	sshll.u32 @!p0 s4, $0x7  }
0x2d9: {  	s4 =	sand.u32 @!p0 $0x1FFFFF80, s4  }
0x2da: {  	s5 =	simm.s32 @!p0 $0xE200;
	s4 =	sadd.s32 @!p0 s0, s4  }
0x2db: {  	[tilespmem:s5], [sflag:$0xF] =	stream.strided.gather @!p0 [hbm4b:s4+s26], $0x1000, s21, s26, $0x38;
	[tilespmem:$0x14200] =	vst v63  }
0x2dc: {  	s4 =	spop @!p0 (v2sf)  }
0x2dd: {  	s5 =	sand.u32 @!p0 $0x7F, s4  }
0x2de: {  	p1 =	slt.s32 @!p0 s4, $0x1;
	p2 =	sne.s32 @!p0 s5, $0x0  }
0x2df: {  	p1 =	por @!p0 !p1, !p2  }
0x2e0: {  	s25 =	sadd.s32 @!p0 $0x10, s25;
	s5 =	sshra.s32 @!p0 s4, $0x1F;
	p1 =	por @!p0 !p1, !p1  }
0x2e1: {  	s22 =	simm.s32 @!p0 $0x1;
	s5 =	sshrl.u32 @!p0 s5, $0x19;
	p1 =	por !p1, p0  }
0x2e2: {  	s4 =	sadd.s32 @!p0 s5, s4;
	s22 =	simm.s32 @p1 $0x0;
	p1 =	sne.s32 @!p0 s25, $0x20F  }
0x2e3: {  	v63 =	vld [tilespmem:$0x1FFF0];
	vm1 =	vmmov vm2;
	s4 =	sshrl.u32 @!p0 s4, $0x7;
	p1 =	por p0, !p1  }
.Ltmp0:
0x2e4: {  	vm2 =	vmmov vm3;
	vm3 =	vmmov vm4;
	vm4 =	vmmov vm5;
	s4 =	ssub.s32 @!p0 s4, s22;
	(pc) =	sbr.rel @!p1 .LBB2_2-.Ltmp0, $4  }
0x2e5: {  	vm5 =	vmmov vm6;
	vm6 =	vmmov vm7;
	vm7 =	vmmov vm8;
	s4 =	sshll.u32 @!p0 s4, $0x7  }
0x2e6: {  	vm8 =	vmmov vm9;
	vm9 =	vmmov vm10;
	vm10 =	vmmov vm11;
	s4 =	sand.u32 @!p0 $0x1FFFFF80, s4  }
0x2e7: {  	s24 =	sadd.s32 @!p0 $0x10, s24;
	vm11 =	vmmov vm12;
	vm12 =	vmmov vm13;
	vm13 =	vmmov vm14;
	s5 =	simm.s32 @!p0 $0xF200;
	s4 =	sadd.s32 @!p0 s0, s4  }
0x2e8: {  	vm14 =	vmmov vm0;
	vm0 =	vmmov vm15;
	vm15 =	vnez.u8 v63;
	[tilespmem:s5], [sflag:$0x10] =	stream.strided.gather @!p0 [hbm4b:s4+s26], $0x1000, s21, s26, $0x38;
	[tilespmem:$0x14200] =	vst v63  }
0x2e9: {  	s23 =	sadd.s32 $0x1, s23  }
0x2ea: {  	s4 =	rddreg [dreg:$0x5];
	p0 =	sne.s32 s23, s6  }
.Ltmp1:
0x2eb: {  	s5 =	simm.s32 $0x1000;
	s21 =	simm.s32 $0x20000;
	(pc) =	sbr.rel @p0 .LBB2_1-.Ltmp1, $4  }
0x2ec: {  	[hbm4b:s4+s5] =	stream.strided.scatter [tilespmem:s28], [sflag:$0x11], $0x4000, s21, s5, $0x38;
	[tilespmem:$0x14200] =	vst v63  }
0x2ed: {  	_ =	swait.ge [sflag:s7], $0x4000  }
0x2ee: {  	[sflag:s7] =	ssyncset.done $0x0  }
0x2ef: {  	[sflag:s7] =	ssyncadd.s32 $0xFFFFC000  }
0x2f0: {  	_ =	sfence.sel $0x180000  }
0x2f1: {  	[bflag:$0x0] =	sbarrier.arrive $0xFFFF  }
0x2f2: {  	_ =	strace $0x9000004A  }
0x2f3: {  	s0 =	stileid.u32;
	[bflag:$0x2] =	sbarrier.arrive $0xFFFF  }
0x2f4: {  	p0 =	sne.s32 s0, $0x0;
	s0 =	rddreg [dreg:$0x3]  }
0x2f5: {  	s0 =	sadd.s32 @!p0 $0x100000, s0  }
0x2f6: {  	[sflag:s0] =	ssyncadd.tile.s32 @!p0 $0x1;
	_ =	shalt  }
.Lfunc_end2:
_tile_overlayer_lowered:
.L_overlay_start_2:
0x2f7: {  	(tag) =	ssettag $0x2  }
0x2f8: {  	s0 =	rddreg [dreg:$0x0];
	s2 =	stileid.u32  }
0x2f9: {  	s1 =	rddreg [dreg:$0x1];
	p0 =	sne.s32 s2, $0x0  }
0x2fa: {  	s3 =	rddreg [dreg:$0x2];
	[bflag:$0x3] =	sbarrier.arrive $0xFFFF;
	s2 =	simm.s32 @!p0 $0x1C11  }
0x2fb: {  	[timem:s3], [sflag:s2] =	dma.local @!p0 [hbm:s0], s1  }
0x2fc: {  	s0 =	simm.s32 @!p0 $0x11  }
0x2fd: {  	_ =	swait.ge @!p0 [sflag:s0], s1  }
0x2fe: {  	s1 =	ssub.s32 @!p0 $0x0, s1;
	[sflag:s0] =	ssyncset.done @!p0 $0x0  }
0x2ff: {  	[sflag:s0] =	ssyncadd.s32 @!p0 s1  }
0x300: {  	[bflag:$0x3] =	sbarrier.arrive $0xFFFF  }
0x301: {  	_ =	shalt  }

// kernel: kernel.7.cloned.1.call-start
scs
__scs_entry_jumppad:
0x0: {  	(pc) =	sbr.rel $0x88, $3  }
0x1: {  	(tag) =	ssettag $0x0;
	lr =	simm.s32 $0x1  }
0x2: {  	[smem:$0x3F9B] =	sst lr;
	_ =	strace $0xD0000000  }
0x3: {  	_ = 	snop  }
0x4: {  	_ = 	snop  }
0x5: {  	_ = 	snop  }
0x6: {  	_ = 	snop  }
0x7: {  	_ = 	snop  }
__scs_overlays_trampoline_lowered:
0x8: {  	[smem:$0x3FAA] =	sst s0  }
0x9: {  	[smem:$0x3FAB] =	sst s1  }
0xa: {  	[smem:$0x3FAC] =	sst s2  }
0xb: {  	[smem:$0x3FAD] =	sst s3  }
0xc: {  	[smem:$0x3FAE] =	sst s4  }
0xd: {  	[smem:$0x3FAF] =	sst s5  }
0xe: {  	[smem:$0x3FB0] =	sst s6  }
0xf: {  	[smem:$0x3FB1] =	sst s7  }
0x10: {  	[smem:$0x3FB2] =	sst s8  }
0x11: {  	[smem:$0x3FB3] =	sst s9;
	s0 =	simm.s32 @!p0 $0x0  }
0x12: {  	s1 =	sld [smem:$0x3F99];
	s0 =	simm.s32 @p0 $0x1  }
0x13: {  	[smem:$0x3FB4] =	sst s0;
	s0 =	simm.s32 @!p1 $0x0  }
0x14: {  	s2 =	sld [smem:$0x3F98];
	s0 =	simm.s32 @p1 $0x1  }
0x15: {  	[smem:$0x3FB5] =	sst s0;
	s0 =	simm.s32 @!p2 $0x0  }
0x16: {  	s3 =	sld [smem:$0x3FDB];
	s0 =	simm.s32 @p2 $0x1  }
0x17: {  	s4 =	simm.s32 $0x1BF5;
	[smem:$0x3FB7] =	sst s0  }
0x18: {  	s0 =	sld [smem:$0x3F9A];
	_ =	swait.ge [sflag:s4], $0x0  }
0x19: {  	s7 =	sld [smem:$0x3F9B]  }
0x1a: {  	s8 =	sadd.s32 $0xFFFFE003, lr  }
0x1b: {  	s9 =	sadd.s32 $0xFFFFFEF7, lr;
	s5 =	simm.s32 $0xFFFFFFFF;
	p2 =	slt.u32 s8, $0xFFFFF086  }
0x1c: {  	p1 =	slt.u32 s9, $0xF7A;
	s5 =	simm.s32 @!p2 $0x0  }
0x1d: {  	s5 =	simm.s32 @p1 $0x1;
	p0 =	seq.s32 s7, s2  }
0x1e: {  	s7 =	smul.u32 @!p0 $0xF7A, s2;
	p2 =	seq.s32 @!p0 s5, $0x0  }
0x1f: {  	s9 =	smul.u32 $0xF7A, s1;
	s8 =	simm.s32 @!p0 $0x1BF5;
	p2 =	por !p2, p0  }
0x20: {  	[sflag:s8] =	ssyncset.s32 @!p0 $0xFFFFF086;
	s6 =	sadd.s32 @!p0 s3, s7;
	s7 =	simm.s32 @!p0 $0x108  }
0x21: {  	s3 =	sadd.s32 s3, s9;
	s6 =	sadd.s32 @!p0 $0x88, s6;
	s7 =	simm.s32 @p2 $0x1082  }
0x22: {  	[simem:s7], [sflag:s8] =	dma.local @!p0 [hbm:s6], $0xF7A  }
0x23: {  	s9 =	sor.u32 $0xD0000000, s2;
	s6 =	simm.s32 $0x108;
	_ =	swait.ge @!p0 [sflag:s8], $0x0  }
0x24: {  	s3 =	sadd.s32 $0x88, s3;
	s6 =	simm.s32 @!p1 $0x1082;
	[sflag:s4] =	ssyncset.s32 $0xFFFFF086  }
0x25: {  	[simem:s6], [sflag:s4] =	dma.local [hbm:s3], $0xF7A  }
0x26: {  	[smem:$0x3F9B] =	sst s1;
	(tag) =	ssettag s2;
	_ =	strace s9  }
0x27: {  	s1 =	sld [smem:$0x3FAB]  }
0x28: {  	s2 =	sld [smem:$0x3FAC]  }
0x29: {  	s4 =	sld [smem:$0x3FAE]  }
0x2a: {  	p0 =	seq.s32 s5, $0x0;
	s5 =	sld [smem:$0x3FAF]  }
0x2b: {  	s6 =	sld [smem:$0x3FB0]  }
0x2c: {  	s7 =	sld [smem:$0x3FB1]  }
0x2d: {  	s3 =	simm.s32 $0x108;
	s8 =	sld [smem:$0x3FB2]  }
0x2e: {  	s3 =	simm.s32 @!p0 $0x1082;
	s9 =	sld [smem:$0x3FB3]  }
0x2f: {  	lr =	sadd.s32 s0, s3;
	s0 =	sld [smem:$0x3FAA]  }
0x30: {  	s3 =	sld [smem:$0x3FAD]  }
0x31: {  	[smem:$0x3FB6] =	sst s10  }
0x32: {  	s10 =	sld [smem:$0x3FB4];
	_ =	sdelay $0x3  }
0x33: {  	p0 =	seq.s32 s10, $0x1;
	s10 =	sld [smem:$0x3FB6];
	_ =	sdelay $0x3  }
0x34: {  	[smem:$0x3FB6] =	sst s10  }
0x35: {  	s10 =	sld [smem:$0x3FB5];
	_ =	sdelay $0x3  }
0x36: {  	p1 =	seq.s32 s10, $0x1;
	s10 =	sld [smem:$0x3FB6];
	_ =	sdelay $0x3  }
0x37: {  	[smem:$0x3FB6] =	sst s10  }
0x38: {  	s10 =	sld [smem:$0x3FB7]  }
0x39: {  	_ = 	snop;
	(pc) =	sbr.ind lr, $3  }
0x3a: {  	_ = 	snop  }
0x3b: {  	_ = 	snop  }
0x3c: {  	p2 =	seq.s32 s10, $0x1;
	s10 =	sld [smem:$0x3FB6]  }
0x3d: {  	_ =	shalt  }
0x3e: {  	_ =	shalt  }
0x3f: {  	_ =	shalt  }
0x40: {  	_ =	shalt  }
0x41: {  	_ =	shalt  }
0x42: {  	_ =	shalt  }
0x43: {  	_ =	shalt  }
0x44: {  	_ =	shalt  }
0x45: {  	_ =	shalt  }
0x46: {  	_ =	shalt  }
0x47: {  	_ =	shalt  }
0x48: {  	_ =	shalt  }
0x49: {  	_ =	shalt  }
0x4a: {  	_ =	shalt  }
0x4b: {  	_ =	shalt  }
0x4c: {  	_ =	shalt  }
0x4d: {  	_ =	shalt  }
0x4e: {  	_ =	shalt  }
0x4f: {  	_ =	shalt  }
0x50: {  	_ =	shalt  }
0x51: {  	_ =	shalt  }
0x52: {  	_ =	shalt  }
0x53: {  	_ =	shalt  }
0x54: {  	_ =	shalt  }
0x55: {  	_ =	shalt  }
0x56: {  	_ =	shalt  }
0x57: {  	_ =	shalt  }
0x58: {  	_ =	shalt  }
0x59: {  	_ =	shalt  }
0x5a: {  	_ =	shalt  }
0x5b: {  	_ =	shalt  }
0x5c: {  	_ =	shalt  }
0x5d: {  	_ =	shalt  }
0x5e: {  	_ =	shalt  }
0x5f: {  	_ =	shalt  }
0x60: {  	_ =	shalt  }
0x61: {  	_ =	shalt  }
0x62: {  	_ =	shalt  }
0x63: {  	_ =	shalt  }
0x64: {  	_ =	shalt  }
0x65: {  	_ =	shalt  }
0x66: {  	_ =	shalt  }
0x67: {  	_ =	shalt  }
0x68: {  	_ =	shalt  }
0x69: {  	_ =	shalt  }
0x6a: {  	_ =	shalt  }
0x6b: {  	_ =	shalt  }
0x6c: {  	_ =	shalt  }
0x6d: {  	_ =	shalt  }
0x6e: {  	_ =	shalt  }
0x6f: {  	_ =	shalt  }
0x70: {  	_ =	shalt  }
0x71: {  	_ =	shalt  }
0x72: {  	_ =	shalt  }
0x73: {  	_ =	shalt  }
0x74: {  	_ =	shalt  }
0x75: {  	_ =	shalt  }
0x76: {  	_ =	shalt  }
0x77: {  	_ =	shalt  }
0x78: {  	_ =	shalt  }
0x79: {  	_ =	shalt  }
0x7a: {  	_ =	shalt  }
0x7b: {  	_ =	shalt  }
0x7c: {  	_ =	shalt  }
0x7d: {  	_ =	shalt  }
0x7e: {  	_ =	shalt  }
0x7f: {  	_ =	shalt  }
0x80: {  	_ =	shalt  }
0x81: {  	_ =	shalt  }
0x82: {  	_ =	shalt  }
0x83: {  	_ =	shalt  }
0x84: {  	_ =	shalt  }
0x85: {  	_ =	shalt  }
0x86: {  	_ =	shalt  }
0x87: {  	_ =	shalt  }
.Lfunc_end0:
.L_simem_size_0:
called_computation.1_lowered:
.L_overlay_start_0:
0x88: {  	s2 =	sld [smem:$0x3FD9]  }
0x89: {  	s3 =	sld [smem:$0x3FFE];
	_ =	sdelay $0x1  }
0x8a: {  	s1 =	srdreg.scid  }
0x8b: {  	s0 =	sand.u32 $0x1, s1  }
0x8c: {  	s17 =	sshll.u32 s0, $0xA;
	s2 =	sadd.s32 s3, s2  }
0x8d: {  	s2 =	sadd.s32 s2, s17  }
0x8e: {  	[smem:$0x3FC2] =	sst s2  }
0x8f: {  	_ = 	snop  }
0x90: {  	s2 =	sld [smem:$0x3FC8]  }
0x91: {  	s18 =	sld [smem:$0x3FC7]  }
0x92: {  	s4 =	sld [smem:$0x3FD0];
	(tm) =	ssettm $0x1  }
0x93: {  	s5 =	sld [smem:$0x3FFB];
	_ =	sdelay $0x3  }
0x94: {  	_ =	strace s5  }
0x95: {  	s5 =	sld [smem:$0x3FFC];
	_ =	sdelay $0x3  }
0x96: {  	_ =	strace s5  }
0x97: {  	s5 =	sld [smem:$0x3FFD];
	_ =	sdelay $0x3  }
0x98: {  	_ =	strace s5  }
0x99: {  	_ =	strace $0x8FFFFFFF  }
0x9a: {  	s19 =	sld [smem:$0x3FDB];
	_ =	sdelay $0x1  }
0x9b: {  	s6 =	simm.s32 $_scs_section_size  }
0x9c: {  	s7 =	simm.s32 $_size__tile_overlayer_lowered;
	s8 =	simm.s32 $_tile_overlayer_lowered  }
0x9d: {  	s22 =	simm.s32 $0x1BFF;
	s21 =	sshll.u32 s8, $0x1;
	s5 =	sadd.s32 s6, s19  }
0x9e: {  	s9 =	simm.s32 $0x0;
	s20 =	sshll.u32 s7, $0x1;
	s7 =	sadd.s32 s21, s5  }
0x9f: {  	[timem:s9], [sflag:s22] =	dma.local [hbm:s7], s20  }
0xa0: {  	_ =	swait.ge [sflag:s22], s20  }
0xa1: {  	s6 =	ssub.s32 $0x0, s20;
	[sflag:s22] =	ssyncset.done $0x0  }
0xa2: {  	[sflag:s22] =	ssyncadd.s32 s6;
	_ =	sdelay $0x1  }
0xa3: {  	s23 =	simm.s32 $0x1B8B  }
0xa4: {  	_ =	swait.ge [sflag:s23], $0x1  }
0xa5: {  	[sflag:s23] =	ssyncset.done $0x0  }
0xa6: {  	s25 =	simm.s32 $0x1B8E;
	s24 =	sld [smem:$0x3FFE];
	[sflag:s23] =	ssyncadd.s32 $0xFFFFFFFF  }
0xa7: {  	s26 =	simm.s32 $execute0_lowered;
	[smem:$0x3FD2] =	sst s25  }
0xa8: {  	s7 =	sshll.u32 s26, $0x1;
	_ =	strace $0x80000046;
	[dreg:$0x1] =	wrdreg $0xFFFFFFFF  }
0xa9: {  	s28 =	simm.s32 $_size_execute0_lowered;
	s5 =	sadd.s32 s5, s7;
	[dreg:$0x0] =	wrdreg $0x0  }
0xaa: {  	s7 =	sshll.u32 s28, $0x1;
	[dreg:$0x2] =	wrdreg s5  }
0xab: {  	[dreg:$0x3] =	wrdreg s7  }
0xac: {  	[dreg:$0x4] =	wrdreg $0xC0  }
0xad: {  	_ =	task [dreg:s9], $0x5FFFF  }
0xae: {  	[dreg:$0x1] =	wrdreg $0xFFFFFFFF  }
0xaf: {  	[dreg:$0x0] =	wrdreg $0x60  }
0xb0: {  	[dreg:$0x2] =	wrdreg s2  }
0xb1: {  	[dreg:$0x3] =	wrdreg s18  }
0xb2: {  	[dreg:$0x4] =	wrdreg s24  }
0xb3: {  	[dreg:$0x5] =	wrdreg s4  }
0xb4: {  	[dreg:$0x6] =	wrdreg $0xA  }
0xb5: {  	_ =	task.clear_ibuf [dreg:s9], $0x7FFFF;
	_ =	strace $0x90000046  }
0xb6: {  	s29 =	simm.s32 $0xA;
	_ =	strace $0x80000048  }
0xb7: {  	_ =	swait.ge [sflag:s29], $0x1  }
0xb8: {  	[sflag:s29] =	ssyncadd.s32 $0xFFFFFFFF  }
0xb9: {  	_ =	strace $0x90000048  }
0xba: {  	_ =	sfence  }
0xbb: {  	s30 =	sld [smem:$0x0];
	_ =	sdelay $0x2  }
0xbc: {  	s31 =	sshll.u32 s1, $0xD;
	s1 =	sshrl.u32 s1, $0x2  }
0xbd: {  	s3 =	sand.u32 $0x4000, s31;
	s1 =	sadd.s32 s1, s30  }
0xbe: {  	s0 =	sor.u32 s3, s0;
	s1 =	sshll.u32 s1, $0x11  }
0xbf: {  	s0 =	sor.u32 s1, s0  }
0xc0: {  	s0 =	sadd.s32 $0x8F2B, s0  }
0xc1: {  	[sflag:s0] =	ssyncadd.remote.s32 $0x1  }
0xc2: {  	_ =	sfence.sel $0xFFFF  }
0xc3: {  	[dreg:$0x0] =	wrdreg $0xFFFFFFFF;
	(pc) =	sbr.abs _section_cstart, $3  }
0xc4: {  	[dreg:$0x1] =	wrdreg $0xFFFFFFFF  }
0xc5: {  	_ =	task.clear_ibuf [dreg:s9], $0x2FFFF;
	_ =	strace $0x9FFFFFFF  }
0xc6: {  	(tm) =	ssettm $0x7FFFFFFF  }
0xc7: {  	_ =	shalt  }
tec
execute0_lowered:
.L_overlay_start_1:
0x0: {  	(tag) =	ssettag $0x1  }
0x1: {  	s6 =	rddreg [dreg:$0x0]  }
0x2: {  	s7 =	rddreg [dreg:$0x1];
	s4 =	srdreg.scid  }
0x3: {  	s0 =	rddreg [dreg:$0x2];
	s1 =	stileid.u32;
	s4 =	sand.u32 $0x1, s4  }
0x4: {  	s2 =	rddreg [dreg:$0x3];
	s5 =	sshll.u32 s1, $0x1;
	s8 =	ssub.s32 $0x2, s4  }
0x5: {  	s3 =	simm.s32 $0x0;
	s9 =	sor.u32 s4, s5;
	s10 =	sshrl.u32 s8, $0x1  }
0x6: {  	[smem:$0x7FF] =	sst s3;
	s11 =	sshll.u32 s9, $0x6;
	s1 =	ssub.s32 s8, s10  }
0x7: {  	_ =	strace $0x80000047;
	s6 =	sadd.s32 s6, s11;
	[dreg:$0x7] =	wrdreg s1  }
0x8: {  	s4 =	sadd.s32 $0x187400, s0;
	s7 =	sadd.s32 s7, s11;
	[dreg:$0x5] =	wrdreg s6  }
0x9: {  	s5 =	sadd.s32 $0xA00, s0;
	s6 =	sshll.u32 s9, $0xA;
	[dreg:$0x6] =	wrdreg s7  }
0xa: {  	s8 =	sor.u32 $0x20, s6;
	s10 =	sor.u32 $0x40, s6;
	s9 =	sor.u32 $0x60, s6  }
0xb: {  	s11 =	sor.u32 $0x80, s6;
	s0 =	sor.u32 $0xA0, s6;
	s12 =	sor.u32 $0xC0, s6  }
0xc: {  	s13 =	sor.u32 $0xE0, s6;
	s14 =	sor.u32 $0x100, s6;
	s15 =	sor.u32 $0x120, s6  }
0xd: {  	s16 =	sor.u32 $0x140, s6;
	s17 =	sor.u32 $0x160, s6;
	s18 =	sor.u32 $0x180, s6  }
0xe: {  	s19 =	sor.u32 $0x1A0, s6;
	s20 =	sor.u32 $0x1C0, s6;
	s21 =	sor.u32 $0x1E0, s6  }
0xf: {  	v0 =	vlaneseq.u32;
	s22 =	sor.u32 $0x200, s6;
	s23 =	sor.u32 $0x220, s6;
	s24 =	sor.u32 $0x240, s6  }
0x10: {  	v63 =	vmul.u32 $0x2, v0;
	s25 =	sor.u32 $0x260, s6;
	s26 =	sor.u32 $0x280, s6;
	s28 =	sor.u32 $0x2A0, s6  }
0x11: {  	s29 =	sor.u32 $0x2C0, s6;
	s30 =	sor.u32 $0x2E0, s6;
	s7 =	sor.u32 $0x300, s6  }
0x12: {  	s31 =	sor.u32 $0x320, s6;
	s1 =	sor.u32 $0x340, s6;
	v0 =	vor.u32 s8, v63;
	s8 =	sor.u32 $0x360, s6  }
0x13: {  	v1 =	vor.u32 s10, v63;
	v2 =	vor.u32 s9, v63;
	v3 =	vor.u32 s11, v63;
	s9 =	sor.u32 $0x380, s6;
	s10 =	sor.u32 $0x3A0, s6;
	s11 =	sor.u32 $0x3C0, s6  }
0x14: {  	v5 =	vor.u32 s12, v63;
	v6 =	vor.u32 s13, v63;
	s12 =	sor.u32 $0x3E0, s6;
	s13 =	sor.u32 $0x1, s6;
	v7 =	vor.u32 s14, v63;
	s14 =	sor.u32 $0x21, s6  }
0x15: {  	v8 =	vor.u32 s15, v63;
	v9 =	vor.u32 s16, v63;
	s15 =	sor.u32 $0x41, s6;
	s16 =	sor.u32 $0x61, s6;
	v18 =	vor.u32 s25, v63;
	s25 =	sor.u32 $0x161, s6  }
0x16: {  	v10 =	vor.u32 s17, v63;
	s17 =	sor.u32 $0x81, s6;
	v17 =	vor.u32 s24, v63;
	s24 =	sor.u32 $0x1C1, s6;
	[dreg:$0x8] =	wrdreg s25  }
0x17: {  	v11 =	vor.u32 s18, v63;
	s18 =	sor.u32 $0xA1, s6;
	v23 =	vor.u32 s7, v63;
	s7 =	sor.u32 $0x241, s6;
	[dreg:$0x9] =	wrdreg s24  }
0x18: {  	v12 =	vor.u32 s19, v63;
	s19 =	sor.u32 $0xC1, s6;
	v13 =	vor.u32 s20, v63;
	s20 =	sor.u32 $0xE1, s6;
	[dreg:$0xb] =	wrdreg s7  }
0x19: {  	v14 =	vor.u32 s21, v63;
	s21 =	sor.u32 $0x101, s6;
	s24 =	sor.u32 $0x221, s6;
	v35 =	vor.u32 s17, v63;
	s17 =	rddreg [dreg:$0x7]  }
0x1a: {  	v15 =	vor.u32 s22, v63;
	s22 =	sor.u32 $0x121, s6;
	v26 =	vor.u32 s8, v63;
	s8 =	sor.u32 $0x281, s6;
	[dreg:$0xa] =	wrdreg s24  }
0x1b: {  	v16 =	vor.u32 s23, v63;
	s23 =	sor.u32 $0x141, s6;
	v27 =	vor.u32 s9, v63;
	s9 =	sor.u32 $0x2A1, s6;
	[dreg:$0xc] =	wrdreg s8  }
0x1c: {  	v19 =	vor.u32 s26, v63;
	s26 =	sor.u32 $0x1A1, s6;
	v29 =	vor.u32 s11, v63;
	s11 =	sor.u32 $0x2E1, s6;
	[dreg:$0xd] =	wrdreg s9  }
0x1d: {  	v21 =	vor.u32 s29, v63;
	s29 =	sor.u32 $0x1E1, s6;
	v30 =	vor.u32 s12, v63;
	s12 =	sor.u32 $0x301, s6;
	[dreg:$0xe] =	wrdreg s11  }
0x1e: {  	v22 =	vor.u32 s30, v63;
	s30 =	sor.u32 $0x201, s6;
	v31 =	vor.u32 s13, v63;
	s13 =	sor.u32 $0x341, s6;
	[dreg:$0xf] =	wrdreg s12  }
0x1f: {  	v25 =	vor.u32 s1, v63;
	s1 =	sor.u32 $0x261, s6;
	v32 =	vor.u32 s14, v63;
	s14 =	sor.u32 $0x361, s6;
	[dreg:$0x10] =	wrdreg s13  }
0x20: {  	v4 =	vor.u32 s0, v63;
	s0 =	sor.u32 $0x2C1, s6;
	v33 =	vor.u32 s15, v63;
	s15 =	sor.u32 $0x3A1, s6;
	[dreg:$0x11] =	wrdreg s14  }
0x21: {  	v20 =	vor.u32 s28, v63;
	s28 =	sor.u32 $0x381, s6;
	v34 =	vor.u32 s16, v63;
	s16 =	sor.u32 $0x3C1, s6;
	[dreg:$0x12] =	wrdreg s15  }
0x22: {  	v24 =	vor.u32 s31, v63;
	s31 =	sor.u32 $0x3E1, s6;
	s25 =	sor.u32 $0x181, s6;
	[dreg:$0x13] =	wrdreg s16  }
0x23: {  	v28 =	vor.u32 s10, v63;
	v36 =	vor.u32 s18, v63;
	s7 =	simm.s32 $0x2;
	s10 =	simm.s32 $0x800;
	s18 =	rddreg [dreg:$0x8]  }
0x24: {  	v37 =	vor.u32 s19, v63;
	v47 =	vor.u32 s29, v63;
	v60 =	vor.u32 s28, v63;
	s28 =	simm.s32 $0x680;
	s29 =	simm.s32 $0x500;
	s19 =	rddreg [dreg:$0x9]  }
0x25: {  	v40 =	vor.u32 s21, v63;
	v48 =	vor.u32 s30, v63;
	v54 =	vor.u32 s0, v63;
	s30 =	simm.s32 $0x700;
	s0 =	simm.s32 $0x780;
	s21 =	rddreg [dreg:$0xb]  }
0x26: {  	v39 =	vor.u32 s6, v63;
	v38 =	vor.u32 s20, v63;
	s24 =	sor.u32 $0x321, s6;
	s6 =	smax.u32 s17, $0x1;
	s20 =	rddreg [dreg:$0xa]  }
0x27: {  	v41 =	vor.u32 s22, v63;
	s8 =	simm.s32 $0x200;
	s9 =	simm.s32 $0x80;
	s22 =	rddreg [dreg:$0xc]  }
0x28: {  	v42 =	vor.u32 s23, v63;
	s11 =	simm.s32 $0x4800;
	s12 =	simm.s32 $0x1800;
	s23 =	rddreg [dreg:$0xd]  }
0x29: {  	v44 =	vor.u32 s25, v63;
	s13 =	simm.s32 $0x280;
	s14 =	simm.s32 $0x5800;
	s25 =	rddreg [dreg:$0xe]  }
0x2a: {  	v45 =	vor.u32 s26, v63;
	s15 =	simm.s32 $0x100;
	s16 =	simm.s32 $0x2800;
	s26 =	rddreg [dreg:$0xf]  }
0x2b: {  	v51 =	vor.u32 s1, v63;
	s17 =	simm.s32 $0x300;
	v43 =	vor.u32 s18, v63;
	v46 =	vor.u32 s19, v63;
	s18 =	simm.s32 $0x6800;
	s1 =	rddreg [dreg:$0x10]  }
0x2c: {  	v50 =	vor.u32 s21, v63;
	s19 =	simm.s32 $0x180;
	s21 =	simm.s32 $0x380;
	v57 =	vor.u32 s24, v63;
	v56 =	vor.u32 s26, v63;
	s26 =	rddreg [dreg:$0x11]  }
0x2d: {  	s24 =	simm.s32 $0x400;
	v49 =	vor.u32 s20, v63;
	v52 =	vor.u32 s22, v63;
	s20 =	simm.s32 $0x3800;
	v58 =	vor.u32 s1, v63;
	s1 =	rddreg [dreg:$0x12]  }
0x2e: {  	v53 =	vor.u32 s23, v63;
	s22 =	simm.s32 $0x7800;
	v55 =	vor.u32 s25, v63;
	s23 =	simm.s32 $0x1;
	v61 =	vor.u32 s1, v63;
	s1 =	rddreg [dreg:$0x13]  }
0x2f: {  	s25 =	simm.s32 $0x600;
	v59 =	vor.u32 s26, v63;
	s26 =	simm.s32 $0x480;
	v62 =	vor.u32 s1, v63;
	v63 =	vor.u32 s31, v63;
	s31 =	simm.s32 $0x580  }
.LBB2_1:
0x30: {  	s1 =	rddreg [dreg:$0x5]  }
0x31: {  	[tilespmem:s3], [sflag:$0x2] =	stream.linear.gather [hbm4b:s1+s3], $0x200, $0x38;
	[tilespmem:$0x8800] =	vst v63  }
0x32: {  	_ =	swait.ge [sflag:s7], $0x200  }
0x33: {  	[sflag:s7] =	ssyncset.done $0x0  }
0x34: {  	s1 =	rddreg [dreg:$0x6];
	[sflag:s7] =	ssyncadd.s32 $0xFFFFFE00  }
0x35: {  	[tilespmem:s8], [sflag:$0x2] =	stream.linear.gather [hbm4b:s1+s3], $0x200, $0x38;
	[tilespmem:$0x8800] =	vst v63  }
0x36: {  	_ =	swait.ge [sflag:s7], $0x200  }
0x37: {  	[sflag:s7] =	ssyncset.done $0x0  }
0x38: {  	[sflag:s7] =	ssyncadd.s32 $0xFFFFFE00  }
0x39: {  	[tilespmem:$0x400] =	vst v39  }
0x3a: {  	[tilespmem:$0x410] =	vst v0  }
0x3b: {  	[tilespmem:$0x420] =	vst v1  }
0x3c: {  	[tilespmem:$0x430] =	vst v2  }
0x3d: {  	[tilespmem:$0x440] =	vst v3  }
0x3e: {  	[tilespmem:$0x450] =	vst v4  }
0x3f: {  	[tilespmem:$0x460] =	vst v5  }
0x40: {  	[tilespmem:$0x470] =	vst v6  }
0x41: {  	[tilespmem:$0x480] =	vst v7  }
0x42: {  	[tilespmem:$0x490] =	vst v8  }
0x43: {  	[tilespmem:$0x4A0] =	vst v9  }
0x44: {  	[tilespmem:$0x4B0] =	vst v10  }
0x45: {  	[tilespmem:$0x4C0] =	vst v11  }
0x46: {  	[tilespmem:$0x4D0] =	vst v12  }
0x47: {  	[tilespmem:$0x4E0] =	vst v13  }
0x48: {  	[tilespmem:$0x4F0] =	vst v14  }
0x49: {  	[tilespmem:$0x500] =	vst v15  }
0x4a: {  	[tilespmem:$0x510] =	vst v16  }
0x4b: {  	[tilespmem:$0x520] =	vst v17  }
0x4c: {  	[tilespmem:$0x530] =	vst v18  }
0x4d: {  	[tilespmem:$0x540] =	vst v19  }
0x4e: {  	[tilespmem:$0x550] =	vst v20  }
0x4f: {  	[tilespmem:$0x560] =	vst v21  }
0x50: {  	[tilespmem:$0x570] =	vst v22  }
0x51: {  	[tilespmem:$0x580] =	vst v23  }
0x52: {  	[tilespmem:$0x590] =	vst v24  }
0x53: {  	[tilespmem:$0x5A0] =	vst v25  }
0x54: {  	[tilespmem:$0x5B0] =	vst v26  }
0x55: {  	[tilespmem:$0x5C0] =	vst v27  }
0x56: {  	[tilespmem:$0x5D0] =	vst v28  }
0x57: {  	[tilespmem:$0x5E0] =	vst v29  }
0x58: {  	[tilespmem:$0x5F0] =	vst v30  }
0x59: {  	[tilespmem:$0x600] =	vst v31  }
0x5a: {  	[tilespmem:$0x610] =	vst v32  }
0x5b: {  	[tilespmem:$0x620] =	vst v33  }
0x5c: {  	[tilespmem:$0x630] =	vst v34  }
0x5d: {  	[tilespmem:$0x640] =	vst v35  }
0x5e: {  	[tilespmem:$0x650] =	vst v36  }
0x5f: {  	[tilespmem:$0x660] =	vst v37  }
0x60: {  	[tilespmem:$0x670] =	vst v38  }
0x61: {  	[tilespmem:$0x680] =	vst v40  }
0x62: {  	[tilespmem:$0x690] =	vst v41  }
0x63: {  	[tilespmem:$0x6A0] =	vst v42  }
0x64: {  	[tilespmem:$0x6B0] =	vst v43  }
0x65: {  	[tilespmem:$0x6C0] =	vst v44  }
0x66: {  	[tilespmem:$0x6D0] =	vst v45  }
0x67: {  	[tilespmem:$0x6E0] =	vst v46  }
0x68: {  	[tilespmem:$0x6F0] =	vst v47  }
0x69: {  	[tilespmem:$0x700] =	vst v48  }
0x6a: {  	[tilespmem:$0x710] =	vst v49  }
0x6b: {  	[tilespmem:$0x720] =	vst v50  }
0x6c: {  	[tilespmem:$0x730] =	vst v51  }
0x6d: {  	[tilespmem:$0x740] =	vst v52  }
0x6e: {  	[tilespmem:$0x750] =	vst v53  }
0x6f: {  	[tilespmem:$0x760] =	vst v54  }
0x70: {  	[tilespmem:$0x770] =	vst v55  }
0x71: {  	[tilespmem:$0x780] =	vst v56  }
0x72: {  	[tilespmem:$0x790] =	vst v57  }
0x73: {  	[tilespmem:$0x7A0] =	vst v58  }
0x74: {  	[tilespmem:$0x7B0] =	vst v59  }
0x75: {  	[tilespmem:$0x7C0] =	vst v60  }
0x76: {  	[tilespmem:$0x7D0] =	vst v61  }
0x77: {  	[tilespmem:$0x7E0] =	vst v62  }
0x78: {  	[tilespmem:$0x7F0] =	vst v63  }
0x79: {  	[tilespmem:s10], [sflag:$0x1] =	stream.indirect.gather [hbm4b:s4+s9], $0x20, s3, s9, $0xb8;
	[tilespmem:$0x8800] =	vst v63  }
0x7a: {  	_ = 	snop  }
0x7b: {  	[tilespmem:s11], [sflag:$0x1] =	stream.indirect.gather [hbm4b:s5+s9], $0x20, s8, s9, $0xb8;
	[tilespmem:$0x8800] =	vst v63  }
0x7c: {  	_ = 	snop  }
0x7d: {  	[tilespmem:s12], [sflag:$0x1] =	stream.indirect.gather [hbm4b:s4+s9], $0x20, s9, s9, $0xb8;
	[tilespmem:$0x8800] =	vst v63  }
0x7e: {  	_ = 	snop  }
0x7f: {  	[tilespmem:s14], [sflag:$0x1] =	stream.indirect.gather [hbm4b:s5+s9], $0x20, s13, s9, $0xb8;
	[tilespmem:$0x8800] =	vst v63  }
0x80: {  	_ = 	snop  }
0x81: {  	[tilespmem:s16], [sflag:$0x1] =	stream.indirect.gather [hbm4b:s4+s9], $0x20, s15, s9, $0xb8;
	[tilespmem:$0x8800] =	vst v63  }
0x82: {  	_ = 	snop  }
0x83: {  	[tilespmem:s18], [sflag:$0x1] =	stream.indirect.gather [hbm4b:s5+s9], $0x20, s17, s9, $0xb8;
	[tilespmem:$0x8800] =	vst v63  }
0x84: {  	_ = 	snop  }
0x85: {  	[tilespmem:s20], [sflag:$0x1] =	stream.indirect.gather [hbm4b:s4+s9], $0x20, s19, s9, $0xb8;
	[tilespmem:$0x8800] =	vst v63  }
0x86: {  	_ = 	snop  }
0x87: {  	[tilespmem:s22], [sflag:$0x1] =	stream.indirect.gather [hbm4b:s5+s9], $0x20, s21, s9, $0xb8;
	[tilespmem:$0x8800] =	vst v63  }
0x88: {  	_ =	swait.ge [sflag:s23], $0x1000  }
0x89: {  	[sflag:s23] =	ssyncset.done $0x0  }
0x8a: {  	[sflag:s23] =	ssyncadd.s32 $0xFFFFF000  }
0x8b: {  	_ =	swait.ge [sflag:s23], $0x1000  }
0x8c: {  	[sflag:s23] =	ssyncset.done $0x0  }
0x8d: {  	[sflag:s23] =	ssyncadd.s32 $0xFFFFF000  }
0x8e: {  	_ =	swait.ge [sflag:s23], $0x1000  }
0x8f: {  	[sflag:s23] =	ssyncset.done $0x0  }
0x90: {  	[sflag:s23] =	ssyncadd.s32 $0xFFFFF000  }
0x91: {  	_ =	swait.ge [sflag:s23], $0x1000  }
0x92: {  	[sflag:s23] =	ssyncset.done $0x0  }
0x93: {  	[sflag:s23] =	ssyncadd.s32 $0xFFFFF000  }
0x94: {  	_ =	swait.ge [sflag:s23], $0x1000  }
0x95: {  	[sflag:s23] =	ssyncset.done $0x0  }
0x96: {  	[sflag:s23] =	ssyncadd.s32 $0xFFFFF000  }
0x97: {  	_ =	swait.ge [sflag:s23], $0x1000  }
0x98: {  	[sflag:s23] =	ssyncset.done $0x0  }
0x99: {  	[sflag:s23] =	ssyncadd.s32 $0xFFFFF000  }
0x9a: {  	_ =	swait.ge [sflag:s23], $0x1000  }
0x9b: {  	[sflag:s23] =	ssyncset.done $0x0  }
0x9c: {  	[sflag:s23] =	ssyncadd.s32 $0xFFFFF000  }
0x9d: {  	_ =	swait.ge [sflag:s23], $0x1000  }
0x9e: {  	[sflag:s23] =	ssyncset.done $0x0  }
0x9f: {  	[sflag:s23] =	ssyncadd.s32 $0xFFFFF000  }
0xa0: {  	[hbm4b:s2+s9] =	stream.indirect.scatter [tilespmem:s10], [sflag:$0x1], $0x20, s24, s9, $0xb8;
	[tilespmem:$0x8800] =	vst v63  }
0xa1: {  	_ = 	snop  }
0xa2: {  	[hbm4b:s2+s9] =	stream.indirect.scatter [tilespmem:s11], [sflag:$0x1], $0x20, s25, s9, $0xb8;
	[tilespmem:$0x8800] =	vst v63  }
0xa3: {  	_ = 	snop  }
0xa4: {  	[hbm4b:s2+s9] =	stream.indirect.scatter [tilespmem:s12], [sflag:$0x1], $0x20, s26, s9, $0xb8;
	[tilespmem:$0x8800] =	vst v63  }
0xa5: {  	_ = 	snop  }
0xa6: {  	[hbm4b:s2+s9] =	stream.indirect.scatter [tilespmem:s14], [sflag:$0x1], $0x20, s28, s9, $0xb8;
	[tilespmem:$0x8800] =	vst v63  }
0xa7: {  	_ = 	snop  }
0xa8: {  	[hbm4b:s2+s9] =	stream.indirect.scatter [tilespmem:s16], [sflag:$0x1], $0x20, s29, s9, $0xb8;
	[tilespmem:$0x8800] =	vst v63  }
0xa9: {  	_ = 	snop  }
0xaa: {  	[hbm4b:s2+s9] =	stream.indirect.scatter [tilespmem:s18], [sflag:$0x1], $0x20, s30, s9, $0xb8;
	[tilespmem:$0x8800] =	vst v63  }
0xab: {  	_ = 	snop  }
0xac: {  	[hbm4b:s2+s9] =	stream.indirect.scatter [tilespmem:s20], [sflag:$0x1], $0x20, s31, s9, $0xb8;
	[tilespmem:$0x8800] =	vst v63  }
0xad: {  	_ = 	snop  }
0xae: {  	[hbm4b:s2+s9] =	stream.indirect.scatter [tilespmem:s22], [sflag:$0x1], $0x20, s0, s9, $0xb8;
	[tilespmem:$0x8800] =	vst v63  }
0xaf: {  	_ =	swait.ge [sflag:s23], $0x1000  }
0xb0: {  	[sflag:s23] =	ssyncset.done $0x0  }
0xb1: {  	[sflag:s23] =	ssyncadd.s32 $0xFFFFF000  }
0xb2: {  	_ =	swait.ge [sflag:s23], $0x1000  }
0xb3: {  	[sflag:s23] =	ssyncset.done $0x0  }
0xb4: {  	[sflag:s23] =	ssyncadd.s32 $0xFFFFF000  }
0xb5: {  	_ =	swait.ge [sflag:s23], $0x1000  }
0xb6: {  	[sflag:s23] =	ssyncset.done $0x0  }
0xb7: {  	[sflag:s23] =	ssyncadd.s32 $0xFFFFF000  }
0xb8: {  	_ =	swait.ge [sflag:s23], $0x1000  }
0xb9: {  	[sflag:s23] =	ssyncset.done $0x0  }
0xba: {  	[sflag:s23] =	ssyncadd.s32 $0xFFFFF000  }
0xbb: {  	_ =	swait.ge [sflag:s23], $0x1000  }
0xbc: {  	[sflag:s23] =	ssyncset.done $0x0  }
0xbd: {  	[sflag:s23] =	ssyncadd.s32 $0xFFFFF000  }
0xbe: {  	_ =	swait.ge [sflag:s23], $0x1000  }
0xbf: {  	[sflag:s23] =	ssyncset.done $0x0  }
0xc0: {  	[sflag:s23] =	ssyncadd.s32 $0xFFFFF000  }
0xc1: {  	p0 =	sne.s32 s6, $0x1;
	_ =	swait.ge [sflag:s23], $0x1000  }
.Ltmp0:
0xc2: {  	[sflag:s23] =	ssyncset.done $0x0;
	(pc) =	sbr.rel @p0 .LBB2_1-.Ltmp0, $4  }
0xc3: {  	[sflag:s23] =	ssyncadd.s32 $0xFFFFF000  }
0xc4: {  	_ =	swait.ge [sflag:s23], $0x1000  }
0xc5: {  	[sflag:s23] =	ssyncset.done $0x0  }
0xc6: {  	s6 =	sadd.s32 $0xFFFFFFFF, s6;
	[sflag:s23] =	ssyncadd.s32 $0xFFFFF000  }
0xc7: {  	_ =	sfence.sel $0x180000  }
0xc8: {  	[bflag:$0x0] =	sbarrier.arrive $0xFFFF  }
0xc9: {  	_ =	strace $0x90000047  }
0xca: {  	s0 =	stileid.u32;
	[bflag:$0x2] =	sbarrier.arrive $0xFFFF  }
0xcb: {  	p0 =	sne.s32 s0, $0x0;
	s0 =	rddreg [dreg:$0x4]  }
0xcc: {  	s0 =	sadd.s32 @!p0 $0x100000, s0  }
0xcd: {  	[sflag:s0] =	ssyncadd.tile.s32 @!p0 $0x1;
	_ =	shalt  }
.Lfunc_end2:
_tile_overlayer_lowered:
.L_overlay_start_2:
0xce: {  	(tag) =	ssettag $0x2  }
0xcf: {  	s0 =	rddreg [dreg:$0x0];
	s2 =	stileid.u32  }
0xd0: {  	s1 =	rddreg [dreg:$0x1];
	p0 =	sne.s32 s2, $0x0  }
0xd1: {  	s3 =	rddreg [dreg:$0x2];
	[bflag:$0x3] =	sbarrier.arrive $0xFFFF;
	s2 =	simm.s32 @!p0 $0x1C02  }
0xd2: {  	[timem:s3], [sflag:s2] =	dma.local @!p0 [hbm:s0], s1  }
0xd3: {  	s0 =	simm.s32 @!p0 $0x2  }
0xd4: {  	_ =	swait.ge @!p0 [sflag:s0], s1  }
0xd5: {  	s1 =	ssub.s32 @!p0 $0x0, s1;
	[sflag:s0] =	ssyncset.done @!p0 $0x0  }
0xd6: {  	[sflag:s0] =	ssyncadd.s32 @!p0 s1  }
0xd7: {  	[bflag:$0x3] =	sbarrier.arrive $0xFFFF  }
0xd8: {  	_ =	shalt  }

</sc_bundles>
